<compile_context>
chip_gen: v7x
topology: tpu7x:2x2x1
jax: 0.10.2.dev20260603
libtpu: 0.0.44.dev20260713+nightly
codegen_flags: <defaults>
</compile_context>

<pallas_src>
import functools

import jax
import jax.numpy as jnp
from jax import lax
from jax.experimental import pallas as pl
from jax.experimental.pallas import tpu as pltpu
from jax.experimental.pallas import tpu_sc as plsc

LAMBDA_L = 0.01
LAMBDA_S = 0.01
EPS = 1e-08

B, H, W = 8, 512, 512
NA = 64
NC, NS, L = 2, 16, 16
NW = NC * NS
ELEMS_PER_TILE = B * H * W // NW
ROWS_PER_TILE = B * H // NW
TILES_PER_BATCH = NW // B
UNROLL = 4

ROWS_BLK = 32
BLK = ROWS_BLK * W
NBLK = ROWS_PER_TILE // ROWS_BLK
GROUPS = BLK // (UNROLL * L)

_mesh = plsc.VectorSubcoreMesh(core_axis_name="c", subcore_axis_name="s")
_params = pltpu.CompilerParams(needs_layout_passes=False)


@functools.partial(
    pl.kernel,
    mesh=_mesh,
    compiler_params=_params,
    out_type=jax.ShapeDtypeStruct((B, 1, H, W), jnp.float32),
    scratch_types=[
        pltpu.VMEM((ROWS_BLK, W), jnp.float32),
        pltpu.VMEM((ROWS_BLK, W), jnp.float32),
        pltpu.VMEM((ROWS_BLK, W), jnp.int32),
        pltpu.VMEM((ROWS_BLK, W), jnp.float32),
        pltpu.VMEM((ROWS_BLK, W), jnp.float32),
        pltpu.VMEM((ROWS_BLK, W), jnp.int32),
        pltpu.VMEM((L * NA,), jnp.float32),
        pltpu.VMEM((NA,), jnp.float32),
        pltpu.VMEM_SHARED((NS * NA,), jnp.float32),
        pltpu.VMEM((TILES_PER_BATCH * NA,), jnp.float32),
        pltpu.VMEM((NA,), jnp.float32),
        pltpu.VMEM((NA,), jnp.float32),
        pltpu.SemaphoreType.DMA,
        pltpu.SemaphoreType.DMA,
        pltpu.SemaphoreType.DMA,
        pltpu.SemaphoreType.DMA,
    ],
)
def _fused(l_hbm, s_hbm, a_hbm, c_hbm, out_hbm,
           lbuf0, sbuf0, abuf0, lbuf1, sbuf1, abuf1,
           accum, sums, shared, pbuf, cbuf, fbuf,
           sem0, sem1, osem0, osem1):
    cid = lax.axis_index("c")
    sid = lax.axis_index("s")
    wid = cid * NS + sid
    batch = wid // TILES_PER_BATCH
    row0 = (wid % TILES_PER_BATCH) * ROWS_PER_TILE
    lbufs, sbufs, abufs = (lbuf0, lbuf1), (sbuf0, sbuf1), (abuf0, abuf1)
    sems, osems = (sem0, sem1), (osem0, osem1)

    zero = jnp.zeros((L,), jnp.float32)
    for k in range(NA):
        accum[pl.ds(k * L, L)] = zero
    lane_iota = jnp.arange(L, dtype=jnp.int32)

    def issue_in(bi, slot):
        r = row0 + bi * ROWS_BLK
        return (
            pltpu.async_copy(l_hbm.at[batch, 0, pl.ds(r, ROWS_BLK), :],
                             lbufs[slot], sems[slot]),
            pltpu.async_copy(s_hbm.at[batch, 0, pl.ds(r, ROWS_BLK), :],
                             sbufs[slot], sems[slot]),
            pltpu.async_copy(a_hbm.at[batch, pl.ds(r, ROWS_BLK), :],
                             abufs[slot], sems[slot]),
        )

    pending = {0: issue_in(0, 0)}
    for bi in range(NBLK):
        slot = bi % 2
        if bi + 1 < NBLK:
            pending[(bi + 1) % 2] = issue_in(bi + 1, (bi + 1) % 2)
        for h in pending[slot]:
            h.wait()
        lbuf, sbuf, abuf = lbufs[slot], sbufs[slot], abufs[slot]

        def body_a(i, _):
            off = i * (UNROLL * L)
            r = off // W
            c = off % W
            for j in range(UNROLL):
                p = pl.ds(c + j * L, L)
                score = (lbuf[r, p] + LAMBDA_L) * (sbuf[r, p] + LAMBDA_S)
                plsc.addupdate_scatter(
                    accum, [abuf[r, p] * L + lane_iota], score)
            return 0

        lax.fori_loop(0, GROUPS, body_a, 0)

    stride_iota = lane_iota * L
    for k in range(NA // L):
        t = jnp.zeros((L,), jnp.float32)
        for lane in range(L):
            t = t + plsc.load_gather(accum, [stride_iota + (k * L * L + lane)])
        sums[pl.ds(k * L, L)] = t

    pltpu.sync_copy(sums, shared.at[pl.ds(sid * NA, NA)])
    plsc.subcore_barrier()
    lb = sid // TILES_PER_BATCH
    pltpu.sync_copy(shared.at[pl.ds(lb * TILES_PER_BATCH * NA,
                                    TILES_PER_BATCH * NA)], pbuf)
    pltpu.sync_copy(c_hbm, cbuf)
    for k in range(NA // L):
        t = pbuf[pl.ds(k * L, L)]
        for j in range(1, TILES_PER_BATCH):
            t = t + pbuf[pl.ds(j * NA + k * L, L)]
        fbuf[pl.ds(k * L, L)] = cbuf[pl.ds(k * L, L)] / (t + EPS)

    pending = {0: issue_in(0, 0)}
    out_pending = {0: None, 1: None}
    obufs = lbufs
    for bi in range(NBLK):
        slot = bi % 2
        slot2 = (bi + 1) % 2
        if bi + 1 < NBLK:
            if out_pending[slot2] is not None:
                out_pending[slot2].wait()
                out_pending[slot2] = None
            pending[slot2] = issue_in(bi + 1, slot2)
        for h in pending[slot]:
            h.wait()
        if out_pending[slot] is not None:
            out_pending[slot].wait()
            out_pending[slot] = None
        lbuf, sbuf, abuf, obuf = lbufs[slot], sbufs[slot], abufs[slot], obufs[slot]

        def body_b(i, _):
            off = i * (UNROLL * L)
            r = off // W
            c = off % W
            for j in range(UNROLL):
                p = pl.ds(c + j * L, L)
                score = (lbuf[r, p] + LAMBDA_L) * (sbuf[r, p] + LAMBDA_S)
                f = plsc.load_gather(fbuf, [abuf[r, p]])
                obuf[r, p] = score * f
            return 0

        lax.fori_loop(0, GROUPS, body_b, 0)
        r = row0 + bi * ROWS_BLK
        out_pending[slot] = pltpu.async_copy(
            obuf, out_hbm.at[batch, 0, pl.ds(r, ROWS_BLK), :], osems[slot])
    for slot in (0, 1):
        if out_pending[slot] is not None:
            out_pending[slot].wait()


def kernel(lights, settlement, admin_ids, census_totals):
    return _fused(lights, settlement, admin_ids, census_totals)

# --- scband reference (transcript-rebuilt; emitter-appended) ---
"""Pipeline reference for scband-baseline-dasymetric-26147760898484 (READ-ONLY COPY).

The authoritative reference and input builder live on the scoring server;
editing this copy changes nothing except your own understanding.
"""

import jax, jax.numpy as jnp
import numpy as np

LAMBDA_L = 0.01
LAMBDA_S = 0.01
EPS = 1e-08


def setup_inputs(seed: int = 0) -> dict:
    key = jax.random.key(seed)
    k1, k2, k3 = jax.random.split(key, 3)
    B, H, W = 8, 512, 512
    NA = 64
    lights = jax.random.uniform(k1, (B, 1, H, W), dtype=jnp.float32)
    settlement = jax.random.uniform(k2, (B, 1, H, W), dtype=jnp.float32)
    admin_ids = jax.random.randint(k3, (B, H, W), 0, NA, dtype=jnp.int32)
    # census_totals acts as a lookup table: total population for admin unit i.
    # (Torch side passes this as an arange tensor so that `id in census_totals`
    # and `census_totals[id]` both behave like the original dict.)
    census_totals = jnp.arange(NA, dtype=jnp.float32)
    return {
        "lights": lights,
        "settlement": settlement,
        "admin_ids": admin_ids,
        "census_totals": census_totals,
    }


def reference(lights, settlement, admin_ids, census_totals):
    # score = (lights + lambda_L) * (settlement + lambda_S)
    score = (lights + LAMBDA_L) * (settlement + LAMBDA_S)
    B, C, H, W = score.shape
    NA = census_totals.shape[0]
    # Build global segment ids combining batch index and admin id so that
    # normalization is done per (batch, admin unit) exactly as the torch loop.
    batch_idx = jnp.arange(B, dtype=admin_ids.dtype)[:, None, None]
    seg = (batch_idx * NA + admin_ids).reshape(-1)
    flat_score = score.reshape(-1)
    # Per-admin-unit sum of scores (segment reduce).
    seg_sums = jax.ops.segment_sum(flat_score, seg, num_segments=B * NA)
    S_A = seg_sums[seg] + EPS
    C_A = census_totals[admin_ids.reshape(-1)]
    baseline = flat_score / S_A * C_A
    return baseline.reshape(B, C, H, W)

if __name__ == "__main__":
    import jax
    _d = setup_inputs()
    print(jax.jit(kernel)(*tuple(_d.values())))

</pallas_src>

<mosaic_0001>
#map = affine_map<(d0, d1) -> (0, 0, 0, 0)>
#map1 = affine_map<(d0, d1) -> (0, 0, 0)>
#map2 = affine_map<(d0, d1) -> (0)>
module attributes {stable_mosaic.version = 14 : i64} {
  func.func @_fused(%arg0: i32, %arg1: i32, %arg2: memref<8x1x512x512xf32, #tpu.memory_space<hbm>>, %arg3: memref<8x1x512x512xf32, #tpu.memory_space<hbm>>, %arg4: memref<8x512x512xi32, #tpu.memory_space<hbm>>, %arg5: memref<64xf32, #tpu.memory_space<hbm>>, %arg6: memref<8x1x512x512xf32, #tpu.memory_space<hbm>>, %arg7: memref<32x512xf32, #tpu.memory_space<vmem>>, %arg8: memref<32x512xf32, #tpu.memory_space<vmem>>, %arg9: memref<32x512xi32, #tpu.memory_space<vmem>>, %arg10: memref<32x512xf32, #tpu.memory_space<vmem>>, %arg11: memref<32x512xf32, #tpu.memory_space<vmem>>, %arg12: memref<32x512xi32, #tpu.memory_space<vmem>>, %arg13: memref<1024xf32, #tpu.memory_space<vmem>>, %arg14: memref<64xf32, #tpu.memory_space<vmem>>, %arg15: memref<1024xf32, #tpu.memory_space<vmem_shared>>, %arg16: memref<256xf32, #tpu.memory_space<vmem>>, %arg17: memref<64xf32, #tpu.memory_space<vmem>>, %arg18: memref<64xf32, #tpu.memory_space<vmem>>, %arg19: memref<!tpu.dma_semaphore, #tpu.memory_space<semaphore_mem>>, %arg20: memref<!tpu.dma_semaphore, #tpu.memory_space<semaphore_mem>>, %arg21: memref<!tpu.dma_semaphore, #tpu.memory_space<semaphore_mem>>, %arg22: memref<!tpu.dma_semaphore, #tpu.memory_space<semaphore_mem>>) attributes {dimension_semantics = [#tpu.dimension_semantics<core_parallel>, #tpu.dimension_semantics<subcore_parallel>], iteration_bounds = array<i64: 2, 16>, scalar_prefetch = 0 : i64, scratch_operands = 16 : i64, tpu.core_type = #tpu.core_type<sc_vector_subcore>, window_params = [{transform_indices = #map}, {transform_indices = #map}, {transform_indices = #map1}, {transform_indices = #map2}, {transform_indices = #map}]} {
    %mul3A = arith.constant 16 : i32
    %mul3A_0 = arith.muli %arg0, %mul3A : i32
    %add3A = arith.addi %mul3A_0, %arg1 : i32
    %jit3A = arith.constant 4 : i32
    %div3A = arith.divsi %add3A, %jit3A : i32
    %sign3A = arith.constant 0 : i32
    %sign3A_1 = arith.cmpi sgt, %add3A, %sign3A : i32
    %sign3A_2 = arith.extui %sign3A_1 : i1 to i32
    %sign3A_3 = arith.constant 0 : i32
    %sign3A_4 = arith.cmpi slt, %add3A, %sign3A_3 : i32
    %sign3A_5 = arith.extui %sign3A_4 : i1 to i32
    %sign3A_6 = arith.subi %sign3A_2, %sign3A_5 : i32
    %sign3A_7 = arith.constant 0 : i32
    %sign3A_8 = arith.cmpi sgt, %jit3A, %sign3A_7 : i32
    %sign3A_9 = arith.extui %sign3A_8 : i1 to i32
    %sign3A_10 = arith.constant 0 : i32
    %sign3A_11 = arith.cmpi slt, %jit3A, %sign3A_10 : i32
    %sign3A_12 = arith.extui %sign3A_11 : i1 to i32
    %sign3A_13 = arith.subi %sign3A_9, %sign3A_12 : i32
    %ne3A = arith.cmpi ne, %sign3A_6, %sign3A_13 : i32
    %rem3A = arith.remsi %add3A, %jit3A : i32
    %ne3A_14 = arith.constant 0 : i32
    %ne3A_15 = arith.cmpi ne, %rem3A, %ne3A_14 : i32
    %and3A = arith.andi %ne3A, %ne3A_15 : i1
    %sub3A = arith.constant 1 : i32
    %sub3A_16 = arith.subi %div3A, %sub3A : i32
    %select_n3A = arith.select %and3A, %sub3A_16, %div3A : i32
    %jit3A_17 = arith.constant 4 : i32
    %eq3A = arith.constant 0 : i32
    %eq3A_18 = arith.cmpi eq, %jit3A_17, %eq3A : i32
    %jit3A_19 = arith.constant 1 : i32
    %select_n3A_20 = arith.select %eq3A_18, %jit3A_19, %jit3A_17 : i32
    %rem3A_21 = arith.remsi %add3A, %select_n3A_20 : i32
    %ne3A_22 = arith.constant 0 : i32
    %ne3A_23 = arith.cmpi ne, %rem3A_21, %ne3A_22 : i32
    %lt3A = arith.constant 0 : i32
    %lt3A_24 = arith.cmpi slt, %rem3A_21, %lt3A : i32
    %lt3A_25 = arith.constant 0 : i32
    %lt3A_26 = arith.cmpi slt, %select_n3A_20, %lt3A_25 : i32
    %ne3A_27 = arith.xori %lt3A_24, %lt3A_26 : i1
    %and3A_28 = arith.andi %ne3A_27, %ne3A_23 : i1
    %add3A_29 = arith.addi %rem3A_21, %select_n3A_20 : i32
    %select_n3A_30 = arith.select %and3A_28, %add3A_29, %rem3A_21 : i32
    %mul3A_31 = arith.constant 128 : i32
    %mul3A_32 = arith.muli %select_n3A_30, %mul3A_31 : i32
    %broadcast_in_dim3A = arith.constant 0.000000e+00 : f32
    %broadcast_in_dim3A_33 = vector.broadcast %broadcast_in_dim3A : f32 to vector<16xf32>
    %swap3A = arith.constant 0 : index
    %swap3A_34 = tpu.vector_load %arg13[%swap3A] {strides = array<i32>} : memref<1024xf32, #tpu.memory_space<vmem>>, vector<16xf32>,
    tpu.vector_store %arg13[%swap3A], %broadcast_in_dim3A_33 {strides = array<i32>} : memref<1024xf32, #tpu.memory_space<vmem>>, vector<16xf32>,
    %swap3A_35 = arith.constant 16 : index
    %swap3A_36 = tpu.vector_load %arg13[%swap3A_35] {strides = array<i32>} : memref<1024xf32, #tpu.memory_space<vmem>>, vector<16xf32>,
    tpu.vector_store %arg13[%swap3A_35], %broadcast_in_dim3A_33 {strides = array<i32>} : memref<1024xf32, #tpu.memory_space<vmem>>, vector<16xf32>,
    %swap3A_37 = arith.constant 32 : index
    %swap3A_38 = tpu.vector_load %arg13[%swap3A_37] {strides = array<i32>} : memref<1024xf32, #tpu.memory_space<vmem>>, vector<16xf32>,
    tpu.vector_store %arg13[%swap3A_37], %broadcast_in_dim3A_33 {strides = array<i32>} : memref<1024xf32, #tpu.memory_space<vmem>>, vector<16xf32>,
    %swap3A_39 = arith.constant 48 : index
    %swap3A_40 = tpu.vector_load %arg13[%swap3A_39] {strides = array<i32>} : memref<1024xf32, #tpu.memory_space<vmem>>, vector<16xf32>,
    tpu.vector_store %arg13[%swap3A_39], %broadcast_in_dim3A_33 {strides = array<i32>} : memref<1024xf32, #tpu.memory_space<vmem>>, vector<16xf32>,
    %swap3A_41 = arith.constant 64 : index
    %swap3A_42 = tpu.vector_load %arg13[%swap3A_41] {strides = array<i32>} : memref<1024xf32, #tpu.memory_space<vmem>>, vector<16xf32>,
    tpu.vector_store %arg13[%swap3A_41], %broadcast_in_dim3A_33 {strides = array<i32>} : memref<1024xf32, #tpu.memory_space<vmem>>, vector<16xf32>,
    %swap3A_43 = arith.constant 80 : index
    %swap3A_44 = tpu.vector_load %arg13[%swap3A_43] {strides = array<i32>} : memref<1024xf32, #tpu.memory_space<vmem>>, vector<16xf32>,
    tpu.vector_store %arg13[%swap3A_43], %broadcast_in_dim3A_33 {strides = array<i32>} : memref<1024xf32, #tpu.memory_space<vmem>>, vector<16xf32>,
    %swap3A_45 = arith.constant 96 : index
    %swap3A_46 = tpu.vector_load %arg13[%swap3A_45] {strides = array<i32>} : memref<1024xf32, #tpu.memory_space<vmem>>, vector<16xf32>,
    tpu.vector_store %arg13[%swap3A_45], %broadcast_in_dim3A_33 {strides = array<i32>} : memref<1024xf32, #tpu.memory_space<vmem>>, vector<16xf32>,
    %swap3A_47 = arith.constant 112 : index
    %swap3A_48 = tpu.vector_load %arg13[%swap3A_47] {strides = array<i32>} : memref<1024xf32, #tpu.memory_space<vmem>>, vector<16xf32>,
    tpu.vector_store %arg13[%swap3A_47], %broadcast_in_dim3A_33 {strides = array<i32>} : memref<1024xf32, #tpu.memory_space<vmem>>, vector<16xf32>,
    %swap3A_49 = arith.constant 128 : index
    %swap3A_50 = tpu.vector_load %arg13[%swap3A_49] {strides = array<i32>} : memref<1024xf32, #tpu.memory_space<vmem>>, vector<16xf32>,
    tpu.vector_store %arg13[%swap3A_49], %broadcast_in_dim3A_33 {strides = array<i32>} : memref<1024xf32, #tpu.memory_space<vmem>>, vector<16xf32>,
    %swap3A_51 = arith.constant 144 : index
    %swap3A_52 = tpu.vector_load %arg13[%swap3A_51] {strides = array<i32>} : memref<1024xf32, #tpu.memory_space<vmem>>, vector<16xf32>,
    tpu.vector_store %arg13[%swap3A_51], %broadcast_in_dim3A_33 {strides = array<i32>} : memref<1024xf32, #tpu.memory_space<vmem>>, vector<16xf32>,
    %swap3A_53 = arith.constant 160 : index
    %swap3A_54 = tpu.vector_load %arg13[%swap3A_53] {strides = array<i32>} : memref<1024xf32, #tpu.memory_space<vmem>>, vector<16xf32>,
    tpu.vector_store %arg13[%swap3A_53], %broadcast_in_dim3A_33 {strides = array<i32>} : memref<1024xf32, #tpu.memory_space<vmem>>, vector<16xf32>,
    %swap3A_55 = arith.constant 176 : index
    %swap3A_56 = tpu.vector_load %arg13[%swap3A_55] {strides = array<i32>} : memref<1024xf32, #tpu.memory_space<vmem>>, vector<16xf32>,
    tpu.vector_store %arg13[%swap3A_55], %broadcast_in_dim3A_33 {strides = array<i32>} : memref<1024xf32, #tpu.memory_space<vmem>>, vector<16xf32>,
    %swap3A_57 = arith.constant 192 : index
    %swap3A_58 = tpu.vector_load %arg13[%swap3A_57] {strides = array<i32>} : memref<1024xf32, #tpu.memory_space<vmem>>, vector<16xf32>,
    tpu.vector_store %arg13[%swap3A_57], %broadcast_in_dim3A_33 {strides = array<i32>} : memref<1024xf32, #tpu.memory_space<vmem>>, vector<16xf32>,
    %swap3A_59 = arith.constant 208 : index
    %swap3A_60 = tpu.vector_load %arg13[%swap3A_59] {strides = array<i32>} : memref<1024xf32, #tpu.memory_space<vmem>>, vector<16xf32>,
    tpu.vector_store %arg13[%swap3A_59], %broadcast_in_dim3A_33 {strides = array<i32>} : memref<1024xf32, #tpu.memory_space<vmem>>, vector<16xf32>,
    %swap3A_61 = arith.constant 224 : index
    %swap3A_62 = tpu.vector_load %arg13[%swap3A_61] {strides = array<i32>} : memref<1024xf32, #tpu.memory_space<vmem>>, vector<16xf32>,
    tpu.vector_store %arg13[%swap3A_61], %broadcast_in_dim3A_33 {strides = array<i32>} : memref<1024xf32, #tpu.memory_space<vmem>>, vector<16xf32>,
    %swap3A_63 = arith.constant 240 : index
    %swap3A_64 = tpu.vector_load %arg13[%swap3A_63] {strides = array<i32>} : memref<1024xf32, #tpu.memory_space<vmem>>, vector<16xf32>,
    tpu.vector_store %arg13[%swap3A_63], %broadcast_in_dim3A_33 {strides = array<i32>} : memref<1024xf32, #tpu.memory_space<vmem>>, vector<16xf32>,
    %swap3A_65 = arith.constant 256 : index
    %swap3A_66 = tpu.vector_load %arg13[%swap3A_65] {strides = array<i32>} : memref<1024xf32, #tpu.memory_space<vmem>>, vector<16xf32>,
    tpu.vector_store %arg13[%swap3A_65], %broadcast_in_dim3A_33 {strides = array<i32>} : memref<1024xf32, #tpu.memory_space<vmem>>, vector<16xf32>,
    %swap3A_67 = arith.constant 272 : index
    %swap3A_68 = tpu.vector_load %arg13[%swap3A_67] {strides = array<i32>} : memref<1024xf32, #tpu.memory_space<vmem>>, vector<16xf32>,
    tpu.vector_store %arg13[%swap3A_67], %broadcast_in_dim3A_33 {strides = array<i32>} : memref<1024xf32, #tpu.memory_space<vmem>>, vector<16xf32>,
    %swap3A_69 = arith.constant 288 : index
    %swap3A_70 = tpu.vector_load %arg13[%swap3A_69] {strides = array<i32>} : memref<1024xf32, #tpu.memory_space<vmem>>, vector<16xf32>,
    tpu.vector_store %arg13[%swap3A_69], %broadcast_in_dim3A_33 {strides = array<i32>} : memref<1024xf32, #tpu.memory_space<vmem>>, vector<16xf32>,
    %swap3A_71 = arith.constant 304 : index
    %swap3A_72 = tpu.vector_load %arg13[%swap3A_71] {strides = array<i32>} : memref<1024xf32, #tpu.memory_space<vmem>>, vector<16xf32>,
    tpu.vector_store %arg13[%swap3A_71], %broadcast_in_dim3A_33 {strides = array<i32>} : memref<1024xf32, #tpu.memory_space<vmem>>, vector<16xf32>,
    %swap3A_73 = arith.constant 320 : index
    %swap3A_74 = tpu.vector_load %arg13[%swap3A_73] {strides = array<i32>} : memref<1024xf32, #tpu.memory_space<vmem>>, vector<16xf32>,
    tpu.vector_store %arg13[%swap3A_73], %broadcast_in_dim3A_33 {strides = array<i32>} : memref<1024xf32, #tpu.memory_space<vmem>>, vector<16xf32>,
    %swap3A_75 = arith.constant 336 : index
    %swap3A_76 = tpu.vector_load %arg13[%swap3A_75] {strides = array<i32>} : memref<1024xf32, #tpu.memory_space<vmem>>, vector<16xf32>,
    tpu.vector_store %arg13[%swap3A_75], %broadcast_in_dim3A_33 {strides = array<i32>} : memref<1024xf32, #tpu.memory_space<vmem>>, vector<16xf32>,
    %swap3A_77 = arith.constant 352 : index
    %swap3A_78 = tpu.vector_load %arg13[%swap3A_77] {strides = array<i32>} : memref<1024xf32, #tpu.memory_space<vmem>>, vector<16xf32>,
    tpu.vector_store %arg13[%swap3A_77], %broadcast_in_dim3A_33 {strides = array<i32>} : memref<1024xf32, #tpu.memory_space<vmem>>, vector<16xf32>,
    %swap3A_79 = arith.constant 368 : index
    %swap3A_80 = tpu.vector_load %arg13[%swap3A_79] {strides = array<i32>} : memref<1024xf32, #tpu.memory_space<vmem>>, vector<16xf32>,
    tpu.vector_store %arg13[%swap3A_79], %broadcast_in_dim3A_33 {strides = array<i32>} : memref<1024xf32, #tpu.memory_space<vmem>>, vector<16xf32>,
    %swap3A_81 = arith.constant 384 : index
    %swap3A_82 = tpu.vector_load %arg13[%swap3A_81] {strides = array<i32>} : memref<1024xf32, #tpu.memory_space<vmem>>, vector<16xf32>,
    tpu.vector_store %arg13[%swap3A_81], %broadcast_in_dim3A_33 {strides = array<i32>} : memref<1024xf32, #tpu.memory_space<vmem>>, vector<16xf32>,
    %swap3A_83 = arith.constant 400 : index
    %swap3A_84 = tpu.vector_load %arg13[%swap3A_83] {strides = array<i32>} : memref<1024xf32, #tpu.memory_space<vmem>>, vector<16xf32>,
    tpu.vector_store %arg13[%swap3A_83], %broadcast_in_dim3A_33 {strides = array<i32>} : memref<1024xf32, #tpu.memory_space<vmem>>, vector<16xf32>,
    %swap3A_85 = arith.constant 416 : index
    %swap3A_86 = tpu.vector_load %arg13[%swap3A_85] {strides = array<i32>} : memref<1024xf32, #tpu.memory_space<vmem>>, vector<16xf32>,
    tpu.vector_store %arg13[%swap3A_85], %broadcast_in_dim3A_33 {strides = array<i32>} : memref<1024xf32, #tpu.memory_space<vmem>>, vector<16xf32>,
    %swap3A_87 = arith.constant 432 : index
    %swap3A_88 = tpu.vector_load %arg13[%swap3A_87] {strides = array<i32>} : memref<1024xf32, #tpu.memory_space<vmem>>, vector<16xf32>,
    tpu.vector_store %arg13[%swap3A_87], %broadcast_in_dim3A_33 {strides = array<i32>} : memref<1024xf32, #tpu.memory_space<vmem>>, vector<16xf32>,
    %swap3A_89 = arith.constant 448 : index
    %swap3A_90 = tpu.vector_load %arg13[%swap3A_89] {strides = array<i32>} : memref<1024xf32, #tpu.memory_space<vmem>>, vector<16xf32>,
    tpu.vector_store %arg13[%swap3A_89], %broadcast_in_dim3A_33 {strides = array<i32>} : memref<1024xf32, #tpu.memory_space<vmem>>, vector<16xf32>,
    %swap3A_91 = arith.constant 464 : index
    %swap3A_92 = tpu.vector_load %arg13[%swap3A_91] {strides = array<i32>} : memref<1024xf32, #tpu.memory_space<vmem>>, vector<16xf32>,
    tpu.vector_store %arg13[%swap3A_91], %broadcast_in_dim3A_33 {strides = array<i32>} : memref<1024xf32, #tpu.memory_space<vmem>>, vector<16xf32>,
    %swap3A_93 = arith.constant 480 : index
    %swap3A_94 = tpu.vector_load %arg13[%swap3A_93] {strides = array<i32>} : memref<1024xf32, #tpu.memory_space<vmem>>, vector<16xf32>,
    tpu.vector_store %arg13[%swap3A_93], %broadcast_in_dim3A_33 {strides = array<i32>} : memref<1024xf32, #tpu.memory_space<vmem>>, vector<16xf32>,
    %swap3A_95 = arith.constant 496 : index
    %swap3A_96 = tpu.vector_load %arg13[%swap3A_95] {strides = array<i32>} : memref<1024xf32, #tpu.memory_space<vmem>>, vector<16xf32>,
    tpu.vector_store %arg13[%swap3A_95], %broadcast_in_dim3A_33 {strides = array<i32>} : memref<1024xf32, #tpu.memory_space<vmem>>, vector<16xf32>,
    %swap3A_97 = arith.constant 512 : index
    %swap3A_98 = tpu.vector_load %arg13[%swap3A_97] {strides = array<i32>} : memref<1024xf32, #tpu.memory_space<vmem>>, vector<16xf32>,
    tpu.vector_store %arg13[%swap3A_97], %broadcast_in_dim3A_33 {strides = array<i32>} : memref<1024xf32, #tpu.memory_space<vmem>>, vector<16xf32>,
    %swap3A_99 = arith.constant 528 : index
    %swap3A_100 = tpu.vector_load %arg13[%swap3A_99] {strides = array<i32>} : memref<1024xf32, #tpu.memory_space<vmem>>, vector<16xf32>,
    tpu.vector_store %arg13[%swap3A_99], %broadcast_in_dim3A_33 {strides = array<i32>} : memref<1024xf32, #tpu.memory_space<vmem>>, vector<16xf32>,
    %swap3A_101 = arith.constant 544 : index
    %swap3A_102 = tpu.vector_load %arg13[%swap3A_101] {strides = array<i32>} : memref<1024xf32, #tpu.memory_space<vmem>>, vector<16xf32>,
    tpu.vector_store %arg13[%swap3A_101], %broadcast_in_dim3A_33 {strides = array<i32>} : memref<1024xf32, #tpu.memory_space<vmem>>, vector<16xf32>,
    %swap3A_103 = arith.constant 560 : index
    %swap3A_104 = tpu.vector_load %arg13[%swap3A_103] {strides = array<i32>} : memref<1024xf32, #tpu.memory_space<vmem>>, vector<16xf32>,
    tpu.vector_store %arg13[%swap3A_103], %broadcast_in_dim3A_33 {strides = array<i32>} : memref<1024xf32, #tpu.memory_space<vmem>>, vector<16xf32>,
    %swap3A_105 = arith.constant 576 : index
    %swap3A_106 = tpu.vector_load %arg13[%swap3A_105] {strides = array<i32>} : memref<1024xf32, #tpu.memory_space<vmem>>, vector<16xf32>,
    tpu.vector_store %arg13[%swap3A_105], %broadcast_in_dim3A_33 {strides = array<i32>} : memref<1024xf32, #tpu.memory_space<vmem>>, vector<16xf32>,
    %swap3A_107 = arith.constant 592 : index
    %swap3A_108 = tpu.vector_load %arg13[%swap3A_107] {strides = array<i32>} : memref<1024xf32, #tpu.memory_space<vmem>>, vector<16xf32>,
    tpu.vector_store %arg13[%swap3A_107], %broadcast_in_dim3A_33 {strides = array<i32>} : memref<1024xf32, #tpu.memory_space<vmem>>, vector<16xf32>,
    %swap3A_109 = arith.constant 608 : index
    %swap3A_110 = tpu.vector_load %arg13[%swap3A_109] {strides = array<i32>} : memref<1024xf32, #tpu.memory_space<vmem>>, vector<16xf32>,
    tpu.vector_store %arg13[%swap3A_109], %broadcast_in_dim3A_33 {strides = array<i32>} : memref<1024xf32, #tpu.memory_space<vmem>>, vector<16xf32>,
    %swap3A_111 = arith.constant 624 : index
    %swap3A_112 = tpu.vector_load %arg13[%swap3A_111] {strides = array<i32>} : memref<1024xf32, #tpu.memory_space<vmem>>, vector<16xf32>,
    tpu.vector_store %arg13[%swap3A_111], %broadcast_in_dim3A_33 {strides = array<i32>} : memref<1024xf32, #tpu.memory_space<vmem>>, vector<16xf32>,
    %swap3A_113 = arith.constant 640 : index
    %swap3A_114 = tpu.vector_load %arg13[%swap3A_113] {strides = array<i32>} : memref<1024xf32, #tpu.memory_space<vmem>>, vector<16xf32>,
    tpu.vector_store %arg13[%swap3A_113], %broadcast_in_dim3A_33 {strides = array<i32>} : memref<1024xf32, #tpu.memory_space<vmem>>, vector<16xf32>,
    %swap3A_115 = arith.constant 656 : index
    %swap3A_116 = tpu.vector_load %arg13[%swap3A_115] {strides = array<i32>} : memref<1024xf32, #tpu.memory_space<vmem>>, vector<16xf32>,
    tpu.vector_store %arg13[%swap3A_115], %broadcast_in_dim3A_33 {strides = array<i32>} : memref<1024xf32, #tpu.memory_space<vmem>>, vector<16xf32>,
    %swap3A_117 = arith.constant 672 : index
    %swap3A_118 = tpu.vector_load %arg13[%swap3A_117] {strides = array<i32>} : memref<1024xf32, #tpu.memory_space<vmem>>, vector<16xf32>,
    tpu.vector_store %arg13[%swap3A_117], %broadcast_in_dim3A_33 {strides = array<i32>} : memref<1024xf32, #tpu.memory_space<vmem>>, vector<16xf32>,
    %swap3A_119 = arith.constant 688 : index
    %swap3A_120 = tpu.vector_load %arg13[%swap3A_119] {strides = array<i32>} : memref<1024xf32, #tpu.memory_space<vmem>>, vector<16xf32>,
    tpu.vector_store %arg13[%swap3A_119], %broadcast_in_dim3A_33 {strides = array<i32>} : memref<1024xf32, #tpu.memory_space<vmem>>, vector<16xf32>,
    %swap3A_121 = arith.constant 704 : index
    %swap3A_122 = tpu.vector_load %arg13[%swap3A_121] {strides = array<i32>} : memref<1024xf32, #tpu.memory_space<vmem>>, vector<16xf32>,
    tpu.vector_store %arg13[%swap3A_121], %broadcast_in_dim3A_33 {strides = array<i32>} : memref<1024xf32, #tpu.memory_space<vmem>>, vector<16xf32>,
    %swap3A_123 = arith.constant 720 : index
    %swap3A_124 = tpu.vector_load %arg13[%swap3A_123] {strides = array<i32>} : memref<1024xf32, #tpu.memory_space<vmem>>, vector<16xf32>,
    tpu.vector_store %arg13[%swap3A_123], %broadcast_in_dim3A_33 {strides = array<i32>} : memref<1024xf32, #tpu.memory_space<vmem>>, vector<16xf32>,
    %swap3A_125 = arith.constant 736 : index
    %swap3A_126 = tpu.vector_load %arg13[%swap3A_125] {strides = array<i32>} : memref<1024xf32, #tpu.memory_space<vmem>>, vector<16xf32>,
    tpu.vector_store %arg13[%swap3A_125], %broadcast_in_dim3A_33 {strides = array<i32>} : memref<1024xf32, #tpu.memory_space<vmem>>, vector<16xf32>,
    %swap3A_127 = arith.constant 752 : index
    %swap3A_128 = tpu.vector_load %arg13[%swap3A_127] {strides = array<i32>} : memref<1024xf32, #tpu.memory_space<vmem>>, vector<16xf32>,
    tpu.vector_store %arg13[%swap3A_127], %broadcast_in_dim3A_33 {strides = array<i32>} : memref<1024xf32, #tpu.memory_space<vmem>>, vector<16xf32>,
    %swap3A_129 = arith.constant 768 : index
    %swap3A_130 = tpu.vector_load %arg13[%swap3A_129] {strides = array<i32>} : memref<1024xf32, #tpu.memory_space<vmem>>, vector<16xf32>,
    tpu.vector_store %arg13[%swap3A_129], %broadcast_in_dim3A_33 {strides = array<i32>} : memref<1024xf32, #tpu.memory_space<vmem>>, vector<16xf32>,
    %swap3A_131 = arith.constant 784 : index
    %swap3A_132 = tpu.vector_load %arg13[%swap3A_131] {strides = array<i32>} : memref<1024xf32, #tpu.memory_space<vmem>>, vector<16xf32>,
    tpu.vector_store %arg13[%swap3A_131], %broadcast_in_dim3A_33 {strides = array<i32>} : memref<1024xf32, #tpu.memory_space<vmem>>, vector<16xf32>,
    %swap3A_133 = arith.constant 800 : index
    %swap3A_134 = tpu.vector_load %arg13[%swap3A_133] {strides = array<i32>} : memref<1024xf32, #tpu.memory_space<vmem>>, vector<16xf32>,
    tpu.vector_store %arg13[%swap3A_133], %broadcast_in_dim3A_33 {strides = array<i32>} : memref<1024xf32, #tpu.memory_space<vmem>>, vector<16xf32>,
    %swap3A_135 = arith.constant 816 : index
    %swap3A_136 = tpu.vector_load %arg13[%swap3A_135] {strides = array<i32>} : memref<1024xf32, #tpu.memory_space<vmem>>, vector<16xf32>,
    tpu.vector_store %arg13[%swap3A_135], %broadcast_in_dim3A_33 {strides = array<i32>} : memref<1024xf32, #tpu.memory_space<vmem>>, vector<16xf32>,
    %swap3A_137 = arith.constant 832 : index
    %swap3A_138 = tpu.vector_load %arg13[%swap3A_137] {strides = array<i32>} : memref<1024xf32, #tpu.memory_space<vmem>>, vector<16xf32>,
    tpu.vector_store %arg13[%swap3A_137], %broadcast_in_dim3A_33 {strides = array<i32>} : memref<1024xf32, #tpu.memory_space<vmem>>, vector<16xf32>,
    %swap3A_139 = arith.constant 848 : index
    %swap3A_140 = tpu.vector_load %arg13[%swap3A_139] {strides = array<i32>} : memref<1024xf32, #tpu.memory_space<vmem>>, vector<16xf32>,
    tpu.vector_store %arg13[%swap3A_139], %broadcast_in_dim3A_33 {strides = array<i32>} : memref<1024xf32, #tpu.memory_space<vmem>>, vector<16xf32>,
    %swap3A_141 = arith.constant 864 : index
    %swap3A_142 = tpu.vector_load %arg13[%swap3A_141] {strides = array<i32>} : memref<1024xf32, #tpu.memory_space<vmem>>, vector<16xf32>,
    tpu.vector_store %arg13[%swap3A_141], %broadcast_in_dim3A_33 {strides = array<i32>} : memref<1024xf32, #tpu.memory_space<vmem>>, vector<16xf32>,
    %swap3A_143 = arith.constant 880 : index
    %swap3A_144 = tpu.vector_load %arg13[%swap3A_143] {strides = array<i32>} : memref<1024xf32, #tpu.memory_space<vmem>>, vector<16xf32>,
    tpu.vector_store %arg13[%swap3A_143], %broadcast_in_dim3A_33 {strides = array<i32>} : memref<1024xf32, #tpu.memory_space<vmem>>, vector<16xf32>,
    %swap3A_145 = arith.constant 896 : index
    %swap3A_146 = tpu.vector_load %arg13[%swap3A_145] {strides = array<i32>} : memref<1024xf32, #tpu.memory_space<vmem>>, vector<16xf32>,
    tpu.vector_store %arg13[%swap3A_145], %broadcast_in_dim3A_33 {strides = array<i32>} : memref<1024xf32, #tpu.memory_space<vmem>>, vector<16xf32>,
    %swap3A_147 = arith.constant 912 : index
    %swap3A_148 = tpu.vector_load %arg13[%swap3A_147] {strides = array<i32>} : memref<1024xf32, #tpu.memory_space<vmem>>, vector<16xf32>,
    tpu.vector_store %arg13[%swap3A_147], %broadcast_in_dim3A_33 {strides = array<i32>} : memref<1024xf32, #tpu.memory_space<vmem>>, vector<16xf32>,
    %swap3A_149 = arith.constant 928 : index
    %swap3A_150 = tpu.vector_load %arg13[%swap3A_149] {strides = array<i32>} : memref<1024xf32, #tpu.memory_space<vmem>>, vector<16xf32>,
    tpu.vector_store %arg13[%swap3A_149], %broadcast_in_dim3A_33 {strides = array<i32>} : memref<1024xf32, #tpu.memory_space<vmem>>, vector<16xf32>,
    %swap3A_151 = arith.constant 944 : index
    %swap3A_152 = tpu.vector_load %arg13[%swap3A_151] {strides = array<i32>} : memref<1024xf32, #tpu.memory_space<vmem>>, vector<16xf32>,
    tpu.vector_store %arg13[%swap3A_151], %broadcast_in_dim3A_33 {strides = array<i32>} : memref<1024xf32, #tpu.memory_space<vmem>>, vector<16xf32>,
    %swap3A_153 = arith.constant 960 : index
    %swap3A_154 = tpu.vector_load %arg13[%swap3A_153] {strides = array<i32>} : memref<1024xf32, #tpu.memory_space<vmem>>, vector<16xf32>,
    tpu.vector_store %arg13[%swap3A_153], %broadcast_in_dim3A_33 {strides = array<i32>} : memref<1024xf32, #tpu.memory_space<vmem>>, vector<16xf32>,
    %swap3A_155 = arith.constant 976 : index
    %swap3A_156 = tpu.vector_load %arg13[%swap3A_155] {strides = array<i32>} : memref<1024xf32, #tpu.memory_space<vmem>>, vector<16xf32>,
    tpu.vector_store %arg13[%swap3A_155], %broadcast_in_dim3A_33 {strides = array<i32>} : memref<1024xf32, #tpu.memory_space<vmem>>, vector<16xf32>,
    %swap3A_157 = arith.constant 992 : index
    %swap3A_158 = tpu.vector_load %arg13[%swap3A_157] {strides = array<i32>} : memref<1024xf32, #tpu.memory_space<vmem>>, vector<16xf32>,
    tpu.vector_store %arg13[%swap3A_157], %broadcast_in_dim3A_33 {strides = array<i32>} : memref<1024xf32, #tpu.memory_space<vmem>>, vector<16xf32>,
    %swap3A_159 = arith.constant 1008 : index
    %swap3A_160 = tpu.vector_load %arg13[%swap3A_159] {strides = array<i32>} : memref<1024xf32, #tpu.memory_space<vmem>>, vector<16xf32>,
    tpu.vector_store %arg13[%swap3A_159], %broadcast_in_dim3A_33 {strides = array<i32>} : memref<1024xf32, #tpu.memory_space<vmem>>, vector<16xf32>,
    %iota3A = tpu.iota {dimensions = array<i32: 0>} : vector<16xi32>
    %add3A_161 = arith.constant 0 : i32
    %add3A_162 = arith.addi %mul3A_32, %add3A_161 : i32
    %dma_start3A = arith.constant 0 : i32
    %dma_start3A_163 = arith.constant 0 : i32
    %dma_start3A_164 = tpu.memref_slice %arg2[%select_n3A, %dma_start3A, %add3A_162, %dma_start3A_163] : memref<8x1x512x512xf32, #tpu.memory_space<hbm>> -> memref<1x1x32x512xf32, #tpu.memory_space<hbm>>
    %dma_start3A_165 = tpu.memref_squeeze %dma_start3A_164 : memref<1x1x32x512xf32, #tpu.memory_space<hbm>> -> memref<32x512xf32, #tpu.memory_space<hbm>>
    %dma_start3A_166 = arith.constant 0 : i32
    %dma_start3A_167 = tpu.memref_slice %arg2[%select_n3A, %dma_start3A, %add3A_162, %dma_start3A_166] : memref<8x1x512x512xf32, #tpu.memory_space<hbm>> -> memref<1x1x32x512xf32, #tpu.memory_space<hbm>>
    %dma_start3A_168 = tpu.memref_squeeze %dma_start3A_167 : memref<1x1x32x512xf32, #tpu.memory_space<hbm>> -> memref<32x512xf32, #tpu.memory_space<hbm>>
    tpu.enqueue_dma source(%dma_start3A_168 : memref<32x512xf32, #tpu.memory_space<hbm>>) target(%arg7 : memref<32x512xf32, #tpu.memory_space<vmem>>) target_semaphore(%arg19 : memref<!tpu.dma_semaphore, #tpu.memory_space<semaphore_mem>>)
    %dma_start3A_169 = arith.constant 0 : i32
    %dma_start3A_170 = arith.constant 0 : i32
    %dma_start3A_171 = tpu.memref_slice %arg3[%select_n3A, %dma_start3A_169, %add3A_162, %dma_start3A_170] : memref<8x1x512x512xf32, #tpu.memory_space<hbm>> -> memref<1x1x32x512xf32, #tpu.memory_space<hbm>>
    %dma_start3A_172 = tpu.memref_squeeze %dma_start3A_171 : memref<1x1x32x512xf32, #tpu.memory_space<hbm>> -> memref<32x512xf32, #tpu.memory_space<hbm>>
    %dma_start3A_173 = arith.constant 0 : i32
    %dma_start3A_174 = tpu.memref_slice %arg3[%select_n3A, %dma_start3A_169, %add3A_162, %dma_start3A_173] : memref<8x1x512x512xf32, #tpu.memory_space<hbm>> -> memref<1x1x32x512xf32, #tpu.memory_space<hbm>>
    %dma_start3A_175 = tpu.memref_squeeze %dma_start3A_174 : memref<1x1x32x512xf32, #tpu.memory_space<hbm>> -> memref<32x512xf32, #tpu.memory_space<hbm>>
    tpu.enqueue_dma source(%dma_start3A_175 : memref<32x512xf32, #tpu.memory_space<hbm>>) target(%arg8 : memref<32x512xf32, #tpu.memory_space<vmem>>) target_semaphore(%arg19 : memref<!tpu.dma_semaphore, #tpu.memory_space<semaphore_mem>>)
    %dma_start3A_176 = arith.constant 0 : i32
    %dma_start3A_177 = tpu.memref_slice %arg4[%select_n3A, %add3A_162, %dma_start3A_176] : memref<8x512x512xi32, #tpu.memory_space<hbm>> -> memref<1x32x512xi32, #tpu.memory_space<hbm>>
    %dma_start3A_178 = tpu.memref_squeeze %dma_start3A_177 : memref<1x32x512xi32, #tpu.memory_space<hbm>> -> memref<32x512xi32, #tpu.memory_space<hbm>>
    %dma_start3A_179 = arith.constant 0 : i32
    %dma_start3A_180 = tpu.memref_slice %arg4[%select_n3A, %add3A_162, %dma_start3A_179] : memref<8x512x512xi32, #tpu.memory_space<hbm>> -> memref<1x32x512xi32, #tpu.memory_space<hbm>>
    %dma_start3A_181 = tpu.memref_squeeze %dma_start3A_180 : memref<1x32x512xi32, #tpu.memory_space<hbm>> -> memref<32x512xi32, #tpu.memory_space<hbm>>
    tpu.enqueue_dma source(%dma_start3A_181 : memref<32x512xi32, #tpu.memory_space<hbm>>) target(%arg9 : memref<32x512xi32, #tpu.memory_space<vmem>>) target_semaphore(%arg19 : memref<!tpu.dma_semaphore, #tpu.memory_space<semaphore_mem>>)
    %add3A_182 = arith.constant 32 : i32
    %add3A_183 = arith.addi %mul3A_32, %add3A_182 : i32
    %dma_start3A_184 = arith.constant 0 : i32
    %dma_start3A_185 = arith.constant 0 : i32
    %dma_start3A_186 = tpu.memref_slice %arg2[%select_n3A, %dma_start3A_184, %add3A_183, %dma_start3A_185] : memref<8x1x512x512xf32, #tpu.memory_space<hbm>> -> memref<1x1x32x512xf32, #tpu.memory_space<hbm>>
    %dma_start3A_187 = tpu.memref_squeeze %dma_start3A_186 : memref<1x1x32x512xf32, #tpu.memory_space<hbm>> -> memref<32x512xf32, #tpu.memory_space<hbm>>
    %dma_start3A_188 = arith.constant 0 : i32
    %dma_start3A_189 = tpu.memref_slice %arg2[%select_n3A, %dma_start3A_184, %add3A_183, %dma_start3A_188] : memref<8x1x512x512xf32, #tpu.memory_space<hbm>> -> memref<1x1x32x512xf32, #tpu.memory_space<hbm>>
    %dma_start3A_190 = tpu.memref_squeeze %dma_start3A_189 : memref<1x1x32x512xf32, #tpu.memory_space<hbm>> -> memref<32x512xf32, #tpu.memory_space<hbm>>
    tpu.enqueue_dma source(%dma_start3A_190 : memref<32x512xf32, #tpu.memory_space<hbm>>) target(%arg10 : memref<32x512xf32, #tpu.memory_space<vmem>>) target_semaphore(%arg20 : memref<!tpu.dma_semaphore, #tpu.memory_space<semaphore_mem>>)
    %dma_start3A_191 = arith.constant 0 : i32
    %dma_start3A_192 = arith.constant 0 : i32
    %dma_start3A_193 = tpu.memref_slice %arg3[%select_n3A, %dma_start3A_191, %add3A_183, %dma_start3A_192] : memref<8x1x512x512xf32, #tpu.memory_space<hbm>> -> memref<1x1x32x512xf32, #tpu.memory_space<hbm>>
    %dma_start3A_194 = tpu.memref_squeeze %dma_start3A_193 : memref<1x1x32x512xf32, #tpu.memory_space<hbm>> -> memref<32x512xf32, #tpu.memory_space<hbm>>
    %dma_start3A_195 = arith.constant 0 : i32
    %dma_start3A_196 = tpu.memref_slice %arg3[%select_n3A, %dma_start3A_191, %add3A_183, %dma_start3A_195] : memref<8x1x512x512xf32, #tpu.memory_space<hbm>> -> memref<1x1x32x512xf32, #tpu.memory_space<hbm>>
    %dma_start3A_197 = tpu.memref_squeeze %dma_start3A_196 : memref<1x1x32x512xf32, #tpu.memory_space<hbm>> -> memref<32x512xf32, #tpu.memory_space<hbm>>
    tpu.enqueue_dma source(%dma_start3A_197 : memref<32x512xf32, #tpu.memory_space<hbm>>) target(%arg11 : memref<32x512xf32, #tpu.memory_space<vmem>>) target_semaphore(%arg20 : memref<!tpu.dma_semaphore, #tpu.memory_space<semaphore_mem>>)
    %dma_start3A_198 = arith.constant 0 : i32
    %dma_start3A_199 = tpu.memref_slice %arg4[%select_n3A, %add3A_183, %dma_start3A_198] : memref<8x512x512xi32, #tpu.memory_space<hbm>> -> memref<1x32x512xi32, #tpu.memory_space<hbm>>
    %dma_start3A_200 = tpu.memref_squeeze %dma_start3A_199 : memref<1x32x512xi32, #tpu.memory_space<hbm>> -> memref<32x512xi32, #tpu.memory_space<hbm>>
    %dma_start3A_201 = arith.constant 0 : i32
    %dma_start3A_202 = tpu.memref_slice %arg4[%select_n3A, %add3A_183, %dma_start3A_201] : memref<8x512x512xi32, #tpu.memory_space<hbm>> -> memref<1x32x512xi32, #tpu.memory_space<hbm>>
    %dma_start3A_203 = tpu.memref_squeeze %dma_start3A_202 : memref<1x32x512xi32, #tpu.memory_space<hbm>> -> memref<32x512xi32, #tpu.memory_space<hbm>>
    tpu.enqueue_dma source(%dma_start3A_203 : memref<32x512xi32, #tpu.memory_space<hbm>>) target(%arg12 : memref<32x512xi32, #tpu.memory_space<vmem>>) target_semaphore(%arg20 : memref<!tpu.dma_semaphore, #tpu.memory_space<semaphore_mem>>)
    %dma_wait3A = arith.constant 0 : i32
    %dma_wait3A_204 = arith.constant 0 : i32
    %dma_wait3A_205 = tpu.memref_slice %arg2[%select_n3A, %dma_wait3A, %add3A_162, %dma_wait3A_204] : memref<8x1x512x512xf32, #tpu.memory_space<hbm>> -> memref<1x1x32x512xf32, #tpu.memory_space<hbm>>
    %dma_wait3A_206 = tpu.memref_squeeze %dma_wait3A_205 : memref<1x1x32x512xf32, #tpu.memory_space<hbm>> -> memref<32x512xf32, #tpu.memory_space<hbm>>
    %dma_wait3A_207 = arith.constant 0 : i32
    %dma_wait3A_208 = tpu.memref_slice %arg2[%select_n3A, %dma_wait3A, %add3A_162, %dma_wait3A_207] : memref<8x1x512x512xf32, #tpu.memory_space<hbm>> -> memref<1x1x32x512xf32, #tpu.memory_space<hbm>>
    %dma_wait3A_209 = tpu.memref_squeeze %dma_wait3A_208 : memref<1x1x32x512xf32, #tpu.memory_space<hbm>> -> memref<32x512xf32, #tpu.memory_space<hbm>>
    tpu.wait_dma2 semaphore(%arg19 : memref<!tpu.dma_semaphore, #tpu.memory_space<semaphore_mem>>) src(%dma_wait3A_209 : memref<32x512xf32, #tpu.memory_space<hbm>>) dst(%arg7 : memref<32x512xf32, #tpu.memory_space<vmem>>)
    %dma_wait3A_210 = arith.constant 0 : i32
    %dma_wait3A_211 = arith.constant 0 : i32
    %dma_wait3A_212 = tpu.memref_slice %arg3[%select_n3A, %dma_wait3A_210, %add3A_162, %dma_wait3A_211] : memref<8x1x512x512xf32, #tpu.memory_space<hbm>> -> memref<1x1x32x512xf32, #tpu.memory_space<hbm>>
    %dma_wait3A_213 = tpu.memref_squeeze %dma_wait3A_212 : memref<1x1x32x512xf32, #tpu.memory_space<hbm>> -> memref<32x512xf32, #tpu.memory_space<hbm>>
    %dma_wait3A_214 = arith.constant 0 : i32
    %dma_wait3A_215 = tpu.memref_slice %arg3[%select_n3A, %dma_wait3A_210, %add3A_162, %dma_wait3A_214] : memref<8x1x512x512xf32, #tpu.memory_space<hbm>> -> memref<1x1x32x512xf32, #tpu.memory_space<hbm>>
    %dma_wait3A_216 = tpu.memref_squeeze %dma_wait3A_215 : memref<1x1x32x512xf32, #tpu.memory_space<hbm>> -> memref<32x512xf32, #tpu.memory_space<hbm>>
    tpu.wait_dma2 semaphore(%arg19 : memref<!tpu.dma_semaphore, #tpu.memory_space<semaphore_mem>>) src(%dma_wait3A_216 : memref<32x512xf32, #tpu.memory_space<hbm>>) dst(%arg8 : memref<32x512xf32, #tpu.memory_space<vmem>>)
    %dma_wait3A_217 = arith.constant 0 : i32
    %dma_wait3A_218 = tpu.memref_slice %arg4[%select_n3A, %add3A_162, %dma_wait3A_217] : memref<8x512x512xi32, #tpu.memory_space<hbm>> -> memref<1x32x512xi32, #tpu.memory_space<hbm>>
    %dma_wait3A_219 = tpu.memref_squeeze %dma_wait3A_218 : memref<1x32x512xi32, #tpu.memory_space<hbm>> -> memref<32x512xi32, #tpu.memory_space<hbm>>
    %dma_wait3A_220 = arith.constant 0 : i32
    %dma_wait3A_221 = tpu.memref_slice %arg4[%select_n3A, %add3A_162, %dma_wait3A_220] : memref<8x512x512xi32, #tpu.memory_space<hbm>> -> memref<1x32x512xi32, #tpu.memory_space<hbm>>
    %dma_wait3A_222 = tpu.memref_squeeze %dma_wait3A_221 : memref<1x32x512xi32, #tpu.memory_space<hbm>> -> memref<32x512xi32, #tpu.memory_space<hbm>>
    tpu.wait_dma2 semaphore(%arg19 : memref<!tpu.dma_semaphore, #tpu.memory_space<semaphore_mem>>) src(%dma_wait3A_222 : memref<32x512xi32, #tpu.memory_space<hbm>>) dst(%arg9 : memref<32x512xi32, #tpu.memory_space<vmem>>)
    %scan3A = arith.constant 0 : i32
    %scan3A_223 = arith.constant 0 : i32
    %scan3A_224 = arith.constant 256 : i32
    %scan3A_225 = arith.addi %scan3A_223, %scan3A_224 : i32
    %scan3A_226 = arith.constant 1 : i32
    %scan3A_227 = scf.for %scan3A_1057 = %scan3A_223 to %scan3A_225 step %scan3A_226 iter_args(%scan3A_1058 = %scan3A) -> (i32)  : i32 {
      %mul3A_1059 = arith.constant 64 : i32
      %mul3A_1060 = arith.muli %scan3A_1057, %mul3A_1059 : i32
      %jit3A_1061 = arith.constant 512 : i32
      %div3A_1062 = arith.divsi %mul3A_1060, %jit3A_1061 : i32
      %sign3A_1063 = arith.constant 0 : i32
      %sign3A_1064 = arith.cmpi sgt, %mul3A_1060, %sign3A_1063 : i32
      %sign3A_1065 = arith.extui %sign3A_1064 : i1 to i32
      %sign3A_1066 = arith.constant 0 : i32
      %sign3A_1067 = arith.cmpi slt, %mul3A_1060, %sign3A_1066 : i32
      %sign3A_1068 = arith.extui %sign3A_1067 : i1 to i32
      %sign3A_1069 = arith.subi %sign3A_1065, %sign3A_1068 : i32
      %sign3A_1070 = arith.constant 0 : i32
      %sign3A_1071 = arith.cmpi sgt, %jit3A_1061, %sign3A_1070 : i32
      %sign3A_1072 = arith.extui %sign3A_1071 : i1 to i32
      %sign3A_1073 = arith.constant 0 : i32
      %sign3A_1074 = arith.cmpi slt, %jit3A_1061, %sign3A_1073 : i32
      %sign3A_1075 = arith.extui %sign3A_1074 : i1 to i32
      %sign3A_1076 = arith.subi %sign3A_1072, %sign3A_1075 : i32
      %ne3A_1077 = arith.cmpi ne, %sign3A_1069, %sign3A_1076 : i32
      %rem3A_1078 = arith.remsi %mul3A_1060, %jit3A_1061 : i32
      %ne3A_1079 = arith.constant 0 : i32
      %ne3A_1080 = arith.cmpi ne, %rem3A_1078, %ne3A_1079 : i32
      %and3A_1081 = arith.andi %ne3A_1077, %ne3A_1080 : i1
      %sub3A_1082 = arith.constant 1 : i32
      %sub3A_1083 = arith.subi %div3A_1062, %sub3A_1082 : i32
      %select_n3A_1084 = arith.select %and3A_1081, %sub3A_1083, %div3A_1062 : i32
      %jit3A_1085 = arith.constant 512 : i32
      %eq3A_1086 = arith.constant 0 : i32
      %eq3A_1087 = arith.cmpi eq, %jit3A_1085, %eq3A_1086 : i32
      %jit3A_1088 = arith.constant 1 : i32
      %select_n3A_1089 = arith.select %eq3A_1087, %jit3A_1088, %jit3A_1085 : i32
      %rem3A_1090 = arith.remsi %mul3A_1060, %select_n3A_1089 : i32
      %ne3A_1091 = arith.constant 0 : i32
      %ne3A_1092 = arith.cmpi ne, %rem3A_1090, %ne3A_1091 : i32
      %lt3A_1093 = arith.constant 0 : i32
      %lt3A_1094 = arith.cmpi slt, %rem3A_1090, %lt3A_1093 : i32
      %lt3A_1095 = arith.constant 0 : i32
      %lt3A_1096 = arith.cmpi slt, %select_n3A_1089, %lt3A_1095 : i32
      %ne3A_1097 = arith.xori %lt3A_1094, %lt3A_1096 : i1
      %and3A_1098 = arith.andi %ne3A_1097, %ne3A_1092 : i1
      %add3A_1099 = arith.addi %rem3A_1090, %select_n3A_1089 : i32
      %select_n3A_1100 = arith.select %and3A_1098, %add3A_1099, %rem3A_1090 : i32
      %add3A_1101 = arith.constant 0 : i32
      %add3A_1102 = arith.addi %select_n3A_1100, %add3A_1101 : i32
      %get3A_1103 = arith.index_cast %select_n3A_1084 : i32 to index
      %get3A_1104 = arith.index_cast %add3A_1102 : i32 to index
      %get3A_1105 = tpu.vector_load %arg7[%get3A_1103, %get3A_1104] {strides = array<i32>} : memref<32x512xf32, #tpu.memory_space<vmem>>, vector<16xf32>,
      %add3A_1106 = arith.constant 0.00999999977 : f32
      %add3A_1107 = vector.broadcast %add3A_1106 : f32 to vector<16xf32>
      %add3A_1108 = arith.addf %get3A_1105, %add3A_1107 : vector<16xf32>
      %get3A_1109 = arith.index_cast %select_n3A_1084 : i32 to index
      %get3A_1110 = arith.index_cast %add3A_1102 : i32 to index
      %get3A_1111 = tpu.vector_load %arg8[%get3A_1109, %get3A_1110] {strides = array<i32>} : memref<32x512xf32, #tpu.memory_space<vmem>>, vector<16xf32>,
      %add3A_1112 = arith.constant 0.00999999977 : f32
      %add3A_1113 = vector.broadcast %add3A_1112 : f32 to vector<16xf32>
      %add3A_1114 = arith.addf %get3A_1111, %add3A_1113 : vector<16xf32>
      %mul3A_1115 = arith.mulf %add3A_1108, %add3A_1114 : vector<16xf32>
      %get3A_1116 = arith.index_cast %select_n3A_1084 : i32 to index
      %get3A_1117 = arith.index_cast %add3A_1102 : i32 to index
      %get3A_1118 = tpu.vector_load %arg9[%get3A_1116, %get3A_1117] {strides = array<i32>} : memref<32x512xi32, #tpu.memory_space<vmem>>, vector<16xi32>,
      %mul3A_1119 = arith.constant 16 : i32
      %mul3A_1120 = vector.broadcast %mul3A_1119 : i32 to vector<16xi32>
      %mul3A_1121 = arith.muli %get3A_1118, %mul3A_1120 : vector<16xi32>
      %add3A_1122 = arith.addi %mul3A_1121, %iota3A : vector<16xi32>
      tpu.vector_store_idx %arg13[%add3A_1122], %mul3A_1115 {add = true} : memref<1024xf32, #tpu.memory_space<vmem>>[vector<16xi32>], vector<16xf32>,
      %add3A_1123 = arith.constant 16 : i32
      %add3A_1124 = arith.addi %select_n3A_1100, %add3A_1123 : i32
      %get3A_1125 = arith.index_cast %select_n3A_1084 : i32 to index
      %get3A_1126 = arith.index_cast %add3A_1124 : i32 to index
      %get3A_1127 = tpu.vector_load %arg7[%get3A_1125, %get3A_1126] {strides = array<i32>} : memref<32x512xf32, #tpu.memory_space<vmem>>, vector<16xf32>,
      %add3A_1128 = arith.constant 0.00999999977 : f32
      %add3A_1129 = vector.broadcast %add3A_1128 : f32 to vector<16xf32>
      %add3A_1130 = arith.addf %get3A_1127, %add3A_1129 : vector<16xf32>
      %get3A_1131 = arith.index_cast %select_n3A_1084 : i32 to index
      %get3A_1132 = arith.index_cast %add3A_1124 : i32 to index
      %get3A_1133 = tpu.vector_load %arg8[%get3A_1131, %get3A_1132] {strides = array<i32>} : memref<32x512xf32, #tpu.memory_space<vmem>>, vector<16xf32>,
      %add3A_1134 = arith.constant 0.00999999977 : f32
      %add3A_1135 = vector.broadcast %add3A_1134 : f32 to vector<16xf32>
      %add3A_1136 = arith.addf %get3A_1133, %add3A_1135 : vector<16xf32>
      %mul3A_1137 = arith.mulf %add3A_1130, %add3A_1136 : vector<16xf32>
      %get3A_1138 = arith.index_cast %select_n3A_1084 : i32 to index
      %get3A_1139 = arith.index_cast %add3A_1124 : i32 to index
      %get3A_1140 = tpu.vector_load %arg9[%get3A_1138, %get3A_1139] {strides = array<i32>} : memref<32x512xi32, #tpu.memory_space<vmem>>, vector<16xi32>,
      %mul3A_1141 = arith.constant 16 : i32
      %mul3A_1142 = vector.broadcast %mul3A_1141 : i32 to vector<16xi32>
      %mul3A_1143 = arith.muli %get3A_1140, %mul3A_1142 : vector<16xi32>
      %add3A_1144 = arith.addi %mul3A_1143, %iota3A : vector<16xi32>
      tpu.vector_store_idx %arg13[%add3A_1144], %mul3A_1137 {add = true} : memref<1024xf32, #tpu.memory_space<vmem>>[vector<16xi32>], vector<16xf32>,
      %add3A_1145 = arith.constant 32 : i32
      %add3A_1146 = arith.addi %select_n3A_1100, %add3A_1145 : i32
      %get3A_1147 = arith.index_cast %select_n3A_1084 : i32 to index
      %get3A_1148 = arith.index_cast %add3A_1146 : i32 to index
      %get3A_1149 = tpu.vector_load %arg7[%get3A_1147, %get3A_1148] {strides = array<i32>} : memref<32x512xf32, #tpu.memory_space<vmem>>, vector<16xf32>,
      %add3A_1150 = arith.constant 0.00999999977 : f32
      %add3A_1151 = vector.broadcast %add3A_1150 : f32 to vector<16xf32>
      %add3A_1152 = arith.addf %get3A_1149, %add3A_1151 : vector<16xf32>
      %get3A_1153 = arith.index_cast %select_n3A_1084 : i32 to index
      %get3A_1154 = arith.index_cast %add3A_1146 : i32 to index
      %get3A_1155 = tpu.vector_load %arg8[%get3A_1153, %get3A_1154] {strides = array<i32>} : memref<32x512xf32, #tpu.memory_space<vmem>>, vector<16xf32>,
      %add3A_1156 = arith.constant 0.00999999977 : f32
      %add3A_1157 = vector.broadcast %add3A_1156 : f32 to vector<16xf32>
      %add3A_1158 = arith.addf %get3A_1155, %add3A_1157 : vector<16xf32>
      %mul3A_1159 = arith.mulf %add3A_1152, %add3A_1158 : vector<16xf32>
      %get3A_1160 = arith.index_cast %select_n3A_1084 : i32 to index
      %get3A_1161 = arith.index_cast %add3A_1146 : i32 to index
      %get3A_1162 = tpu.vector_load %arg9[%get3A_1160, %get3A_1161] {strides = array<i32>} : memref<32x512xi32, #tpu.memory_space<vmem>>, vector<16xi32>,
      %mul3A_1163 = arith.constant 16 : i32
      %mul3A_1164 = vector.broadcast %mul3A_1163 : i32 to vector<16xi32>
      %mul3A_1165 = arith.muli %get3A_1162, %mul3A_1164 : vector<16xi32>
      %add3A_1166 = arith.addi %mul3A_1165, %iota3A : vector<16xi32>
      tpu.vector_store_idx %arg13[%add3A_1166], %mul3A_1159 {add = true} : memref<1024xf32, #tpu.memory_space<vmem>>[vector<16xi32>], vector<16xf32>,
      %add3A_1167 = arith.constant 48 : i32
      %add3A_1168 = arith.addi %select_n3A_1100, %add3A_1167 : i32
      %get3A_1169 = arith.index_cast %select_n3A_1084 : i32 to index
      %get3A_1170 = arith.index_cast %add3A_1168 : i32 to index
      %get3A_1171 = tpu.vector_load %arg7[%get3A_1169, %get3A_1170] {strides = array<i32>} : memref<32x512xf32, #tpu.memory_space<vmem>>, vector<16xf32>,
      %add3A_1172 = arith.constant 0.00999999977 : f32
      %add3A_1173 = vector.broadcast %add3A_1172 : f32 to vector<16xf32>
      %add3A_1174 = arith.addf %get3A_1171, %add3A_1173 : vector<16xf32>
      %get3A_1175 = arith.index_cast %select_n3A_1084 : i32 to index
      %get3A_1176 = arith.index_cast %add3A_1168 : i32 to index
      %get3A_1177 = tpu.vector_load %arg8[%get3A_1175, %get3A_1176] {strides = array<i32>} : memref<32x512xf32, #tpu.memory_space<vmem>>, vector<16xf32>,
      %add3A_1178 = arith.constant 0.00999999977 : f32
      %add3A_1179 = vector.broadcast %add3A_1178 : f32 to vector<16xf32>
      %add3A_1180 = arith.addf %get3A_1177, %add3A_1179 : vector<16xf32>
      %mul3A_1181 = arith.mulf %add3A_1174, %add3A_1180 : vector<16xf32>
      %get3A_1182 = arith.index_cast %select_n3A_1084 : i32 to index
      %get3A_1183 = arith.index_cast %add3A_1168 : i32 to index
      %get3A_1184 = tpu.vector_load %arg9[%get3A_1182, %get3A_1183] {strides = array<i32>} : memref<32x512xi32, #tpu.memory_space<vmem>>, vector<16xi32>,
      %mul3A_1185 = arith.constant 16 : i32
      %mul3A_1186 = vector.broadcast %mul3A_1185 : i32 to vector<16xi32>
      %mul3A_1187 = arith.muli %get3A_1184, %mul3A_1186 : vector<16xi32>
      %add3A_1188 = arith.addi %mul3A_1187, %iota3A : vector<16xi32>
      tpu.vector_store_idx %arg13[%add3A_1188], %mul3A_1181 {add = true} : memref<1024xf32, #tpu.memory_space<vmem>>[vector<16xi32>], vector<16xf32>,
      %scan3A_1189 = arith.constant 0 : i32
      scf.yield %scan3A_1189 : i32
    }
    %scan3A_228 = arith.constant 256 : i32
    %add3A_229 = arith.constant 64 : i32
    %add3A_230 = arith.addi %mul3A_32, %add3A_229 : i32
    %dma_start3A_231 = arith.constant 0 : i32
    %dma_start3A_232 = arith.constant 0 : i32
    %dma_start3A_233 = tpu.memref_slice %arg2[%select_n3A, %dma_start3A_231, %add3A_230, %dma_start3A_232] : memref<8x1x512x512xf32, #tpu.memory_space<hbm>> -> memref<1x1x32x512xf32, #tpu.memory_space<hbm>>
    %dma_start3A_234 = tpu.memref_squeeze %dma_start3A_233 : memref<1x1x32x512xf32, #tpu.memory_space<hbm>> -> memref<32x512xf32, #tpu.memory_space<hbm>>
    %dma_start3A_235 = arith.constant 0 : i32
    %dma_start3A_236 = tpu.memref_slice %arg2[%select_n3A, %dma_start3A_231, %add3A_230, %dma_start3A_235] : memref<8x1x512x512xf32, #tpu.memory_space<hbm>> -> memref<1x1x32x512xf32, #tpu.memory_space<hbm>>
    %dma_start3A_237 = tpu.memref_squeeze %dma_start3A_236 : memref<1x1x32x512xf32, #tpu.memory_space<hbm>> -> memref<32x512xf32, #tpu.memory_space<hbm>>
    tpu.enqueue_dma source(%dma_start3A_237 : memref<32x512xf32, #tpu.memory_space<hbm>>) target(%arg7 : memref<32x512xf32, #tpu.memory_space<vmem>>) target_semaphore(%arg19 : memref<!tpu.dma_semaphore, #tpu.memory_space<semaphore_mem>>)
    %dma_start3A_238 = arith.constant 0 : i32
    %dma_start3A_239 = arith.constant 0 : i32
    %dma_start3A_240 = tpu.memref_slice %arg3[%select_n3A, %dma_start3A_238, %add3A_230, %dma_start3A_239] : memref<8x1x512x512xf32, #tpu.memory_space<hbm>> -> memref<1x1x32x512xf32, #tpu.memory_space<hbm>>
    %dma_start3A_241 = tpu.memref_squeeze %dma_start3A_240 : memref<1x1x32x512xf32, #tpu.memory_space<hbm>> -> memref<32x512xf32, #tpu.memory_space<hbm>>
    %dma_start3A_242 = arith.constant 0 : i32
    %dma_start3A_243 = tpu.memref_slice %arg3[%select_n3A, %dma_start3A_238, %add3A_230, %dma_start3A_242] : memref<8x1x512x512xf32, #tpu.memory_space<hbm>> -> memref<1x1x32x512xf32, #tpu.memory_space<hbm>>
    %dma_start3A_244 = tpu.memref_squeeze %dma_start3A_243 : memref<1x1x32x512xf32, #tpu.memory_space<hbm>> -> memref<32x512xf32, #tpu.memory_space<hbm>>
    tpu.enqueue_dma source(%dma_start3A_244 : memref<32x512xf32, #tpu.memory_space<hbm>>) target(%arg8 : memref<32x512xf32, #tpu.memory_space<vmem>>) target_semaphore(%arg19 : memref<!tpu.dma_semaphore, #tpu.memory_space<semaphore_mem>>)
    %dma_start3A_245 = arith.constant 0 : i32
    %dma_start3A_246 = tpu.memref_slice %arg4[%select_n3A, %add3A_230, %dma_start3A_245] : memref<8x512x512xi32, #tpu.memory_space<hbm>> -> memref<1x32x512xi32, #tpu.memory_space<hbm>>
    %dma_start3A_247 = tpu.memref_squeeze %dma_start3A_246 : memref<1x32x512xi32, #tpu.memory_space<hbm>> -> memref<32x512xi32, #tpu.memory_space<hbm>>
    %dma_start3A_248 = arith.constant 0 : i32
    %dma_start3A_249 = tpu.memref_slice %arg4[%select_n3A, %add3A_230, %dma_start3A_248] : memref<8x512x512xi32, #tpu.memory_space<hbm>> -> memref<1x32x512xi32, #tpu.memory_space<hbm>>
    %dma_start3A_250 = tpu.memref_squeeze %dma_start3A_249 : memref<1x32x512xi32, #tpu.memory_space<hbm>> -> memref<32x512xi32, #tpu.memory_space<hbm>>
    tpu.enqueue_dma source(%dma_start3A_250 : memref<32x512xi32, #tpu.memory_space<hbm>>) target(%arg9 : memref<32x512xi32, #tpu.memory_space<vmem>>) target_semaphore(%arg19 : memref<!tpu.dma_semaphore, #tpu.memory_space<semaphore_mem>>)
    %dma_wait3A_251 = arith.constant 0 : i32
    %dma_wait3A_252 = arith.constant 0 : i32
    %dma_wait3A_253 = tpu.memref_slice %arg2[%select_n3A, %dma_wait3A_251, %add3A_183, %dma_wait3A_252] : memref<8x1x512x512xf32, #tpu.memory_space<hbm>> -> memref<1x1x32x512xf32, #tpu.memory_space<hbm>>
    %dma_wait3A_254 = tpu.memref_squeeze %dma_wait3A_253 : memref<1x1x32x512xf32, #tpu.memory_space<hbm>> -> memref<32x512xf32, #tpu.memory_space<hbm>>
    %dma_wait3A_255 = arith.constant 0 : i32
    %dma_wait3A_256 = tpu.memref_slice %arg2[%select_n3A, %dma_wait3A_251, %add3A_183, %dma_wait3A_255] : memref<8x1x512x512xf32, #tpu.memory_space<hbm>> -> memref<1x1x32x512xf32, #tpu.memory_space<hbm>>
    %dma_wait3A_257 = tpu.memref_squeeze %dma_wait3A_256 : memref<1x1x32x512xf32, #tpu.memory_space<hbm>> -> memref<32x512xf32, #tpu.memory_space<hbm>>
    tpu.wait_dma2 semaphore(%arg20 : memref<!tpu.dma_semaphore, #tpu.memory_space<semaphore_mem>>) src(%dma_wait3A_257 : memref<32x512xf32, #tpu.memory_space<hbm>>) dst(%arg10 : memref<32x512xf32, #tpu.memory_space<vmem>>)
    %dma_wait3A_258 = arith.constant 0 : i32
    %dma_wait3A_259 = arith.constant 0 : i32
    %dma_wait3A_260 = tpu.memref_slice %arg3[%select_n3A, %dma_wait3A_258, %add3A_183, %dma_wait3A_259] : memref<8x1x512x512xf32, #tpu.memory_space<hbm>> -> memref<1x1x32x512xf32, #tpu.memory_space<hbm>>
    %dma_wait3A_261 = tpu.memref_squeeze %dma_wait3A_260 : memref<1x1x32x512xf32, #tpu.memory_space<hbm>> -> memref<32x512xf32, #tpu.memory_space<hbm>>
    %dma_wait3A_262 = arith.constant 0 : i32
    %dma_wait3A_263 = tpu.memref_slice %arg3[%select_n3A, %dma_wait3A_258, %add3A_183, %dma_wait3A_262] : memref<8x1x512x512xf32, #tpu.memory_space<hbm>> -> memref<1x1x32x512xf32, #tpu.memory_space<hbm>>
    %dma_wait3A_264 = tpu.memref_squeeze %dma_wait3A_263 : memref<1x1x32x512xf32, #tpu.memory_space<hbm>> -> memref<32x512xf32, #tpu.memory_space<hbm>>
    tpu.wait_dma2 semaphore(%arg20 : memref<!tpu.dma_semaphore, #tpu.memory_space<semaphore_mem>>) src(%dma_wait3A_264 : memref<32x512xf32, #tpu.memory_space<hbm>>) dst(%arg11 : memref<32x512xf32, #tpu.memory_space<vmem>>)
    %dma_wait3A_265 = arith.constant 0 : i32
    %dma_wait3A_266 = tpu.memref_slice %arg4[%select_n3A, %add3A_183, %dma_wait3A_265] : memref<8x512x512xi32, #tpu.memory_space<hbm>> -> memref<1x32x512xi32, #tpu.memory_space<hbm>>
    %dma_wait3A_267 = tpu.memref_squeeze %dma_wait3A_266 : memref<1x32x512xi32, #tpu.memory_space<hbm>> -> memref<32x512xi32, #tpu.memory_space<hbm>>
    %dma_wait3A_268 = arith.constant 0 : i32
    %dma_wait3A_269 = tpu.memref_slice %arg4[%select_n3A, %add3A_183, %dma_wait3A_268] : memref<8x512x512xi32, #tpu.memory_space<hbm>> -> memref<1x32x512xi32, #tpu.memory_space<hbm>>
    %dma_wait3A_270 = tpu.memref_squeeze %dma_wait3A_269 : memref<1x32x512xi32, #tpu.memory_space<hbm>> -> memref<32x512xi32, #tpu.memory_space<hbm>>
    tpu.wait_dma2 semaphore(%arg20 : memref<!tpu.dma_semaphore, #tpu.memory_space<semaphore_mem>>) src(%dma_wait3A_270 : memref<32x512xi32, #tpu.memory_space<hbm>>) dst(%arg12 : memref<32x512xi32, #tpu.memory_space<vmem>>)
    %scan3A_271 = arith.constant 0 : i32
    %scan3A_272 = arith.constant 0 : i32
    %scan3A_273 = arith.constant 256 : i32
    %scan3A_274 = arith.addi %scan3A_272, %scan3A_273 : i32
    %scan3A_275 = arith.constant 1 : i32
    %scan3A_276 = scf.for %scan3A_1057 = %scan3A_272 to %scan3A_274 step %scan3A_275 iter_args(%scan3A_1058 = %scan3A_271) -> (i32)  : i32 {
      %mul3A_1059 = arith.constant 64 : i32
      %mul3A_1060 = arith.muli %scan3A_1057, %mul3A_1059 : i32
      %jit3A_1061 = arith.constant 512 : i32
      %div3A_1062 = arith.divsi %mul3A_1060, %jit3A_1061 : i32
      %sign3A_1063 = arith.constant 0 : i32
      %sign3A_1064 = arith.cmpi sgt, %mul3A_1060, %sign3A_1063 : i32
      %sign3A_1065 = arith.extui %sign3A_1064 : i1 to i32
      %sign3A_1066 = arith.constant 0 : i32
      %sign3A_1067 = arith.cmpi slt, %mul3A_1060, %sign3A_1066 : i32
      %sign3A_1068 = arith.extui %sign3A_1067 : i1 to i32
      %sign3A_1069 = arith.subi %sign3A_1065, %sign3A_1068 : i32
      %sign3A_1070 = arith.constant 0 : i32
      %sign3A_1071 = arith.cmpi sgt, %jit3A_1061, %sign3A_1070 : i32
      %sign3A_1072 = arith.extui %sign3A_1071 : i1 to i32
      %sign3A_1073 = arith.constant 0 : i32
      %sign3A_1074 = arith.cmpi slt, %jit3A_1061, %sign3A_1073 : i32
      %sign3A_1075 = arith.extui %sign3A_1074 : i1 to i32
      %sign3A_1076 = arith.subi %sign3A_1072, %sign3A_1075 : i32
      %ne3A_1077 = arith.cmpi ne, %sign3A_1069, %sign3A_1076 : i32
      %rem3A_1078 = arith.remsi %mul3A_1060, %jit3A_1061 : i32
      %ne3A_1079 = arith.constant 0 : i32
      %ne3A_1080 = arith.cmpi ne, %rem3A_1078, %ne3A_1079 : i32
      %and3A_1081 = arith.andi %ne3A_1077, %ne3A_1080 : i1
      %sub3A_1082 = arith.constant 1 : i32
      %sub3A_1083 = arith.subi %div3A_1062, %sub3A_1082 : i32
      %select_n3A_1084 = arith.select %and3A_1081, %sub3A_1083, %div3A_1062 : i32
      %jit3A_1085 = arith.constant 512 : i32
      %eq3A_1086 = arith.constant 0 : i32
      %eq3A_1087 = arith.cmpi eq, %jit3A_1085, %eq3A_1086 : i32
      %jit3A_1088 = arith.constant 1 : i32
      %select_n3A_1089 = arith.select %eq3A_1087, %jit3A_1088, %jit3A_1085 : i32
      %rem3A_1090 = arith.remsi %mul3A_1060, %select_n3A_1089 : i32
      %ne3A_1091 = arith.constant 0 : i32
      %ne3A_1092 = arith.cmpi ne, %rem3A_1090, %ne3A_1091 : i32
      %lt3A_1093 = arith.constant 0 : i32
      %lt3A_1094 = arith.cmpi slt, %rem3A_1090, %lt3A_1093 : i32
      %lt3A_1095 = arith.constant 0 : i32
      %lt3A_1096 = arith.cmpi slt, %select_n3A_1089, %lt3A_1095 : i32
      %ne3A_1097 = arith.xori %lt3A_1094, %lt3A_1096 : i1
      %and3A_1098 = arith.andi %ne3A_1097, %ne3A_1092 : i1
      %add3A_1099 = arith.addi %rem3A_1090, %select_n3A_1089 : i32
      %select_n3A_1100 = arith.select %and3A_1098, %add3A_1099, %rem3A_1090 : i32
      %add3A_1101 = arith.constant 0 : i32
      %add3A_1102 = arith.addi %select_n3A_1100, %add3A_1101 : i32
      %get3A_1103 = arith.index_cast %select_n3A_1084 : i32 to index
      %get3A_1104 = arith.index_cast %add3A_1102 : i32 to index
      %get3A_1105 = tpu.vector_load %arg10[%get3A_1103, %get3A_1104] {strides = array<i32>} : memref<32x512xf32, #tpu.memory_space<vmem>>, vector<16xf32>,
      %add3A_1106 = arith.constant 0.00999999977 : f32
      %add3A_1107 = vector.broadcast %add3A_1106 : f32 to vector<16xf32>
      %add3A_1108 = arith.addf %get3A_1105, %add3A_1107 : vector<16xf32>
      %get3A_1109 = arith.index_cast %select_n3A_1084 : i32 to index
      %get3A_1110 = arith.index_cast %add3A_1102 : i32 to index
      %get3A_1111 = tpu.vector_load %arg11[%get3A_1109, %get3A_1110] {strides = array<i32>} : memref<32x512xf32, #tpu.memory_space<vmem>>, vector<16xf32>,
      %add3A_1112 = arith.constant 0.00999999977 : f32
      %add3A_1113 = vector.broadcast %add3A_1112 : f32 to vector<16xf32>
      %add3A_1114 = arith.addf %get3A_1111, %add3A_1113 : vector<16xf32>
      %mul3A_1115 = arith.mulf %add3A_1108, %add3A_1114 : vector<16xf32>
      %get3A_1116 = arith.index_cast %select_n3A_1084 : i32 to index
      %get3A_1117 = arith.index_cast %add3A_1102 : i32 to index
      %get3A_1118 = tpu.vector_load %arg12[%get3A_1116, %get3A_1117] {strides = array<i32>} : memref<32x512xi32, #tpu.memory_space<vmem>>, vector<16xi32>,
      %mul3A_1119 = arith.constant 16 : i32
      %mul3A_1120 = vector.broadcast %mul3A_1119 : i32 to vector<16xi32>
      %mul3A_1121 = arith.muli %get3A_1118, %mul3A_1120 : vector<16xi32>
      %add3A_1122 = arith.addi %mul3A_1121, %iota3A : vector<16xi32>
      tpu.vector_store_idx %arg13[%add3A_1122], %mul3A_1115 {add = true} : memref<1024xf32, #tpu.memory_space<vmem>>[vector<16xi32>], vector<16xf32>,
      %add3A_1123 = arith.constant 16 : i32
      %add3A_1124 = arith.addi %select_n3A_1100, %add3A_1123 : i32
      %get3A_1125 = arith.index_cast %select_n3A_1084 : i32 to index
      %get3A_1126 = arith.index_cast %add3A_1124 : i32 to index
      %get3A_1127 = tpu.vector_load %arg10[%get3A_1125, %get3A_1126] {strides = array<i32>} : memref<32x512xf32, #tpu.memory_space<vmem>>, vector<16xf32>,
      %add3A_1128 = arith.constant 0.00999999977 : f32
      %add3A_1129 = vector.broadcast %add3A_1128 : f32 to vector<16xf32>
      %add3A_1130 = arith.addf %get3A_1127, %add3A_1129 : vector<16xf32>
      %get3A_1131 = arith.index_cast %select_n3A_1084 : i32 to index
      %get3A_1132 = arith.index_cast %add3A_1124 : i32 to index
      %get3A_1133 = tpu.vector_load %arg11[%get3A_1131, %get3A_1132] {strides = array<i32>} : memref<32x512xf32, #tpu.memory_space<vmem>>, vector<16xf32>,
      %add3A_1134 = arith.constant 0.00999999977 : f32
      %add3A_1135 = vector.broadcast %add3A_1134 : f32 to vector<16xf32>
      %add3A_1136 = arith.addf %get3A_1133, %add3A_1135 : vector<16xf32>
      %mul3A_1137 = arith.mulf %add3A_1130, %add3A_1136 : vector<16xf32>
      %get3A_1138 = arith.index_cast %select_n3A_1084 : i32 to index
      %get3A_1139 = arith.index_cast %add3A_1124 : i32 to index
      %get3A_1140 = tpu.vector_load %arg12[%get3A_1138, %get3A_1139] {strides = array<i32>} : memref<32x512xi32, #tpu.memory_space<vmem>>, vector<16xi32>,
      %mul3A_1141 = arith.constant 16 : i32
      %mul3A_1142 = vector.broadcast %mul3A_1141 : i32 to vector<16xi32>
      %mul3A_1143 = arith.muli %get3A_1140, %mul3A_1142 : vector<16xi32>
      %add3A_1144 = arith.addi %mul3A_1143, %iota3A : vector<16xi32>
      tpu.vector_store_idx %arg13[%add3A_1144], %mul3A_1137 {add = true} : memref<1024xf32, #tpu.memory_space<vmem>>[vector<16xi32>], vector<16xf32>,
      %add3A_1145 = arith.constant 32 : i32
      %add3A_1146 = arith.addi %select_n3A_1100, %add3A_1145 : i32
      %get3A_1147 = arith.index_cast %select_n3A_1084 : i32 to index
      %get3A_1148 = arith.index_cast %add3A_1146 : i32 to index
      %get3A_1149 = tpu.vector_load %arg10[%get3A_1147, %get3A_1148] {strides = array<i32>} : memref<32x512xf32, #tpu.memory_space<vmem>>, vector<16xf32>,
      %add3A_1150 = arith.constant 0.00999999977 : f32
      %add3A_1151 = vector.broadcast %add3A_1150 : f32 to vector<16xf32>
      %add3A_1152 = arith.addf %get3A_1149, %add3A_1151 : vector<16xf32>
      %get3A_1153 = arith.index_cast %select_n3A_1084 : i32 to index
      %get3A_1154 = arith.index_cast %add3A_1146 : i32 to index
      %get3A_1155 = tpu.vector_load %arg11[%get3A_1153, %get3A_1154] {strides = array<i32>} : memref<32x512xf32, #tpu.memory_space<vmem>>, vector<16xf32>,
      %add3A_1156 = arith.constant 0.00999999977 : f32
      %add3A_1157 = vector.broadcast %add3A_1156 : f32 to vector<16xf32>
      %add3A_1158 = arith.addf %get3A_1155, %add3A_1157 : vector<16xf32>
      %mul3A_1159 = arith.mulf %add3A_1152, %add3A_1158 : vector<16xf32>
      %get3A_1160 = arith.index_cast %select_n3A_1084 : i32 to index
      %get3A_1161 = arith.index_cast %add3A_1146 : i32 to index
      %get3A_1162 = tpu.vector_load %arg12[%get3A_1160, %get3A_1161] {strides = array<i32>} : memref<32x512xi32, #tpu.memory_space<vmem>>, vector<16xi32>,
      %mul3A_1163 = arith.constant 16 : i32
      %mul3A_1164 = vector.broadcast %mul3A_1163 : i32 to vector<16xi32>
      %mul3A_1165 = arith.muli %get3A_1162, %mul3A_1164 : vector<16xi32>
      %add3A_1166 = arith.addi %mul3A_1165, %iota3A : vector<16xi32>
      tpu.vector_store_idx %arg13[%add3A_1166], %mul3A_1159 {add = true} : memref<1024xf32, #tpu.memory_space<vmem>>[vector<16xi32>], vector<16xf32>,
      %add3A_1167 = arith.constant 48 : i32
      %add3A_1168 = arith.addi %select_n3A_1100, %add3A_1167 : i32
      %get3A_1169 = arith.index_cast %select_n3A_1084 : i32 to index
      %get3A_1170 = arith.index_cast %add3A_1168 : i32 to index
      %get3A_1171 = tpu.vector_load %arg10[%get3A_1169, %get3A_1170] {strides = array<i32>} : memref<32x512xf32, #tpu.memory_space<vmem>>, vector<16xf32>,
      %add3A_1172 = arith.constant 0.00999999977 : f32
      %add3A_1173 = vector.broadcast %add3A_1172 : f32 to vector<16xf32>
      %add3A_1174 = arith.addf %get3A_1171, %add3A_1173 : vector<16xf32>
      %get3A_1175 = arith.index_cast %select_n3A_1084 : i32 to index
      %get3A_1176 = arith.index_cast %add3A_1168 : i32 to index
      %get3A_1177 = tpu.vector_load %arg11[%get3A_1175, %get3A_1176] {strides = array<i32>} : memref<32x512xf32, #tpu.memory_space<vmem>>, vector<16xf32>,
      %add3A_1178 = arith.constant 0.00999999977 : f32
      %add3A_1179 = vector.broadcast %add3A_1178 : f32 to vector<16xf32>
      %add3A_1180 = arith.addf %get3A_1177, %add3A_1179 : vector<16xf32>
      %mul3A_1181 = arith.mulf %add3A_1174, %add3A_1180 : vector<16xf32>
      %get3A_1182 = arith.index_cast %select_n3A_1084 : i32 to index
      %get3A_1183 = arith.index_cast %add3A_1168 : i32 to index
      %get3A_1184 = tpu.vector_load %arg12[%get3A_1182, %get3A_1183] {strides = array<i32>} : memref<32x512xi32, #tpu.memory_space<vmem>>, vector<16xi32>,
      %mul3A_1185 = arith.constant 16 : i32
      %mul3A_1186 = vector.broadcast %mul3A_1185 : i32 to vector<16xi32>
      %mul3A_1187 = arith.muli %get3A_1184, %mul3A_1186 : vector<16xi32>
      %add3A_1188 = arith.addi %mul3A_1187, %iota3A : vector<16xi32>
      tpu.vector_store_idx %arg13[%add3A_1188], %mul3A_1181 {add = true} : memref<1024xf32, #tpu.memory_space<vmem>>[vector<16xi32>], vector<16xf32>,
      %scan3A_1189 = arith.constant 0 : i32
      scf.yield %scan3A_1189 : i32
    }
    %scan3A_277 = arith.constant 256 : i32
    %add3A_278 = arith.constant 96 : i32
    %add3A_279 = arith.addi %mul3A_32, %add3A_278 : i32
    %dma_start3A_280 = arith.constant 0 : i32
    %dma_start3A_281 = arith.constant 0 : i32
    %dma_start3A_282 = tpu.memref_slice %arg2[%select_n3A, %dma_start3A_280, %add3A_279, %dma_start3A_281] : memref<8x1x512x512xf32, #tpu.memory_space<hbm>> -> memref<1x1x32x512xf32, #tpu.memory_space<hbm>>
    %dma_start3A_283 = tpu.memref_squeeze %dma_start3A_282 : memref<1x1x32x512xf32, #tpu.memory_space<hbm>> -> memref<32x512xf32, #tpu.memory_space<hbm>>
    %dma_start3A_284 = arith.constant 0 : i32
    %dma_start3A_285 = tpu.memref_slice %arg2[%select_n3A, %dma_start3A_280, %add3A_279, %dma_start3A_284] : memref<8x1x512x512xf32, #tpu.memory_space<hbm>> -> memref<1x1x32x512xf32, #tpu.memory_space<hbm>>
    %dma_start3A_286 = tpu.memref_squeeze %dma_start3A_285 : memref<1x1x32x512xf32, #tpu.memory_space<hbm>> -> memref<32x512xf32, #tpu.memory_space<hbm>>
    tpu.enqueue_dma source(%dma_start3A_286 : memref<32x512xf32, #tpu.memory_space<hbm>>) target(%arg10 : memref<32x512xf32, #tpu.memory_space<vmem>>) target_semaphore(%arg20 : memref<!tpu.dma_semaphore, #tpu.memory_space<semaphore_mem>>)
    %dma_start3A_287 = arith.constant 0 : i32
    %dma_start3A_288 = arith.constant 0 : i32
    %dma_start3A_289 = tpu.memref_slice %arg3[%select_n3A, %dma_start3A_287, %add3A_279, %dma_start3A_288] : memref<8x1x512x512xf32, #tpu.memory_space<hbm>> -> memref<1x1x32x512xf32, #tpu.memory_space<hbm>>
    %dma_start3A_290 = tpu.memref_squeeze %dma_start3A_289 : memref<1x1x32x512xf32, #tpu.memory_space<hbm>> -> memref<32x512xf32, #tpu.memory_space<hbm>>
    %dma_start3A_291 = arith.constant 0 : i32
    %dma_start3A_292 = tpu.memref_slice %arg3[%select_n3A, %dma_start3A_287, %add3A_279, %dma_start3A_291] : memref<8x1x512x512xf32, #tpu.memory_space<hbm>> -> memref<1x1x32x512xf32, #tpu.memory_space<hbm>>
    %dma_start3A_293 = tpu.memref_squeeze %dma_start3A_292 : memref<1x1x32x512xf32, #tpu.memory_space<hbm>> -> memref<32x512xf32, #tpu.memory_space<hbm>>
    tpu.enqueue_dma source(%dma_start3A_293 : memref<32x512xf32, #tpu.memory_space<hbm>>) target(%arg11 : memref<32x512xf32, #tpu.memory_space<vmem>>) target_semaphore(%arg20 : memref<!tpu.dma_semaphore, #tpu.memory_space<semaphore_mem>>)
    %dma_start3A_294 = arith.constant 0 : i32
    %dma_start3A_295 = tpu.memref_slice %arg4[%select_n3A, %add3A_279, %dma_start3A_294] : memref<8x512x512xi32, #tpu.memory_space<hbm>> -> memref<1x32x512xi32, #tpu.memory_space<hbm>>
    %dma_start3A_296 = tpu.memref_squeeze %dma_start3A_295 : memref<1x32x512xi32, #tpu.memory_space<hbm>> -> memref<32x512xi32, #tpu.memory_space<hbm>>
    %dma_start3A_297 = arith.constant 0 : i32
    %dma_start3A_298 = tpu.memref_slice %arg4[%select_n3A, %add3A_279, %dma_start3A_297] : memref<8x512x512xi32, #tpu.memory_space<hbm>> -> memref<1x32x512xi32, #tpu.memory_space<hbm>>
    %dma_start3A_299 = tpu.memref_squeeze %dma_start3A_298 : memref<1x32x512xi32, #tpu.memory_space<hbm>> -> memref<32x512xi32, #tpu.memory_space<hbm>>
    tpu.enqueue_dma source(%dma_start3A_299 : memref<32x512xi32, #tpu.memory_space<hbm>>) target(%arg12 : memref<32x512xi32, #tpu.memory_space<vmem>>) target_semaphore(%arg20 : memref<!tpu.dma_semaphore, #tpu.memory_space<semaphore_mem>>)
    %dma_wait3A_300 = arith.constant 0 : i32
    %dma_wait3A_301 = arith.constant 0 : i32
    %dma_wait3A_302 = tpu.memref_slice %arg2[%select_n3A, %dma_wait3A_300, %add3A_230, %dma_wait3A_301] : memref<8x1x512x512xf32, #tpu.memory_space<hbm>> -> memref<1x1x32x512xf32, #tpu.memory_space<hbm>>
    %dma_wait3A_303 = tpu.memref_squeeze %dma_wait3A_302 : memref<1x1x32x512xf32, #tpu.memory_space<hbm>> -> memref<32x512xf32, #tpu.memory_space<hbm>>
    %dma_wait3A_304 = arith.constant 0 : i32
    %dma_wait3A_305 = tpu.memref_slice %arg2[%select_n3A, %dma_wait3A_300, %add3A_230, %dma_wait3A_304] : memref<8x1x512x512xf32, #tpu.memory_space<hbm>> -> memref<1x1x32x512xf32, #tpu.memory_space<hbm>>
    %dma_wait3A_306 = tpu.memref_squeeze %dma_wait3A_305 : memref<1x1x32x512xf32, #tpu.memory_space<hbm>> -> memref<32x512xf32, #tpu.memory_space<hbm>>
    tpu.wait_dma2 semaphore(%arg19 : memref<!tpu.dma_semaphore, #tpu.memory_space<semaphore_mem>>) src(%dma_wait3A_306 : memref<32x512xf32, #tpu.memory_space<hbm>>) dst(%arg7 : memref<32x512xf32, #tpu.memory_space<vmem>>)
    %dma_wait3A_307 = arith.constant 0 : i32
    %dma_wait3A_308 = arith.constant 0 : i32
    %dma_wait3A_309 = tpu.memref_slice %arg3[%select_n3A, %dma_wait3A_307, %add3A_230, %dma_wait3A_308] : memref<8x1x512x512xf32, #tpu.memory_space<hbm>> -> memref<1x1x32x512xf32, #tpu.memory_space<hbm>>
    %dma_wait3A_310 = tpu.memref_squeeze %dma_wait3A_309 : memref<1x1x32x512xf32, #tpu.memory_space<hbm>> -> memref<32x512xf32, #tpu.memory_space<hbm>>
    %dma_wait3A_311 = arith.constant 0 : i32
    %dma_wait3A_312 = tpu.memref_slice %arg3[%select_n3A, %dma_wait3A_307, %add3A_230, %dma_wait3A_311] : memref<8x1x512x512xf32, #tpu.memory_space<hbm>> -> memref<1x1x32x512xf32, #tpu.memory_space<hbm>>
    %dma_wait3A_313 = tpu.memref_squeeze %dma_wait3A_312 : memref<1x1x32x512xf32, #tpu.memory_space<hbm>> -> memref<32x512xf32, #tpu.memory_space<hbm>>
    tpu.wait_dma2 semaphore(%arg19 : memref<!tpu.dma_semaphore, #tpu.memory_space<semaphore_mem>>) src(%dma_wait3A_313 : memref<32x512xf32, #tpu.memory_space<hbm>>) dst(%arg8 : memref<32x512xf32, #tpu.memory_space<vmem>>)
    %dma_wait3A_314 = arith.constant 0 : i32
    %dma_wait3A_315 = tpu.memref_slice %arg4[%select_n3A, %add3A_230, %dma_wait3A_314] : memref<8x512x512xi32, #tpu.memory_space<hbm>> -> memref<1x32x512xi32, #tpu.memory_space<hbm>>
    %dma_wait3A_316 = tpu.memref_squeeze %dma_wait3A_315 : memref<1x32x512xi32, #tpu.memory_space<hbm>> -> memref<32x512xi32, #tpu.memory_space<hbm>>
    %dma_wait3A_317 = arith.constant 0 : i32
    %dma_wait3A_318 = tpu.memref_slice %arg4[%select_n3A, %add3A_230, %dma_wait3A_317] : memref<8x512x512xi32, #tpu.memory_space<hbm>> -> memref<1x32x512xi32, #tpu.memory_space<hbm>>
    %dma_wait3A_319 = tpu.memref_squeeze %dma_wait3A_318 : memref<1x32x512xi32, #tpu.memory_space<hbm>> -> memref<32x512xi32, #tpu.memory_space<hbm>>
    tpu.wait_dma2 semaphore(%arg19 : memref<!tpu.dma_semaphore, #tpu.memory_space<semaphore_mem>>) src(%dma_wait3A_319 : memref<32x512xi32, #tpu.memory_space<hbm>>) dst(%arg9 : memref<32x512xi32, #tpu.memory_space<vmem>>)
    %scan3A_320 = arith.constant 0 : i32
    %scan3A_321 = arith.constant 0 : i32
    %scan3A_322 = arith.constant 256 : i32
    %scan3A_323 = arith.addi %scan3A_321, %scan3A_322 : i32
    %scan3A_324 = arith.constant 1 : i32
    %scan3A_325 = scf.for %scan3A_1057 = %scan3A_321 to %scan3A_323 step %scan3A_324 iter_args(%scan3A_1058 = %scan3A_320) -> (i32)  : i32 {
      %mul3A_1059 = arith.constant 64 : i32
      %mul3A_1060 = arith.muli %scan3A_1057, %mul3A_1059 : i32
      %jit3A_1061 = arith.constant 512 : i32
      %div3A_1062 = arith.divsi %mul3A_1060, %jit3A_1061 : i32
      %sign3A_1063 = arith.constant 0 : i32
      %sign3A_1064 = arith.cmpi sgt, %mul3A_1060, %sign3A_1063 : i32
      %sign3A_1065 = arith.extui %sign3A_1064 : i1 to i32
      %sign3A_1066 = arith.constant 0 : i32
      %sign3A_1067 = arith.cmpi slt, %mul3A_1060, %sign3A_1066 : i32
      %sign3A_1068 = arith.extui %sign3A_1067 : i1 to i32
      %sign3A_1069 = arith.subi %sign3A_1065, %sign3A_1068 : i32
      %sign3A_1070 = arith.constant 0 : i32
      %sign3A_1071 = arith.cmpi sgt, %jit3A_1061, %sign3A_1070 : i32
      %sign3A_1072 = arith.extui %sign3A_1071 : i1 to i32
      %sign3A_1073 = arith.constant 0 : i32
      %sign3A_1074 = arith.cmpi slt, %jit3A_1061, %sign3A_1073 : i32
      %sign3A_1075 = arith.extui %sign3A_1074 : i1 to i32
      %sign3A_1076 = arith.subi %sign3A_1072, %sign3A_1075 : i32
      %ne3A_1077 = arith.cmpi ne, %sign3A_1069, %sign3A_1076 : i32
      %rem3A_1078 = arith.remsi %mul3A_1060, %jit3A_1061 : i32
      %ne3A_1079 = arith.constant 0 : i32
      %ne3A_1080 = arith.cmpi ne, %rem3A_1078, %ne3A_1079 : i32
      %and3A_1081 = arith.andi %ne3A_1077, %ne3A_1080 : i1
      %sub3A_1082 = arith.constant 1 : i32
      %sub3A_1083 = arith.subi %div3A_1062, %sub3A_1082 : i32
      %select_n3A_1084 = arith.select %and3A_1081, %sub3A_1083, %div3A_1062 : i32
      %jit3A_1085 = arith.constant 512 : i32
      %eq3A_1086 = arith.constant 0 : i32
      %eq3A_1087 = arith.cmpi eq, %jit3A_1085, %eq3A_1086 : i32
      %jit3A_1088 = arith.constant 1 : i32
      %select_n3A_1089 = arith.select %eq3A_1087, %jit3A_1088, %jit3A_1085 : i32
      %rem3A_1090 = arith.remsi %mul3A_1060, %select_n3A_1089 : i32
      %ne3A_1091 = arith.constant 0 : i32
      %ne3A_1092 = arith.cmpi ne, %rem3A_1090, %ne3A_1091 : i32
      %lt3A_1093 = arith.constant 0 : i32
      %lt3A_1094 = arith.cmpi slt, %rem3A_1090, %lt3A_1093 : i32
      %lt3A_1095 = arith.constant 0 : i32
      %lt3A_1096 = arith.cmpi slt, %select_n3A_1089, %lt3A_1095 : i32
      %ne3A_1097 = arith.xori %lt3A_1094, %lt3A_1096 : i1
      %and3A_1098 = arith.andi %ne3A_1097, %ne3A_1092 : i1
      %add3A_1099 = arith.addi %rem3A_1090, %select_n3A_1089 : i32
      %select_n3A_1100 = arith.select %and3A_1098, %add3A_1099, %rem3A_1090 : i32
      %add3A_1101 = arith.constant 0 : i32
      %add3A_1102 = arith.addi %select_n3A_1100, %add3A_1101 : i32
      %get3A_1103 = arith.index_cast %select_n3A_1084 : i32 to index
      %get3A_1104 = arith.index_cast %add3A_1102 : i32 to index
      %get3A_1105 = tpu.vector_load %arg7[%get3A_1103, %get3A_1104] {strides = array<i32>} : memref<32x512xf32, #tpu.memory_space<vmem>>, vector<16xf32>,
      %add3A_1106 = arith.constant 0.00999999977 : f32
      %add3A_1107 = vector.broadcast %add3A_1106 : f32 to vector<16xf32>
      %add3A_1108 = arith.addf %get3A_1105, %add3A_1107 : vector<16xf32>
      %get3A_1109 = arith.index_cast %select_n3A_1084 : i32 to index
      %get3A_1110 = arith.index_cast %add3A_1102 : i32 to index
      %get3A_1111 = tpu.vector_load %arg8[%get3A_1109, %get3A_1110] {strides = array<i32>} : memref<32x512xf32, #tpu.memory_space<vmem>>, vector<16xf32>,
      %add3A_1112 = arith.constant 0.00999999977 : f32
      %add3A_1113 = vector.broadcast %add3A_1112 : f32 to vector<16xf32>
      %add3A_1114 = arith.addf %get3A_1111, %add3A_1113 : vector<16xf32>
      %mul3A_1115 = arith.mulf %add3A_1108, %add3A_1114 : vector<16xf32>
      %get3A_1116 = arith.index_cast %select_n3A_1084 : i32 to index
      %get3A_1117 = arith.index_cast %add3A_1102 : i32 to index
      %get3A_1118 = tpu.vector_load %arg9[%get3A_1116, %get3A_1117] {strides = array<i32>} : memref<32x512xi32, #tpu.memory_space<vmem>>, vector<16xi32>,
      %mul3A_1119 = arith.constant 16 : i32
      %mul3A_1120 = vector.broadcast %mul3A_1119 : i32 to vector<16xi32>
      %mul3A_1121 = arith.muli %get3A_1118, %mul3A_1120 : vector<16xi32>
      %add3A_1122 = arith.addi %mul3A_1121, %iota3A : vector<16xi32>
      tpu.vector_store_idx %arg13[%add3A_1122], %mul3A_1115 {add = true} : memref<1024xf32, #tpu.memory_space<vmem>>[vector<16xi32>], vector<16xf32>,
      %add3A_1123 = arith.constant 16 : i32
      %add3A_1124 = arith.addi %select_n3A_1100, %add3A_1123 : i32
      %get3A_1125 = arith.index_cast %select_n3A_1084 : i32 to index
      %get3A_1126 = arith.index_cast %add3A_1124 : i32 to index
      %get3A_1127 = tpu.vector_load %arg7[%get3A_1125, %get3A_1126] {strides = array<i32>} : memref<32x512xf32, #tpu.memory_space<vmem>>, vector<16xf32>,
      %add3A_1128 = arith.constant 0.00999999977 : f32
      %add3A_1129 = vector.broadcast %add3A_1128 : f32 to vector<16xf32>
      %add3A_1130 = arith.addf %get3A_1127, %add3A_1129 : vector<16xf32>
      %get3A_1131 = arith.index_cast %select_n3A_1084 : i32 to index
      %get3A_1132 = arith.index_cast %add3A_1124 : i32 to index
      %get3A_1133 = tpu.vector_load %arg8[%get3A_1131, %get3A_1132] {strides = array<i32>} : memref<32x512xf32, #tpu.memory_space<vmem>>, vector<16xf32>,
      %add3A_1134 = arith.constant 0.00999999977 : f32
      %add3A_1135 = vector.broadcast %add3A_1134 : f32 to vector<16xf32>
      %add3A_1136 = arith.addf %get3A_1133, %add3A_1135 : vector<16xf32>
      %mul3A_1137 = arith.mulf %add3A_1130, %add3A_1136 : vector<16xf32>
      %get3A_1138 = arith.index_cast %select_n3A_1084 : i32 to index
      %get3A_1139 = arith.index_cast %add3A_1124 : i32 to index
      %get3A_1140 = tpu.vector_load %arg9[%get3A_1138, %get3A_1139] {strides = array<i32>} : memref<32x512xi32, #tpu.memory_space<vmem>>, vector<16xi32>,
      %mul3A_1141 = arith.constant 16 : i32
      %mul3A_1142 = vector.broadcast %mul3A_1141 : i32 to vector<16xi32>
      %mul3A_1143 = arith.muli %get3A_1140, %mul3A_1142 : vector<16xi32>
      %add3A_1144 = arith.addi %mul3A_1143, %iota3A : vector<16xi32>
      tpu.vector_store_idx %arg13[%add3A_1144], %mul3A_1137 {add = true} : memref<1024xf32, #tpu.memory_space<vmem>>[vector<16xi32>], vector<16xf32>,
      %add3A_1145 = arith.constant 32 : i32
      %add3A_1146 = arith.addi %select_n3A_1100, %add3A_1145 : i32
      %get3A_1147 = arith.index_cast %select_n3A_1084 : i32 to index
      %get3A_1148 = arith.index_cast %add3A_1146 : i32 to index
      %get3A_1149 = tpu.vector_load %arg7[%get3A_1147, %get3A_1148] {strides = array<i32>} : memref<32x512xf32, #tpu.memory_space<vmem>>, vector<16xf32>,
      %add3A_1150 = arith.constant 0.00999999977 : f32
      %add3A_1151 = vector.broadcast %add3A_1150 : f32 to vector<16xf32>
      %add3A_1152 = arith.addf %get3A_1149, %add3A_1151 : vector<16xf32>
      %get3A_1153 = arith.index_cast %select_n3A_1084 : i32 to index
      %get3A_1154 = arith.index_cast %add3A_1146 : i32 to index
      %get3A_1155 = tpu.vector_load %arg8[%get3A_1153, %get3A_1154] {strides = array<i32>} : memref<32x512xf32, #tpu.memory_space<vmem>>, vector<16xf32>,
      %add3A_1156 = arith.constant 0.00999999977 : f32
      %add3A_1157 = vector.broadcast %add3A_1156 : f32 to vector<16xf32>
      %add3A_1158 = arith.addf %get3A_1155, %add3A_1157 : vector<16xf32>
      %mul3A_1159 = arith.mulf %add3A_1152, %add3A_1158 : vector<16xf32>
      %get3A_1160 = arith.index_cast %select_n3A_1084 : i32 to index
      %get3A_1161 = arith.index_cast %add3A_1146 : i32 to index
      %get3A_1162 = tpu.vector_load %arg9[%get3A_1160, %get3A_1161] {strides = array<i32>} : memref<32x512xi32, #tpu.memory_space<vmem>>, vector<16xi32>,
      %mul3A_1163 = arith.constant 16 : i32
      %mul3A_1164 = vector.broadcast %mul3A_1163 : i32 to vector<16xi32>
      %mul3A_1165 = arith.muli %get3A_1162, %mul3A_1164 : vector<16xi32>
      %add3A_1166 = arith.addi %mul3A_1165, %iota3A : vector<16xi32>
      tpu.vector_store_idx %arg13[%add3A_1166], %mul3A_1159 {add = true} : memref<1024xf32, #tpu.memory_space<vmem>>[vector<16xi32>], vector<16xf32>,
      %add3A_1167 = arith.constant 48 : i32
      %add3A_1168 = arith.addi %select_n3A_1100, %add3A_1167 : i32
      %get3A_1169 = arith.index_cast %select_n3A_1084 : i32 to index
      %get3A_1170 = arith.index_cast %add3A_1168 : i32 to index
      %get3A_1171 = tpu.vector_load %arg7[%get3A_1169, %get3A_1170] {strides = array<i32>} : memref<32x512xf32, #tpu.memory_space<vmem>>, vector<16xf32>,
      %add3A_1172 = arith.constant 0.00999999977 : f32
      %add3A_1173 = vector.broadcast %add3A_1172 : f32 to vector<16xf32>
      %add3A_1174 = arith.addf %get3A_1171, %add3A_1173 : vector<16xf32>
      %get3A_1175 = arith.index_cast %select_n3A_1084 : i32 to index
      %get3A_1176 = arith.index_cast %add3A_1168 : i32 to index
      %get3A_1177 = tpu.vector_load %arg8[%get3A_1175, %get3A_1176] {strides = array<i32>} : memref<32x512xf32, #tpu.memory_space<vmem>>, vector<16xf32>,
      %add3A_1178 = arith.constant 0.00999999977 : f32
      %add3A_1179 = vector.broadcast %add3A_1178 : f32 to vector<16xf32>
      %add3A_1180 = arith.addf %get3A_1177, %add3A_1179 : vector<16xf32>
      %mul3A_1181 = arith.mulf %add3A_1174, %add3A_1180 : vector<16xf32>
      %get3A_1182 = arith.index_cast %select_n3A_1084 : i32 to index
      %get3A_1183 = arith.index_cast %add3A_1168 : i32 to index
      %get3A_1184 = tpu.vector_load %arg9[%get3A_1182, %get3A_1183] {strides = array<i32>} : memref<32x512xi32, #tpu.memory_space<vmem>>, vector<16xi32>,
      %mul3A_1185 = arith.constant 16 : i32
      %mul3A_1186 = vector.broadcast %mul3A_1185 : i32 to vector<16xi32>
      %mul3A_1187 = arith.muli %get3A_1184, %mul3A_1186 : vector<16xi32>
      %add3A_1188 = arith.addi %mul3A_1187, %iota3A : vector<16xi32>
      tpu.vector_store_idx %arg13[%add3A_1188], %mul3A_1181 {add = true} : memref<1024xf32, #tpu.memory_space<vmem>>[vector<16xi32>], vector<16xf32>,
      %scan3A_1189 = arith.constant 0 : i32
      scf.yield %scan3A_1189 : i32
    }
    %scan3A_326 = arith.constant 256 : i32
    %dma_wait3A_327 = arith.constant 0 : i32
    %dma_wait3A_328 = arith.constant 0 : i32
    %dma_wait3A_329 = tpu.memref_slice %arg2[%select_n3A, %dma_wait3A_327, %add3A_279, %dma_wait3A_328] : memref<8x1x512x512xf32, #tpu.memory_space<hbm>> -> memref<1x1x32x512xf32, #tpu.memory_space<hbm>>
    %dma_wait3A_330 = tpu.memref_squeeze %dma_wait3A_329 : memref<1x1x32x512xf32, #tpu.memory_space<hbm>> -> memref<32x512xf32, #tpu.memory_space<hbm>>
    %dma_wait3A_331 = arith.constant 0 : i32
    %dma_wait3A_332 = tpu.memref_slice %arg2[%select_n3A, %dma_wait3A_327, %add3A_279, %dma_wait3A_331] : memref<8x1x512x512xf32, #tpu.memory_space<hbm>> -> memref<1x1x32x512xf32, #tpu.memory_space<hbm>>
    %dma_wait3A_333 = tpu.memref_squeeze %dma_wait3A_332 : memref<1x1x32x512xf32, #tpu.memory_space<hbm>> -> memref<32x512xf32, #tpu.memory_space<hbm>>
    tpu.wait_dma2 semaphore(%arg20 : memref<!tpu.dma_semaphore, #tpu.memory_space<semaphore_mem>>) src(%dma_wait3A_333 : memref<32x512xf32, #tpu.memory_space<hbm>>) dst(%arg10 : memref<32x512xf32, #tpu.memory_space<vmem>>)
    %dma_wait3A_334 = arith.constant 0 : i32
    %dma_wait3A_335 = arith.constant 0 : i32
    %dma_wait3A_336 = tpu.memref_slice %arg3[%select_n3A, %dma_wait3A_334, %add3A_279, %dma_wait3A_335] : memref<8x1x512x512xf32, #tpu.memory_space<hbm>> -> memref<1x1x32x512xf32, #tpu.memory_space<hbm>>
    %dma_wait3A_337 = tpu.memref_squeeze %dma_wait3A_336 : memref<1x1x32x512xf32, #tpu.memory_space<hbm>> -> memref<32x512xf32, #tpu.memory_space<hbm>>
    %dma_wait3A_338 = arith.constant 0 : i32
    %dma_wait3A_339 = tpu.memref_slice %arg3[%select_n3A, %dma_wait3A_334, %add3A_279, %dma_wait3A_338] : memref<8x1x512x512xf32, #tpu.memory_space<hbm>> -> memref<1x1x32x512xf32, #tpu.memory_space<hbm>>
    %dma_wait3A_340 = tpu.memref_squeeze %dma_wait3A_339 : memref<1x1x32x512xf32, #tpu.memory_space<hbm>> -> memref<32x512xf32, #tpu.memory_space<hbm>>
    tpu.wait_dma2 semaphore(%arg20 : memref<!tpu.dma_semaphore, #tpu.memory_space<semaphore_mem>>) src(%dma_wait3A_340 : memref<32x512xf32, #tpu.memory_space<hbm>>) dst(%arg11 : memref<32x512xf32, #tpu.memory_space<vmem>>)
    %dma_wait3A_341 = arith.constant 0 : i32
    %dma_wait3A_342 = tpu.memref_slice %arg4[%select_n3A, %add3A_279, %dma_wait3A_341] : memref<8x512x512xi32, #tpu.memory_space<hbm>> -> memref<1x32x512xi32, #tpu.memory_space<hbm>>
    %dma_wait3A_343 = tpu.memref_squeeze %dma_wait3A_342 : memref<1x32x512xi32, #tpu.memory_space<hbm>> -> memref<32x512xi32, #tpu.memory_space<hbm>>
    %dma_wait3A_344 = arith.constant 0 : i32
    %dma_wait3A_345 = tpu.memref_slice %arg4[%select_n3A, %add3A_279, %dma_wait3A_344] : memref<8x512x512xi32, #tpu.memory_space<hbm>> -> memref<1x32x512xi32, #tpu.memory_space<hbm>>
    %dma_wait3A_346 = tpu.memref_squeeze %dma_wait3A_345 : memref<1x32x512xi32, #tpu.memory_space<hbm>> -> memref<32x512xi32, #tpu.memory_space<hbm>>
    tpu.wait_dma2 semaphore(%arg20 : memref<!tpu.dma_semaphore, #tpu.memory_space<semaphore_mem>>) src(%dma_wait3A_346 : memref<32x512xi32, #tpu.memory_space<hbm>>) dst(%arg12 : memref<32x512xi32, #tpu.memory_space<vmem>>)
    %scan3A_347 = arith.constant 0 : i32
    %scan3A_348 = arith.constant 0 : i32
    %scan3A_349 = arith.constant 256 : i32
    %scan3A_350 = arith.addi %scan3A_348, %scan3A_349 : i32
    %scan3A_351 = arith.constant 1 : i32
    %scan3A_352 = scf.for %scan3A_1057 = %scan3A_348 to %scan3A_350 step %scan3A_351 iter_args(%scan3A_1058 = %scan3A_347) -> (i32)  : i32 {
      %mul3A_1059 = arith.constant 64 : i32
      %mul3A_1060 = arith.muli %scan3A_1057, %mul3A_1059 : i32
      %jit3A_1061 = arith.constant 512 : i32
      %div3A_1062 = arith.divsi %mul3A_1060, %jit3A_1061 : i32
      %sign3A_1063 = arith.constant 0 : i32
      %sign3A_1064 = arith.cmpi sgt, %mul3A_1060, %sign3A_1063 : i32
      %sign3A_1065 = arith.extui %sign3A_1064 : i1 to i32
      %sign3A_1066 = arith.constant 0 : i32
      %sign3A_1067 = arith.cmpi slt, %mul3A_1060, %sign3A_1066 : i32
      %sign3A_1068 = arith.extui %sign3A_1067 : i1 to i32
      %sign3A_1069 = arith.subi %sign3A_1065, %sign3A_1068 : i32
      %sign3A_1070 = arith.constant 0 : i32
      %sign3A_1071 = arith.cmpi sgt, %jit3A_1061, %sign3A_1070 : i32
      %sign3A_1072 = arith.extui %sign3A_1071 : i1 to i32
      %sign3A_1073 = arith.constant 0 : i32
      %sign3A_1074 = arith.cmpi slt, %jit3A_1061, %sign3A_1073 : i32
      %sign3A_1075 = arith.extui %sign3A_1074 : i1 to i32
      %sign3A_1076 = arith.subi %sign3A_1072, %sign3A_1075 : i32
      %ne3A_1077 = arith.cmpi ne, %sign3A_1069, %sign3A_1076 : i32
      %rem3A_1078 = arith.remsi %mul3A_1060, %jit3A_1061 : i32
      %ne3A_1079 = arith.constant 0 : i32
      %ne3A_1080 = arith.cmpi ne, %rem3A_1078, %ne3A_1079 : i32
      %and3A_1081 = arith.andi %ne3A_1077, %ne3A_1080 : i1
      %sub3A_1082 = arith.constant 1 : i32
      %sub3A_1083 = arith.subi %div3A_1062, %sub3A_1082 : i32
      %select_n3A_1084 = arith.select %and3A_1081, %sub3A_1083, %div3A_1062 : i32
      %jit3A_1085 = arith.constant 512 : i32
      %eq3A_1086 = arith.constant 0 : i32
      %eq3A_1087 = arith.cmpi eq, %jit3A_1085, %eq3A_1086 : i32
      %jit3A_1088 = arith.constant 1 : i32
      %select_n3A_1089 = arith.select %eq3A_1087, %jit3A_1088, %jit3A_1085 : i32
      %rem3A_1090 = arith.remsi %mul3A_1060, %select_n3A_1089 : i32
      %ne3A_1091 = arith.constant 0 : i32
      %ne3A_1092 = arith.cmpi ne, %rem3A_1090, %ne3A_1091 : i32
      %lt3A_1093 = arith.constant 0 : i32
      %lt3A_1094 = arith.cmpi slt, %rem3A_1090, %lt3A_1093 : i32
      %lt3A_1095 = arith.constant 0 : i32
      %lt3A_1096 = arith.cmpi slt, %select_n3A_1089, %lt3A_1095 : i32
      %ne3A_1097 = arith.xori %lt3A_1094, %lt3A_1096 : i1
      %and3A_1098 = arith.andi %ne3A_1097, %ne3A_1092 : i1
      %add3A_1099 = arith.addi %rem3A_1090, %select_n3A_1089 : i32
      %select_n3A_1100 = arith.select %and3A_1098, %add3A_1099, %rem3A_1090 : i32
      %add3A_1101 = arith.constant 0 : i32
      %add3A_1102 = arith.addi %select_n3A_1100, %add3A_1101 : i32
      %get3A_1103 = arith.index_cast %select_n3A_1084 : i32 to index
      %get3A_1104 = arith.index_cast %add3A_1102 : i32 to index
      %get3A_1105 = tpu.vector_load %arg10[%get3A_1103, %get3A_1104] {strides = array<i32>} : memref<32x512xf32, #tpu.memory_space<vmem>>, vector<16xf32>,
      %add3A_1106 = arith.constant 0.00999999977 : f32
      %add3A_1107 = vector.broadcast %add3A_1106 : f32 to vector<16xf32>
      %add3A_1108 = arith.addf %get3A_1105, %add3A_1107 : vector<16xf32>
      %get3A_1109 = arith.index_cast %select_n3A_1084 : i32 to index
      %get3A_1110 = arith.index_cast %add3A_1102 : i32 to index
      %get3A_1111 = tpu.vector_load %arg11[%get3A_1109, %get3A_1110] {strides = array<i32>} : memref<32x512xf32, #tpu.memory_space<vmem>>, vector<16xf32>,
      %add3A_1112 = arith.constant 0.00999999977 : f32
      %add3A_1113 = vector.broadcast %add3A_1112 : f32 to vector<16xf32>
      %add3A_1114 = arith.addf %get3A_1111, %add3A_1113 : vector<16xf32>
      %mul3A_1115 = arith.mulf %add3A_1108, %add3A_1114 : vector<16xf32>
      %get3A_1116 = arith.index_cast %select_n3A_1084 : i32 to index
      %get3A_1117 = arith.index_cast %add3A_1102 : i32 to index
      %get3A_1118 = tpu.vector_load %arg12[%get3A_1116, %get3A_1117] {strides = array<i32>} : memref<32x512xi32, #tpu.memory_space<vmem>>, vector<16xi32>,
      %mul3A_1119 = arith.constant 16 : i32
      %mul3A_1120 = vector.broadcast %mul3A_1119 : i32 to vector<16xi32>
      %mul3A_1121 = arith.muli %get3A_1118, %mul3A_1120 : vector<16xi32>
      %add3A_1122 = arith.addi %mul3A_1121, %iota3A : vector<16xi32>
      tpu.vector_store_idx %arg13[%add3A_1122], %mul3A_1115 {add = true} : memref<1024xf32, #tpu.memory_space<vmem>>[vector<16xi32>], vector<16xf32>,
      %add3A_1123 = arith.constant 16 : i32
      %add3A_1124 = arith.addi %select_n3A_1100, %add3A_1123 : i32
      %get3A_1125 = arith.index_cast %select_n3A_1084 : i32 to index
      %get3A_1126 = arith.index_cast %add3A_1124 : i32 to index
      %get3A_1127 = tpu.vector_load %arg10[%get3A_1125, %get3A_1126] {strides = array<i32>} : memref<32x512xf32, #tpu.memory_space<vmem>>, vector<16xf32>,
      %add3A_1128 = arith.constant 0.00999999977 : f32
      %add3A_1129 = vector.broadcast %add3A_1128 : f32 to vector<16xf32>
      %add3A_1130 = arith.addf %get3A_1127, %add3A_1129 : vector<16xf32>
      %get3A_1131 = arith.index_cast %select_n3A_1084 : i32 to index
      %get3A_1132 = arith.index_cast %add3A_1124 : i32 to index
      %get3A_1133 = tpu.vector_load %arg11[%get3A_1131, %get3A_1132] {strides = array<i32>} : memref<32x512xf32, #tpu.memory_space<vmem>>, vector<16xf32>,
      %add3A_1134 = arith.constant 0.00999999977 : f32
      %add3A_1135 = vector.broadcast %add3A_1134 : f32 to vector<16xf32>
      %add3A_1136 = arith.addf %get3A_1133, %add3A_1135 : vector<16xf32>
      %mul3A_1137 = arith.mulf %add3A_1130, %add3A_1136 : vector<16xf32>
      %get3A_1138 = arith.index_cast %select_n3A_1084 : i32 to index
      %get3A_1139 = arith.index_cast %add3A_1124 : i32 to index
      %get3A_1140 = tpu.vector_load %arg12[%get3A_1138, %get3A_1139] {strides = array<i32>} : memref<32x512xi32, #tpu.memory_space<vmem>>, vector<16xi32>,
      %mul3A_1141 = arith.constant 16 : i32
      %mul3A_1142 = vector.broadcast %mul3A_1141 : i32 to vector<16xi32>
      %mul3A_1143 = arith.muli %get3A_1140, %mul3A_1142 : vector<16xi32>
      %add3A_1144 = arith.addi %mul3A_1143, %iota3A : vector<16xi32>
      tpu.vector_store_idx %arg13[%add3A_1144], %mul3A_1137 {add = true} : memref<1024xf32, #tpu.memory_space<vmem>>[vector<16xi32>], vector<16xf32>,
      %add3A_1145 = arith.constant 32 : i32
      %add3A_1146 = arith.addi %select_n3A_1100, %add3A_1145 : i32
      %get3A_1147 = arith.index_cast %select_n3A_1084 : i32 to index
      %get3A_1148 = arith.index_cast %add3A_1146 : i32 to index
      %get3A_1149 = tpu.vector_load %arg10[%get3A_1147, %get3A_1148] {strides = array<i32>} : memref<32x512xf32, #tpu.memory_space<vmem>>, vector<16xf32>,
      %add3A_1150 = arith.constant 0.00999999977 : f32
      %add3A_1151 = vector.broadcast %add3A_1150 : f32 to vector<16xf32>
      %add3A_1152 = arith.addf %get3A_1149, %add3A_1151 : vector<16xf32>
      %get3A_1153 = arith.index_cast %select_n3A_1084 : i32 to index
      %get3A_1154 = arith.index_cast %add3A_1146 : i32 to index
      %get3A_1155 = tpu.vector_load %arg11[%get3A_1153, %get3A_1154] {strides = array<i32>} : memref<32x512xf32, #tpu.memory_space<vmem>>, vector<16xf32>,
      %add3A_1156 = arith.constant 0.00999999977 : f32
      %add3A_1157 = vector.broadcast %add3A_1156 : f32 to vector<16xf32>
      %add3A_1158 = arith.addf %get3A_1155, %add3A_1157 : vector<16xf32>
      %mul3A_1159 = arith.mulf %add3A_1152, %add3A_1158 : vector<16xf32>
      %get3A_1160 = arith.index_cast %select_n3A_1084 : i32 to index
      %get3A_1161 = arith.index_cast %add3A_1146 : i32 to index
      %get3A_1162 = tpu.vector_load %arg12[%get3A_1160, %get3A_1161] {strides = array<i32>} : memref<32x512xi32, #tpu.memory_space<vmem>>, vector<16xi32>,
      %mul3A_1163 = arith.constant 16 : i32
      %mul3A_1164 = vector.broadcast %mul3A_1163 : i32 to vector<16xi32>
      %mul3A_1165 = arith.muli %get3A_1162, %mul3A_1164 : vector<16xi32>
      %add3A_1166 = arith.addi %mul3A_1165, %iota3A : vector<16xi32>
      tpu.vector_store_idx %arg13[%add3A_1166], %mul3A_1159 {add = true} : memref<1024xf32, #tpu.memory_space<vmem>>[vector<16xi32>], vector<16xf32>,
      %add3A_1167 = arith.constant 48 : i32
      %add3A_1168 = arith.addi %select_n3A_1100, %add3A_1167 : i32
      %get3A_1169 = arith.index_cast %select_n3A_1084 : i32 to index
      %get3A_1170 = arith.index_cast %add3A_1168 : i32 to index
      %get3A_1171 = tpu.vector_load %arg10[%get3A_1169, %get3A_1170] {strides = array<i32>} : memref<32x512xf32, #tpu.memory_space<vmem>>, vector<16xf32>,
      %add3A_1172 = arith.constant 0.00999999977 : f32
      %add3A_1173 = vector.broadcast %add3A_1172 : f32 to vector<16xf32>
      %add3A_1174 = arith.addf %get3A_1171, %add3A_1173 : vector<16xf32>
      %get3A_1175 = arith.index_cast %select_n3A_1084 : i32 to index
      %get3A_1176 = arith.index_cast %add3A_1168 : i32 to index
      %get3A_1177 = tpu.vector_load %arg11[%get3A_1175, %get3A_1176] {strides = array<i32>} : memref<32x512xf32, #tpu.memory_space<vmem>>, vector<16xf32>,
      %add3A_1178 = arith.constant 0.00999999977 : f32
      %add3A_1179 = vector.broadcast %add3A_1178 : f32 to vector<16xf32>
      %add3A_1180 = arith.addf %get3A_1177, %add3A_1179 : vector<16xf32>
      %mul3A_1181 = arith.mulf %add3A_1174, %add3A_1180 : vector<16xf32>
      %get3A_1182 = arith.index_cast %select_n3A_1084 : i32 to index
      %get3A_1183 = arith.index_cast %add3A_1168 : i32 to index
      %get3A_1184 = tpu.vector_load %arg12[%get3A_1182, %get3A_1183] {strides = array<i32>} : memref<32x512xi32, #tpu.memory_space<vmem>>, vector<16xi32>,
      %mul3A_1185 = arith.constant 16 : i32
      %mul3A_1186 = vector.broadcast %mul3A_1185 : i32 to vector<16xi32>
      %mul3A_1187 = arith.muli %get3A_1184, %mul3A_1186 : vector<16xi32>
      %add3A_1188 = arith.addi %mul3A_1187, %iota3A : vector<16xi32>
      tpu.vector_store_idx %arg13[%add3A_1188], %mul3A_1181 {add = true} : memref<1024xf32, #tpu.memory_space<vmem>>[vector<16xi32>], vector<16xf32>,
      %scan3A_1189 = arith.constant 0 : i32
      scf.yield %scan3A_1189 : i32
    }
    %scan3A_353 = arith.constant 256 : i32
    %mul3A_354 = arith.constant 16 : i32
    %mul3A_355 = vector.broadcast %mul3A_354 : i32 to vector<16xi32>
    %mul3A_356 = arith.muli %iota3A, %mul3A_355 : vector<16xi32>
    %broadcast_in_dim3A_357 = arith.constant 0.000000e+00 : f32
    %broadcast_in_dim3A_358 = vector.broadcast %broadcast_in_dim3A_357 : f32 to vector<16xf32>
    %add3A_359 = arith.constant 0 : i32
    %add3A_360 = vector.broadcast %add3A_359 : i32 to vector<16xi32>
    %add3A_361 = arith.addi %mul3A_356, %add3A_360 : vector<16xi32>
    %gather3A = tpu.vector_load_idx %arg13[%add3A_361] : memref<1024xf32, #tpu.memory_space<vmem>>[vector<16xi32>], vector<16xf32>,
    %add3A_362 = arith.addf %broadcast_in_dim3A_358, %gather3A : vector<16xf32>
    %add3A_363 = arith.constant 1 : i32
    %add3A_364 = vector.broadcast %add3A_363 : i32 to vector<16xi32>
    %add3A_365 = arith.addi %mul3A_356, %add3A_364 : vector<16xi32>
    %gather3A_366 = tpu.vector_load_idx %arg13[%add3A_365] : memref<1024xf32, #tpu.memory_space<vmem>>[vector<16xi32>], vector<16xf32>,
    %add3A_367 = arith.addf %add3A_362, %gather3A_366 : vector<16xf32>
    %add3A_368 = arith.constant 2 : i32
    %add3A_369 = vector.broadcast %add3A_368 : i32 to vector<16xi32>
    %add3A_370 = arith.addi %mul3A_356, %add3A_369 : vector<16xi32>
    %gather3A_371 = tpu.vector_load_idx %arg13[%add3A_370] : memref<1024xf32, #tpu.memory_space<vmem>>[vector<16xi32>], vector<16xf32>,
    %add3A_372 = arith.addf %add3A_367, %gather3A_371 : vector<16xf32>
    %add3A_373 = arith.constant 3 : i32
    %add3A_374 = vector.broadcast %add3A_373 : i32 to vector<16xi32>
    %add3A_375 = arith.addi %mul3A_356, %add3A_374 : vector<16xi32>
    %gather3A_376 = tpu.vector_load_idx %arg13[%add3A_375] : memref<1024xf32, #tpu.memory_space<vmem>>[vector<16xi32>], vector<16xf32>,
    %add3A_377 = arith.addf %add3A_372, %gather3A_376 : vector<16xf32>
    %add3A_378 = arith.constant 4 : i32
    %add3A_379 = vector.broadcast %add3A_378 : i32 to vector<16xi32>
    %add3A_380 = arith.addi %mul3A_356, %add3A_379 : vector<16xi32>
    %gather3A_381 = tpu.vector_load_idx %arg13[%add3A_380] : memref<1024xf32, #tpu.memory_space<vmem>>[vector<16xi32>], vector<16xf32>,
    %add3A_382 = arith.addf %add3A_377, %gather3A_381 : vector<16xf32>
    %add3A_383 = arith.constant 5 : i32
    %add3A_384 = vector.broadcast %add3A_383 : i32 to vector<16xi32>
    %add3A_385 = arith.addi %mul3A_356, %add3A_384 : vector<16xi32>
    %gather3A_386 = tpu.vector_load_idx %arg13[%add3A_385] : memref<1024xf32, #tpu.memory_space<vmem>>[vector<16xi32>], vector<16xf32>,
    %add3A_387 = arith.addf %add3A_382, %gather3A_386 : vector<16xf32>
    %add3A_388 = arith.constant 6 : i32
    %add3A_389 = vector.broadcast %add3A_388 : i32 to vector<16xi32>
    %add3A_390 = arith.addi %mul3A_356, %add3A_389 : vector<16xi32>
    %gather3A_391 = tpu.vector_load_idx %arg13[%add3A_390] : memref<1024xf32, #tpu.memory_space<vmem>>[vector<16xi32>], vector<16xf32>,
    %add3A_392 = arith.addf %add3A_387, %gather3A_391 : vector<16xf32>
    %add3A_393 = arith.constant 7 : i32
    %add3A_394 = vector.broadcast %add3A_393 : i32 to vector<16xi32>
    %add3A_395 = arith.addi %mul3A_356, %add3A_394 : vector<16xi32>
    %gather3A_396 = tpu.vector_load_idx %arg13[%add3A_395] : memref<1024xf32, #tpu.memory_space<vmem>>[vector<16xi32>], vector<16xf32>,
    %add3A_397 = arith.addf %add3A_392, %gather3A_396 : vector<16xf32>
    %add3A_398 = arith.constant 8 : i32
    %add3A_399 = vector.broadcast %add3A_398 : i32 to vector<16xi32>
    %add3A_400 = arith.addi %mul3A_356, %add3A_399 : vector<16xi32>
    %gather3A_401 = tpu.vector_load_idx %arg13[%add3A_400] : memref<1024xf32, #tpu.memory_space<vmem>>[vector<16xi32>], vector<16xf32>,
    %add3A_402 = arith.addf %add3A_397, %gather3A_401 : vector<16xf32>
    %add3A_403 = arith.constant 9 : i32
    %add3A_404 = vector.broadcast %add3A_403 : i32 to vector<16xi32>
    %add3A_405 = arith.addi %mul3A_356, %add3A_404 : vector<16xi32>
    %gather3A_406 = tpu.vector_load_idx %arg13[%add3A_405] : memref<1024xf32, #tpu.memory_space<vmem>>[vector<16xi32>], vector<16xf32>,
    %add3A_407 = arith.addf %add3A_402, %gather3A_406 : vector<16xf32>
    %add3A_408 = arith.constant 10 : i32
    %add3A_409 = vector.broadcast %add3A_408 : i32 to vector<16xi32>
    %add3A_410 = arith.addi %mul3A_356, %add3A_409 : vector<16xi32>
    %gather3A_411 = tpu.vector_load_idx %arg13[%add3A_410] : memref<1024xf32, #tpu.memory_space<vmem>>[vector<16xi32>], vector<16xf32>,
    %add3A_412 = arith.addf %add3A_407, %gather3A_411 : vector<16xf32>
    %add3A_413 = arith.constant 11 : i32
    %add3A_414 = vector.broadcast %add3A_413 : i32 to vector<16xi32>
    %add3A_415 = arith.addi %mul3A_356, %add3A_414 : vector<16xi32>
    %gather3A_416 = tpu.vector_load_idx %arg13[%add3A_415] : memref<1024xf32, #tpu.memory_space<vmem>>[vector<16xi32>], vector<16xf32>,
    %add3A_417 = arith.addf %add3A_412, %gather3A_416 : vector<16xf32>
    %add3A_418 = arith.constant 12 : i32
    %add3A_419 = vector.broadcast %add3A_418 : i32 to vector<16xi32>
    %add3A_420 = arith.addi %mul3A_356, %add3A_419 : vector<16xi32>
    %gather3A_421 = tpu.vector_load_idx %arg13[%add3A_420] : memref<1024xf32, #tpu.memory_space<vmem>>[vector<16xi32>], vector<16xf32>,
    %add3A_422 = arith.addf %add3A_417, %gather3A_421 : vector<16xf32>
    %add3A_423 = arith.constant 13 : i32
    %add3A_424 = vector.broadcast %add3A_423 : i32 to vector<16xi32>
    %add3A_425 = arith.addi %mul3A_356, %add3A_424 : vector<16xi32>
    %gather3A_426 = tpu.vector_load_idx %arg13[%add3A_425] : memref<1024xf32, #tpu.memory_space<vmem>>[vector<16xi32>], vector<16xf32>,
    %add3A_427 = arith.addf %add3A_422, %gather3A_426 : vector<16xf32>
    %add3A_428 = arith.constant 14 : i32
    %add3A_429 = vector.broadcast %add3A_428 : i32 to vector<16xi32>
    %add3A_430 = arith.addi %mul3A_356, %add3A_429 : vector<16xi32>
    %gather3A_431 = tpu.vector_load_idx %arg13[%add3A_430] : memref<1024xf32, #tpu.memory_space<vmem>>[vector<16xi32>], vector<16xf32>,
    %add3A_432 = arith.addf %add3A_427, %gather3A_431 : vector<16xf32>
    %add3A_433 = arith.constant 15 : i32
    %add3A_434 = vector.broadcast %add3A_433 : i32 to vector<16xi32>
    %add3A_435 = arith.addi %mul3A_356, %add3A_434 : vector<16xi32>
    %gather3A_436 = tpu.vector_load_idx %arg13[%add3A_435] : memref<1024xf32, #tpu.memory_space<vmem>>[vector<16xi32>], vector<16xf32>,
    %add3A_437 = arith.addf %add3A_432, %gather3A_436 : vector<16xf32>
    %swap3A_438 = arith.constant 0 : index
    %swap3A_439 = tpu.vector_load %arg14[%swap3A_438] {strides = array<i32>} : memref<64xf32, #tpu.memory_space<vmem>>, vector<16xf32>,
    tpu.vector_store %arg14[%swap3A_438], %add3A_437 {strides = array<i32>} : memref<64xf32, #tpu.memory_space<vmem>>, vector<16xf32>,
    %broadcast_in_dim3A_440 = arith.constant 0.000000e+00 : f32
    %broadcast_in_dim3A_441 = vector.broadcast %broadcast_in_dim3A_440 : f32 to vector<16xf32>
    %add3A_442 = arith.constant 256 : i32
    %add3A_443 = vector.broadcast %add3A_442 : i32 to vector<16xi32>
    %add3A_444 = arith.addi %mul3A_356, %add3A_443 : vector<16xi32>
    %gather3A_445 = tpu.vector_load_idx %arg13[%add3A_444] : memref<1024xf32, #tpu.memory_space<vmem>>[vector<16xi32>], vector<16xf32>,
    %add3A_446 = arith.addf %broadcast_in_dim3A_441, %gather3A_445 : vector<16xf32>
    %add3A_447 = arith.constant 257 : i32
    %add3A_448 = vector.broadcast %add3A_447 : i32 to vector<16xi32>
    %add3A_449 = arith.addi %mul3A_356, %add3A_448 : vector<16xi32>
    %gather3A_450 = tpu.vector_load_idx %arg13[%add3A_449] : memref<1024xf32, #tpu.memory_space<vmem>>[vector<16xi32>], vector<16xf32>,
    %add3A_451 = arith.addf %add3A_446, %gather3A_450 : vector<16xf32>
    %add3A_452 = arith.constant 258 : i32
    %add3A_453 = vector.broadcast %add3A_452 : i32 to vector<16xi32>
    %add3A_454 = arith.addi %mul3A_356, %add3A_453 : vector<16xi32>
    %gather3A_455 = tpu.vector_load_idx %arg13[%add3A_454] : memref<1024xf32, #tpu.memory_space<vmem>>[vector<16xi32>], vector<16xf32>,
    %add3A_456 = arith.addf %add3A_451, %gather3A_455 : vector<16xf32>
    %add3A_457 = arith.constant 259 : i32
    %add3A_458 = vector.broadcast %add3A_457 : i32 to vector<16xi32>
    %add3A_459 = arith.addi %mul3A_356, %add3A_458 : vector<16xi32>
    %gather3A_460 = tpu.vector_load_idx %arg13[%add3A_459] : memref<1024xf32, #tpu.memory_space<vmem>>[vector<16xi32>], vector<16xf32>,
    %add3A_461 = arith.addf %add3A_456, %gather3A_460 : vector<16xf32>
    %add3A_462 = arith.constant 260 : i32
    %add3A_463 = vector.broadcast %add3A_462 : i32 to vector<16xi32>
    %add3A_464 = arith.addi %mul3A_356, %add3A_463 : vector<16xi32>
    %gather3A_465 = tpu.vector_load_idx %arg13[%add3A_464] : memref<1024xf32, #tpu.memory_space<vmem>>[vector<16xi32>], vector<16xf32>,
    %add3A_466 = arith.addf %add3A_461, %gather3A_465 : vector<16xf32>
    %add3A_467 = arith.constant 261 : i32
    %add3A_468 = vector.broadcast %add3A_467 : i32 to vector<16xi32>
    %add3A_469 = arith.addi %mul3A_356, %add3A_468 : vector<16xi32>
    %gather3A_470 = tpu.vector_load_idx %arg13[%add3A_469] : memref<1024xf32, #tpu.memory_space<vmem>>[vector<16xi32>], vector<16xf32>,
    %add3A_471 = arith.addf %add3A_466, %gather3A_470 : vector<16xf32>
    %add3A_472 = arith.constant 262 : i32
    %add3A_473 = vector.broadcast %add3A_472 : i32 to vector<16xi32>
    %add3A_474 = arith.addi %mul3A_356, %add3A_473 : vector<16xi32>
    %gather3A_475 = tpu.vector_load_idx %arg13[%add3A_474] : memref<1024xf32, #tpu.memory_space<vmem>>[vector<16xi32>], vector<16xf32>,
    %add3A_476 = arith.addf %add3A_471, %gather3A_475 : vector<16xf32>
    %add3A_477 = arith.constant 263 : i32
    %add3A_478 = vector.broadcast %add3A_477 : i32 to vector<16xi32>
    %add3A_479 = arith.addi %mul3A_356, %add3A_478 : vector<16xi32>
    %gather3A_480 = tpu.vector_load_idx %arg13[%add3A_479] : memref<1024xf32, #tpu.memory_space<vmem>>[vector<16xi32>], vector<16xf32>,
    %add3A_481 = arith.addf %add3A_476, %gather3A_480 : vector<16xf32>
    %add3A_482 = arith.constant 264 : i32
    %add3A_483 = vector.broadcast %add3A_482 : i32 to vector<16xi32>
    %add3A_484 = arith.addi %mul3A_356, %add3A_483 : vector<16xi32>
    %gather3A_485 = tpu.vector_load_idx %arg13[%add3A_484] : memref<1024xf32, #tpu.memory_space<vmem>>[vector<16xi32>], vector<16xf32>,
    %add3A_486 = arith.addf %add3A_481, %gather3A_485 : vector<16xf32>
    %add3A_487 = arith.constant 265 : i32
    %add3A_488 = vector.broadcast %add3A_487 : i32 to vector<16xi32>
    %add3A_489 = arith.addi %mul3A_356, %add3A_488 : vector<16xi32>
    %gather3A_490 = tpu.vector_load_idx %arg13[%add3A_489] : memref<1024xf32, #tpu.memory_space<vmem>>[vector<16xi32>], vector<16xf32>,
    %add3A_491 = arith.addf %add3A_486, %gather3A_490 : vector<16xf32>
    %add3A_492 = arith.constant 266 : i32
    %add3A_493 = vector.broadcast %add3A_492 : i32 to vector<16xi32>
    %add3A_494 = arith.addi %mul3A_356, %add3A_493 : vector<16xi32>
    %gather3A_495 = tpu.vector_load_idx %arg13[%add3A_494] : memref<1024xf32, #tpu.memory_space<vmem>>[vector<16xi32>], vector<16xf32>,
    %add3A_496 = arith.addf %add3A_491, %gather3A_495 : vector<16xf32>
    %add3A_497 = arith.constant 267 : i32
    %add3A_498 = vector.broadcast %add3A_497 : i32 to vector<16xi32>
    %add3A_499 = arith.addi %mul3A_356, %add3A_498 : vector<16xi32>
    %gather3A_500 = tpu.vector_load_idx %arg13[%add3A_499] : memref<1024xf32, #tpu.memory_space<vmem>>[vector<16xi32>], vector<16xf32>,
    %add3A_501 = arith.addf %add3A_496, %gather3A_500 : vector<16xf32>
    %add3A_502 = arith.constant 268 : i32
    %add3A_503 = vector.broadcast %add3A_502 : i32 to vector<16xi32>
    %add3A_504 = arith.addi %mul3A_356, %add3A_503 : vector<16xi32>
    %gather3A_505 = tpu.vector_load_idx %arg13[%add3A_504] : memref<1024xf32, #tpu.memory_space<vmem>>[vector<16xi32>], vector<16xf32>,
    %add3A_506 = arith.addf %add3A_501, %gather3A_505 : vector<16xf32>
    %add3A_507 = arith.constant 269 : i32
    %add3A_508 = vector.broadcast %add3A_507 : i32 to vector<16xi32>
    %add3A_509 = arith.addi %mul3A_356, %add3A_508 : vector<16xi32>
    %gather3A_510 = tpu.vector_load_idx %arg13[%add3A_509] : memref<1024xf32, #tpu.memory_space<vmem>>[vector<16xi32>], vector<16xf32>,
    %add3A_511 = arith.addf %add3A_506, %gather3A_510 : vector<16xf32>
    %add3A_512 = arith.constant 270 : i32
    %add3A_513 = vector.broadcast %add3A_512 : i32 to vector<16xi32>
    %add3A_514 = arith.addi %mul3A_356, %add3A_513 : vector<16xi32>
    %gather3A_515 = tpu.vector_load_idx %arg13[%add3A_514] : memref<1024xf32, #tpu.memory_space<vmem>>[vector<16xi32>], vector<16xf32>,
    %add3A_516 = arith.addf %add3A_511, %gather3A_515 : vector<16xf32>
    %add3A_517 = arith.constant 271 : i32
    %add3A_518 = vector.broadcast %add3A_517 : i32 to vector<16xi32>
    %add3A_519 = arith.addi %mul3A_356, %add3A_518 : vector<16xi32>
    %gather3A_520 = tpu.vector_load_idx %arg13[%add3A_519] : memref<1024xf32, #tpu.memory_space<vmem>>[vector<16xi32>], vector<16xf32>,
    %add3A_521 = arith.addf %add3A_516, %gather3A_520 : vector<16xf32>
    %swap3A_522 = arith.constant 16 : index
    %swap3A_523 = tpu.vector_load %arg14[%swap3A_522] {strides = array<i32>} : memref<64xf32, #tpu.memory_space<vmem>>, vector<16xf32>,
    tpu.vector_store %arg14[%swap3A_522], %add3A_521 {strides = array<i32>} : memref<64xf32, #tpu.memory_space<vmem>>, vector<16xf32>,
    %broadcast_in_dim3A_524 = arith.constant 0.000000e+00 : f32
    %broadcast_in_dim3A_525 = vector.broadcast %broadcast_in_dim3A_524 : f32 to vector<16xf32>
    %add3A_526 = arith.constant 512 : i32
    %add3A_527 = vector.broadcast %add3A_526 : i32 to vector<16xi32>
    %add3A_528 = arith.addi %mul3A_356, %add3A_527 : vector<16xi32>
    %gather3A_529 = tpu.vector_load_idx %arg13[%add3A_528] : memref<1024xf32, #tpu.memory_space<vmem>>[vector<16xi32>], vector<16xf32>,
    %add3A_530 = arith.addf %broadcast_in_dim3A_525, %gather3A_529 : vector<16xf32>
    %add3A_531 = arith.constant 513 : i32
    %add3A_532 = vector.broadcast %add3A_531 : i32 to vector<16xi32>
    %add3A_533 = arith.addi %mul3A_356, %add3A_532 : vector<16xi32>
    %gather3A_534 = tpu.vector_load_idx %arg13[%add3A_533] : memref<1024xf32, #tpu.memory_space<vmem>>[vector<16xi32>], vector<16xf32>,
    %add3A_535 = arith.addf %add3A_530, %gather3A_534 : vector<16xf32>
    %add3A_536 = arith.constant 514 : i32
    %add3A_537 = vector.broadcast %add3A_536 : i32 to vector<16xi32>
    %add3A_538 = arith.addi %mul3A_356, %add3A_537 : vector<16xi32>
    %gather3A_539 = tpu.vector_load_idx %arg13[%add3A_538] : memref<1024xf32, #tpu.memory_space<vmem>>[vector<16xi32>], vector<16xf32>,
    %add3A_540 = arith.addf %add3A_535, %gather3A_539 : vector<16xf32>
    %add3A_541 = arith.constant 515 : i32
    %add3A_542 = vector.broadcast %add3A_541 : i32 to vector<16xi32>
    %add3A_543 = arith.addi %mul3A_356, %add3A_542 : vector<16xi32>
    %gather3A_544 = tpu.vector_load_idx %arg13[%add3A_543] : memref<1024xf32, #tpu.memory_space<vmem>>[vector<16xi32>], vector<16xf32>,
    %add3A_545 = arith.addf %add3A_540, %gather3A_544 : vector<16xf32>
    %add3A_546 = arith.constant 516 : i32
    %add3A_547 = vector.broadcast %add3A_546 : i32 to vector<16xi32>
    %add3A_548 = arith.addi %mul3A_356, %add3A_547 : vector<16xi32>
    %gather3A_549 = tpu.vector_load_idx %arg13[%add3A_548] : memref<1024xf32, #tpu.memory_space<vmem>>[vector<16xi32>], vector<16xf32>,
    %add3A_550 = arith.addf %add3A_545, %gather3A_549 : vector<16xf32>
    %add3A_551 = arith.constant 517 : i32
    %add3A_552 = vector.broadcast %add3A_551 : i32 to vector<16xi32>
    %add3A_553 = arith.addi %mul3A_356, %add3A_552 : vector<16xi32>
    %gather3A_554 = tpu.vector_load_idx %arg13[%add3A_553] : memref<1024xf32, #tpu.memory_space<vmem>>[vector<16xi32>], vector<16xf32>,
    %add3A_555 = arith.addf %add3A_550, %gather3A_554 : vector<16xf32>
    %add3A_556 = arith.constant 518 : i32
    %add3A_557 = vector.broadcast %add3A_556 : i32 to vector<16xi32>
    %add3A_558 = arith.addi %mul3A_356, %add3A_557 : vector<16xi32>
    %gather3A_559 = tpu.vector_load_idx %arg13[%add3A_558] : memref<1024xf32, #tpu.memory_space<vmem>>[vector<16xi32>], vector<16xf32>,
    %add3A_560 = arith.addf %add3A_555, %gather3A_559 : vector<16xf32>
    %add3A_561 = arith.constant 519 : i32
    %add3A_562 = vector.broadcast %add3A_561 : i32 to vector<16xi32>
    %add3A_563 = arith.addi %mul3A_356, %add3A_562 : vector<16xi32>
    %gather3A_564 = tpu.vector_load_idx %arg13[%add3A_563] : memref<1024xf32, #tpu.memory_space<vmem>>[vector<16xi32>], vector<16xf32>,
    %add3A_565 = arith.addf %add3A_560, %gather3A_564 : vector<16xf32>
    %add3A_566 = arith.constant 520 : i32
    %add3A_567 = vector.broadcast %add3A_566 : i32 to vector<16xi32>
    %add3A_568 = arith.addi %mul3A_356, %add3A_567 : vector<16xi32>
    %gather3A_569 = tpu.vector_load_idx %arg13[%add3A_568] : memref<1024xf32, #tpu.memory_space<vmem>>[vector<16xi32>], vector<16xf32>,
    %add3A_570 = arith.addf %add3A_565, %gather3A_569 : vector<16xf32>
    %add3A_571 = arith.constant 521 : i32
    %add3A_572 = vector.broadcast %add3A_571 : i32 to vector<16xi32>
    %add3A_573 = arith.addi %mul3A_356, %add3A_572 : vector<16xi32>
    %gather3A_574 = tpu.vector_load_idx %arg13[%add3A_573] : memref<1024xf32, #tpu.memory_space<vmem>>[vector<16xi32>], vector<16xf32>,
    %add3A_575 = arith.addf %add3A_570, %gather3A_574 : vector<16xf32>
    %add3A_576 = arith.constant 522 : i32
    %add3A_577 = vector.broadcast %add3A_576 : i32 to vector<16xi32>
    %add3A_578 = arith.addi %mul3A_356, %add3A_577 : vector<16xi32>
    %gather3A_579 = tpu.vector_load_idx %arg13[%add3A_578] : memref<1024xf32, #tpu.memory_space<vmem>>[vector<16xi32>], vector<16xf32>,
    %add3A_580 = arith.addf %add3A_575, %gather3A_579 : vector<16xf32>
    %add3A_581 = arith.constant 523 : i32
    %add3A_582 = vector.broadcast %add3A_581 : i32 to vector<16xi32>
    %add3A_583 = arith.addi %mul3A_356, %add3A_582 : vector<16xi32>
    %gather3A_584 = tpu.vector_load_idx %arg13[%add3A_583] : memref<1024xf32, #tpu.memory_space<vmem>>[vector<16xi32>], vector<16xf32>,
    %add3A_585 = arith.addf %add3A_580, %gather3A_584 : vector<16xf32>
    %add3A_586 = arith.constant 524 : i32
    %add3A_587 = vector.broadcast %add3A_586 : i32 to vector<16xi32>
    %add3A_588 = arith.addi %mul3A_356, %add3A_587 : vector<16xi32>
    %gather3A_589 = tpu.vector_load_idx %arg13[%add3A_588] : memref<1024xf32, #tpu.memory_space<vmem>>[vector<16xi32>], vector<16xf32>,
    %add3A_590 = arith.addf %add3A_585, %gather3A_589 : vector<16xf32>
    %add3A_591 = arith.constant 525 : i32
    %add3A_592 = vector.broadcast %add3A_591 : i32 to vector<16xi32>
    %add3A_593 = arith.addi %mul3A_356, %add3A_592 : vector<16xi32>
    %gather3A_594 = tpu.vector_load_idx %arg13[%add3A_593] : memref<1024xf32, #tpu.memory_space<vmem>>[vector<16xi32>], vector<16xf32>,
    %add3A_595 = arith.addf %add3A_590, %gather3A_594 : vector<16xf32>
    %add3A_596 = arith.constant 526 : i32
    %add3A_597 = vector.broadcast %add3A_596 : i32 to vector<16xi32>
    %add3A_598 = arith.addi %mul3A_356, %add3A_597 : vector<16xi32>
    %gather3A_599 = tpu.vector_load_idx %arg13[%add3A_598] : memref<1024xf32, #tpu.memory_space<vmem>>[vector<16xi32>], vector<16xf32>,
    %add3A_600 = arith.addf %add3A_595, %gather3A_599 : vector<16xf32>
    %add3A_601 = arith.constant 527 : i32
    %add3A_602 = vector.broadcast %add3A_601 : i32 to vector<16xi32>
    %add3A_603 = arith.addi %mul3A_356, %add3A_602 : vector<16xi32>
    %gather3A_604 = tpu.vector_load_idx %arg13[%add3A_603] : memref<1024xf32, #tpu.memory_space<vmem>>[vector<16xi32>], vector<16xf32>,
    %add3A_605 = arith.addf %add3A_600, %gather3A_604 : vector<16xf32>
    %swap3A_606 = arith.constant 32 : index
    %swap3A_607 = tpu.vector_load %arg14[%swap3A_606] {strides = array<i32>} : memref<64xf32, #tpu.memory_space<vmem>>, vector<16xf32>,
    tpu.vector_store %arg14[%swap3A_606], %add3A_605 {strides = array<i32>} : memref<64xf32, #tpu.memory_space<vmem>>, vector<16xf32>,
    %broadcast_in_dim3A_608 = arith.constant 0.000000e+00 : f32
    %broadcast_in_dim3A_609 = vector.broadcast %broadcast_in_dim3A_608 : f32 to vector<16xf32>
    %add3A_610 = arith.constant 768 : i32
    %add3A_611 = vector.broadcast %add3A_610 : i32 to vector<16xi32>
    %add3A_612 = arith.addi %mul3A_356, %add3A_611 : vector<16xi32>
    %gather3A_613 = tpu.vector_load_idx %arg13[%add3A_612] : memref<1024xf32, #tpu.memory_space<vmem>>[vector<16xi32>], vector<16xf32>,
    %add3A_614 = arith.addf %broadcast_in_dim3A_609, %gather3A_613 : vector<16xf32>
    %add3A_615 = arith.constant 769 : i32
    %add3A_616 = vector.broadcast %add3A_615 : i32 to vector<16xi32>
    %add3A_617 = arith.addi %mul3A_356, %add3A_616 : vector<16xi32>
    %gather3A_618 = tpu.vector_load_idx %arg13[%add3A_617] : memref<1024xf32, #tpu.memory_space<vmem>>[vector<16xi32>], vector<16xf32>,
    %add3A_619 = arith.addf %add3A_614, %gather3A_618 : vector<16xf32>
    %add3A_620 = arith.constant 770 : i32
    %add3A_621 = vector.broadcast %add3A_620 : i32 to vector<16xi32>
    %add3A_622 = arith.addi %mul3A_356, %add3A_621 : vector<16xi32>
    %gather3A_623 = tpu.vector_load_idx %arg13[%add3A_622] : memref<1024xf32, #tpu.memory_space<vmem>>[vector<16xi32>], vector<16xf32>,
    %add3A_624 = arith.addf %add3A_619, %gather3A_623 : vector<16xf32>
    %add3A_625 = arith.constant 771 : i32
    %add3A_626 = vector.broadcast %add3A_625 : i32 to vector<16xi32>
    %add3A_627 = arith.addi %mul3A_356, %add3A_626 : vector<16xi32>
    %gather3A_628 = tpu.vector_load_idx %arg13[%add3A_627] : memref<1024xf32, #tpu.memory_space<vmem>>[vector<16xi32>], vector<16xf32>,
    %add3A_629 = arith.addf %add3A_624, %gather3A_628 : vector<16xf32>
    %add3A_630 = arith.constant 772 : i32
    %add3A_631 = vector.broadcast %add3A_630 : i32 to vector<16xi32>
    %add3A_632 = arith.addi %mul3A_356, %add3A_631 : vector<16xi32>
    %gather3A_633 = tpu.vector_load_idx %arg13[%add3A_632] : memref<1024xf32, #tpu.memory_space<vmem>>[vector<16xi32>], vector<16xf32>,
    %add3A_634 = arith.addf %add3A_629, %gather3A_633 : vector<16xf32>
    %add3A_635 = arith.constant 773 : i32
    %add3A_636 = vector.broadcast %add3A_635 : i32 to vector<16xi32>
    %add3A_637 = arith.addi %mul3A_356, %add3A_636 : vector<16xi32>
    %gather3A_638 = tpu.vector_load_idx %arg13[%add3A_637] : memref<1024xf32, #tpu.memory_space<vmem>>[vector<16xi32>], vector<16xf32>,
    %add3A_639 = arith.addf %add3A_634, %gather3A_638 : vector<16xf32>
    %add3A_640 = arith.constant 774 : i32
    %add3A_641 = vector.broadcast %add3A_640 : i32 to vector<16xi32>
    %add3A_642 = arith.addi %mul3A_356, %add3A_641 : vector<16xi32>
    %gather3A_643 = tpu.vector_load_idx %arg13[%add3A_642] : memref<1024xf32, #tpu.memory_space<vmem>>[vector<16xi32>], vector<16xf32>,
    %add3A_644 = arith.addf %add3A_639, %gather3A_643 : vector<16xf32>
    %add3A_645 = arith.constant 775 : i32
    %add3A_646 = vector.broadcast %add3A_645 : i32 to vector<16xi32>
    %add3A_647 = arith.addi %mul3A_356, %add3A_646 : vector<16xi32>
    %gather3A_648 = tpu.vector_load_idx %arg13[%add3A_647] : memref<1024xf32, #tpu.memory_space<vmem>>[vector<16xi32>], vector<16xf32>,
    %add3A_649 = arith.addf %add3A_644, %gather3A_648 : vector<16xf32>
    %add3A_650 = arith.constant 776 : i32
    %add3A_651 = vector.broadcast %add3A_650 : i32 to vector<16xi32>
    %add3A_652 = arith.addi %mul3A_356, %add3A_651 : vector<16xi32>
    %gather3A_653 = tpu.vector_load_idx %arg13[%add3A_652] : memref<1024xf32, #tpu.memory_space<vmem>>[vector<16xi32>], vector<16xf32>,
    %add3A_654 = arith.addf %add3A_649, %gather3A_653 : vector<16xf32>
    %add3A_655 = arith.constant 777 : i32
    %add3A_656 = vector.broadcast %add3A_655 : i32 to vector<16xi32>
    %add3A_657 = arith.addi %mul3A_356, %add3A_656 : vector<16xi32>
    %gather3A_658 = tpu.vector_load_idx %arg13[%add3A_657] : memref<1024xf32, #tpu.memory_space<vmem>>[vector<16xi32>], vector<16xf32>,
    %add3A_659 = arith.addf %add3A_654, %gather3A_658 : vector<16xf32>
    %add3A_660 = arith.constant 778 : i32
    %add3A_661 = vector.broadcast %add3A_660 : i32 to vector<16xi32>
    %add3A_662 = arith.addi %mul3A_356, %add3A_661 : vector<16xi32>
    %gather3A_663 = tpu.vector_load_idx %arg13[%add3A_662] : memref<1024xf32, #tpu.memory_space<vmem>>[vector<16xi32>], vector<16xf32>,
    %add3A_664 = arith.addf %add3A_659, %gather3A_663 : vector<16xf32>
    %add3A_665 = arith.constant 779 : i32
    %add3A_666 = vector.broadcast %add3A_665 : i32 to vector<16xi32>
    %add3A_667 = arith.addi %mul3A_356, %add3A_666 : vector<16xi32>
    %gather3A_668 = tpu.vector_load_idx %arg13[%add3A_667] : memref<1024xf32, #tpu.memory_space<vmem>>[vector<16xi32>], vector<16xf32>,
    %add3A_669 = arith.addf %add3A_664, %gather3A_668 : vector<16xf32>
    %add3A_670 = arith.constant 780 : i32
    %add3A_671 = vector.broadcast %add3A_670 : i32 to vector<16xi32>
    %add3A_672 = arith.addi %mul3A_356, %add3A_671 : vector<16xi32>
    %gather3A_673 = tpu.vector_load_idx %arg13[%add3A_672] : memref<1024xf32, #tpu.memory_space<vmem>>[vector<16xi32>], vector<16xf32>,
    %add3A_674 = arith.addf %add3A_669, %gather3A_673 : vector<16xf32>
    %add3A_675 = arith.constant 781 : i32
    %add3A_676 = vector.broadcast %add3A_675 : i32 to vector<16xi32>
    %add3A_677 = arith.addi %mul3A_356, %add3A_676 : vector<16xi32>
    %gather3A_678 = tpu.vector_load_idx %arg13[%add3A_677] : memref<1024xf32, #tpu.memory_space<vmem>>[vector<16xi32>], vector<16xf32>,
    %add3A_679 = arith.addf %add3A_674, %gather3A_678 : vector<16xf32>
    %add3A_680 = arith.constant 782 : i32
    %add3A_681 = vector.broadcast %add3A_680 : i32 to vector<16xi32>
    %add3A_682 = arith.addi %mul3A_356, %add3A_681 : vector<16xi32>
    %gather3A_683 = tpu.vector_load_idx %arg13[%add3A_682] : memref<1024xf32, #tpu.memory_space<vmem>>[vector<16xi32>], vector<16xf32>,
    %add3A_684 = arith.addf %add3A_679, %gather3A_683 : vector<16xf32>
    %add3A_685 = arith.constant 783 : i32
    %add3A_686 = vector.broadcast %add3A_685 : i32 to vector<16xi32>
    %add3A_687 = arith.addi %mul3A_356, %add3A_686 : vector<16xi32>
    %gather3A_688 = tpu.vector_load_idx %arg13[%add3A_687] : memref<1024xf32, #tpu.memory_space<vmem>>[vector<16xi32>], vector<16xf32>,
    %add3A_689 = arith.addf %add3A_684, %gather3A_688 : vector<16xf32>
    %swap3A_690 = arith.constant 48 : index
    %swap3A_691 = tpu.vector_load %arg14[%swap3A_690] {strides = array<i32>} : memref<64xf32, #tpu.memory_space<vmem>>, vector<16xf32>,
    tpu.vector_store %arg14[%swap3A_690], %add3A_689 {strides = array<i32>} : memref<64xf32, #tpu.memory_space<vmem>>, vector<16xf32>,
    %mul3A_692 = arith.constant 64 : i32
    %mul3A_693 = arith.muli %arg1, %mul3A_692 : i32
    "tpu.region"() ({
      %run_scoped3A = tpu.sem_alloc : memref<!tpu.dma_semaphore, #tpu.memory_space<semaphore_mem>>
      %dma_start3A_1057 = tpu.memref_slice %arg15[%mul3A_693] : memref<1024xf32, #tpu.memory_space<vmem_shared>> -> memref<64xf32, #tpu.memory_space<vmem_shared>>
      %dma_start3A_1058 = tpu.memref_slice %arg15[%mul3A_693] : memref<1024xf32, #tpu.memory_space<vmem_shared>> -> memref<64xf32, #tpu.memory_space<vmem_shared>>
      tpu.enqueue_dma source(%arg14 : memref<64xf32, #tpu.memory_space<vmem>>) target(%dma_start3A_1058 : memref<64xf32, #tpu.memory_space<vmem_shared>>) target_semaphore(%run_scoped3A : memref<!tpu.dma_semaphore, #tpu.memory_space<semaphore_mem>>)
      %dma_wait3A_1059 = tpu.memref_slice %arg15[%mul3A_693] : memref<1024xf32, #tpu.memory_space<vmem_shared>> -> memref<64xf32, #tpu.memory_space<vmem_shared>>
      %dma_wait3A_1060 = tpu.memref_slice %arg15[%mul3A_693] : memref<1024xf32, #tpu.memory_space<vmem_shared>> -> memref<64xf32, #tpu.memory_space<vmem_shared>>
      tpu.wait_dma2 semaphore(%run_scoped3A : memref<!tpu.dma_semaphore, #tpu.memory_space<semaphore_mem>>) src(%arg14 : memref<64xf32, #tpu.memory_space<vmem>>) dst(%dma_wait3A_1060 : memref<64xf32, #tpu.memory_space<vmem_shared>>)
      tpu.yield
    }) : () -> ()
    %barrier3A = arith.constant 0 : index
    tpu.barrier barrier_id(%barrier3A)
    %jit3A_694 = arith.constant 4 : i32
    %div3A_695 = arith.divsi %arg1, %jit3A_694 : i32
    %sign3A_696 = arith.constant 0 : i32
    %sign3A_697 = arith.cmpi sgt, %arg1, %sign3A_696 : i32
    %sign3A_698 = arith.extui %sign3A_697 : i1 to i32
    %sign3A_699 = arith.constant 0 : i32
    %sign3A_700 = arith.cmpi slt, %arg1, %sign3A_699 : i32
    %sign3A_701 = arith.extui %sign3A_700 : i1 to i32
    %sign3A_702 = arith.subi %sign3A_698, %sign3A_701 : i32
    %sign3A_703 = arith.constant 0 : i32
    %sign3A_704 = arith.cmpi sgt, %jit3A_694, %sign3A_703 : i32
    %sign3A_705 = arith.extui %sign3A_704 : i1 to i32
    %sign3A_706 = arith.constant 0 : i32
    %sign3A_707 = arith.cmpi slt, %jit3A_694, %sign3A_706 : i32
    %sign3A_708 = arith.extui %sign3A_707 : i1 to i32
    %sign3A_709 = arith.subi %sign3A_705, %sign3A_708 : i32
    %ne3A_710 = arith.cmpi ne, %sign3A_702, %sign3A_709 : i32
    %rem3A_711 = arith.remsi %arg1, %jit3A_694 : i32
    %ne3A_712 = arith.constant 0 : i32
    %ne3A_713 = arith.cmpi ne, %rem3A_711, %ne3A_712 : i32
    %and3A_714 = arith.andi %ne3A_710, %ne3A_713 : i1
    %sub3A_715 = arith.constant 1 : i32
    %sub3A_716 = arith.subi %div3A_695, %sub3A_715 : i32
    %select_n3A_717 = arith.select %and3A_714, %sub3A_716, %div3A_695 : i32
    %mul3A_718 = arith.constant 4 : i32
    %mul3A_719 = arith.muli %select_n3A_717, %mul3A_718 : i32
    %mul3A_720 = arith.constant 64 : i32
    %mul3A_721 = arith.muli %mul3A_719, %mul3A_720 : i32
    "tpu.region"() ({
      %run_scoped3A = tpu.sem_alloc : memref<!tpu.dma_semaphore, #tpu.memory_space<semaphore_mem>>
      %dma_start3A_1057 = tpu.memref_slice %arg15[%mul3A_721] : memref<1024xf32, #tpu.memory_space<vmem_shared>> -> memref<256xf32, #tpu.memory_space<vmem_shared>>
      %dma_start3A_1058 = tpu.memref_slice %arg15[%mul3A_721] : memref<1024xf32, #tpu.memory_space<vmem_shared>> -> memref<256xf32, #tpu.memory_space<vmem_shared>>
      tpu.enqueue_dma source(%dma_start3A_1058 : memref<256xf32, #tpu.memory_space<vmem_shared>>) target(%arg16 : memref<256xf32, #tpu.memory_space<vmem>>) target_semaphore(%run_scoped3A : memref<!tpu.dma_semaphore, #tpu.memory_space<semaphore_mem>>)
      %dma_wait3A_1059 = tpu.memref_slice %arg15[%mul3A_721] : memref<1024xf32, #tpu.memory_space<vmem_shared>> -> memref<256xf32, #tpu.memory_space<vmem_shared>>
      %dma_wait3A_1060 = tpu.memref_slice %arg15[%mul3A_721] : memref<1024xf32, #tpu.memory_space<vmem_shared>> -> memref<256xf32, #tpu.memory_space<vmem_shared>>
      tpu.wait_dma2 semaphore(%run_scoped3A : memref<!tpu.dma_semaphore, #tpu.memory_space<semaphore_mem>>) src(%dma_wait3A_1060 : memref<256xf32, #tpu.memory_space<vmem_shared>>) dst(%arg16 : memref<256xf32, #tpu.memory_space<vmem>>)
      tpu.yield
    }) : () -> ()
    "tpu.region"() ({
      %run_scoped3A = tpu.sem_alloc : memref<!tpu.dma_semaphore, #tpu.memory_space<semaphore_mem>>
      tpu.enqueue_dma source(%arg5 : memref<64xf32, #tpu.memory_space<hbm>>) target(%arg17 : memref<64xf32, #tpu.memory_space<vmem>>) target_semaphore(%run_scoped3A : memref<!tpu.dma_semaphore, #tpu.memory_space<semaphore_mem>>)
      tpu.wait_dma2 semaphore(%run_scoped3A : memref<!tpu.dma_semaphore, #tpu.memory_space<semaphore_mem>>) src(%arg5 : memref<64xf32, #tpu.memory_space<hbm>>) dst(%arg17 : memref<64xf32, #tpu.memory_space<vmem>>)
      tpu.yield
    }) : () -> ()
    %get3A = arith.constant 0 : index
    %get3A_722 = tpu.vector_load %arg16[%get3A] {strides = array<i32>} : memref<256xf32, #tpu.memory_space<vmem>>, vector<16xf32>,
    %get3A_723 = arith.constant 64 : index
    %get3A_724 = tpu.vector_load %arg16[%get3A_723] {strides = array<i32>} : memref<256xf32, #tpu.memory_space<vmem>>, vector<16xf32>,
    %add3A_725 = arith.addf %get3A_722, %get3A_724 : vector<16xf32>
    %get3A_726 = arith.constant 128 : index
    %get3A_727 = tpu.vector_load %arg16[%get3A_726] {strides = array<i32>} : memref<256xf32, #tpu.memory_space<vmem>>, vector<16xf32>,
    %add3A_728 = arith.addf %add3A_725, %get3A_727 : vector<16xf32>
    %get3A_729 = arith.constant 192 : index
    %get3A_730 = tpu.vector_load %arg16[%get3A_729] {strides = array<i32>} : memref<256xf32, #tpu.memory_space<vmem>>, vector<16xf32>,
    %add3A_731 = arith.addf %add3A_728, %get3A_730 : vector<16xf32>
    %get3A_732 = arith.constant 0 : index
    %get3A_733 = tpu.vector_load %arg17[%get3A_732] {strides = array<i32>} : memref<64xf32, #tpu.memory_space<vmem>>, vector<16xf32>,
    %add3A_734 = arith.constant 9.99999993E-9 : f32
    %add3A_735 = vector.broadcast %add3A_734 : f32 to vector<16xf32>
    %add3A_736 = arith.addf %add3A_731, %add3A_735 : vector<16xf32>
    %div3A_737 = arith.divf %get3A_733, %add3A_736 : vector<16xf32>
    %swap3A_738 = arith.constant 0 : index
    %swap3A_739 = tpu.vector_load %arg18[%swap3A_738] {strides = array<i32>} : memref<64xf32, #tpu.memory_space<vmem>>, vector<16xf32>,
    tpu.vector_store %arg18[%swap3A_738], %div3A_737 {strides = array<i32>} : memref<64xf32, #tpu.memory_space<vmem>>, vector<16xf32>,
    %get3A_740 = arith.constant 16 : index
    %get3A_741 = tpu.vector_load %arg16[%get3A_740] {strides = array<i32>} : memref<256xf32, #tpu.memory_space<vmem>>, vector<16xf32>,
    %get3A_742 = arith.constant 80 : index
    %get3A_743 = tpu.vector_load %arg16[%get3A_742] {strides = array<i32>} : memref<256xf32, #tpu.memory_space<vmem>>, vector<16xf32>,
    %add3A_744 = arith.addf %get3A_741, %get3A_743 : vector<16xf32>
    %get3A_745 = arith.constant 144 : index
    %get3A_746 = tpu.vector_load %arg16[%get3A_745] {strides = array<i32>} : memref<256xf32, #tpu.memory_space<vmem>>, vector<16xf32>,
    %add3A_747 = arith.addf %add3A_744, %get3A_746 : vector<16xf32>
    %get3A_748 = arith.constant 208 : index
    %get3A_749 = tpu.vector_load %arg16[%get3A_748] {strides = array<i32>} : memref<256xf32, #tpu.memory_space<vmem>>, vector<16xf32>,
    %add3A_750 = arith.addf %add3A_747, %get3A_749 : vector<16xf32>
    %get3A_751 = arith.constant 16 : index
    %get3A_752 = tpu.vector_load %arg17[%get3A_751] {strides = array<i32>} : memref<64xf32, #tpu.memory_space<vmem>>, vector<16xf32>,
    %add3A_753 = arith.constant 9.99999993E-9 : f32
    %add3A_754 = vector.broadcast %add3A_753 : f32 to vector<16xf32>
    %add3A_755 = arith.addf %add3A_750, %add3A_754 : vector<16xf32>
    %div3A_756 = arith.divf %get3A_752, %add3A_755 : vector<16xf32>
    %swap3A_757 = arith.constant 16 : index
    %swap3A_758 = tpu.vector_load %arg18[%swap3A_757] {strides = array<i32>} : memref<64xf32, #tpu.memory_space<vmem>>, vector<16xf32>,
    tpu.vector_store %arg18[%swap3A_757], %div3A_756 {strides = array<i32>} : memref<64xf32, #tpu.memory_space<vmem>>, vector<16xf32>,
    %get3A_759 = arith.constant 32 : index
    %get3A_760 = tpu.vector_load %arg16[%get3A_759] {strides = array<i32>} : memref<256xf32, #tpu.memory_space<vmem>>, vector<16xf32>,
    %get3A_761 = arith.constant 96 : index
    %get3A_762 = tpu.vector_load %arg16[%get3A_761] {strides = array<i32>} : memref<256xf32, #tpu.memory_space<vmem>>, vector<16xf32>,
    %add3A_763 = arith.addf %get3A_760, %get3A_762 : vector<16xf32>
    %get3A_764 = arith.constant 160 : index
    %get3A_765 = tpu.vector_load %arg16[%get3A_764] {strides = array<i32>} : memref<256xf32, #tpu.memory_space<vmem>>, vector<16xf32>,
    %add3A_766 = arith.addf %add3A_763, %get3A_765 : vector<16xf32>
    %get3A_767 = arith.constant 224 : index
    %get3A_768 = tpu.vector_load %arg16[%get3A_767] {strides = array<i32>} : memref<256xf32, #tpu.memory_space<vmem>>, vector<16xf32>,
    %add3A_769 = arith.addf %add3A_766, %get3A_768 : vector<16xf32>
    %get3A_770 = arith.constant 32 : index
    %get3A_771 = tpu.vector_load %arg17[%get3A_770] {strides = array<i32>} : memref<64xf32, #tpu.memory_space<vmem>>, vector<16xf32>,
    %add3A_772 = arith.constant 9.99999993E-9 : f32
    %add3A_773 = vector.broadcast %add3A_772 : f32 to vector<16xf32>
    %add3A_774 = arith.addf %add3A_769, %add3A_773 : vector<16xf32>
    %div3A_775 = arith.divf %get3A_771, %add3A_774 : vector<16xf32>
    %swap3A_776 = arith.constant 32 : index
    %swap3A_777 = tpu.vector_load %arg18[%swap3A_776] {strides = array<i32>} : memref<64xf32, #tpu.memory_space<vmem>>, vector<16xf32>,
    tpu.vector_store %arg18[%swap3A_776], %div3A_775 {strides = array<i32>} : memref<64xf32, #tpu.memory_space<vmem>>, vector<16xf32>,
    %get3A_778 = arith.constant 48 : index
    %get3A_779 = tpu.vector_load %arg16[%get3A_778] {strides = array<i32>} : memref<256xf32, #tpu.memory_space<vmem>>, vector<16xf32>,
    %get3A_780 = arith.constant 112 : index
    %get3A_781 = tpu.vector_load %arg16[%get3A_780] {strides = array<i32>} : memref<256xf32, #tpu.memory_space<vmem>>, vector<16xf32>,
    %add3A_782 = arith.addf %get3A_779, %get3A_781 : vector<16xf32>
    %get3A_783 = arith.constant 176 : index
    %get3A_784 = tpu.vector_load %arg16[%get3A_783] {strides = array<i32>} : memref<256xf32, #tpu.memory_space<vmem>>, vector<16xf32>,
    %add3A_785 = arith.addf %add3A_782, %get3A_784 : vector<16xf32>
    %get3A_786 = arith.constant 240 : index
    %get3A_787 = tpu.vector_load %arg16[%get3A_786] {strides = array<i32>} : memref<256xf32, #tpu.memory_space<vmem>>, vector<16xf32>,
    %add3A_788 = arith.addf %add3A_785, %get3A_787 : vector<16xf32>
    %get3A_789 = arith.constant 48 : index
    %get3A_790 = tpu.vector_load %arg17[%get3A_789] {strides = array<i32>} : memref<64xf32, #tpu.memory_space<vmem>>, vector<16xf32>,
    %add3A_791 = arith.constant 9.99999993E-9 : f32
    %add3A_792 = vector.broadcast %add3A_791 : f32 to vector<16xf32>
    %add3A_793 = arith.addf %add3A_788, %add3A_792 : vector<16xf32>
    %div3A_794 = arith.divf %get3A_790, %add3A_793 : vector<16xf32>
    %swap3A_795 = arith.constant 48 : index
    %swap3A_796 = tpu.vector_load %arg18[%swap3A_795] {strides = array<i32>} : memref<64xf32, #tpu.memory_space<vmem>>, vector<16xf32>,
    tpu.vector_store %arg18[%swap3A_795], %div3A_794 {strides = array<i32>} : memref<64xf32, #tpu.memory_space<vmem>>, vector<16xf32>,
    %add3A_797 = arith.constant 0 : i32
    %add3A_798 = arith.addi %mul3A_32, %add3A_797 : i32
    %dma_start3A_799 = arith.constant 0 : i32
    %dma_start3A_800 = arith.constant 0 : i32
    %dma_start3A_801 = tpu.memref_slice %arg2[%select_n3A, %dma_start3A_799, %add3A_798, %dma_start3A_800] : memref<8x1x512x512xf32, #tpu.memory_space<hbm>> -> memref<1x1x32x512xf32, #tpu.memory_space<hbm>>
    %dma_start3A_802 = tpu.memref_squeeze %dma_start3A_801 : memref<1x1x32x512xf32, #tpu.memory_space<hbm>> -> memref<32x512xf32, #tpu.memory_space<hbm>>
    %dma_start3A_803 = arith.constant 0 : i32
    %dma_start3A_804 = tpu.memref_slice %arg2[%select_n3A, %dma_start3A_799, %add3A_798, %dma_start3A_803] : memref<8x1x512x512xf32, #tpu.memory_space<hbm>> -> memref<1x1x32x512xf32, #tpu.memory_space<hbm>>
    %dma_start3A_805 = tpu.memref_squeeze %dma_start3A_804 : memref<1x1x32x512xf32, #tpu.memory_space<hbm>> -> memref<32x512xf32, #tpu.memory_space<hbm>>
    tpu.enqueue_dma source(%dma_start3A_805 : memref<32x512xf32, #tpu.memory_space<hbm>>) target(%arg7 : memref<32x512xf32, #tpu.memory_space<vmem>>) target_semaphore(%arg19 : memref<!tpu.dma_semaphore, #tpu.memory_space<semaphore_mem>>)
    %dma_start3A_806 = arith.constant 0 : i32
    %dma_start3A_807 = arith.constant 0 : i32
    %dma_start3A_808 = tpu.memref_slice %arg3[%select_n3A, %dma_start3A_806, %add3A_798, %dma_start3A_807] : memref<8x1x512x512xf32, #tpu.memory_space<hbm>> -> memref<1x1x32x512xf32, #tpu.memory_space<hbm>>
    %dma_start3A_809 = tpu.memref_squeeze %dma_start3A_808 : memref<1x1x32x512xf32, #tpu.memory_space<hbm>> -> memref<32x512xf32, #tpu.memory_space<hbm>>
    %dma_start3A_810 = arith.constant 0 : i32
    %dma_start3A_811 = tpu.memref_slice %arg3[%select_n3A, %dma_start3A_806, %add3A_798, %dma_start3A_810] : memref<8x1x512x512xf32, #tpu.memory_space<hbm>> -> memref<1x1x32x512xf32, #tpu.memory_space<hbm>>
    %dma_start3A_812 = tpu.memref_squeeze %dma_start3A_811 : memref<1x1x32x512xf32, #tpu.memory_space<hbm>> -> memref<32x512xf32, #tpu.memory_space<hbm>>
    tpu.enqueue_dma source(%dma_start3A_812 : memref<32x512xf32, #tpu.memory_space<hbm>>) target(%arg8 : memref<32x512xf32, #tpu.memory_space<vmem>>) target_semaphore(%arg19 : memref<!tpu.dma_semaphore, #tpu.memory_space<semaphore_mem>>)
    %dma_start3A_813 = arith.constant 0 : i32
    %dma_start3A_814 = tpu.memref_slice %arg4[%select_n3A, %add3A_798, %dma_start3A_813] : memref<8x512x512xi32, #tpu.memory_space<hbm>> -> memref<1x32x512xi32, #tpu.memory_space<hbm>>
    %dma_start3A_815 = tpu.memref_squeeze %dma_start3A_814 : memref<1x32x512xi32, #tpu.memory_space<hbm>> -> memref<32x512xi32, #tpu.memory_space<hbm>>
    %dma_start3A_816 = arith.constant 0 : i32
    %dma_start3A_817 = tpu.memref_slice %arg4[%select_n3A, %add3A_798, %dma_start3A_816] : memref<8x512x512xi32, #tpu.memory_space<hbm>> -> memref<1x32x512xi32, #tpu.memory_space<hbm>>
    %dma_start3A_818 = tpu.memref_squeeze %dma_start3A_817 : memref<1x32x512xi32, #tpu.memory_space<hbm>> -> memref<32x512xi32, #tpu.memory_space<hbm>>
    tpu.enqueue_dma source(%dma_start3A_818 : memref<32x512xi32, #tpu.memory_space<hbm>>) target(%arg9 : memref<32x512xi32, #tpu.memory_space<vmem>>) target_semaphore(%arg19 : memref<!tpu.dma_semaphore, #tpu.memory_space<semaphore_mem>>)
    %add3A_819 = arith.constant 32 : i32
    %add3A_820 = arith.addi %mul3A_32, %add3A_819 : i32
    %dma_start3A_821 = arith.constant 0 : i32
    %dma_start3A_822 = arith.constant 0 : i32
    %dma_start3A_823 = tpu.memref_slice %arg2[%select_n3A, %dma_start3A_821, %add3A_820, %dma_start3A_822] : memref<8x1x512x512xf32, #tpu.memory_space<hbm>> -> memref<1x1x32x512xf32, #tpu.memory_space<hbm>>
    %dma_start3A_824 = tpu.memref_squeeze %dma_start3A_823 : memref<1x1x32x512xf32, #tpu.memory_space<hbm>> -> memref<32x512xf32, #tpu.memory_space<hbm>>
    %dma_start3A_825 = arith.constant 0 : i32
    %dma_start3A_826 = tpu.memref_slice %arg2[%select_n3A, %dma_start3A_821, %add3A_820, %dma_start3A_825] : memref<8x1x512x512xf32, #tpu.memory_space<hbm>> -> memref<1x1x32x512xf32, #tpu.memory_space<hbm>>
    %dma_start3A_827 = tpu.memref_squeeze %dma_start3A_826 : memref<1x1x32x512xf32, #tpu.memory_space<hbm>> -> memref<32x512xf32, #tpu.memory_space<hbm>>
    tpu.enqueue_dma source(%dma_start3A_827 : memref<32x512xf32, #tpu.memory_space<hbm>>) target(%arg10 : memref<32x512xf32, #tpu.memory_space<vmem>>) target_semaphore(%arg20 : memref<!tpu.dma_semaphore, #tpu.memory_space<semaphore_mem>>)
    %dma_start3A_828 = arith.constant 0 : i32
    %dma_start3A_829 = arith.constant 0 : i32
    %dma_start3A_830 = tpu.memref_slice %arg3[%select_n3A, %dma_start3A_828, %add3A_820, %dma_start3A_829] : memref<8x1x512x512xf32, #tpu.memory_space<hbm>> -> memref<1x1x32x512xf32, #tpu.memory_space<hbm>>
    %dma_start3A_831 = tpu.memref_squeeze %dma_start3A_830 : memref<1x1x32x512xf32, #tpu.memory_space<hbm>> -> memref<32x512xf32, #tpu.memory_space<hbm>>
    %dma_start3A_832 = arith.constant 0 : i32
    %dma_start3A_833 = tpu.memref_slice %arg3[%select_n3A, %dma_start3A_828, %add3A_820, %dma_start3A_832] : memref<8x1x512x512xf32, #tpu.memory_space<hbm>> -> memref<1x1x32x512xf32, #tpu.memory_space<hbm>>
    %dma_start3A_834 = tpu.memref_squeeze %dma_start3A_833 : memref<1x1x32x512xf32, #tpu.memory_space<hbm>> -> memref<32x512xf32, #tpu.memory_space<hbm>>
    tpu.enqueue_dma source(%dma_start3A_834 : memref<32x512xf32, #tpu.memory_space<hbm>>) target(%arg11 : memref<32x512xf32, #tpu.memory_space<vmem>>) target_semaphore(%arg20 : memref<!tpu.dma_semaphore, #tpu.memory_space<semaphore_mem>>)
    %dma_start3A_835 = arith.constant 0 : i32
    %dma_start3A_836 = tpu.memref_slice %arg4[%select_n3A, %add3A_820, %dma_start3A_835] : memref<8x512x512xi32, #tpu.memory_space<hbm>> -> memref<1x32x512xi32, #tpu.memory_space<hbm>>
    %dma_start3A_837 = tpu.memref_squeeze %dma_start3A_836 : memref<1x32x512xi32, #tpu.memory_space<hbm>> -> memref<32x512xi32, #tpu.memory_space<hbm>>
    %dma_start3A_838 = arith.constant 0 : i32
    %dma_start3A_839 = tpu.memref_slice %arg4[%select_n3A, %add3A_820, %dma_start3A_838] : memref<8x512x512xi32, #tpu.memory_space<hbm>> -> memref<1x32x512xi32, #tpu.memory_space<hbm>>
    %dma_start3A_840 = tpu.memref_squeeze %dma_start3A_839 : memref<1x32x512xi32, #tpu.memory_space<hbm>> -> memref<32x512xi32, #tpu.memory_space<hbm>>
    tpu.enqueue_dma source(%dma_start3A_840 : memref<32x512xi32, #tpu.memory_space<hbm>>) target(%arg12 : memref<32x512xi32, #tpu.memory_space<vmem>>) target_semaphore(%arg20 : memref<!tpu.dma_semaphore, #tpu.memory_space<semaphore_mem>>)
    %dma_wait3A_841 = arith.constant 0 : i32
    %dma_wait3A_842 = arith.constant 0 : i32
    %dma_wait3A_843 = tpu.memref_slice %arg2[%select_n3A, %dma_wait3A_841, %add3A_798, %dma_wait3A_842] : memref<8x1x512x512xf32, #tpu.memory_space<hbm>> -> memref<1x1x32x512xf32, #tpu.memory_space<hbm>>
    %dma_wait3A_844 = tpu.memref_squeeze %dma_wait3A_843 : memref<1x1x32x512xf32, #tpu.memory_space<hbm>> -> memref<32x512xf32, #tpu.memory_space<hbm>>
    %dma_wait3A_845 = arith.constant 0 : i32
    %dma_wait3A_846 = tpu.memref_slice %arg2[%select_n3A, %dma_wait3A_841, %add3A_798, %dma_wait3A_845] : memref<8x1x512x512xf32, #tpu.memory_space<hbm>> -> memref<1x1x32x512xf32, #tpu.memory_space<hbm>>
    %dma_wait3A_847 = tpu.memref_squeeze %dma_wait3A_846 : memref<1x1x32x512xf32, #tpu.memory_space<hbm>> -> memref<32x512xf32, #tpu.memory_space<hbm>>
    tpu.wait_dma2 semaphore(%arg19 : memref<!tpu.dma_semaphore, #tpu.memory_space<semaphore_mem>>) src(%dma_wait3A_847 : memref<32x512xf32, #tpu.memory_space<hbm>>) dst(%arg7 : memref<32x512xf32, #tpu.memory_space<vmem>>)
    %dma_wait3A_848 = arith.constant 0 : i32
    %dma_wait3A_849 = arith.constant 0 : i32
    %dma_wait3A_850 = tpu.memref_slice %arg3[%select_n3A, %dma_wait3A_848, %add3A_798, %dma_wait3A_849] : memref<8x1x512x512xf32, #tpu.memory_space<hbm>> -> memref<1x1x32x512xf32, #tpu.memory_space<hbm>>
    %dma_wait3A_851 = tpu.memref_squeeze %dma_wait3A_850 : memref<1x1x32x512xf32, #tpu.memory_space<hbm>> -> memref<32x512xf32, #tpu.memory_space<hbm>>
    %dma_wait3A_852 = arith.constant 0 : i32
    %dma_wait3A_853 = tpu.memref_slice %arg3[%select_n3A, %dma_wait3A_848, %add3A_798, %dma_wait3A_852] : memref<8x1x512x512xf32, #tpu.memory_space<hbm>> -> memref<1x1x32x512xf32, #tpu.memory_space<hbm>>
    %dma_wait3A_854 = tpu.memref_squeeze %dma_wait3A_853 : memref<1x1x32x512xf32, #tpu.memory_space<hbm>> -> memref<32x512xf32, #tpu.memory_space<hbm>>
    tpu.wait_dma2 semaphore(%arg19 : memref<!tpu.dma_semaphore, #tpu.memory_space<semaphore_mem>>) src(%dma_wait3A_854 : memref<32x512xf32, #tpu.memory_space<hbm>>) dst(%arg8 : memref<32x512xf32, #tpu.memory_space<vmem>>)
    %dma_wait3A_855 = arith.constant 0 : i32
    %dma_wait3A_856 = tpu.memref_slice %arg4[%select_n3A, %add3A_798, %dma_wait3A_855] : memref<8x512x512xi32, #tpu.memory_space<hbm>> -> memref<1x32x512xi32, #tpu.memory_space<hbm>>
    %dma_wait3A_857 = tpu.memref_squeeze %dma_wait3A_856 : memref<1x32x512xi32, #tpu.memory_space<hbm>> -> memref<32x512xi32, #tpu.memory_space<hbm>>
    %dma_wait3A_858 = arith.constant 0 : i32
    %dma_wait3A_859 = tpu.memref_slice %arg4[%select_n3A, %add3A_798, %dma_wait3A_858] : memref<8x512x512xi32, #tpu.memory_space<hbm>> -> memref<1x32x512xi32, #tpu.memory_space<hbm>>
    %dma_wait3A_860 = tpu.memref_squeeze %dma_wait3A_859 : memref<1x32x512xi32, #tpu.memory_space<hbm>> -> memref<32x512xi32, #tpu.memory_space<hbm>>
    tpu.wait_dma2 semaphore(%arg19 : memref<!tpu.dma_semaphore, #tpu.memory_space<semaphore_mem>>) src(%dma_wait3A_860 : memref<32x512xi32, #tpu.memory_space<hbm>>) dst(%arg9 : memref<32x512xi32, #tpu.memory_space<vmem>>)
    %scan3A_861 = arith.constant 0 : i32
    %scan3A_862 = arith.constant 0 : i32
    %scan3A_863 = arith.constant 256 : i32
    %scan3A_864 = arith.addi %scan3A_862, %scan3A_863 : i32
    %scan3A_865 = arith.constant 1 : i32
    %scan3A_866 = scf.for %scan3A_1057 = %scan3A_862 to %scan3A_864 step %scan3A_865 iter_args(%scan3A_1058 = %scan3A_861) -> (i32)  : i32 {
      %mul3A_1059 = arith.constant 64 : i32
      %mul3A_1060 = arith.muli %scan3A_1057, %mul3A_1059 : i32
      %jit3A_1061 = arith.constant 512 : i32
      %div3A_1062 = arith.divsi %mul3A_1060, %jit3A_1061 : i32
      %sign3A_1063 = arith.constant 0 : i32
      %sign3A_1064 = arith.cmpi sgt, %mul3A_1060, %sign3A_1063 : i32
      %sign3A_1065 = arith.extui %sign3A_1064 : i1 to i32
      %sign3A_1066 = arith.constant 0 : i32
      %sign3A_1067 = arith.cmpi slt, %mul3A_1060, %sign3A_1066 : i32
      %sign3A_1068 = arith.extui %sign3A_1067 : i1 to i32
      %sign3A_1069 = arith.subi %sign3A_1065, %sign3A_1068 : i32
      %sign3A_1070 = arith.constant 0 : i32
      %sign3A_1071 = arith.cmpi sgt, %jit3A_1061, %sign3A_1070 : i32
      %sign3A_1072 = arith.extui %sign3A_1071 : i1 to i32
      %sign3A_1073 = arith.constant 0 : i32
      %sign3A_1074 = arith.cmpi slt, %jit3A_1061, %sign3A_1073 : i32
      %sign3A_1075 = arith.extui %sign3A_1074 : i1 to i32
      %sign3A_1076 = arith.subi %sign3A_1072, %sign3A_1075 : i32
      %ne3A_1077 = arith.cmpi ne, %sign3A_1069, %sign3A_1076 : i32
      %rem3A_1078 = arith.remsi %mul3A_1060, %jit3A_1061 : i32
      %ne3A_1079 = arith.constant 0 : i32
      %ne3A_1080 = arith.cmpi ne, %rem3A_1078, %ne3A_1079 : i32
      %and3A_1081 = arith.andi %ne3A_1077, %ne3A_1080 : i1
      %sub3A_1082 = arith.constant 1 : i32
      %sub3A_1083 = arith.subi %div3A_1062, %sub3A_1082 : i32
      %select_n3A_1084 = arith.select %and3A_1081, %sub3A_1083, %div3A_1062 : i32
      %jit3A_1085 = arith.constant 512 : i32
      %eq3A_1086 = arith.constant 0 : i32
      %eq3A_1087 = arith.cmpi eq, %jit3A_1085, %eq3A_1086 : i32
      %jit3A_1088 = arith.constant 1 : i32
      %select_n3A_1089 = arith.select %eq3A_1087, %jit3A_1088, %jit3A_1085 : i32
      %rem3A_1090 = arith.remsi %mul3A_1060, %select_n3A_1089 : i32
      %ne3A_1091 = arith.constant 0 : i32
      %ne3A_1092 = arith.cmpi ne, %rem3A_1090, %ne3A_1091 : i32
      %lt3A_1093 = arith.constant 0 : i32
      %lt3A_1094 = arith.cmpi slt, %rem3A_1090, %lt3A_1093 : i32
      %lt3A_1095 = arith.constant 0 : i32
      %lt3A_1096 = arith.cmpi slt, %select_n3A_1089, %lt3A_1095 : i32
      %ne3A_1097 = arith.xori %lt3A_1094, %lt3A_1096 : i1
      %and3A_1098 = arith.andi %ne3A_1097, %ne3A_1092 : i1
      %add3A_1099 = arith.addi %rem3A_1090, %select_n3A_1089 : i32
      %select_n3A_1100 = arith.select %and3A_1098, %add3A_1099, %rem3A_1090 : i32
      %add3A_1101 = arith.constant 0 : i32
      %add3A_1102 = arith.addi %select_n3A_1100, %add3A_1101 : i32
      %get3A_1103 = arith.index_cast %select_n3A_1084 : i32 to index
      %get3A_1104 = arith.index_cast %add3A_1102 : i32 to index
      %get3A_1105 = tpu.vector_load %arg7[%get3A_1103, %get3A_1104] {strides = array<i32>} : memref<32x512xf32, #tpu.memory_space<vmem>>, vector<16xf32>,
      %add3A_1106 = arith.constant 0.00999999977 : f32
      %add3A_1107 = vector.broadcast %add3A_1106 : f32 to vector<16xf32>
      %add3A_1108 = arith.addf %get3A_1105, %add3A_1107 : vector<16xf32>
      %get3A_1109 = arith.index_cast %select_n3A_1084 : i32 to index
      %get3A_1110 = arith.index_cast %add3A_1102 : i32 to index
      %get3A_1111 = tpu.vector_load %arg8[%get3A_1109, %get3A_1110] {strides = array<i32>} : memref<32x512xf32, #tpu.memory_space<vmem>>, vector<16xf32>,
      %add3A_1112 = arith.constant 0.00999999977 : f32
      %add3A_1113 = vector.broadcast %add3A_1112 : f32 to vector<16xf32>
      %add3A_1114 = arith.addf %get3A_1111, %add3A_1113 : vector<16xf32>
      %mul3A_1115 = arith.mulf %add3A_1108, %add3A_1114 : vector<16xf32>
      %get3A_1116 = arith.index_cast %select_n3A_1084 : i32 to index
      %get3A_1117 = arith.index_cast %add3A_1102 : i32 to index
      %get3A_1118 = tpu.vector_load %arg9[%get3A_1116, %get3A_1117] {strides = array<i32>} : memref<32x512xi32, #tpu.memory_space<vmem>>, vector<16xi32>,
      %gather3A_1119 = tpu.vector_load_idx %arg18[%get3A_1118] : memref<64xf32, #tpu.memory_space<vmem>>[vector<16xi32>], vector<16xf32>,
      %mul3A_1120 = arith.mulf %mul3A_1115, %gather3A_1119 : vector<16xf32>
      %swap3A_1121 = arith.index_cast %select_n3A_1084 : i32 to index
      %swap3A_1122 = arith.index_cast %add3A_1102 : i32 to index
      %swap3A_1123 = tpu.vector_load %arg7[%swap3A_1121, %swap3A_1122] {strides = array<i32>} : memref<32x512xf32, #tpu.memory_space<vmem>>, vector<16xf32>,
      tpu.vector_store %arg7[%swap3A_1121, %swap3A_1122], %mul3A_1120 {strides = array<i32>} : memref<32x512xf32, #tpu.memory_space<vmem>>, vector<16xf32>,
      %add3A_1124 = arith.constant 16 : i32
      %add3A_1125 = arith.addi %select_n3A_1100, %add3A_1124 : i32
      %get3A_1126 = arith.index_cast %select_n3A_1084 : i32 to index
      %get3A_1127 = arith.index_cast %add3A_1125 : i32 to index
      %get3A_1128 = tpu.vector_load %arg7[%get3A_1126, %get3A_1127] {strides = array<i32>} : memref<32x512xf32, #tpu.memory_space<vmem>>, vector<16xf32>,
      %add3A_1129 = arith.constant 0.00999999977 : f32
      %add3A_1130 = vector.broadcast %add3A_1129 : f32 to vector<16xf32>
      %add3A_1131 = arith.addf %get3A_1128, %add3A_1130 : vector<16xf32>
      %get3A_1132 = arith.index_cast %select_n3A_1084 : i32 to index
      %get3A_1133 = arith.index_cast %add3A_1125 : i32 to index
      %get3A_1134 = tpu.vector_load %arg8[%get3A_1132, %get3A_1133] {strides = array<i32>} : memref<32x512xf32, #tpu.memory_space<vmem>>, vector<16xf32>,
      %add3A_1135 = arith.constant 0.00999999977 : f32
      %add3A_1136 = vector.broadcast %add3A_1135 : f32 to vector<16xf32>
      %add3A_1137 = arith.addf %get3A_1134, %add3A_1136 : vector<16xf32>
      %mul3A_1138 = arith.mulf %add3A_1131, %add3A_1137 : vector<16xf32>
      %get3A_1139 = arith.index_cast %select_n3A_1084 : i32 to index
      %get3A_1140 = arith.index_cast %add3A_1125 : i32 to index
      %get3A_1141 = tpu.vector_load %arg9[%get3A_1139, %get3A_1140] {strides = array<i32>} : memref<32x512xi32, #tpu.memory_space<vmem>>, vector<16xi32>,
      %gather3A_1142 = tpu.vector_load_idx %arg18[%get3A_1141] : memref<64xf32, #tpu.memory_space<vmem>>[vector<16xi32>], vector<16xf32>,
      %mul3A_1143 = arith.mulf %mul3A_1138, %gather3A_1142 : vector<16xf32>
      %swap3A_1144 = arith.index_cast %select_n3A_1084 : i32 to index
      %swap3A_1145 = arith.index_cast %add3A_1125 : i32 to index
      %swap3A_1146 = tpu.vector_load %arg7[%swap3A_1144, %swap3A_1145] {strides = array<i32>} : memref<32x512xf32, #tpu.memory_space<vmem>>, vector<16xf32>,
      tpu.vector_store %arg7[%swap3A_1144, %swap3A_1145], %mul3A_1143 {strides = array<i32>} : memref<32x512xf32, #tpu.memory_space<vmem>>, vector<16xf32>,
      %add3A_1147 = arith.constant 32 : i32
      %add3A_1148 = arith.addi %select_n3A_1100, %add3A_1147 : i32
      %get3A_1149 = arith.index_cast %select_n3A_1084 : i32 to index
      %get3A_1150 = arith.index_cast %add3A_1148 : i32 to index
      %get3A_1151 = tpu.vector_load %arg7[%get3A_1149, %get3A_1150] {strides = array<i32>} : memref<32x512xf32, #tpu.memory_space<vmem>>, vector<16xf32>,
      %add3A_1152 = arith.constant 0.00999999977 : f32
      %add3A_1153 = vector.broadcast %add3A_1152 : f32 to vector<16xf32>
      %add3A_1154 = arith.addf %get3A_1151, %add3A_1153 : vector<16xf32>
      %get3A_1155 = arith.index_cast %select_n3A_1084 : i32 to index
      %get3A_1156 = arith.index_cast %add3A_1148 : i32 to index
      %get3A_1157 = tpu.vector_load %arg8[%get3A_1155, %get3A_1156] {strides = array<i32>} : memref<32x512xf32, #tpu.memory_space<vmem>>, vector<16xf32>,
      %add3A_1158 = arith.constant 0.00999999977 : f32
      %add3A_1159 = vector.broadcast %add3A_1158 : f32 to vector<16xf32>
      %add3A_1160 = arith.addf %get3A_1157, %add3A_1159 : vector<16xf32>
      %mul3A_1161 = arith.mulf %add3A_1154, %add3A_1160 : vector<16xf32>
      %get3A_1162 = arith.index_cast %select_n3A_1084 : i32 to index
      %get3A_1163 = arith.index_cast %add3A_1148 : i32 to index
      %get3A_1164 = tpu.vector_load %arg9[%get3A_1162, %get3A_1163] {strides = array<i32>} : memref<32x512xi32, #tpu.memory_space<vmem>>, vector<16xi32>,
      %gather3A_1165 = tpu.vector_load_idx %arg18[%get3A_1164] : memref<64xf32, #tpu.memory_space<vmem>>[vector<16xi32>], vector<16xf32>,
      %mul3A_1166 = arith.mulf %mul3A_1161, %gather3A_1165 : vector<16xf32>
      %swap3A_1167 = arith.index_cast %select_n3A_1084 : i32 to index
      %swap3A_1168 = arith.index_cast %add3A_1148 : i32 to index
      %swap3A_1169 = tpu.vector_load %arg7[%swap3A_1167, %swap3A_1168] {strides = array<i32>} : memref<32x512xf32, #tpu.memory_space<vmem>>, vector<16xf32>,
      tpu.vector_store %arg7[%swap3A_1167, %swap3A_1168], %mul3A_1166 {strides = array<i32>} : memref<32x512xf32, #tpu.memory_space<vmem>>, vector<16xf32>,
      %add3A_1170 = arith.constant 48 : i32
      %add3A_1171 = arith.addi %select_n3A_1100, %add3A_1170 : i32
      %get3A_1172 = arith.index_cast %select_n3A_1084 : i32 to index
      %get3A_1173 = arith.index_cast %add3A_1171 : i32 to index
      %get3A_1174 = tpu.vector_load %arg7[%get3A_1172, %get3A_1173] {strides = array<i32>} : memref<32x512xf32, #tpu.memory_space<vmem>>, vector<16xf32>,
      %add3A_1175 = arith.constant 0.00999999977 : f32
      %add3A_1176 = vector.broadcast %add3A_1175 : f32 to vector<16xf32>
      %add3A_1177 = arith.addf %get3A_1174, %add3A_1176 : vector<16xf32>
      %get3A_1178 = arith.index_cast %select_n3A_1084 : i32 to index
      %get3A_1179 = arith.index_cast %add3A_1171 : i32 to index
      %get3A_1180 = tpu.vector_load %arg8[%get3A_1178, %get3A_1179] {strides = array<i32>} : memref<32x512xf32, #tpu.memory_space<vmem>>, vector<16xf32>,
      %add3A_1181 = arith.constant 0.00999999977 : f32
      %add3A_1182 = vector.broadcast %add3A_1181 : f32 to vector<16xf32>
      %add3A_1183 = arith.addf %get3A_1180, %add3A_1182 : vector<16xf32>
      %mul3A_1184 = arith.mulf %add3A_1177, %add3A_1183 : vector<16xf32>
      %get3A_1185 = arith.index_cast %select_n3A_1084 : i32 to index
      %get3A_1186 = arith.index_cast %add3A_1171 : i32 to index
      %get3A_1187 = tpu.vector_load %arg9[%get3A_1185, %get3A_1186] {strides = array<i32>} : memref<32x512xi32, #tpu.memory_space<vmem>>, vector<16xi32>,
      %gather3A_1188 = tpu.vector_load_idx %arg18[%get3A_1187] : memref<64xf32, #tpu.memory_space<vmem>>[vector<16xi32>], vector<16xf32>,
      %mul3A_1189 = arith.mulf %mul3A_1184, %gather3A_1188 : vector<16xf32>
      %swap3A_1190 = arith.index_cast %select_n3A_1084 : i32 to index
      %swap3A_1191 = arith.index_cast %add3A_1171 : i32 to index
      %swap3A_1192 = tpu.vector_load %arg7[%swap3A_1190, %swap3A_1191] {strides = array<i32>} : memref<32x512xf32, #tpu.memory_space<vmem>>, vector<16xf32>,
      tpu.vector_store %arg7[%swap3A_1190, %swap3A_1191], %mul3A_1189 {strides = array<i32>} : memref<32x512xf32, #tpu.memory_space<vmem>>, vector<16xf32>,
      %scan3A_1193 = arith.constant 0 : i32
      scf.yield %scan3A_1193 : i32
    }
    %scan3A_867 = arith.constant 256 : i32
    %add3A_868 = arith.constant 0 : i32
    %add3A_869 = arith.addi %mul3A_32, %add3A_868 : i32
    %dma_start3A_870 = arith.constant 0 : i32
    %dma_start3A_871 = arith.constant 0 : i32
    %dma_start3A_872 = tpu.memref_slice %arg6[%select_n3A, %dma_start3A_870, %add3A_869, %dma_start3A_871] : memref<8x1x512x512xf32, #tpu.memory_space<hbm>> -> memref<1x1x32x512xf32, #tpu.memory_space<hbm>>
    %dma_start3A_873 = tpu.memref_squeeze %dma_start3A_872 : memref<1x1x32x512xf32, #tpu.memory_space<hbm>> -> memref<32x512xf32, #tpu.memory_space<hbm>>
    %dma_start3A_874 = arith.constant 0 : i32
    %dma_start3A_875 = tpu.memref_slice %arg6[%select_n3A, %dma_start3A_870, %add3A_869, %dma_start3A_874] : memref<8x1x512x512xf32, #tpu.memory_space<hbm>> -> memref<1x1x32x512xf32, #tpu.memory_space<hbm>>
    %dma_start3A_876 = tpu.memref_squeeze %dma_start3A_875 : memref<1x1x32x512xf32, #tpu.memory_space<hbm>> -> memref<32x512xf32, #tpu.memory_space<hbm>>
    tpu.enqueue_dma source(%arg7 : memref<32x512xf32, #tpu.memory_space<vmem>>) target(%dma_start3A_876 : memref<32x512xf32, #tpu.memory_space<hbm>>) target_semaphore(%arg21 : memref<!tpu.dma_semaphore, #tpu.memory_space<semaphore_mem>>)
    %dma_wait3A_877 = arith.constant 0 : i32
    %dma_wait3A_878 = arith.constant 0 : i32
    %dma_wait3A_879 = tpu.memref_slice %arg6[%select_n3A, %dma_wait3A_877, %add3A_869, %dma_wait3A_878] : memref<8x1x512x512xf32, #tpu.memory_space<hbm>> -> memref<1x1x32x512xf32, #tpu.memory_space<hbm>>
    %dma_wait3A_880 = tpu.memref_squeeze %dma_wait3A_879 : memref<1x1x32x512xf32, #tpu.memory_space<hbm>> -> memref<32x512xf32, #tpu.memory_space<hbm>>
    %dma_wait3A_881 = arith.constant 0 : i32
    %dma_wait3A_882 = tpu.memref_slice %arg6[%select_n3A, %dma_wait3A_877, %add3A_869, %dma_wait3A_881] : memref<8x1x512x512xf32, #tpu.memory_space<hbm>> -> memref<1x1x32x512xf32, #tpu.memory_space<hbm>>
    %dma_wait3A_883 = tpu.memref_squeeze %dma_wait3A_882 : memref<1x1x32x512xf32, #tpu.memory_space<hbm>> -> memref<32x512xf32, #tpu.memory_space<hbm>>
    tpu.wait_dma2 semaphore(%arg21 : memref<!tpu.dma_semaphore, #tpu.memory_space<semaphore_mem>>) src(%arg7 : memref<32x512xf32, #tpu.memory_space<vmem>>) dst(%dma_wait3A_883 : memref<32x512xf32, #tpu.memory_space<hbm>>)
    %add3A_884 = arith.constant 64 : i32
    %add3A_885 = arith.addi %mul3A_32, %add3A_884 : i32
    %dma_start3A_886 = arith.constant 0 : i32
    %dma_start3A_887 = arith.constant 0 : i32
    %dma_start3A_888 = tpu.memref_slice %arg2[%select_n3A, %dma_start3A_886, %add3A_885, %dma_start3A_887] : memref<8x1x512x512xf32, #tpu.memory_space<hbm>> -> memref<1x1x32x512xf32, #tpu.memory_space<hbm>>
    %dma_start3A_889 = tpu.memref_squeeze %dma_start3A_888 : memref<1x1x32x512xf32, #tpu.memory_space<hbm>> -> memref<32x512xf32, #tpu.memory_space<hbm>>
    %dma_start3A_890 = arith.constant 0 : i32
    %dma_start3A_891 = tpu.memref_slice %arg2[%select_n3A, %dma_start3A_886, %add3A_885, %dma_start3A_890] : memref<8x1x512x512xf32, #tpu.memory_space<hbm>> -> memref<1x1x32x512xf32, #tpu.memory_space<hbm>>
    %dma_start3A_892 = tpu.memref_squeeze %dma_start3A_891 : memref<1x1x32x512xf32, #tpu.memory_space<hbm>> -> memref<32x512xf32, #tpu.memory_space<hbm>>
    tpu.enqueue_dma source(%dma_start3A_892 : memref<32x512xf32, #tpu.memory_space<hbm>>) target(%arg7 : memref<32x512xf32, #tpu.memory_space<vmem>>) target_semaphore(%arg19 : memref<!tpu.dma_semaphore, #tpu.memory_space<semaphore_mem>>)
    %dma_start3A_893 = arith.constant 0 : i32
    %dma_start3A_894 = arith.constant 0 : i32
    %dma_start3A_895 = tpu.memref_slice %arg3[%select_n3A, %dma_start3A_893, %add3A_885, %dma_start3A_894] : memref<8x1x512x512xf32, #tpu.memory_space<hbm>> -> memref<1x1x32x512xf32, #tpu.memory_space<hbm>>
    %dma_start3A_896 = tpu.memref_squeeze %dma_start3A_895 : memref<1x1x32x512xf32, #tpu.memory_space<hbm>> -> memref<32x512xf32, #tpu.memory_space<hbm>>
    %dma_start3A_897 = arith.constant 0 : i32
    %dma_start3A_898 = tpu.memref_slice %arg3[%select_n3A, %dma_start3A_893, %add3A_885, %dma_start3A_897] : memref<8x1x512x512xf32, #tpu.memory_space<hbm>> -> memref<1x1x32x512xf32, #tpu.memory_space<hbm>>
    %dma_start3A_899 = tpu.memref_squeeze %dma_start3A_898 : memref<1x1x32x512xf32, #tpu.memory_space<hbm>> -> memref<32x512xf32, #tpu.memory_space<hbm>>
    tpu.enqueue_dma source(%dma_start3A_899 : memref<32x512xf32, #tpu.memory_space<hbm>>) target(%arg8 : memref<32x512xf32, #tpu.memory_space<vmem>>) target_semaphore(%arg19 : memref<!tpu.dma_semaphore, #tpu.memory_space<semaphore_mem>>)
    %dma_start3A_900 = arith.constant 0 : i32
    %dma_start3A_901 = tpu.memref_slice %arg4[%select_n3A, %add3A_885, %dma_start3A_900] : memref<8x512x512xi32, #tpu.memory_space<hbm>> -> memref<1x32x512xi32, #tpu.memory_space<hbm>>
    %dma_start3A_902 = tpu.memref_squeeze %dma_start3A_901 : memref<1x32x512xi32, #tpu.memory_space<hbm>> -> memref<32x512xi32, #tpu.memory_space<hbm>>
    %dma_start3A_903 = arith.constant 0 : i32
    %dma_start3A_904 = tpu.memref_slice %arg4[%select_n3A, %add3A_885, %dma_start3A_903] : memref<8x512x512xi32, #tpu.memory_space<hbm>> -> memref<1x32x512xi32, #tpu.memory_space<hbm>>
    %dma_start3A_905 = tpu.memref_squeeze %dma_start3A_904 : memref<1x32x512xi32, #tpu.memory_space<hbm>> -> memref<32x512xi32, #tpu.memory_space<hbm>>
    tpu.enqueue_dma source(%dma_start3A_905 : memref<32x512xi32, #tpu.memory_space<hbm>>) target(%arg9 : memref<32x512xi32, #tpu.memory_space<vmem>>) target_semaphore(%arg19 : memref<!tpu.dma_semaphore, #tpu.memory_space<semaphore_mem>>)
    %dma_wait3A_906 = arith.constant 0 : i32
    %dma_wait3A_907 = arith.constant 0 : i32
    %dma_wait3A_908 = tpu.memref_slice %arg2[%select_n3A, %dma_wait3A_906, %add3A_820, %dma_wait3A_907] : memref<8x1x512x512xf32, #tpu.memory_space<hbm>> -> memref<1x1x32x512xf32, #tpu.memory_space<hbm>>
    %dma_wait3A_909 = tpu.memref_squeeze %dma_wait3A_908 : memref<1x1x32x512xf32, #tpu.memory_space<hbm>> -> memref<32x512xf32, #tpu.memory_space<hbm>>
    %dma_wait3A_910 = arith.constant 0 : i32
    %dma_wait3A_911 = tpu.memref_slice %arg2[%select_n3A, %dma_wait3A_906, %add3A_820, %dma_wait3A_910] : memref<8x1x512x512xf32, #tpu.memory_space<hbm>> -> memref<1x1x32x512xf32, #tpu.memory_space<hbm>>
    %dma_wait3A_912 = tpu.memref_squeeze %dma_wait3A_911 : memref<1x1x32x512xf32, #tpu.memory_space<hbm>> -> memref<32x512xf32, #tpu.memory_space<hbm>>
    tpu.wait_dma2 semaphore(%arg20 : memref<!tpu.dma_semaphore, #tpu.memory_space<semaphore_mem>>) src(%dma_wait3A_912 : memref<32x512xf32, #tpu.memory_space<hbm>>) dst(%arg10 : memref<32x512xf32, #tpu.memory_space<vmem>>)
    %dma_wait3A_913 = arith.constant 0 : i32
    %dma_wait3A_914 = arith.constant 0 : i32
    %dma_wait3A_915 = tpu.memref_slice %arg3[%select_n3A, %dma_wait3A_913, %add3A_820, %dma_wait3A_914] : memref<8x1x512x512xf32, #tpu.memory_space<hbm>> -> memref<1x1x32x512xf32, #tpu.memory_space<hbm>>
    %dma_wait3A_916 = tpu.memref_squeeze %dma_wait3A_915 : memref<1x1x32x512xf32, #tpu.memory_space<hbm>> -> memref<32x512xf32, #tpu.memory_space<hbm>>
    %dma_wait3A_917 = arith.constant 0 : i32
    %dma_wait3A_918 = tpu.memref_slice %arg3[%select_n3A, %dma_wait3A_913, %add3A_820, %dma_wait3A_917] : memref<8x1x512x512xf32, #tpu.memory_space<hbm>> -> memref<1x1x32x512xf32, #tpu.memory_space<hbm>>
    %dma_wait3A_919 = tpu.memref_squeeze %dma_wait3A_918 : memref<1x1x32x512xf32, #tpu.memory_space<hbm>> -> memref<32x512xf32, #tpu.memory_space<hbm>>
    tpu.wait_dma2 semaphore(%arg20 : memref<!tpu.dma_semaphore, #tpu.memory_space<semaphore_mem>>) src(%dma_wait3A_919 : memref<32x512xf32, #tpu.memory_space<hbm>>) dst(%arg11 : memref<32x512xf32, #tpu.memory_space<vmem>>)
    %dma_wait3A_920 = arith.constant 0 : i32
    %dma_wait3A_921 = tpu.memref_slice %arg4[%select_n3A, %add3A_820, %dma_wait3A_920] : memref<8x512x512xi32, #tpu.memory_space<hbm>> -> memref<1x32x512xi32, #tpu.memory_space<hbm>>
    %dma_wait3A_922 = tpu.memref_squeeze %dma_wait3A_921 : memref<1x32x512xi32, #tpu.memory_space<hbm>> -> memref<32x512xi32, #tpu.memory_space<hbm>>
    %dma_wait3A_923 = arith.constant 0 : i32
    %dma_wait3A_924 = tpu.memref_slice %arg4[%select_n3A, %add3A_820, %dma_wait3A_923] : memref<8x512x512xi32, #tpu.memory_space<hbm>> -> memref<1x32x512xi32, #tpu.memory_space<hbm>>
    %dma_wait3A_925 = tpu.memref_squeeze %dma_wait3A_924 : memref<1x32x512xi32, #tpu.memory_space<hbm>> -> memref<32x512xi32, #tpu.memory_space<hbm>>
    tpu.wait_dma2 semaphore(%arg20 : memref<!tpu.dma_semaphore, #tpu.memory_space<semaphore_mem>>) src(%dma_wait3A_925 : memref<32x512xi32, #tpu.memory_space<hbm>>) dst(%arg12 : memref<32x512xi32, #tpu.memory_space<vmem>>)
    %scan3A_926 = arith.constant 0 : i32
    %scan3A_927 = arith.constant 0 : i32
    %scan3A_928 = arith.constant 256 : i32
    %scan3A_929 = arith.addi %scan3A_927, %scan3A_928 : i32
    %scan3A_930 = arith.constant 1 : i32
    %scan3A_931 = scf.for %scan3A_1057 = %scan3A_927 to %scan3A_929 step %scan3A_930 iter_args(%scan3A_1058 = %scan3A_926) -> (i32)  : i32 {
      %mul3A_1059 = arith.constant 64 : i32
      %mul3A_1060 = arith.muli %scan3A_1057, %mul3A_1059 : i32
      %jit3A_1061 = arith.constant 512 : i32
      %div3A_1062 = arith.divsi %mul3A_1060, %jit3A_1061 : i32
      %sign3A_1063 = arith.constant 0 : i32
      %sign3A_1064 = arith.cmpi sgt, %mul3A_1060, %sign3A_1063 : i32
      %sign3A_1065 = arith.extui %sign3A_1064 : i1 to i32
      %sign3A_1066 = arith.constant 0 : i32
      %sign3A_1067 = arith.cmpi slt, %mul3A_1060, %sign3A_1066 : i32
      %sign3A_1068 = arith.extui %sign3A_1067 : i1 to i32
      %sign3A_1069 = arith.subi %sign3A_1065, %sign3A_1068 : i32
      %sign3A_1070 = arith.constant 0 : i32
      %sign3A_1071 = arith.cmpi sgt, %jit3A_1061, %sign3A_1070 : i32
      %sign3A_1072 = arith.extui %sign3A_1071 : i1 to i32
      %sign3A_1073 = arith.constant 0 : i32
      %sign3A_1074 = arith.cmpi slt, %jit3A_1061, %sign3A_1073 : i32
      %sign3A_1075 = arith.extui %sign3A_1074 : i1 to i32
      %sign3A_1076 = arith.subi %sign3A_1072, %sign3A_1075 : i32
      %ne3A_1077 = arith.cmpi ne, %sign3A_1069, %sign3A_1076 : i32
      %rem3A_1078 = arith.remsi %mul3A_1060, %jit3A_1061 : i32
      %ne3A_1079 = arith.constant 0 : i32
      %ne3A_1080 = arith.cmpi ne, %rem3A_1078, %ne3A_1079 : i32
      %and3A_1081 = arith.andi %ne3A_1077, %ne3A_1080 : i1
      %sub3A_1082 = arith.constant 1 : i32
      %sub3A_1083 = arith.subi %div3A_1062, %sub3A_1082 : i32
      %select_n3A_1084 = arith.select %and3A_1081, %sub3A_1083, %div3A_1062 : i32
      %jit3A_1085 = arith.constant 512 : i32
      %eq3A_1086 = arith.constant 0 : i32
      %eq3A_1087 = arith.cmpi eq, %jit3A_1085, %eq3A_1086 : i32
      %jit3A_1088 = arith.constant 1 : i32
      %select_n3A_1089 = arith.select %eq3A_1087, %jit3A_1088, %jit3A_1085 : i32
      %rem3A_1090 = arith.remsi %mul3A_1060, %select_n3A_1089 : i32
      %ne3A_1091 = arith.constant 0 : i32
      %ne3A_1092 = arith.cmpi ne, %rem3A_1090, %ne3A_1091 : i32
      %lt3A_1093 = arith.constant 0 : i32
      %lt3A_1094 = arith.cmpi slt, %rem3A_1090, %lt3A_1093 : i32
      %lt3A_1095 = arith.constant 0 : i32
      %lt3A_1096 = arith.cmpi slt, %select_n3A_1089, %lt3A_1095 : i32
      %ne3A_1097 = arith.xori %lt3A_1094, %lt3A_1096 : i1
      %and3A_1098 = arith.andi %ne3A_1097, %ne3A_1092 : i1
      %add3A_1099 = arith.addi %rem3A_1090, %select_n3A_1089 : i32
      %select_n3A_1100 = arith.select %and3A_1098, %add3A_1099, %rem3A_1090 : i32
      %add3A_1101 = arith.constant 0 : i32
      %add3A_1102 = arith.addi %select_n3A_1100, %add3A_1101 : i32
      %get3A_1103 = arith.index_cast %select_n3A_1084 : i32 to index
      %get3A_1104 = arith.index_cast %add3A_1102 : i32 to index
      %get3A_1105 = tpu.vector_load %arg10[%get3A_1103, %get3A_1104] {strides = array<i32>} : memref<32x512xf32, #tpu.memory_space<vmem>>, vector<16xf32>,
      %add3A_1106 = arith.constant 0.00999999977 : f32
      %add3A_1107 = vector.broadcast %add3A_1106 : f32 to vector<16xf32>
      %add3A_1108 = arith.addf %get3A_1105, %add3A_1107 : vector<16xf32>
      %get3A_1109 = arith.index_cast %select_n3A_1084 : i32 to index
      %get3A_1110 = arith.index_cast %add3A_1102 : i32 to index
      %get3A_1111 = tpu.vector_load %arg11[%get3A_1109, %get3A_1110] {strides = array<i32>} : memref<32x512xf32, #tpu.memory_space<vmem>>, vector<16xf32>,
      %add3A_1112 = arith.constant 0.00999999977 : f32
      %add3A_1113 = vector.broadcast %add3A_1112 : f32 to vector<16xf32>
      %add3A_1114 = arith.addf %get3A_1111, %add3A_1113 : vector<16xf32>
      %mul3A_1115 = arith.mulf %add3A_1108, %add3A_1114 : vector<16xf32>
      %get3A_1116 = arith.index_cast %select_n3A_1084 : i32 to index
      %get3A_1117 = arith.index_cast %add3A_1102 : i32 to index
      %get3A_1118 = tpu.vector_load %arg12[%get3A_1116, %get3A_1117] {strides = array<i32>} : memref<32x512xi32, #tpu.memory_space<vmem>>, vector<16xi32>,
      %gather3A_1119 = tpu.vector_load_idx %arg18[%get3A_1118] : memref<64xf32, #tpu.memory_space<vmem>>[vector<16xi32>], vector<16xf32>,
      %mul3A_1120 = arith.mulf %mul3A_1115, %gather3A_1119 : vector<16xf32>
      %swap3A_1121 = arith.index_cast %select_n3A_1084 : i32 to index
      %swap3A_1122 = arith.index_cast %add3A_1102 : i32 to index
      %swap3A_1123 = tpu.vector_load %arg10[%swap3A_1121, %swap3A_1122] {strides = array<i32>} : memref<32x512xf32, #tpu.memory_space<vmem>>, vector<16xf32>,
      tpu.vector_store %arg10[%swap3A_1121, %swap3A_1122], %mul3A_1120 {strides = array<i32>} : memref<32x512xf32, #tpu.memory_space<vmem>>, vector<16xf32>,
      %add3A_1124 = arith.constant 16 : i32
      %add3A_1125 = arith.addi %select_n3A_1100, %add3A_1124 : i32
      %get3A_1126 = arith.index_cast %select_n3A_1084 : i32 to index
      %get3A_1127 = arith.index_cast %add3A_1125 : i32 to index
      %get3A_1128 = tpu.vector_load %arg10[%get3A_1126, %get3A_1127] {strides = array<i32>} : memref<32x512xf32, #tpu.memory_space<vmem>>, vector<16xf32>,
      %add3A_1129 = arith.constant 0.00999999977 : f32
      %add3A_1130 = vector.broadcast %add3A_1129 : f32 to vector<16xf32>
      %add3A_1131 = arith.addf %get3A_1128, %add3A_1130 : vector<16xf32>
      %get3A_1132 = arith.index_cast %select_n3A_1084 : i32 to index
      %get3A_1133 = arith.index_cast %add3A_1125 : i32 to index
      %get3A_1134 = tpu.vector_load %arg11[%get3A_1132, %get3A_1133] {strides = array<i32>} : memref<32x512xf32, #tpu.memory_space<vmem>>, vector<16xf32>,
      %add3A_1135 = arith.constant 0.00999999977 : f32
      %add3A_1136 = vector.broadcast %add3A_1135 : f32 to vector<16xf32>
      %add3A_1137 = arith.addf %get3A_1134, %add3A_1136 : vector<16xf32>
      %mul3A_1138 = arith.mulf %add3A_1131, %add3A_1137 : vector<16xf32>
      %get3A_1139 = arith.index_cast %select_n3A_1084 : i32 to index
      %get3A_1140 = arith.index_cast %add3A_1125 : i32 to index
      %get3A_1141 = tpu.vector_load %arg12[%get3A_1139, %get3A_1140] {strides = array<i32>} : memref<32x512xi32, #tpu.memory_space<vmem>>, vector<16xi32>,
      %gather3A_1142 = tpu.vector_load_idx %arg18[%get3A_1141] : memref<64xf32, #tpu.memory_space<vmem>>[vector<16xi32>], vector<16xf32>,
      %mul3A_1143 = arith.mulf %mul3A_1138, %gather3A_1142 : vector<16xf32>
      %swap3A_1144 = arith.index_cast %select_n3A_1084 : i32 to index
      %swap3A_1145 = arith.index_cast %add3A_1125 : i32 to index
      %swap3A_1146 = tpu.vector_load %arg10[%swap3A_1144, %swap3A_1145] {strides = array<i32>} : memref<32x512xf32, #tpu.memory_space<vmem>>, vector<16xf32>,
      tpu.vector_store %arg10[%swap3A_1144, %swap3A_1145], %mul3A_1143 {strides = array<i32>} : memref<32x512xf32, #tpu.memory_space<vmem>>, vector<16xf32>,
      %add3A_1147 = arith.constant 32 : i32
      %add3A_1148 = arith.addi %select_n3A_1100, %add3A_1147 : i32
      %get3A_1149 = arith.index_cast %select_n3A_1084 : i32 to index
      %get3A_1150 = arith.index_cast %add3A_1148 : i32 to index
      %get3A_1151 = tpu.vector_load %arg10[%get3A_1149, %get3A_1150] {strides = array<i32>} : memref<32x512xf32, #tpu.memory_space<vmem>>, vector<16xf32>,
      %add3A_1152 = arith.constant 0.00999999977 : f32
      %add3A_1153 = vector.broadcast %add3A_1152 : f32 to vector<16xf32>
      %add3A_1154 = arith.addf %get3A_1151, %add3A_1153 : vector<16xf32>
      %get3A_1155 = arith.index_cast %select_n3A_1084 : i32 to index
      %get3A_1156 = arith.index_cast %add3A_1148 : i32 to index
      %get3A_1157 = tpu.vector_load %arg11[%get3A_1155, %get3A_1156] {strides = array<i32>} : memref<32x512xf32, #tpu.memory_space<vmem>>, vector<16xf32>,
      %add3A_1158 = arith.constant 0.00999999977 : f32
      %add3A_1159 = vector.broadcast %add3A_1158 : f32 to vector<16xf32>
      %add3A_1160 = arith.addf %get3A_1157, %add3A_1159 : vector<16xf32>
      %mul3A_1161 = arith.mulf %add3A_1154, %add3A_1160 : vector<16xf32>
      %get3A_1162 = arith.index_cast %select_n3A_1084 : i32 to index
      %get3A_1163 = arith.index_cast %add3A_1148 : i32 to index
      %get3A_1164 = tpu.vector_load %arg12[%get3A_1162, %get3A_1163] {strides = array<i32>} : memref<32x512xi32, #tpu.memory_space<vmem>>, vector<16xi32>,
      %gather3A_1165 = tpu.vector_load_idx %arg18[%get3A_1164] : memref<64xf32, #tpu.memory_space<vmem>>[vector<16xi32>], vector<16xf32>,
      %mul3A_1166 = arith.mulf %mul3A_1161, %gather3A_1165 : vector<16xf32>
      %swap3A_1167 = arith.index_cast %select_n3A_1084 : i32 to index
      %swap3A_1168 = arith.index_cast %add3A_1148 : i32 to index
      %swap3A_1169 = tpu.vector_load %arg10[%swap3A_1167, %swap3A_1168] {strides = array<i32>} : memref<32x512xf32, #tpu.memory_space<vmem>>, vector<16xf32>,
      tpu.vector_store %arg10[%swap3A_1167, %swap3A_1168], %mul3A_1166 {strides = array<i32>} : memref<32x512xf32, #tpu.memory_space<vmem>>, vector<16xf32>,
      %add3A_1170 = arith.constant 48 : i32
      %add3A_1171 = arith.addi %select_n3A_1100, %add3A_1170 : i32
      %get3A_1172 = arith.index_cast %select_n3A_1084 : i32 to index
      %get3A_1173 = arith.index_cast %add3A_1171 : i32 to index
      %get3A_1174 = tpu.vector_load %arg10[%get3A_1172, %get3A_1173] {strides = array<i32>} : memref<32x512xf32, #tpu.memory_space<vmem>>, vector<16xf32>,
      %add3A_1175 = arith.constant 0.00999999977 : f32
      %add3A_1176 = vector.broadcast %add3A_1175 : f32 to vector<16xf32>
      %add3A_1177 = arith.addf %get3A_1174, %add3A_1176 : vector<16xf32>
      %get3A_1178 = arith.index_cast %select_n3A_1084 : i32 to index
      %get3A_1179 = arith.index_cast %add3A_1171 : i32 to index
      %get3A_1180 = tpu.vector_load %arg11[%get3A_1178, %get3A_1179] {strides = array<i32>} : memref<32x512xf32, #tpu.memory_space<vmem>>, vector<16xf32>,
      %add3A_1181 = arith.constant 0.00999999977 : f32
      %add3A_1182 = vector.broadcast %add3A_1181 : f32 to vector<16xf32>
      %add3A_1183 = arith.addf %get3A_1180, %add3A_1182 : vector<16xf32>
      %mul3A_1184 = arith.mulf %add3A_1177, %add3A_1183 : vector<16xf32>
      %get3A_1185 = arith.index_cast %select_n3A_1084 : i32 to index
      %get3A_1186 = arith.index_cast %add3A_1171 : i32 to index
      %get3A_1187 = tpu.vector_load %arg12[%get3A_1185, %get3A_1186] {strides = array<i32>} : memref<32x512xi32, #tpu.memory_space<vmem>>, vector<16xi32>,
      %gather3A_1188 = tpu.vector_load_idx %arg18[%get3A_1187] : memref<64xf32, #tpu.memory_space<vmem>>[vector<16xi32>], vector<16xf32>,
      %mul3A_1189 = arith.mulf %mul3A_1184, %gather3A_1188 : vector<16xf32>
      %swap3A_1190 = arith.index_cast %select_n3A_1084 : i32 to index
      %swap3A_1191 = arith.index_cast %add3A_1171 : i32 to index
      %swap3A_1192 = tpu.vector_load %arg10[%swap3A_1190, %swap3A_1191] {strides = array<i32>} : memref<32x512xf32, #tpu.memory_space<vmem>>, vector<16xf32>,
      tpu.vector_store %arg10[%swap3A_1190, %swap3A_1191], %mul3A_1189 {strides = array<i32>} : memref<32x512xf32, #tpu.memory_space<vmem>>, vector<16xf32>,
      %scan3A_1193 = arith.constant 0 : i32
      scf.yield %scan3A_1193 : i32
    }
    %scan3A_932 = arith.constant 256 : i32
    %add3A_933 = arith.constant 32 : i32
    %add3A_934 = arith.addi %mul3A_32, %add3A_933 : i32
    %dma_start3A_935 = arith.constant 0 : i32
    %dma_start3A_936 = arith.constant 0 : i32
    %dma_start3A_937 = tpu.memref_slice %arg6[%select_n3A, %dma_start3A_935, %add3A_934, %dma_start3A_936] : memref<8x1x512x512xf32, #tpu.memory_space<hbm>> -> memref<1x1x32x512xf32, #tpu.memory_space<hbm>>
    %dma_start3A_938 = tpu.memref_squeeze %dma_start3A_937 : memref<1x1x32x512xf32, #tpu.memory_space<hbm>> -> memref<32x512xf32, #tpu.memory_space<hbm>>
    %dma_start3A_939 = arith.constant 0 : i32
    %dma_start3A_940 = tpu.memref_slice %arg6[%select_n3A, %dma_start3A_935, %add3A_934, %dma_start3A_939] : memref<8x1x512x512xf32, #tpu.memory_space<hbm>> -> memref<1x1x32x512xf32, #tpu.memory_space<hbm>>
    %dma_start3A_941 = tpu.memref_squeeze %dma_start3A_940 : memref<1x1x32x512xf32, #tpu.memory_space<hbm>> -> memref<32x512xf32, #tpu.memory_space<hbm>>
    tpu.enqueue_dma source(%arg10 : memref<32x512xf32, #tpu.memory_space<vmem>>) target(%dma_start3A_941 : memref<32x512xf32, #tpu.memory_space<hbm>>) target_semaphore(%arg22 : memref<!tpu.dma_semaphore, #tpu.memory_space<semaphore_mem>>)
    %dma_wait3A_942 = arith.constant 0 : i32
    %dma_wait3A_943 = arith.constant 0 : i32
    %dma_wait3A_944 = tpu.memref_slice %arg6[%select_n3A, %dma_wait3A_942, %add3A_934, %dma_wait3A_943] : memref<8x1x512x512xf32, #tpu.memory_space<hbm>> -> memref<1x1x32x512xf32, #tpu.memory_space<hbm>>
    %dma_wait3A_945 = tpu.memref_squeeze %dma_wait3A_944 : memref<1x1x32x512xf32, #tpu.memory_space<hbm>> -> memref<32x512xf32, #tpu.memory_space<hbm>>
    %dma_wait3A_946 = arith.constant 0 : i32
    %dma_wait3A_947 = tpu.memref_slice %arg6[%select_n3A, %dma_wait3A_942, %add3A_934, %dma_wait3A_946] : memref<8x1x512x512xf32, #tpu.memory_space<hbm>> -> memref<1x1x32x512xf32, #tpu.memory_space<hbm>>
    %dma_wait3A_948 = tpu.memref_squeeze %dma_wait3A_947 : memref<1x1x32x512xf32, #tpu.memory_space<hbm>> -> memref<32x512xf32, #tpu.memory_space<hbm>>
    tpu.wait_dma2 semaphore(%arg22 : memref<!tpu.dma_semaphore, #tpu.memory_space<semaphore_mem>>) src(%arg10 : memref<32x512xf32, #tpu.memory_space<vmem>>) dst(%dma_wait3A_948 : memref<32x512xf32, #tpu.memory_space<hbm>>)
    %add3A_949 = arith.constant 96 : i32
    %add3A_950 = arith.addi %mul3A_32, %add3A_949 : i32
    %dma_start3A_951 = arith.constant 0 : i32
    %dma_start3A_952 = arith.constant 0 : i32
    %dma_start3A_953 = tpu.memref_slice %arg2[%select_n3A, %dma_start3A_951, %add3A_950, %dma_start3A_952] : memref<8x1x512x512xf32, #tpu.memory_space<hbm>> -> memref<1x1x32x512xf32, #tpu.memory_space<hbm>>
    %dma_start3A_954 = tpu.memref_squeeze %dma_start3A_953 : memref<1x1x32x512xf32, #tpu.memory_space<hbm>> -> memref<32x512xf32, #tpu.memory_space<hbm>>
    %dma_start3A_955 = arith.constant 0 : i32
    %dma_start3A_956 = tpu.memref_slice %arg2[%select_n3A, %dma_start3A_951, %add3A_950, %dma_start3A_955] : memref<8x1x512x512xf32, #tpu.memory_space<hbm>> -> memref<1x1x32x512xf32, #tpu.memory_space<hbm>>
    %dma_start3A_957 = tpu.memref_squeeze %dma_start3A_956 : memref<1x1x32x512xf32, #tpu.memory_space<hbm>> -> memref<32x512xf32, #tpu.memory_space<hbm>>
    tpu.enqueue_dma source(%dma_start3A_957 : memref<32x512xf32, #tpu.memory_space<hbm>>) target(%arg10 : memref<32x512xf32, #tpu.memory_space<vmem>>) target_semaphore(%arg20 : memref<!tpu.dma_semaphore, #tpu.memory_space<semaphore_mem>>)
    %dma_start3A_958 = arith.constant 0 : i32
    %dma_start3A_959 = arith.constant 0 : i32
    %dma_start3A_960 = tpu.memref_slice %arg3[%select_n3A, %dma_start3A_958, %add3A_950, %dma_start3A_959] : memref<8x1x512x512xf32, #tpu.memory_space<hbm>> -> memref<1x1x32x512xf32, #tpu.memory_space<hbm>>
    %dma_start3A_961 = tpu.memref_squeeze %dma_start3A_960 : memref<1x1x32x512xf32, #tpu.memory_space<hbm>> -> memref<32x512xf32, #tpu.memory_space<hbm>>
    %dma_start3A_962 = arith.constant 0 : i32
    %dma_start3A_963 = tpu.memref_slice %arg3[%select_n3A, %dma_start3A_958, %add3A_950, %dma_start3A_962] : memref<8x1x512x512xf32, #tpu.memory_space<hbm>> -> memref<1x1x32x512xf32, #tpu.memory_space<hbm>>
    %dma_start3A_964 = tpu.memref_squeeze %dma_start3A_963 : memref<1x1x32x512xf32, #tpu.memory_space<hbm>> -> memref<32x512xf32, #tpu.memory_space<hbm>>
    tpu.enqueue_dma source(%dma_start3A_964 : memref<32x512xf32, #tpu.memory_space<hbm>>) target(%arg11 : memref<32x512xf32, #tpu.memory_space<vmem>>) target_semaphore(%arg20 : memref<!tpu.dma_semaphore, #tpu.memory_space<semaphore_mem>>)
    %dma_start3A_965 = arith.constant 0 : i32
    %dma_start3A_966 = tpu.memref_slice %arg4[%select_n3A, %add3A_950, %dma_start3A_965] : memref<8x512x512xi32, #tpu.memory_space<hbm>> -> memref<1x32x512xi32, #tpu.memory_space<hbm>>
    %dma_start3A_967 = tpu.memref_squeeze %dma_start3A_966 : memref<1x32x512xi32, #tpu.memory_space<hbm>> -> memref<32x512xi32, #tpu.memory_space<hbm>>
    %dma_start3A_968 = arith.constant 0 : i32
    %dma_start3A_969 = tpu.memref_slice %arg4[%select_n3A, %add3A_950, %dma_start3A_968] : memref<8x512x512xi32, #tpu.memory_space<hbm>> -> memref<1x32x512xi32, #tpu.memory_space<hbm>>
    %dma_start3A_970 = tpu.memref_squeeze %dma_start3A_969 : memref<1x32x512xi32, #tpu.memory_space<hbm>> -> memref<32x512xi32, #tpu.memory_space<hbm>>
    tpu.enqueue_dma source(%dma_start3A_970 : memref<32x512xi32, #tpu.memory_space<hbm>>) target(%arg12 : memref<32x512xi32, #tpu.memory_space<vmem>>) target_semaphore(%arg20 : memref<!tpu.dma_semaphore, #tpu.memory_space<semaphore_mem>>)
    %dma_wait3A_971 = arith.constant 0 : i32
    %dma_wait3A_972 = arith.constant 0 : i32
    %dma_wait3A_973 = tpu.memref_slice %arg2[%select_n3A, %dma_wait3A_971, %add3A_885, %dma_wait3A_972] : memref<8x1x512x512xf32, #tpu.memory_space<hbm>> -> memref<1x1x32x512xf32, #tpu.memory_space<hbm>>
    %dma_wait3A_974 = tpu.memref_squeeze %dma_wait3A_973 : memref<1x1x32x512xf32, #tpu.memory_space<hbm>> -> memref<32x512xf32, #tpu.memory_space<hbm>>
    %dma_wait3A_975 = arith.constant 0 : i32
    %dma_wait3A_976 = tpu.memref_slice %arg2[%select_n3A, %dma_wait3A_971, %add3A_885, %dma_wait3A_975] : memref<8x1x512x512xf32, #tpu.memory_space<hbm>> -> memref<1x1x32x512xf32, #tpu.memory_space<hbm>>
    %dma_wait3A_977 = tpu.memref_squeeze %dma_wait3A_976 : memref<1x1x32x512xf32, #tpu.memory_space<hbm>> -> memref<32x512xf32, #tpu.memory_space<hbm>>
    tpu.wait_dma2 semaphore(%arg19 : memref<!tpu.dma_semaphore, #tpu.memory_space<semaphore_mem>>) src(%dma_wait3A_977 : memref<32x512xf32, #tpu.memory_space<hbm>>) dst(%arg7 : memref<32x512xf32, #tpu.memory_space<vmem>>)
    %dma_wait3A_978 = arith.constant 0 : i32
    %dma_wait3A_979 = arith.constant 0 : i32
    %dma_wait3A_980 = tpu.memref_slice %arg3[%select_n3A, %dma_wait3A_978, %add3A_885, %dma_wait3A_979] : memref<8x1x512x512xf32, #tpu.memory_space<hbm>> -> memref<1x1x32x512xf32, #tpu.memory_space<hbm>>
    %dma_wait3A_981 = tpu.memref_squeeze %dma_wait3A_980 : memref<1x1x32x512xf32, #tpu.memory_space<hbm>> -> memref<32x512xf32, #tpu.memory_space<hbm>>
    %dma_wait3A_982 = arith.constant 0 : i32
    %dma_wait3A_983 = tpu.memref_slice %arg3[%select_n3A, %dma_wait3A_978, %add3A_885, %dma_wait3A_982] : memref<8x1x512x512xf32, #tpu.memory_space<hbm>> -> memref<1x1x32x512xf32, #tpu.memory_space<hbm>>
    %dma_wait3A_984 = tpu.memref_squeeze %dma_wait3A_983 : memref<1x1x32x512xf32, #tpu.memory_space<hbm>> -> memref<32x512xf32, #tpu.memory_space<hbm>>
    tpu.wait_dma2 semaphore(%arg19 : memref<!tpu.dma_semaphore, #tpu.memory_space<semaphore_mem>>) src(%dma_wait3A_984 : memref<32x512xf32, #tpu.memory_space<hbm>>) dst(%arg8 : memref<32x512xf32, #tpu.memory_space<vmem>>)
    %dma_wait3A_985 = arith.constant 0 : i32
    %dma_wait3A_986 = tpu.memref_slice %arg4[%select_n3A, %add3A_885, %dma_wait3A_985] : memref<8x512x512xi32, #tpu.memory_space<hbm>> -> memref<1x32x512xi32, #tpu.memory_space<hbm>>
    %dma_wait3A_987 = tpu.memref_squeeze %dma_wait3A_986 : memref<1x32x512xi32, #tpu.memory_space<hbm>> -> memref<32x512xi32, #tpu.memory_space<hbm>>
    %dma_wait3A_988 = arith.constant 0 : i32
    %dma_wait3A_989 = tpu.memref_slice %arg4[%select_n3A, %add3A_885, %dma_wait3A_988] : memref<8x512x512xi32, #tpu.memory_space<hbm>> -> memref<1x32x512xi32, #tpu.memory_space<hbm>>
    %dma_wait3A_990 = tpu.memref_squeeze %dma_wait3A_989 : memref<1x32x512xi32, #tpu.memory_space<hbm>> -> memref<32x512xi32, #tpu.memory_space<hbm>>
    tpu.wait_dma2 semaphore(%arg19 : memref<!tpu.dma_semaphore, #tpu.memory_space<semaphore_mem>>) src(%dma_wait3A_990 : memref<32x512xi32, #tpu.memory_space<hbm>>) dst(%arg9 : memref<32x512xi32, #tpu.memory_space<vmem>>)
    %scan3A_991 = arith.constant 0 : i32
    %scan3A_992 = arith.constant 0 : i32
    %scan3A_993 = arith.constant 256 : i32
    %scan3A_994 = arith.addi %scan3A_992, %scan3A_993 : i32
    %scan3A_995 = arith.constant 1 : i32
    %scan3A_996 = scf.for %scan3A_1057 = %scan3A_992 to %scan3A_994 step %scan3A_995 iter_args(%scan3A_1058 = %scan3A_991) -> (i32)  : i32 {
      %mul3A_1059 = arith.constant 64 : i32
      %mul3A_1060 = arith.muli %scan3A_1057, %mul3A_1059 : i32
      %jit3A_1061 = arith.constant 512 : i32
      %div3A_1062 = arith.divsi %mul3A_1060, %jit3A_1061 : i32
      %sign3A_1063 = arith.constant 0 : i32
      %sign3A_1064 = arith.cmpi sgt, %mul3A_1060, %sign3A_1063 : i32
      %sign3A_1065 = arith.extui %sign3A_1064 : i1 to i32
      %sign3A_1066 = arith.constant 0 : i32
      %sign3A_1067 = arith.cmpi slt, %mul3A_1060, %sign3A_1066 : i32
      %sign3A_1068 = arith.extui %sign3A_1067 : i1 to i32
      %sign3A_1069 = arith.subi %sign3A_1065, %sign3A_1068 : i32
      %sign3A_1070 = arith.constant 0 : i32
      %sign3A_1071 = arith.cmpi sgt, %jit3A_1061, %sign3A_1070 : i32
      %sign3A_1072 = arith.extui %sign3A_1071 : i1 to i32
      %sign3A_1073 = arith.constant 0 : i32
      %sign3A_1074 = arith.cmpi slt, %jit3A_1061, %sign3A_1073 : i32
      %sign3A_1075 = arith.extui %sign3A_1074 : i1 to i32
      %sign3A_1076 = arith.subi %sign3A_1072, %sign3A_1075 : i32
      %ne3A_1077 = arith.cmpi ne, %sign3A_1069, %sign3A_1076 : i32
      %rem3A_1078 = arith.remsi %mul3A_1060, %jit3A_1061 : i32
      %ne3A_1079 = arith.constant 0 : i32
      %ne3A_1080 = arith.cmpi ne, %rem3A_1078, %ne3A_1079 : i32
      %and3A_1081 = arith.andi %ne3A_1077, %ne3A_1080 : i1
      %sub3A_1082 = arith.constant 1 : i32
      %sub3A_1083 = arith.subi %div3A_1062, %sub3A_1082 : i32
      %select_n3A_1084 = arith.select %and3A_1081, %sub3A_1083, %div3A_1062 : i32
      %jit3A_1085 = arith.constant 512 : i32
      %eq3A_1086 = arith.constant 0 : i32
      %eq3A_1087 = arith.cmpi eq, %jit3A_1085, %eq3A_1086 : i32
      %jit3A_1088 = arith.constant 1 : i32
      %select_n3A_1089 = arith.select %eq3A_1087, %jit3A_1088, %jit3A_1085 : i32
      %rem3A_1090 = arith.remsi %mul3A_1060, %select_n3A_1089 : i32
      %ne3A_1091 = arith.constant 0 : i32
      %ne3A_1092 = arith.cmpi ne, %rem3A_1090, %ne3A_1091 : i32
      %lt3A_1093 = arith.constant 0 : i32
      %lt3A_1094 = arith.cmpi slt, %rem3A_1090, %lt3A_1093 : i32
      %lt3A_1095 = arith.constant 0 : i32
      %lt3A_1096 = arith.cmpi slt, %select_n3A_1089, %lt3A_1095 : i32
      %ne3A_1097 = arith.xori %lt3A_1094, %lt3A_1096 : i1
      %and3A_1098 = arith.andi %ne3A_1097, %ne3A_1092 : i1
      %add3A_1099 = arith.addi %rem3A_1090, %select_n3A_1089 : i32
      %select_n3A_1100 = arith.select %and3A_1098, %add3A_1099, %rem3A_1090 : i32
      %add3A_1101 = arith.constant 0 : i32
      %add3A_1102 = arith.addi %select_n3A_1100, %add3A_1101 : i32
      %get3A_1103 = arith.index_cast %select_n3A_1084 : i32 to index
      %get3A_1104 = arith.index_cast %add3A_1102 : i32 to index
      %get3A_1105 = tpu.vector_load %arg7[%get3A_1103, %get3A_1104] {strides = array<i32>} : memref<32x512xf32, #tpu.memory_space<vmem>>, vector<16xf32>,
      %add3A_1106 = arith.constant 0.00999999977 : f32
      %add3A_1107 = vector.broadcast %add3A_1106 : f32 to vector<16xf32>
      %add3A_1108 = arith.addf %get3A_1105, %add3A_1107 : vector<16xf32>
      %get3A_1109 = arith.index_cast %select_n3A_1084 : i32 to index
      %get3A_1110 = arith.index_cast %add3A_1102 : i32 to index
      %get3A_1111 = tpu.vector_load %arg8[%get3A_1109, %get3A_1110] {strides = array<i32>} : memref<32x512xf32, #tpu.memory_space<vmem>>, vector<16xf32>,
      %add3A_1112 = arith.constant 0.00999999977 : f32
      %add3A_1113 = vector.broadcast %add3A_1112 : f32 to vector<16xf32>
      %add3A_1114 = arith.addf %get3A_1111, %add3A_1113 : vector<16xf32>
      %mul3A_1115 = arith.mulf %add3A_1108, %add3A_1114 : vector<16xf32>
      %get3A_1116 = arith.index_cast %select_n3A_1084 : i32 to index
      %get3A_1117 = arith.index_cast %add3A_1102 : i32 to index
      %get3A_1118 = tpu.vector_load %arg9[%get3A_1116, %get3A_1117] {strides = array<i32>} : memref<32x512xi32, #tpu.memory_space<vmem>>, vector<16xi32>,
      %gather3A_1119 = tpu.vector_load_idx %arg18[%get3A_1118] : memref<64xf32, #tpu.memory_space<vmem>>[vector<16xi32>], vector<16xf32>,
      %mul3A_1120 = arith.mulf %mul3A_1115, %gather3A_1119 : vector<16xf32>
      %swap3A_1121 = arith.index_cast %select_n3A_1084 : i32 to index
      %swap3A_1122 = arith.index_cast %add3A_1102 : i32 to index
      %swap3A_1123 = tpu.vector_load %arg7[%swap3A_1121, %swap3A_1122] {strides = array<i32>} : memref<32x512xf32, #tpu.memory_space<vmem>>, vector<16xf32>,
      tpu.vector_store %arg7[%swap3A_1121, %swap3A_1122], %mul3A_1120 {strides = array<i32>} : memref<32x512xf32, #tpu.memory_space<vmem>>, vector<16xf32>,
      %add3A_1124 = arith.constant 16 : i32
      %add3A_1125 = arith.addi %select_n3A_1100, %add3A_1124 : i32
      %get3A_1126 = arith.index_cast %select_n3A_1084 : i32 to index
      %get3A_1127 = arith.index_cast %add3A_1125 : i32 to index
      %get3A_1128 = tpu.vector_load %arg7[%get3A_1126, %get3A_1127] {strides = array<i32>} : memref<32x512xf32, #tpu.memory_space<vmem>>, vector<16xf32>,
      %add3A_1129 = arith.constant 0.00999999977 : f32
      %add3A_1130 = vector.broadcast %add3A_1129 : f32 to vector<16xf32>
      %add3A_1131 = arith.addf %get3A_1128, %add3A_1130 : vector<16xf32>
      %get3A_1132 = arith.index_cast %select_n3A_1084 : i32 to index
      %get3A_1133 = arith.index_cast %add3A_1125 : i32 to index
      %get3A_1134 = tpu.vector_load %arg8[%get3A_1132, %get3A_1133] {strides = array<i32>} : memref<32x512xf32, #tpu.memory_space<vmem>>, vector<16xf32>,
      %add3A_1135 = arith.constant 0.00999999977 : f32
      %add3A_1136 = vector.broadcast %add3A_1135 : f32 to vector<16xf32>
      %add3A_1137 = arith.addf %get3A_1134, %add3A_1136 : vector<16xf32>
      %mul3A_1138 = arith.mulf %add3A_1131, %add3A_1137 : vector<16xf32>
      %get3A_1139 = arith.index_cast %select_n3A_1084 : i32 to index
      %get3A_1140 = arith.index_cast %add3A_1125 : i32 to index
      %get3A_1141 = tpu.vector_load %arg9[%get3A_1139, %get3A_1140] {strides = array<i32>} : memref<32x512xi32, #tpu.memory_space<vmem>>, vector<16xi32>,
      %gather3A_1142 = tpu.vector_load_idx %arg18[%get3A_1141] : memref<64xf32, #tpu.memory_space<vmem>>[vector<16xi32>], vector<16xf32>,
      %mul3A_1143 = arith.mulf %mul3A_1138, %gather3A_1142 : vector<16xf32>
      %swap3A_1144 = arith.index_cast %select_n3A_1084 : i32 to index
      %swap3A_1145 = arith.index_cast %add3A_1125 : i32 to index
      %swap3A_1146 = tpu.vector_load %arg7[%swap3A_1144, %swap3A_1145] {strides = array<i32>} : memref<32x512xf32, #tpu.memory_space<vmem>>, vector<16xf32>,
      tpu.vector_store %arg7[%swap3A_1144, %swap3A_1145], %mul3A_1143 {strides = array<i32>} : memref<32x512xf32, #tpu.memory_space<vmem>>, vector<16xf32>,
      %add3A_1147 = arith.constant 32 : i32
      %add3A_1148 = arith.addi %select_n3A_1100, %add3A_1147 : i32
      %get3A_1149 = arith.index_cast %select_n3A_1084 : i32 to index
      %get3A_1150 = arith.index_cast %add3A_1148 : i32 to index
      %get3A_1151 = tpu.vector_load %arg7[%get3A_1149, %get3A_1150] {strides = array<i32>} : memref<32x512xf32, #tpu.memory_space<vmem>>, vector<16xf32>,
      %add3A_1152 = arith.constant 0.00999999977 : f32
      %add3A_1153 = vector.broadcast %add3A_1152 : f32 to vector<16xf32>
      %add3A_1154 = arith.addf %get3A_1151, %add3A_1153 : vector<16xf32>
      %get3A_1155 = arith.index_cast %select_n3A_1084 : i32 to index
      %get3A_1156 = arith.index_cast %add3A_1148 : i32 to index
      %get3A_1157 = tpu.vector_load %arg8[%get3A_1155, %get3A_1156] {strides = array<i32>} : memref<32x512xf32, #tpu.memory_space<vmem>>, vector<16xf32>,
      %add3A_1158 = arith.constant 0.00999999977 : f32
      %add3A_1159 = vector.broadcast %add3A_1158 : f32 to vector<16xf32>
      %add3A_1160 = arith.addf %get3A_1157, %add3A_1159 : vector<16xf32>
      %mul3A_1161 = arith.mulf %add3A_1154, %add3A_1160 : vector<16xf32>
      %get3A_1162 = arith.index_cast %select_n3A_1084 : i32 to index
      %get3A_1163 = arith.index_cast %add3A_1148 : i32 to index
      %get3A_1164 = tpu.vector_load %arg9[%get3A_1162, %get3A_1163] {strides = array<i32>} : memref<32x512xi32, #tpu.memory_space<vmem>>, vector<16xi32>,
      %gather3A_1165 = tpu.vector_load_idx %arg18[%get3A_1164] : memref<64xf32, #tpu.memory_space<vmem>>[vector<16xi32>], vector<16xf32>,
      %mul3A_1166 = arith.mulf %mul3A_1161, %gather3A_1165 : vector<16xf32>
      %swap3A_1167 = arith.index_cast %select_n3A_1084 : i32 to index
      %swap3A_1168 = arith.index_cast %add3A_1148 : i32 to index
      %swap3A_1169 = tpu.vector_load %arg7[%swap3A_1167, %swap3A_1168] {strides = array<i32>} : memref<32x512xf32, #tpu.memory_space<vmem>>, vector<16xf32>,
      tpu.vector_store %arg7[%swap3A_1167, %swap3A_1168], %mul3A_1166 {strides = array<i32>} : memref<32x512xf32, #tpu.memory_space<vmem>>, vector<16xf32>,
      %add3A_1170 = arith.constant 48 : i32
      %add3A_1171 = arith.addi %select_n3A_1100, %add3A_1170 : i32
      %get3A_1172 = arith.index_cast %select_n3A_1084 : i32 to index
      %get3A_1173 = arith.index_cast %add3A_1171 : i32 to index
      %get3A_1174 = tpu.vector_load %arg7[%get3A_1172, %get3A_1173] {strides = array<i32>} : memref<32x512xf32, #tpu.memory_space<vmem>>, vector<16xf32>,
      %add3A_1175 = arith.constant 0.00999999977 : f32
      %add3A_1176 = vector.broadcast %add3A_1175 : f32 to vector<16xf32>
      %add3A_1177 = arith.addf %get3A_1174, %add3A_1176 : vector<16xf32>
      %get3A_1178 = arith.index_cast %select_n3A_1084 : i32 to index
      %get3A_1179 = arith.index_cast %add3A_1171 : i32 to index
      %get3A_1180 = tpu.vector_load %arg8[%get3A_1178, %get3A_1179] {strides = array<i32>} : memref<32x512xf32, #tpu.memory_space<vmem>>, vector<16xf32>,
      %add3A_1181 = arith.constant 0.00999999977 : f32
      %add3A_1182 = vector.broadcast %add3A_1181 : f32 to vector<16xf32>
      %add3A_1183 = arith.addf %get3A_1180, %add3A_1182 : vector<16xf32>
      %mul3A_1184 = arith.mulf %add3A_1177, %add3A_1183 : vector<16xf32>
      %get3A_1185 = arith.index_cast %select_n3A_1084 : i32 to index
      %get3A_1186 = arith.index_cast %add3A_1171 : i32 to index
      %get3A_1187 = tpu.vector_load %arg9[%get3A_1185, %get3A_1186] {strides = array<i32>} : memref<32x512xi32, #tpu.memory_space<vmem>>, vector<16xi32>,
      %gather3A_1188 = tpu.vector_load_idx %arg18[%get3A_1187] : memref<64xf32, #tpu.memory_space<vmem>>[vector<16xi32>], vector<16xf32>,
      %mul3A_1189 = arith.mulf %mul3A_1184, %gather3A_1188 : vector<16xf32>
      %swap3A_1190 = arith.index_cast %select_n3A_1084 : i32 to index
      %swap3A_1191 = arith.index_cast %add3A_1171 : i32 to index
      %swap3A_1192 = tpu.vector_load %arg7[%swap3A_1190, %swap3A_1191] {strides = array<i32>} : memref<32x512xf32, #tpu.memory_space<vmem>>, vector<16xf32>,
      tpu.vector_store %arg7[%swap3A_1190, %swap3A_1191], %mul3A_1189 {strides = array<i32>} : memref<32x512xf32, #tpu.memory_space<vmem>>, vector<16xf32>,
      %scan3A_1193 = arith.constant 0 : i32
      scf.yield %scan3A_1193 : i32
    }
    %scan3A_997 = arith.constant 256 : i32
    %add3A_998 = arith.constant 64 : i32
    %add3A_999 = arith.addi %mul3A_32, %add3A_998 : i32
    %dma_start3A_1000 = arith.constant 0 : i32
    %dma_start3A_1001 = arith.constant 0 : i32
    %dma_start3A_1002 = tpu.memref_slice %arg6[%select_n3A, %dma_start3A_1000, %add3A_999, %dma_start3A_1001] : memref<8x1x512x512xf32, #tpu.memory_space<hbm>> -> memref<1x1x32x512xf32, #tpu.memory_space<hbm>>
    %dma_start3A_1003 = tpu.memref_squeeze %dma_start3A_1002 : memref<1x1x32x512xf32, #tpu.memory_space<hbm>> -> memref<32x512xf32, #tpu.memory_space<hbm>>
    %dma_start3A_1004 = arith.constant 0 : i32
    %dma_start3A_1005 = tpu.memref_slice %arg6[%select_n3A, %dma_start3A_1000, %add3A_999, %dma_start3A_1004] : memref<8x1x512x512xf32, #tpu.memory_space<hbm>> -> memref<1x1x32x512xf32, #tpu.memory_space<hbm>>
    %dma_start3A_1006 = tpu.memref_squeeze %dma_start3A_1005 : memref<1x1x32x512xf32, #tpu.memory_space<hbm>> -> memref<32x512xf32, #tpu.memory_space<hbm>>
    tpu.enqueue_dma source(%arg7 : memref<32x512xf32, #tpu.memory_space<vmem>>) target(%dma_start3A_1006 : memref<32x512xf32, #tpu.memory_space<hbm>>) target_semaphore(%arg21 : memref<!tpu.dma_semaphore, #tpu.memory_space<semaphore_mem>>)
    %dma_wait3A_1007 = arith.constant 0 : i32
    %dma_wait3A_1008 = arith.constant 0 : i32
    %dma_wait3A_1009 = tpu.memref_slice %arg2[%select_n3A, %dma_wait3A_1007, %add3A_950, %dma_wait3A_1008] : memref<8x1x512x512xf32, #tpu.memory_space<hbm>> -> memref<1x1x32x512xf32, #tpu.memory_space<hbm>>
    %dma_wait3A_1010 = tpu.memref_squeeze %dma_wait3A_1009 : memref<1x1x32x512xf32, #tpu.memory_space<hbm>> -> memref<32x512xf32, #tpu.memory_space<hbm>>
    %dma_wait3A_1011 = arith.constant 0 : i32
    %dma_wait3A_1012 = tpu.memref_slice %arg2[%select_n3A, %dma_wait3A_1007, %add3A_950, %dma_wait3A_1011] : memref<8x1x512x512xf32, #tpu.memory_space<hbm>> -> memref<1x1x32x512xf32, #tpu.memory_space<hbm>>
    %dma_wait3A_1013 = tpu.memref_squeeze %dma_wait3A_1012 : memref<1x1x32x512xf32, #tpu.memory_space<hbm>> -> memref<32x512xf32, #tpu.memory_space<hbm>>
    tpu.wait_dma2 semaphore(%arg20 : memref<!tpu.dma_semaphore, #tpu.memory_space<semaphore_mem>>) src(%dma_wait3A_1013 : memref<32x512xf32, #tpu.memory_space<hbm>>) dst(%arg10 : memref<32x512xf32, #tpu.memory_space<vmem>>)
    %dma_wait3A_1014 = arith.constant 0 : i32
    %dma_wait3A_1015 = arith.constant 0 : i32
    %dma_wait3A_1016 = tpu.memref_slice %arg3[%select_n3A, %dma_wait3A_1014, %add3A_950, %dma_wait3A_1015] : memref<8x1x512x512xf32, #tpu.memory_space<hbm>> -> memref<1x1x32x512xf32, #tpu.memory_space<hbm>>
    %dma_wait3A_1017 = tpu.memref_squeeze %dma_wait3A_1016 : memref<1x1x32x512xf32, #tpu.memory_space<hbm>> -> memref<32x512xf32, #tpu.memory_space<hbm>>
    %dma_wait3A_1018 = arith.constant 0 : i32
    %dma_wait3A_1019 = tpu.memref_slice %arg3[%select_n3A, %dma_wait3A_1014, %add3A_950, %dma_wait3A_1018] : memref<8x1x512x512xf32, #tpu.memory_space<hbm>> -> memref<1x1x32x512xf32, #tpu.memory_space<hbm>>
    %dma_wait3A_1020 = tpu.memref_squeeze %dma_wait3A_1019 : memref<1x1x32x512xf32, #tpu.memory_space<hbm>> -> memref<32x512xf32, #tpu.memory_space<hbm>>
    tpu.wait_dma2 semaphore(%arg20 : memref<!tpu.dma_semaphore, #tpu.memory_space<semaphore_mem>>) src(%dma_wait3A_1020 : memref<32x512xf32, #tpu.memory_space<hbm>>) dst(%arg11 : memref<32x512xf32, #tpu.memory_space<vmem>>)
    %dma_wait3A_1021 = arith.constant 0 : i32
    %dma_wait3A_1022 = tpu.memref_slice %arg4[%select_n3A, %add3A_950, %dma_wait3A_1021] : memref<8x512x512xi32, #tpu.memory_space<hbm>> -> memref<1x32x512xi32, #tpu.memory_space<hbm>>
    %dma_wait3A_1023 = tpu.memref_squeeze %dma_wait3A_1022 : memref<1x32x512xi32, #tpu.memory_space<hbm>> -> memref<32x512xi32, #tpu.memory_space<hbm>>
    %dma_wait3A_1024 = arith.constant 0 : i32
    %dma_wait3A_1025 = tpu.memref_slice %arg4[%select_n3A, %add3A_950, %dma_wait3A_1024] : memref<8x512x512xi32, #tpu.memory_space<hbm>> -> memref<1x32x512xi32, #tpu.memory_space<hbm>>
    %dma_wait3A_1026 = tpu.memref_squeeze %dma_wait3A_1025 : memref<1x32x512xi32, #tpu.memory_space<hbm>> -> memref<32x512xi32, #tpu.memory_space<hbm>>
    tpu.wait_dma2 semaphore(%arg20 : memref<!tpu.dma_semaphore, #tpu.memory_space<semaphore_mem>>) src(%dma_wait3A_1026 : memref<32x512xi32, #tpu.memory_space<hbm>>) dst(%arg12 : memref<32x512xi32, #tpu.memory_space<vmem>>)
    %scan3A_1027 = arith.constant 0 : i32
    %scan3A_1028 = arith.constant 0 : i32
    %scan3A_1029 = arith.constant 256 : i32
    %scan3A_1030 = arith.addi %scan3A_1028, %scan3A_1029 : i32
    %scan3A_1031 = arith.constant 1 : i32
    %scan3A_1032 = scf.for %scan3A_1057 = %scan3A_1028 to %scan3A_1030 step %scan3A_1031 iter_args(%scan3A_1058 = %scan3A_1027) -> (i32)  : i32 {
      %mul3A_1059 = arith.constant 64 : i32
      %mul3A_1060 = arith.muli %scan3A_1057, %mul3A_1059 : i32
      %jit3A_1061 = arith.constant 512 : i32
      %div3A_1062 = arith.divsi %mul3A_1060, %jit3A_1061 : i32
      %sign3A_1063 = arith.constant 0 : i32
      %sign3A_1064 = arith.cmpi sgt, %mul3A_1060, %sign3A_1063 : i32
      %sign3A_1065 = arith.extui %sign3A_1064 : i1 to i32
      %sign3A_1066 = arith.constant 0 : i32
      %sign3A_1067 = arith.cmpi slt, %mul3A_1060, %sign3A_1066 : i32
      %sign3A_1068 = arith.extui %sign3A_1067 : i1 to i32
      %sign3A_1069 = arith.subi %sign3A_1065, %sign3A_1068 : i32
      %sign3A_1070 = arith.constant 0 : i32
      %sign3A_1071 = arith.cmpi sgt, %jit3A_1061, %sign3A_1070 : i32
      %sign3A_1072 = arith.extui %sign3A_1071 : i1 to i32
      %sign3A_1073 = arith.constant 0 : i32
      %sign3A_1074 = arith.cmpi slt, %jit3A_1061, %sign3A_1073 : i32
      %sign3A_1075 = arith.extui %sign3A_1074 : i1 to i32
      %sign3A_1076 = arith.subi %sign3A_1072, %sign3A_1075 : i32
      %ne3A_1077 = arith.cmpi ne, %sign3A_1069, %sign3A_1076 : i32
      %rem3A_1078 = arith.remsi %mul3A_1060, %jit3A_1061 : i32
      %ne3A_1079 = arith.constant 0 : i32
      %ne3A_1080 = arith.cmpi ne, %rem3A_1078, %ne3A_1079 : i32
      %and3A_1081 = arith.andi %ne3A_1077, %ne3A_1080 : i1
      %sub3A_1082 = arith.constant 1 : i32
      %sub3A_1083 = arith.subi %div3A_1062, %sub3A_1082 : i32
      %select_n3A_1084 = arith.select %and3A_1081, %sub3A_1083, %div3A_1062 : i32
      %jit3A_1085 = arith.constant 512 : i32
      %eq3A_1086 = arith.constant 0 : i32
      %eq3A_1087 = arith.cmpi eq, %jit3A_1085, %eq3A_1086 : i32
      %jit3A_1088 = arith.constant 1 : i32
      %select_n3A_1089 = arith.select %eq3A_1087, %jit3A_1088, %jit3A_1085 : i32
      %rem3A_1090 = arith.remsi %mul3A_1060, %select_n3A_1089 : i32
      %ne3A_1091 = arith.constant 0 : i32
      %ne3A_1092 = arith.cmpi ne, %rem3A_1090, %ne3A_1091 : i32
      %lt3A_1093 = arith.constant 0 : i32
      %lt3A_1094 = arith.cmpi slt, %rem3A_1090, %lt3A_1093 : i32
      %lt3A_1095 = arith.constant 0 : i32
      %lt3A_1096 = arith.cmpi slt, %select_n3A_1089, %lt3A_1095 : i32
      %ne3A_1097 = arith.xori %lt3A_1094, %lt3A_1096 : i1
      %and3A_1098 = arith.andi %ne3A_1097, %ne3A_1092 : i1
      %add3A_1099 = arith.addi %rem3A_1090, %select_n3A_1089 : i32
      %select_n3A_1100 = arith.select %and3A_1098, %add3A_1099, %rem3A_1090 : i32
      %add3A_1101 = arith.constant 0 : i32
      %add3A_1102 = arith.addi %select_n3A_1100, %add3A_1101 : i32
      %get3A_1103 = arith.index_cast %select_n3A_1084 : i32 to index
      %get3A_1104 = arith.index_cast %add3A_1102 : i32 to index
      %get3A_1105 = tpu.vector_load %arg10[%get3A_1103, %get3A_1104] {strides = array<i32>} : memref<32x512xf32, #tpu.memory_space<vmem>>, vector<16xf32>,
      %add3A_1106 = arith.constant 0.00999999977 : f32
      %add3A_1107 = vector.broadcast %add3A_1106 : f32 to vector<16xf32>
      %add3A_1108 = arith.addf %get3A_1105, %add3A_1107 : vector<16xf32>
      %get3A_1109 = arith.index_cast %select_n3A_1084 : i32 to index
      %get3A_1110 = arith.index_cast %add3A_1102 : i32 to index
      %get3A_1111 = tpu.vector_load %arg11[%get3A_1109, %get3A_1110] {strides = array<i32>} : memref<32x512xf32, #tpu.memory_space<vmem>>, vector<16xf32>,
      %add3A_1112 = arith.constant 0.00999999977 : f32
      %add3A_1113 = vector.broadcast %add3A_1112 : f32 to vector<16xf32>
      %add3A_1114 = arith.addf %get3A_1111, %add3A_1113 : vector<16xf32>
      %mul3A_1115 = arith.mulf %add3A_1108, %add3A_1114 : vector<16xf32>
      %get3A_1116 = arith.index_cast %select_n3A_1084 : i32 to index
      %get3A_1117 = arith.index_cast %add3A_1102 : i32 to index
      %get3A_1118 = tpu.vector_load %arg12[%get3A_1116, %get3A_1117] {strides = array<i32>} : memref<32x512xi32, #tpu.memory_space<vmem>>, vector<16xi32>,
      %gather3A_1119 = tpu.vector_load_idx %arg18[%get3A_1118] : memref<64xf32, #tpu.memory_space<vmem>>[vector<16xi32>], vector<16xf32>,
      %mul3A_1120 = arith.mulf %mul3A_1115, %gather3A_1119 : vector<16xf32>
      %swap3A_1121 = arith.index_cast %select_n3A_1084 : i32 to index
      %swap3A_1122 = arith.index_cast %add3A_1102 : i32 to index
      %swap3A_1123 = tpu.vector_load %arg10[%swap3A_1121, %swap3A_1122] {strides = array<i32>} : memref<32x512xf32, #tpu.memory_space<vmem>>, vector<16xf32>,
      tpu.vector_store %arg10[%swap3A_1121, %swap3A_1122], %mul3A_1120 {strides = array<i32>} : memref<32x512xf32, #tpu.memory_space<vmem>>, vector<16xf32>,
      %add3A_1124 = arith.constant 16 : i32
      %add3A_1125 = arith.addi %select_n3A_1100, %add3A_1124 : i32
      %get3A_1126 = arith.index_cast %select_n3A_1084 : i32 to index
      %get3A_1127 = arith.index_cast %add3A_1125 : i32 to index
      %get3A_1128 = tpu.vector_load %arg10[%get3A_1126, %get3A_1127] {strides = array<i32>} : memref<32x512xf32, #tpu.memory_space<vmem>>, vector<16xf32>,
      %add3A_1129 = arith.constant 0.00999999977 : f32
      %add3A_1130 = vector.broadcast %add3A_1129 : f32 to vector<16xf32>
      %add3A_1131 = arith.addf %get3A_1128, %add3A_1130 : vector<16xf32>
      %get3A_1132 = arith.index_cast %select_n3A_1084 : i32 to index
      %get3A_1133 = arith.index_cast %add3A_1125 : i32 to index
      %get3A_1134 = tpu.vector_load %arg11[%get3A_1132, %get3A_1133] {strides = array<i32>} : memref<32x512xf32, #tpu.memory_space<vmem>>, vector<16xf32>,
      %add3A_1135 = arith.constant 0.00999999977 : f32
      %add3A_1136 = vector.broadcast %add3A_1135 : f32 to vector<16xf32>
      %add3A_1137 = arith.addf %get3A_1134, %add3A_1136 : vector<16xf32>
      %mul3A_1138 = arith.mulf %add3A_1131, %add3A_1137 : vector<16xf32>
      %get3A_1139 = arith.index_cast %select_n3A_1084 : i32 to index
      %get3A_1140 = arith.index_cast %add3A_1125 : i32 to index
      %get3A_1141 = tpu.vector_load %arg12[%get3A_1139, %get3A_1140] {strides = array<i32>} : memref<32x512xi32, #tpu.memory_space<vmem>>, vector<16xi32>,
      %gather3A_1142 = tpu.vector_load_idx %arg18[%get3A_1141] : memref<64xf32, #tpu.memory_space<vmem>>[vector<16xi32>], vector<16xf32>,
      %mul3A_1143 = arith.mulf %mul3A_1138, %gather3A_1142 : vector<16xf32>
      %swap3A_1144 = arith.index_cast %select_n3A_1084 : i32 to index
      %swap3A_1145 = arith.index_cast %add3A_1125 : i32 to index
      %swap3A_1146 = tpu.vector_load %arg10[%swap3A_1144, %swap3A_1145] {strides = array<i32>} : memref<32x512xf32, #tpu.memory_space<vmem>>, vector<16xf32>,
      tpu.vector_store %arg10[%swap3A_1144, %swap3A_1145], %mul3A_1143 {strides = array<i32>} : memref<32x512xf32, #tpu.memory_space<vmem>>, vector<16xf32>,
      %add3A_1147 = arith.constant 32 : i32
      %add3A_1148 = arith.addi %select_n3A_1100, %add3A_1147 : i32
      %get3A_1149 = arith.index_cast %select_n3A_1084 : i32 to index
      %get3A_1150 = arith.index_cast %add3A_1148 : i32 to index
      %get3A_1151 = tpu.vector_load %arg10[%get3A_1149, %get3A_1150] {strides = array<i32>} : memref<32x512xf32, #tpu.memory_space<vmem>>, vector<16xf32>,
      %add3A_1152 = arith.constant 0.00999999977 : f32
      %add3A_1153 = vector.broadcast %add3A_1152 : f32 to vector<16xf32>
      %add3A_1154 = arith.addf %get3A_1151, %add3A_1153 : vector<16xf32>
      %get3A_1155 = arith.index_cast %select_n3A_1084 : i32 to index
      %get3A_1156 = arith.index_cast %add3A_1148 : i32 to index
      %get3A_1157 = tpu.vector_load %arg11[%get3A_1155, %get3A_1156] {strides = array<i32>} : memref<32x512xf32, #tpu.memory_space<vmem>>, vector<16xf32>,
      %add3A_1158 = arith.constant 0.00999999977 : f32
      %add3A_1159 = vector.broadcast %add3A_1158 : f32 to vector<16xf32>
      %add3A_1160 = arith.addf %get3A_1157, %add3A_1159 : vector<16xf32>
      %mul3A_1161 = arith.mulf %add3A_1154, %add3A_1160 : vector<16xf32>
      %get3A_1162 = arith.index_cast %select_n3A_1084 : i32 to index
      %get3A_1163 = arith.index_cast %add3A_1148 : i32 to index
      %get3A_1164 = tpu.vector_load %arg12[%get3A_1162, %get3A_1163] {strides = array<i32>} : memref<32x512xi32, #tpu.memory_space<vmem>>, vector<16xi32>,
      %gather3A_1165 = tpu.vector_load_idx %arg18[%get3A_1164] : memref<64xf32, #tpu.memory_space<vmem>>[vector<16xi32>], vector<16xf32>,
      %mul3A_1166 = arith.mulf %mul3A_1161, %gather3A_1165 : vector<16xf32>
      %swap3A_1167 = arith.index_cast %select_n3A_1084 : i32 to index
      %swap3A_1168 = arith.index_cast %add3A_1148 : i32 to index
      %swap3A_1169 = tpu.vector_load %arg10[%swap3A_1167, %swap3A_1168] {strides = array<i32>} : memref<32x512xf32, #tpu.memory_space<vmem>>, vector<16xf32>,
      tpu.vector_store %arg10[%swap3A_1167, %swap3A_1168], %mul3A_1166 {strides = array<i32>} : memref<32x512xf32, #tpu.memory_space<vmem>>, vector<16xf32>,
      %add3A_1170 = arith.constant 48 : i32
      %add3A_1171 = arith.addi %select_n3A_1100, %add3A_1170 : i32
      %get3A_1172 = arith.index_cast %select_n3A_1084 : i32 to index
      %get3A_1173 = arith.index_cast %add3A_1171 : i32 to index
      %get3A_1174 = tpu.vector_load %arg10[%get3A_1172, %get3A_1173] {strides = array<i32>} : memref<32x512xf32, #tpu.memory_space<vmem>>, vector<16xf32>,
      %add3A_1175 = arith.constant 0.00999999977 : f32
      %add3A_1176 = vector.broadcast %add3A_1175 : f32 to vector<16xf32>
      %add3A_1177 = arith.addf %get3A_1174, %add3A_1176 : vector<16xf32>
      %get3A_1178 = arith.index_cast %select_n3A_1084 : i32 to index
      %get3A_1179 = arith.index_cast %add3A_1171 : i32 to index
      %get3A_1180 = tpu.vector_load %arg11[%get3A_1178, %get3A_1179] {strides = array<i32>} : memref<32x512xf32, #tpu.memory_space<vmem>>, vector<16xf32>,
      %add3A_1181 = arith.constant 0.00999999977 : f32
      %add3A_1182 = vector.broadcast %add3A_1181 : f32 to vector<16xf32>
      %add3A_1183 = arith.addf %get3A_1180, %add3A_1182 : vector<16xf32>
      %mul3A_1184 = arith.mulf %add3A_1177, %add3A_1183 : vector<16xf32>
      %get3A_1185 = arith.index_cast %select_n3A_1084 : i32 to index
      %get3A_1186 = arith.index_cast %add3A_1171 : i32 to index
      %get3A_1187 = tpu.vector_load %arg12[%get3A_1185, %get3A_1186] {strides = array<i32>} : memref<32x512xi32, #tpu.memory_space<vmem>>, vector<16xi32>,
      %gather3A_1188 = tpu.vector_load_idx %arg18[%get3A_1187] : memref<64xf32, #tpu.memory_space<vmem>>[vector<16xi32>], vector<16xf32>,
      %mul3A_1189 = arith.mulf %mul3A_1184, %gather3A_1188 : vector<16xf32>
      %swap3A_1190 = arith.index_cast %select_n3A_1084 : i32 to index
      %swap3A_1191 = arith.index_cast %add3A_1171 : i32 to index
      %swap3A_1192 = tpu.vector_load %arg10[%swap3A_1190, %swap3A_1191] {strides = array<i32>} : memref<32x512xf32, #tpu.memory_space<vmem>>, vector<16xf32>,
      tpu.vector_store %arg10[%swap3A_1190, %swap3A_1191], %mul3A_1189 {strides = array<i32>} : memref<32x512xf32, #tpu.memory_space<vmem>>, vector<16xf32>,
      %scan3A_1193 = arith.constant 0 : i32
      scf.yield %scan3A_1193 : i32
    }
    %scan3A_1033 = arith.constant 256 : i32
    %add3A_1034 = arith.constant 96 : i32
    %add3A_1035 = arith.addi %mul3A_32, %add3A_1034 : i32
    %dma_start3A_1036 = arith.constant 0 : i32
    %dma_start3A_1037 = arith.constant 0 : i32
    %dma_start3A_1038 = tpu.memref_slice %arg6[%select_n3A, %dma_start3A_1036, %add3A_1035, %dma_start3A_1037] : memref<8x1x512x512xf32, #tpu.memory_space<hbm>> -> memref<1x1x32x512xf32, #tpu.memory_space<hbm>>
    %dma_start3A_1039 = tpu.memref_squeeze %dma_start3A_1038 : memref<1x1x32x512xf32, #tpu.memory_space<hbm>> -> memref<32x512xf32, #tpu.memory_space<hbm>>
    %dma_start3A_1040 = arith.constant 0 : i32
    %dma_start3A_1041 = tpu.memref_slice %arg6[%select_n3A, %dma_start3A_1036, %add3A_1035, %dma_start3A_1040] : memref<8x1x512x512xf32, #tpu.memory_space<hbm>> -> memref<1x1x32x512xf32, #tpu.memory_space<hbm>>
    %dma_start3A_1042 = tpu.memref_squeeze %dma_start3A_1041 : memref<1x1x32x512xf32, #tpu.memory_space<hbm>> -> memref<32x512xf32, #tpu.memory_space<hbm>>
    tpu.enqueue_dma source(%arg10 : memref<32x512xf32, #tpu.memory_space<vmem>>) target(%dma_start3A_1042 : memref<32x512xf32, #tpu.memory_space<hbm>>) target_semaphore(%arg22 : memref<!tpu.dma_semaphore, #tpu.memory_space<semaphore_mem>>)
    %dma_wait3A_1043 = arith.constant 0 : i32
    %dma_wait3A_1044 = arith.constant 0 : i32
    %dma_wait3A_1045 = tpu.memref_slice %arg6[%select_n3A, %dma_wait3A_1043, %add3A_999, %dma_wait3A_1044] : memref<8x1x512x512xf32, #tpu.memory_space<hbm>> -> memref<1x1x32x512xf32, #tpu.memory_space<hbm>>
    %dma_wait3A_1046 = tpu.memref_squeeze %dma_wait3A_1045 : memref<1x1x32x512xf32, #tpu.memory_space<hbm>> -> memref<32x512xf32, #tpu.memory_space<hbm>>
    %dma_wait3A_1047 = arith.constant 0 : i32
    %dma_wait3A_1048 = tpu.memref_slice %arg6[%select_n3A, %dma_wait3A_1043, %add3A_999, %dma_wait3A_1047] : memref<8x1x512x512xf32, #tpu.memory_space<hbm>> -> memref<1x1x32x512xf32, #tpu.memory_space<hbm>>
    %dma_wait3A_1049 = tpu.memref_squeeze %dma_wait3A_1048 : memref<1x1x32x512xf32, #tpu.memory_space<hbm>> -> memref<32x512xf32, #tpu.memory_space<hbm>>
    tpu.wait_dma2 semaphore(%arg21 : memref<!tpu.dma_semaphore, #tpu.memory_space<semaphore_mem>>) src(%arg7 : memref<32x512xf32, #tpu.memory_space<vmem>>) dst(%dma_wait3A_1049 : memref<32x512xf32, #tpu.memory_space<hbm>>)
    %dma_wait3A_1050 = arith.constant 0 : i32
    %dma_wait3A_1051 = arith.constant 0 : i32
    %dma_wait3A_1052 = tpu.memref_slice %arg6[%select_n3A, %dma_wait3A_1050, %add3A_1035, %dma_wait3A_1051] : memref<8x1x512x512xf32, #tpu.memory_space<hbm>> -> memref<1x1x32x512xf32, #tpu.memory_space<hbm>>
    %dma_wait3A_1053 = tpu.memref_squeeze %dma_wait3A_1052 : memref<1x1x32x512xf32, #tpu.memory_space<hbm>> -> memref<32x512xf32, #tpu.memory_space<hbm>>
    %dma_wait3A_1054 = arith.constant 0 : i32
    %dma_wait3A_1055 = tpu.memref_slice %arg6[%select_n3A, %dma_wait3A_1050, %add3A_1035, %dma_wait3A_1054] : memref<8x1x512x512xf32, #tpu.memory_space<hbm>> -> memref<1x1x32x512xf32, #tpu.memory_space<hbm>>
    %dma_wait3A_1056 = tpu.memref_squeeze %dma_wait3A_1055 : memref<1x1x32x512xf32, #tpu.memory_space<hbm>> -> memref<32x512xf32, #tpu.memory_space<hbm>>
    tpu.wait_dma2 semaphore(%arg22 : memref<!tpu.dma_semaphore, #tpu.memory_space<semaphore_mem>>) src(%arg10 : memref<32x512xf32, #tpu.memory_space<vmem>>) dst(%dma_wait3A_1056 : memref<32x512xf32, #tpu.memory_space<hbm>>)
    return
  }
}

</mosaic_0001>

<sc_bundles>
// kernel: kernel.3.cloned.1.call-start
scs
__scs_entry_jumppad:
0x0: {  	(pc) =	sbr.rel $0x88, $3  }
0x1: {  	(tag) =	ssettag $0x0;
	lr =	simm.s32 $0x1  }
0x2: {  	[smem:$0x3F9D] =	sst lr;
	_ =	strace $0xD0000000  }
0x3: {  	_ = 	snop  }
0x4: {  	_ = 	snop  }
0x5: {  	_ = 	snop  }
0x6: {  	_ = 	snop  }
0x7: {  	_ = 	snop  }
__scs_overlays_trampoline_lowered:
0x8: {  	[smem:$0x3FAC] =	sst s0  }
0x9: {  	[smem:$0x3FAD] =	sst s1  }
0xa: {  	[smem:$0x3FAE] =	sst s2  }
0xb: {  	[smem:$0x3FAF] =	sst s3  }
0xc: {  	[smem:$0x3FB0] =	sst s4  }
0xd: {  	[smem:$0x3FB1] =	sst s5  }
0xe: {  	[smem:$0x3FB2] =	sst s6  }
0xf: {  	[smem:$0x3FB3] =	sst s7  }
0x10: {  	[smem:$0x3FB4] =	sst s8  }
0x11: {  	[smem:$0x3FB5] =	sst s9;
	s0 =	simm.s32 @!p0 $0x0  }
0x12: {  	s1 =	sld [smem:$0x3F9B];
	s0 =	simm.s32 @p0 $0x1  }
0x13: {  	[smem:$0x3FB6] =	sst s0;
	s0 =	simm.s32 @!p1 $0x0  }
0x14: {  	s2 =	sld [smem:$0x3F9A];
	s0 =	simm.s32 @p1 $0x1  }
0x15: {  	[smem:$0x3FB7] =	sst s0;
	s0 =	simm.s32 @!p2 $0x0  }
0x16: {  	s3 =	sld [smem:$0x3FDB];
	s0 =	simm.s32 @p2 $0x1  }
0x17: {  	s4 =	simm.s32 $0x1BF5;
	[smem:$0x3FB9] =	sst s0  }
0x18: {  	s0 =	sld [smem:$0x3F9C];
	_ =	swait.ge [sflag:s4], $0x0  }
0x19: {  	s7 =	sld [smem:$0x3F9D]  }
0x1a: {  	s8 =	sadd.s32 $0xFFFFE003, lr  }
0x1b: {  	s9 =	sadd.s32 $0xFFFFFEF7, lr;
	s5 =	simm.s32 $0xFFFFFFFF;
	p2 =	slt.u32 s8, $0xFFFFF086  }
0x1c: {  	p1 =	slt.u32 s9, $0xF7A;
	s5 =	simm.s32 @!p2 $0x0  }
0x1d: {  	s5 =	simm.s32 @p1 $0x1;
	p0 =	seq.s32 s7, s2  }
0x1e: {  	s7 =	smul.u32 @!p0 $0xF7A, s2;
	p2 =	seq.s32 @!p0 s5, $0x0  }
0x1f: {  	s9 =	smul.u32 $0xF7A, s1;
	s8 =	simm.s32 @!p0 $0x1BF5;
	p2 =	por !p2, p0  }
0x20: {  	[sflag:s8] =	ssyncset.s32 @!p0 $0xFFFFF086;
	s6 =	sadd.s32 @!p0 s3, s7;
	s7 =	simm.s32 @!p0 $0x108  }
0x21: {  	s3 =	sadd.s32 s3, s9;
	s6 =	sadd.s32 @!p0 $0x88, s6;
	s7 =	simm.s32 @p2 $0x1082  }
0x22: {  	[simem:s7], [sflag:s8] =	dma.local @!p0 [hbm:s6], $0xF7A  }
0x23: {  	s9 =	sor.u32 $0xD0000000, s2;
	s6 =	simm.s32 $0x108;
	_ =	swait.ge @!p0 [sflag:s8], $0x0  }
0x24: {  	s3 =	sadd.s32 $0x88, s3;
	s6 =	simm.s32 @!p1 $0x1082;
	[sflag:s4] =	ssyncset.s32 $0xFFFFF086  }
0x25: {  	[simem:s6], [sflag:s4] =	dma.local [hbm:s3], $0xF7A  }
0x26: {  	[smem:$0x3F9D] =	sst s1;
	(tag) =	ssettag s2;
	_ =	strace s9  }
0x27: {  	s1 =	sld [smem:$0x3FAD]  }
0x28: {  	s2 =	sld [smem:$0x3FAE]  }
0x29: {  	s4 =	sld [smem:$0x3FB0]  }
0x2a: {  	p0 =	seq.s32 s5, $0x0;
	s5 =	sld [smem:$0x3FB1]  }
0x2b: {  	s6 =	sld [smem:$0x3FB2]  }
0x2c: {  	s7 =	sld [smem:$0x3FB3]  }
0x2d: {  	s3 =	simm.s32 $0x108;
	s8 =	sld [smem:$0x3FB4]  }
0x2e: {  	s3 =	simm.s32 @!p0 $0x1082;
	s9 =	sld [smem:$0x3FB5]  }
0x2f: {  	lr =	sadd.s32 s0, s3;
	s0 =	sld [smem:$0x3FAC]  }
0x30: {  	s3 =	sld [smem:$0x3FAF]  }
0x31: {  	[smem:$0x3FB8] =	sst s10  }
0x32: {  	s10 =	sld [smem:$0x3FB6];
	_ =	sdelay $0x3  }
0x33: {  	p0 =	seq.s32 s10, $0x1;
	s10 =	sld [smem:$0x3FB8];
	_ =	sdelay $0x3  }
0x34: {  	[smem:$0x3FB8] =	sst s10  }
0x35: {  	s10 =	sld [smem:$0x3FB7];
	_ =	sdelay $0x3  }
0x36: {  	p1 =	seq.s32 s10, $0x1;
	s10 =	sld [smem:$0x3FB8];
	_ =	sdelay $0x3  }
0x37: {  	[smem:$0x3FB8] =	sst s10  }
0x38: {  	s10 =	sld [smem:$0x3FB9]  }
0x39: {  	_ = 	snop;
	(pc) =	sbr.ind lr, $3  }
0x3a: {  	_ = 	snop  }
0x3b: {  	_ = 	snop  }
0x3c: {  	p2 =	seq.s32 s10, $0x1;
	s10 =	sld [smem:$0x3FB8]  }
0x3d: {  	_ =	shalt  }
0x3e: {  	_ =	shalt  }
0x3f: {  	_ =	shalt  }
0x40: {  	_ =	shalt  }
0x41: {  	_ =	shalt  }
0x42: {  	_ =	shalt  }
0x43: {  	_ =	shalt  }
0x44: {  	_ =	shalt  }
0x45: {  	_ =	shalt  }
0x46: {  	_ =	shalt  }
0x47: {  	_ =	shalt  }
0x48: {  	_ =	shalt  }
0x49: {  	_ =	shalt  }
0x4a: {  	_ =	shalt  }
0x4b: {  	_ =	shalt  }
0x4c: {  	_ =	shalt  }
0x4d: {  	_ =	shalt  }
0x4e: {  	_ =	shalt  }
0x4f: {  	_ =	shalt  }
0x50: {  	_ =	shalt  }
0x51: {  	_ =	shalt  }
0x52: {  	_ =	shalt  }
0x53: {  	_ =	shalt  }
0x54: {  	_ =	shalt  }
0x55: {  	_ =	shalt  }
0x56: {  	_ =	shalt  }
0x57: {  	_ =	shalt  }
0x58: {  	_ =	shalt  }
0x59: {  	_ =	shalt  }
0x5a: {  	_ =	shalt  }
0x5b: {  	_ =	shalt  }
0x5c: {  	_ =	shalt  }
0x5d: {  	_ =	shalt  }
0x5e: {  	_ =	shalt  }
0x5f: {  	_ =	shalt  }
0x60: {  	_ =	shalt  }
0x61: {  	_ =	shalt  }
0x62: {  	_ =	shalt  }
0x63: {  	_ =	shalt  }
0x64: {  	_ =	shalt  }
0x65: {  	_ =	shalt  }
0x66: {  	_ =	shalt  }
0x67: {  	_ =	shalt  }
0x68: {  	_ =	shalt  }
0x69: {  	_ =	shalt  }
0x6a: {  	_ =	shalt  }
0x6b: {  	_ =	shalt  }
0x6c: {  	_ =	shalt  }
0x6d: {  	_ =	shalt  }
0x6e: {  	_ =	shalt  }
0x6f: {  	_ =	shalt  }
0x70: {  	_ =	shalt  }
0x71: {  	_ =	shalt  }
0x72: {  	_ =	shalt  }
0x73: {  	_ =	shalt  }
0x74: {  	_ =	shalt  }
0x75: {  	_ =	shalt  }
0x76: {  	_ =	shalt  }
0x77: {  	_ =	shalt  }
0x78: {  	_ =	shalt  }
0x79: {  	_ =	shalt  }
0x7a: {  	_ =	shalt  }
0x7b: {  	_ =	shalt  }
0x7c: {  	_ =	shalt  }
0x7d: {  	_ =	shalt  }
0x7e: {  	_ =	shalt  }
0x7f: {  	_ =	shalt  }
0x80: {  	_ =	shalt  }
0x81: {  	_ =	shalt  }
0x82: {  	_ =	shalt  }
0x83: {  	_ =	shalt  }
0x84: {  	_ =	shalt  }
0x85: {  	_ =	shalt  }
0x86: {  	_ =	shalt  }
0x87: {  	_ =	shalt  }
.Lfunc_end0:
.L_simem_size_0:
called_computation_lowered:
.L_overlay_start_0:
0x88: {  	s2 =	sld [smem:$0x3FD9]  }
0x89: {  	s3 =	sld [smem:$0x3FFE];
	_ =	sdelay $0x1  }
0x8a: {  	s1 =	srdreg.scid  }
0x8b: {  	s0 =	sand.u32 $0x1, s1  }
0x8c: {  	s18 =	sshll.u32 s0, $0xA;
	s2 =	sadd.s32 s3, s2  }
0x8d: {  	s2 =	sadd.s32 s2, s18  }
0x8e: {  	[smem:$0x3FC4] =	sst s2  }
0x8f: {  	_ = 	snop  }
0x90: {  	s2 =	sld [smem:$0x3FC9]  }
0x91: {  	s19 =	sld [smem:$0x3FC8]  }
0x92: {  	s4 =	sld [smem:$0x3FC7]  }
0x93: {  	s5 =	sld [smem:$0x3FC6]  }
0x94: {  	s6 =	sld [smem:$0x3FD0];
	(tm) =	ssettm $0x1  }
0x95: {  	s7 =	sld [smem:$0x3FFB];
	_ =	sdelay $0x3  }
0x96: {  	_ =	strace s7  }
0x97: {  	s7 =	sld [smem:$0x3FFC];
	_ =	sdelay $0x3  }
0x98: {  	_ =	strace s7  }
0x99: {  	s7 =	sld [smem:$0x3FFD];
	_ =	sdelay $0x3  }
0x9a: {  	_ =	strace s7  }
0x9b: {  	_ =	strace $0x8FFFFFFF  }
0x9c: {  	s20 =	sld [smem:$0x3FDB];
	_ =	sdelay $0x1  }
0x9d: {  	s8 =	simm.s32 $_scs_section_size  }
0x9e: {  	s9 =	simm.s32 $_size__tile_overlayer_lowered;
	s10 =	simm.s32 $_tile_overlayer_lowered  }
0x9f: {  	s23 =	simm.s32 $0x1BFF;
	s22 =	sshll.u32 s10, $0x1;
	s7 =	sadd.s32 s8, s20  }
0xa0: {  	s11 =	simm.s32 $0x0;
	s21 =	sshll.u32 s9, $0x1;
	s9 =	sadd.s32 s22, s7  }
0xa1: {  	[timem:s11], [sflag:s23] =	dma.local [hbm:s9], s21  }
0xa2: {  	_ =	swait.ge [sflag:s23], s21  }
0xa3: {  	s8 =	ssub.s32 $0x0, s21;
	[sflag:s23] =	ssyncset.done $0x0  }
0xa4: {  	[sflag:s23] =	ssyncadd.s32 s8;
	_ =	sdelay $0x1  }
0xa5: {  	s24 =	simm.s32 $0x1B8B  }
0xa6: {  	_ =	swait.ge [sflag:s24], $0x1  }
0xa7: {  	[sflag:s24] =	ssyncset.done $0x0  }
0xa8: {  	s25 =	simm.s32 $0x1B8E;
	[sflag:s24] =	ssyncadd.s32 $0xFFFFFFFF  }
0xa9: {  	s26 =	simm.s32 $execute0_lowered;
	[smem:$0x3FD2] =	sst s25  }
0xaa: {  	s8 =	sshll.u32 s26, $0x1;
	_ =	strace $0x80000046;
	[dreg:$0x1] =	wrdreg $0xFFFFFFFF  }
0xab: {  	s28 =	simm.s32 $_size_execute0_lowered;
	s7 =	sadd.s32 s7, s8;
	[dreg:$0x0] =	wrdreg $0x0  }
0xac: {  	s8 =	sshll.u32 s28, $0x1;
	[dreg:$0x2] =	wrdreg s7  }
0xad: {  	[dreg:$0x3] =	wrdreg s8  }
0xae: {  	[dreg:$0x4] =	wrdreg $0xC0  }
0xaf: {  	_ =	task [dreg:s11], $0x5FFFF  }
0xb0: {  	[dreg:$0x1] =	wrdreg $0xFFFFFFFF  }
0xb1: {  	[dreg:$0x0] =	wrdreg $0x60  }
0xb2: {  	[dreg:$0x2] =	wrdreg s2  }
0xb3: {  	[dreg:$0x3] =	wrdreg s19  }
0xb4: {  	[dreg:$0x4] =	wrdreg s4  }
0xb5: {  	[dreg:$0x5] =	wrdreg s5  }
0xb6: {  	[dreg:$0x6] =	wrdreg s6  }
0xb7: {  	[dreg:$0x7] =	wrdreg $0x184800  }
0xb8: {  	[dreg:$0x8] =	wrdreg $0x9  }
0xb9: {  	_ =	task.clear_ibuf [dreg:s11], $0x9FFFF;
	_ =	strace $0x90000046  }
0xba: {  	s29 =	simm.s32 $0x9;
	_ =	strace $0x80000048  }
0xbb: {  	_ =	swait.ge [sflag:s29], $0x1  }
0xbc: {  	[sflag:s29] =	ssyncadd.s32 $0xFFFFFFFF  }
0xbd: {  	_ =	strace $0x90000048  }
0xbe: {  	_ =	sfence  }
0xbf: {  	s30 =	sld [smem:$0x0];
	_ =	sdelay $0x2  }
0xc0: {  	s31 =	sshll.u32 s1, $0xD;
	s1 =	sshrl.u32 s1, $0x2  }
0xc1: {  	s3 =	sand.u32 $0x4000, s31;
	s1 =	sadd.s32 s1, s30  }
0xc2: {  	s0 =	sor.u32 s3, s0;
	s1 =	sshll.u32 s1, $0x11  }
0xc3: {  	s0 =	sor.u32 s1, s0  }
0xc4: {  	s0 =	sadd.s32 $0x8F2B, s0  }
0xc5: {  	[sflag:s0] =	ssyncadd.remote.s32 $0x1  }
0xc6: {  	_ =	sfence.sel $0xFFFF  }
0xc7: {  	[dreg:$0x0] =	wrdreg $0xFFFFFFFF;
	(pc) =	sbr.abs _section_cstart, $3  }
0xc8: {  	[dreg:$0x1] =	wrdreg $0xFFFFFFFF  }
0xc9: {  	_ =	task.clear_ibuf [dreg:s11], $0x2FFFF;
	_ =	strace $0x9FFFFFFF  }
0xca: {  	(tm) =	ssettm $0x7FFFFFFF  }
0xcb: {  	_ =	shalt  }
tec
execute0_lowered:
.L_overlay_start_1:
0x0: {  	(tag) =	ssettag $0x1  }
0x1: {  	v0 =	vlaneseq.u32  }
0x2: {  	v1 =	vmul.u32 $0x10, v0  }
0x3: {  	s2 =	rddreg [dreg:$0x0];
	s0 =	srdreg.scid  }
0x4: {  	s15 =	rddreg [dreg:$0x1];
	s4 =	sand.u32 $0x1, s0;
	v3 =	vor.u32 $0x1, v1  }
0x5: {  	s1 =	rddreg [dreg:$0x2];
	s16 =	stileid.u32;
	s0 =	sshll.u32 s4, $0x4;
	[tilespmem:$0x1FF30] =	vst v3;
	v3 =	vor.u32 $0x2, v1  }
0x6: {  	s17 =	rddreg [dreg:$0x5];
	s6 =	sand.u32 $0x3, s16;
	s5 =	sor.u32 s16, s0;
	[tilespmem:$0x1FF40] =	vst v3;
	v3 =	vor.u32 $0x3, v1  }
0x7: {  	s7 =	simm.s32 $0x1;
	p1 =	sne.s32 s6, $0x0;
	p0 =	seq.s32 s5, $0x0;
	[tilespmem:$0x1FF50] =	vst v3;
	v3 =	vor.u32 $0x4, v1  }
0x8: {  	s3 =	simm.s32 $0x0;
	s28 =	simm.s32 $0x10000;
	p0 =	por !p1, !p0;
	[tilespmem:$0x1FF60] =	vst v3;
	v3 =	vor.u32 $0x5, v1  }
0x9: {  	s29 =	simm.s32 $0x14000;
	s30 =	simm.s32 $0x18000;
	p0 =	por !p0, !p0;
	[tilespmem:$0x1FF70] =	vst v3;
	v3 =	vor.u32 $0x6, v1  }
0xa: {  	v2 =	vimm.f32 $0.0e+00;
	s31 =	simm.s32 $0x2;
	s5 =	sshrl.u32 s5, $0x2;
	s7 =	simm.s32 @!p0 $0x0;
	[tilespmem:$0x1FF80] =	vst v3;
	v3 =	vor.u32 $0x7, v1  }
0xb: {  	[smem:$0x7FF] =	sst s3;
	s20 =	sshll.u32 s16, $0x6;
	v16 =	vor.u32 $0xE, v1;
	v17 =	vor.u32 $0xF, v1;
	s5 =	ssub.s32 s5, s7;
	[tilespmem:$0x1FF90] =	vst v3;
	v3 =	vor.u32 $0x8, v1  }
0xc: {  	s4 =	ssub.s32 $0x2, s4;
	s6 =	sshll.u32 s6, $0x10;
	v18 =	vor.u32 $0x100, v1;
	v19 =	vor.u32 $0x101, v1;
	s5 =	sshll.u32 s5, $0x12;
	[tilespmem:$0x1FFA0] =	vst v3;
	v3 =	vor.u32 $0x9, v1  }
0xd: {  	s21 =	sadd.s32 s20, s17;
	s22 =	sand.u32 $0x300, s20;
	v20 =	vor.u32 $0x102, v1;
	v21 =	vor.u32 $0x103, v1;
	s5 =	sor.u32 s6, s5;
	[tilespmem:$0x1FFB0] =	vst v3;
	v3 =	vor.u32 $0xA, v1  }
0xe: {  	s0 =	rddreg [dreg:$0x4];
	s23 =	sshrl.u32 s4, $0x1;
	v22 =	vor.u32 $0x104, v1;
	v23 =	vor.u32 $0x105, v1;
	s5 =	sshrl.u32 s5, $0x3;
	[tilespmem:$0x1FFC0] =	vst v3;
	v3 =	vor.u32 $0xB, v1  }
0xf: {  	v24 =	vor.u32 $0x106, v1;
	v25 =	vor.u32 $0x107, v1;
	s6 =	ssub.s32 s4, s23;
	s4 =	simm.s32 $0x1;
	s24 =	sadd.s32 s2, s5;
	[tilespmem:$0x1FFD0] =	vst v3;
	v3 =	vor.u32 $0xC, v1  }
0x10: {  	v26 =	vor.u32 $0x108, v1;
	v27 =	vor.u32 $0x109, v1;
	s25 =	sadd.s32 s15, s5;
	s26 =	sor.u32 $0x800, s5;
	s8 =	sadd.s32 s1, s5;
	[tilespmem:$0x1FFE0] =	vst v3;
	v3 =	vor.u32 $0xD, v1  }
0x11: {  	v28 =	vor.u32 $0x10A, v1;
	v29 =	vor.u32 $0x10B, v1;
	v30 =	vor.u32 $0x10C, v1;
	s18 =	sor.u32 $0x1000, s5;
	s19 =	sor.u32 $0x1800, s5;
	s23 =	sadd.s32 s0, s5;
	[tilespmem:$0x1FFF0] =	vst v3  }
0x12: {  	v31 =	vor.u32 $0x10D, v1;
	v32 =	vor.u32 $0x10E, v1;
	v33 =	vor.u32 $0x10F, v1;
	s9 =	sadd.s32 s15, s26;
	_ =	strace $0x80000047;
	[dreg:$0x7] =	wrdreg s24  }
0x13: {  	v34 =	vor.u32 $0x200, v1;
	v35 =	vor.u32 $0x201, v1;
	v36 =	vor.u32 $0x202, v1;
	s10 =	sadd.s32 s1, s26;
	s11 =	sadd.s32 s2, s18;
	[dreg:$0x8] =	wrdreg s25  }
0x14: {  	v37 =	vor.u32 $0x203, v1;
	v38 =	vor.u32 $0x204, v1;
	v39 =	vor.u32 $0x205, v1;
	s12 =	sadd.s32 s15, s18;
	s13 =	sadd.s32 s1, s18;
	[dreg:$0x9] =	wrdreg s8  }
0x15: {  	v40 =	vor.u32 $0x206, v1;
	v41 =	vor.u32 $0x207, v1;
	v42 =	vor.u32 $0x208, v1;
	s16 =	sadd.s32 s1, s19;
	s1 =	sadd.s32 s22, s17;
	[dreg:$0xa] =	wrdreg s21  }
0x16: {  	v43 =	vor.u32 $0x209, v1;
	v44 =	vor.u32 $0x20A, v1;
	v45 =	vor.u32 $0x20B, v1;
	s14 =	sadd.s32 s2, s19;
	s15 =	sadd.s32 s15, s19;
	[dreg:$0xb] =	wrdreg s1  }
0x17: {  	v46 =	vor.u32 $0x20C, v1;
	v47 =	vor.u32 $0x20D, v1;
	v48 =	vor.u32 $0x20E, v1;
	s17 =	simm.s32 $0x4;
	[dreg:$0xc] =	wrdreg s23;
	s24 =	sadd.s32 s0, s26  }
0x18: {  	v49 =	vor.u32 $0x20F, v1;
	v50 =	vor.u32 $0x300, v1;
	v51 =	vor.u32 $0x301, v1;
	s8 =	sadd.s32 s2, s26;
	s25 =	sadd.s32 s0, s18;
	[dreg:$0xd] =	wrdreg s24  }
0x19: {  	v52 =	vor.u32 $0x302, v1;
	v53 =	vor.u32 $0x303, v1;
	v54 =	vor.u32 $0x304, v1;
	s0 =	sadd.s32 s0, s19;
	s26 =	smax.u32 s6, $0x1;
	[dreg:$0xe] =	wrdreg s25  }
0x1a: {  	v55 =	vor.u32 $0x305, v1;
	v56 =	vor.u32 $0x306, v1;
	v57 =	vor.u32 $0x307, v1;
	s1 =	simm.s32 $0x18640;
	s2 =	simm.s32 $0x3;
	[dreg:$0xf] =	wrdreg s0  }
0x1b: {  	v58 =	vor.u32 $0x308, v1;
	v59 =	vor.u32 $0x309, v1;
	v60 =	vor.u32 $0x30A, v1;
	s18 =	simm.s32 $0x0;
	[dreg:$0x10] =	wrdreg s26;
	s24 =	simm.s32 $0x4000  }
0x1c: {  	v61 =	vor.u32 $0x30B, v1;
	v62 =	vor.u32 $0x30C, v1;
	v63 =	vor.u32 $0x30D, v1;
	s25 =	simm.s32 $0x8000;
	s26 =	simm.s32 $0xC000;
	s0 =	simm.s32 $0x5  }
.LBB2_1:
0x1d: {  	[tilespmem:$0x18000] =	vst v2  }
0x1e: {  	[tilespmem:$0x18010] =	vst v2  }
0x1f: {  	[tilespmem:$0x18020] =	vst v2  }
0x20: {  	[tilespmem:$0x18030] =	vst v2  }
0x21: {  	[tilespmem:$0x18040] =	vst v2  }
0x22: {  	[tilespmem:$0x18050] =	vst v2  }
0x23: {  	[tilespmem:$0x18060] =	vst v2  }
0x24: {  	[tilespmem:$0x18070] =	vst v2  }
0x25: {  	[tilespmem:$0x18080] =	vst v2  }
0x26: {  	[tilespmem:$0x18090] =	vst v2  }
0x27: {  	[tilespmem:$0x180A0] =	vst v2  }
0x28: {  	[tilespmem:$0x180B0] =	vst v2  }
0x29: {  	[tilespmem:$0x180C0] =	vst v2  }
0x2a: {  	[tilespmem:$0x180D0] =	vst v2  }
0x2b: {  	[tilespmem:$0x180E0] =	vst v2  }
0x2c: {  	[tilespmem:$0x180F0] =	vst v2  }
0x2d: {  	[tilespmem:$0x18100] =	vst v2  }
0x2e: {  	[tilespmem:$0x18110] =	vst v2  }
0x2f: {  	[tilespmem:$0x18120] =	vst v2  }
0x30: {  	[tilespmem:$0x18130] =	vst v2  }
0x31: {  	[tilespmem:$0x18140] =	vst v2  }
0x32: {  	[tilespmem:$0x18150] =	vst v2  }
0x33: {  	[tilespmem:$0x18160] =	vst v2  }
0x34: {  	[tilespmem:$0x18170] =	vst v2  }
0x35: {  	[tilespmem:$0x18180] =	vst v2  }
0x36: {  	[tilespmem:$0x18190] =	vst v2  }
0x37: {  	[tilespmem:$0x181A0] =	vst v2  }
0x38: {  	[tilespmem:$0x181B0] =	vst v2  }
0x39: {  	[tilespmem:$0x181C0] =	vst v2  }
0x3a: {  	[tilespmem:$0x181D0] =	vst v2  }
0x3b: {  	[tilespmem:$0x181E0] =	vst v2  }
0x3c: {  	[tilespmem:$0x181F0] =	vst v2  }
0x3d: {  	[tilespmem:$0x18200] =	vst v2  }
0x3e: {  	[tilespmem:$0x18210] =	vst v2  }
0x3f: {  	[tilespmem:$0x18220] =	vst v2  }
0x40: {  	[tilespmem:$0x18230] =	vst v2  }
0x41: {  	[tilespmem:$0x18240] =	vst v2  }
0x42: {  	[tilespmem:$0x18250] =	vst v2  }
0x43: {  	[tilespmem:$0x18260] =	vst v2  }
0x44: {  	[tilespmem:$0x18270] =	vst v2  }
0x45: {  	[tilespmem:$0x18280] =	vst v2  }
0x46: {  	[tilespmem:$0x18290] =	vst v2  }
0x47: {  	[tilespmem:$0x182A0] =	vst v2  }
0x48: {  	[tilespmem:$0x182B0] =	vst v2  }
0x49: {  	[tilespmem:$0x182C0] =	vst v2  }
0x4a: {  	[tilespmem:$0x182D0] =	vst v2  }
0x4b: {  	[tilespmem:$0x182E0] =	vst v2  }
0x4c: {  	[tilespmem:$0x182F0] =	vst v2  }
0x4d: {  	[tilespmem:$0x18300] =	vst v2  }
0x4e: {  	[tilespmem:$0x18310] =	vst v2  }
0x4f: {  	[tilespmem:$0x18320] =	vst v2  }
0x50: {  	[tilespmem:$0x18330] =	vst v2  }
0x51: {  	[tilespmem:$0x18340] =	vst v2  }
0x52: {  	[tilespmem:$0x18350] =	vst v2  }
0x53: {  	[tilespmem:$0x18360] =	vst v2  }
0x54: {  	[tilespmem:$0x18370] =	vst v2  }
0x55: {  	[tilespmem:$0x18380] =	vst v2  }
0x56: {  	[tilespmem:$0x18390] =	vst v2  }
0x57: {  	[tilespmem:$0x183A0] =	vst v2  }
0x58: {  	[tilespmem:$0x183B0] =	vst v2  }
0x59: {  	[tilespmem:$0x183C0] =	vst v2  }
0x5a: {  	[tilespmem:$0x183D0] =	vst v2  }
0x5b: {  	[tilespmem:$0x183E0] =	vst v2  }
0x5c: {  	[tilespmem:$0x183F0] =	vst v2;
	s5 =	rddreg [dreg:$0x7]  }
0x5d: {  	[tilespmem:s3], [sflag:$0x1] =	stream.linear.gather [hbm4b:s5+s3], $0x4000, $0x38;
	[tilespmem:$0x186C0] =	vst v63  }
0x5e: {  	s19 =	rddreg [dreg:$0x8]  }
0x5f: {  	[tilespmem:s24], [sflag:$0x1] =	stream.linear.gather [hbm4b:s19+s3], $0x4000, $0x38;
	[tilespmem:$0x186C0] =	vst v63  }
0x60: {  	s20 =	rddreg [dreg:$0x9]  }
0x61: {  	[tilespmem:s25], [sflag:$0x1] =	stream.linear.gather [hbm4b:s20+s3], $0x4000, $0x38;
	[tilespmem:$0x186C0] =	vst v63  }
0x62: {  	_ = 	snop  }
0x63: {  	[tilespmem:s26], [sflag:$0x2] =	stream.linear.gather [hbm4b:s8+s3], $0x4000, $0x38;
	[tilespmem:$0x186C0] =	vst v63  }
0x64: {  	_ = 	snop  }
0x65: {  	[tilespmem:s28], [sflag:$0x2] =	stream.linear.gather [hbm4b:s9+s3], $0x4000, $0x38;
	[tilespmem:$0x186C0] =	vst v63  }
0x66: {  	_ = 	snop  }
0x67: {  	[tilespmem:s29], [sflag:$0x2] =	stream.linear.gather [hbm4b:s10+s3], $0x4000, $0x38;
	[tilespmem:$0x186C0] =	vst v63  }
0x68: {  	_ =	swait.ge [sflag:s4], $0x4000  }
0x69: {  	[sflag:s4] =	ssyncset.done $0x0  }
0x6a: {  	[sflag:s4] =	ssyncadd.s32 $0xFFFFC000  }
0x6b: {  	_ =	swait.ge [sflag:s4], $0x4000  }
0x6c: {  	s21 =	sand.u32 $0x40, s3;
	s6 =	simm.s32 $0x0;
	[sflag:s4] =	ssyncset.done $0x0  }
0x6d: {  	s7 =	sand.u32 $0xC00, s3;
	s6 =	sand.u32 $0x3000, s6;
	[sflag:s4] =	ssyncadd.s32 $0xFFFFC000  }
0x6e: {  	s5 =	sor.u32 s21, s7;
	s19 =	simm.s32 $0x0;
	_ =	swait.ge [sflag:s4], $0x4000  }
0x6f: {  	s5 =	sor.u32 s6, s5;
	s22 =	sand.u32 $0x380, s19;
	[sflag:s4] =	ssyncset.done $0x0  }
0x70: {  	s5 =	sor.u32 s22, s5;
	[sflag:s4] =	ssyncadd.s32 $0xFFFFC000  }
0x71: {  	v3 =	vld [tilespmem:s5+$0x8000]  }
0x72: {  	v4 =	vld [tilespmem:s5+$0x4000]  }
0x73: {  	v5 =	vld [tilespmem:s5+$0x0];
	_ =	sdelay $0x2  }
0x74: {  	v3 =	vshll.u32 v3, $0x4  }
0x75: {  	v3 =	vor.u32 v0, v3  }
0x76: {  	v5 =	vadd.f32 $9.999999770e-03, v5;
	v4 =	vadd.f32 $9.999999770e-03, v4;
	_ =	sdelay $0x1  }
0x77: {  	v4 =	vmul.f32 v4, v5;
	_ =	sdelay $0x1  }
0x78: {  	[tilespmem:v3+s30+$0x0] =	vst.idx.add.f32.msk $0xffff, v4  }
0x79: {  	v3 =	vld [tilespmem:s5+$0x8010]  }
0x7a: {  	v4 =	vld [tilespmem:s5+$0x4010]  }
0x7b: {  	v5 =	vld [tilespmem:s5+$0x10];
	_ =	sdelay $0x2  }
0x7c: {  	v3 =	vshll.u32 v3, $0x4  }
0x7d: {  	v3 =	vor.u32 v0, v3  }
0x7e: {  	v4 =	vadd.f32 $9.999999770e-03, v4;
	v5 =	vadd.f32 $9.999999770e-03, v5;
	_ =	sdelay $0x1  }
0x7f: {  	v4 =	vmul.f32 v4, v5;
	_ =	sdelay $0x1  }
0x80: {  	[tilespmem:v3+s30+$0x0] =	vst.idx.add.f32.msk $0xffff, v4  }
0x81: {  	v3 =	vld [tilespmem:s5+$0x8020]  }
0x82: {  	v4 =	vld [tilespmem:s5+$0x20]  }
0x83: {  	v5 =	vld [tilespmem:s5+$0x4020];
	_ =	sdelay $0x2  }
0x84: {  	v3 =	vshll.u32 v3, $0x4  }
0x85: {  	v3 =	vor.u32 v0, v3  }
0x86: {  	v4 =	vadd.f32 $9.999999770e-03, v4;
	v5 =	vadd.f32 $9.999999770e-03, v5;
	_ =	sdelay $0x1  }
0x87: {  	v4 =	vmul.f32 v5, v4;
	_ =	sdelay $0x1  }
0x88: {  	[tilespmem:v3+s30+$0x0] =	vst.idx.add.f32.msk $0xffff, v4  }
0x89: {  	v3 =	vld [tilespmem:s5+$0x30]  }
0x8a: {  	v4 =	vld [tilespmem:s5+$0x8030]  }
0x8b: {  	v5 =	vld [tilespmem:s5+$0x4030];
	_ =	sdelay $0x2  }
0x8c: {  	s23 =	simm.s32 $0x40;
	s19 =	simm.s32 $0x40;
	s20 =	simm.s32 $0x200  }
0x8d: {  	s7 =	simm.s32 $0x10;
	s21 =	sand.u32 $0x40, s19;
	s22 =	sand.u32 $0xC00, s20;
	v6 =	vshll.u32 v4, $0x4  }
0x8e: {  	s6 =	sand.u32 $0x3000, s23;
	s22 =	sor.u32 s21, s22;
	s5 =	simm.s32 $0x2;
	v4 =	vadd.f32 $9.999999770e-03, v3;
	v5 =	vadd.f32 $9.999999770e-03, v5;
	v3 =	vor.u32 v0, v6  }
.LBB2_2:
0x8f: {  	s7 =	sand.u32 $0x380, s7  }
0x90: {  	s6 =	sor.u32 s6, s22;
	v4 =	vmul.f32 v5, v4;
	s22 =	smov.u32 s5;
	s21 =	sadd.s32 $0x1, s5  }
0x91: {  	p0 =	sne.s32 s5, $0xFF;
	s23 =	sor.u32 s7, s6;
	_ =	sdelay $0x1  }
0x92: {  	[tilespmem:v3+s30+$0x0] =	vst.idx.add.f32.msk $0xffff, v4  }
0x93: {  	v3 =	vld [tilespmem:s23+$0x8000]  }
0x94: {  	v4 =	vld [tilespmem:s23+$0x4000]  }
0x95: {  	v5 =	vld [tilespmem:s23+$0x0];
	_ =	sdelay $0x2  }
0x96: {  	v3 =	vshll.u32 v3, $0x4  }
0x97: {  	v3 =	vor.u32 v0, v3  }
0x98: {  	v4 =	vadd.f32 $9.999999770e-03, v4;
	v5 =	vadd.f32 $9.999999770e-03, v5;
	_ =	sdelay $0x1  }
0x99: {  	v4 =	vmul.f32 v4, v5;
	_ =	sdelay $0x1  }
0x9a: {  	[tilespmem:v3+s30+$0x0] =	vst.idx.add.f32.msk $0xffff, v4  }
0x9b: {  	v3 =	vld [tilespmem:s23+$0x8010]  }
0x9c: {  	v4 =	vld [tilespmem:s23+$0x4010]  }
0x9d: {  	v5 =	vld [tilespmem:s23+$0x10];
	_ =	sdelay $0x2  }
0x9e: {  	v3 =	vshll.u32 v3, $0x4  }
0x9f: {  	v4 =	vadd.f32 $9.999999770e-03, v4;
	v3 =	vor.u32 v0, v3  }
0xa0: {  	v5 =	vadd.f32 $9.999999770e-03, v5;
	_ =	sdelay $0x1  }
0xa1: {  	v4 =	vmul.f32 v4, v5;
	_ =	sdelay $0x1  }
0xa2: {  	[tilespmem:v3+s30+$0x0] =	vst.idx.add.f32.msk $0xffff, v4  }
0xa3: {  	v3 =	vld [tilespmem:s23+$0x8020]  }
0xa4: {  	v4 =	vld [tilespmem:s23+$0x20]  }
0xa5: {  	v5 =	vld [tilespmem:s23+$0x4020];
	_ =	sdelay $0x2  }
0xa6: {  	v3 =	vshll.u32 v3, $0x4  }
0xa7: {  	v4 =	vadd.f32 $9.999999770e-03, v4;
	v3 =	vor.u32 v0, v3  }
0xa8: {  	v5 =	vadd.f32 $9.999999770e-03, v5;
	_ =	sdelay $0x1  }
0xa9: {  	v4 =	vmul.f32 v5, v4;
	_ =	sdelay $0x1  }
0xaa: {  	[tilespmem:v3+s30+$0x0] =	vst.idx.add.f32.msk $0xffff, v4  }
0xab: {  	v3 =	vld [tilespmem:s23+$0x30]  }
0xac: {  	v4 =	vld [tilespmem:s23+$0x8030]  }
0xad: {  	v5 =	vld [tilespmem:s23+$0x4030];
	_ =	sdelay $0x1  }
.Ltmp0:
0xae: {  	(pc) =	sbr.rel @p0 .LBB2_2-.Ltmp0, $4  }
0xaf: {  	s19 =	sadd.s32 $0x40, s19  }
0xb0: {  	s20 =	sadd.s32 $0x200, s20;
	s5 =	sand.u32 $0x40, s19;
	v6 =	vshll.u32 v4, $0x4  }
0xb1: {  	s6 =	sshll.u32 s22, $0x6;
	s7 =	sshll.u32 s22, $0x4;
	s23 =	sand.u32 $0xC00, s20;
	v4 =	vadd.f32 $9.999999770e-03, v3;
	v5 =	vadd.f32 $9.999999770e-03, v5;
	v3 =	vor.u32 v0, v6  }
0xb2: {  	s6 =	sand.u32 $0x3000, s6;
	s22 =	sor.u32 s5, s23;
	s5 =	smov.u32 s21  }
0xb3: {  	_ =	sdelay $0x1  }
0xb4: {  	v4 =	vmul.f32 v5, v4  }
0xb5: {  	s5 =	sand.u32 $0x380, s7;
	s6 =	sor.u32 s6, s22  }
0xb6: {  	s5 =	sor.u32 s5, s6;
	[tilespmem:v3+s30+$0x0] =	vst.idx.add.f32.msk $0xffff, v4  }
0xb7: {  	v3 =	vld [tilespmem:s5+$0x8000]  }
0xb8: {  	v4 =	vld [tilespmem:s5+$0x4000]  }
0xb9: {  	v5 =	vld [tilespmem:s5+$0x0];
	_ =	sdelay $0x2  }
0xba: {  	v3 =	vshll.u32 v3, $0x4  }
0xbb: {  	v3 =	vor.u32 v0, v3  }
0xbc: {  	v5 =	vadd.f32 $9.999999770e-03, v5;
	v4 =	vadd.f32 $9.999999770e-03, v4;
	_ =	sdelay $0x1  }
0xbd: {  	v4 =	vmul.f32 v4, v5;
	_ =	sdelay $0x1  }
0xbe: {  	[tilespmem:v3+s30+$0x0] =	vst.idx.add.f32.msk $0xffff, v4  }
0xbf: {  	v3 =	vld [tilespmem:s5+$0x8010]  }
0xc0: {  	v4 =	vld [tilespmem:s5+$0x4010]  }
0xc1: {  	v5 =	vld [tilespmem:s5+$0x10];
	_ =	sdelay $0x2  }
0xc2: {  	v3 =	vshll.u32 v3, $0x4  }
0xc3: {  	v3 =	vor.u32 v0, v3  }
0xc4: {  	v4 =	vadd.f32 $9.999999770e-03, v4;
	v5 =	vadd.f32 $9.999999770e-03, v5;
	_ =	sdelay $0x1  }
0xc5: {  	v4 =	vmul.f32 v4, v5;
	_ =	sdelay $0x1  }
0xc6: {  	[tilespmem:v3+s30+$0x0] =	vst.idx.add.f32.msk $0xffff, v4  }
0xc7: {  	v3 =	vld [tilespmem:s5+$0x8020]  }
0xc8: {  	v4 =	vld [tilespmem:s5+$0x20]  }
0xc9: {  	v5 =	vld [tilespmem:s5+$0x4020];
	_ =	sdelay $0x2  }
0xca: {  	v3 =	vshll.u32 v3, $0x4  }
0xcb: {  	v3 =	vor.u32 v0, v3  }
0xcc: {  	v4 =	vadd.f32 $9.999999770e-03, v4;
	v5 =	vadd.f32 $9.999999770e-03, v5;
	_ =	sdelay $0x1  }
0xcd: {  	v4 =	vmul.f32 v5, v4;
	_ =	sdelay $0x1  }
0xce: {  	[tilespmem:v3+s30+$0x0] =	vst.idx.add.f32.msk $0xffff, v4  }
0xcf: {  	v3 =	vld [tilespmem:s5+$0x8030]  }
0xd0: {  	v4 =	vld [tilespmem:s5+$0x30]  }
0xd1: {  	v5 =	vld [tilespmem:s5+$0x4030];
	_ =	sdelay $0x2  }
0xd2: {  	v3 =	vshll.u32 v3, $0x4  }
0xd3: {  	v3 =	vor.u32 v0, v3  }
0xd4: {  	v4 =	vadd.f32 $9.999999770e-03, v4;
	v5 =	vadd.f32 $9.999999770e-03, v5;
	_ =	sdelay $0x1  }
0xd5: {  	v4 =	vmul.f32 v5, v4;
	_ =	sdelay $0x1  }
0xd6: {  	s22 =	simm.s32 $0x0;
	[tilespmem:v3+s30+$0x0] =	vst.idx.add.f32.msk $0xffff, v4  }
0xd7: {  	[tilespmem:s22], [sflag:$0x1] =	stream.linear.gather [hbm4b:s11+s22], $0x4000, $0x38;
	[tilespmem:$0x186C0] =	vst v63  }
0xd8: {  	_ = 	snop  }
0xd9: {  	[tilespmem:s24], [sflag:$0x1] =	stream.linear.gather [hbm4b:s12+s22], $0x4000, $0x38;
	[tilespmem:$0x186C0] =	vst v63  }
0xda: {  	_ = 	snop  }
0xdb: {  	[tilespmem:s25], [sflag:$0x1] =	stream.linear.gather [hbm4b:s13+s22], $0x4000, $0x38;
	[tilespmem:$0x186C0] =	vst v63  }
0xdc: {  	_ =	swait.ge [sflag:s31], $0x4000  }
0xdd: {  	[sflag:s31] =	ssyncset.done $0x0  }
0xde: {  	[sflag:s31] =	ssyncadd.s32 $0xFFFFC000  }
0xdf: {  	_ =	swait.ge [sflag:s31], $0x4000  }
0xe0: {  	s20 =	simm.s32 $0x0;
	s19 =	simm.s32 $0x0;
	[sflag:s31] =	ssyncset.done $0x0  }
0xe1: {  	s23 =	sand.u32 $0x40, s22;
	s5 =	sand.u32 $0xC00, s22;
	[sflag:s31] =	ssyncadd.s32 $0xFFFFC000  }
0xe2: {  	s7 =	sand.u32 $0x3000, s20;
	s5 =	sor.u32 s23, s5;
	_ =	swait.ge [sflag:s31], $0x4000  }
0xe3: {  	s21 =	sand.u32 $0x380, s19;
	s5 =	sor.u32 s7, s5;
	[sflag:s31] =	ssyncset.done $0x0  }
0xe4: {  	s5 =	sor.u32 s21, s5;
	[sflag:s31] =	ssyncadd.s32 $0xFFFFC000  }
0xe5: {  	v3 =	vld [tilespmem:s5+$0x14000]  }
0xe6: {  	v4 =	vld [tilespmem:s5+$0x10000]  }
0xe7: {  	v5 =	vld [tilespmem:s5+$0xC000];
	_ =	sdelay $0x2  }
0xe8: {  	v3 =	vshll.u32 v3, $0x4  }
0xe9: {  	v3 =	vor.u32 v0, v3  }
0xea: {  	v5 =	vadd.f32 $9.999999770e-03, v5;
	v4 =	vadd.f32 $9.999999770e-03, v4;
	_ =	sdelay $0x1  }
0xeb: {  	v4 =	vmul.f32 v4, v5;
	_ =	sdelay $0x1  }
0xec: {  	[tilespmem:v3+s30+$0x0] =	vst.idx.add.f32.msk $0xffff, v4  }
0xed: {  	v3 =	vld [tilespmem:s5+$0x14010]  }
0xee: {  	v4 =	vld [tilespmem:s5+$0x10010]  }
0xef: {  	v5 =	vld [tilespmem:s5+$0xC010];
	_ =	sdelay $0x2  }
0xf0: {  	v3 =	vshll.u32 v3, $0x4  }
0xf1: {  	v3 =	vor.u32 v0, v3  }
0xf2: {  	v4 =	vadd.f32 $9.999999770e-03, v4;
	v5 =	vadd.f32 $9.999999770e-03, v5;
	_ =	sdelay $0x1  }
0xf3: {  	v4 =	vmul.f32 v4, v5;
	_ =	sdelay $0x1  }
0xf4: {  	[tilespmem:v3+s30+$0x0] =	vst.idx.add.f32.msk $0xffff, v4  }
0xf5: {  	v3 =	vld [tilespmem:s5+$0x14020]  }
0xf6: {  	v4 =	vld [tilespmem:s5+$0xC020]  }
0xf7: {  	v5 =	vld [tilespmem:s5+$0x10020];
	_ =	sdelay $0x2  }
0xf8: {  	v3 =	vshll.u32 v3, $0x4  }
0xf9: {  	v3 =	vor.u32 v0, v3  }
0xfa: {  	v4 =	vadd.f32 $9.999999770e-03, v4;
	v5 =	vadd.f32 $9.999999770e-03, v5;
	_ =	sdelay $0x1  }
0xfb: {  	v4 =	vmul.f32 v5, v4;
	_ =	sdelay $0x1  }
0xfc: {  	[tilespmem:v3+s30+$0x0] =	vst.idx.add.f32.msk $0xffff, v4  }
0xfd: {  	v3 =	vld [tilespmem:s5+$0xC030]  }
0xfe: {  	v4 =	vld [tilespmem:s5+$0x14030]  }
0xff: {  	v5 =	vld [tilespmem:s5+$0x10030];
	_ =	sdelay $0x1  }
0x100: {  	s20 =	simm.s32 $0x200  }
0x101: {  	s19 =	simm.s32 $0x40;
	s23 =	sand.u32 $0xC00, s20  }
0x102: {  	s7 =	simm.s32 $0x10;
	s21 =	sand.u32 $0x40, s19;
	s22 =	simm.s32 $0x40;
	v6 =	vshll.u32 v4, $0x4  }
0x103: {  	s6 =	sand.u32 $0x3000, s22;
	s22 =	sor.u32 s21, s23;
	s5 =	simm.s32 $0x2;
	v4 =	vadd.f32 $9.999999770e-03, v3;
	v5 =	vadd.f32 $9.999999770e-03, v5;
	v3 =	vor.u32 v0, v6  }
.LBB2_4:
0x104: {  	s7 =	sand.u32 $0x380, s7  }
0x105: {  	s6 =	sor.u32 s6, s22;
	v4 =	vmul.f32 v5, v4;
	s22 =	smov.u32 s5;
	s21 =	sadd.s32 $0x1, s5  }
0x106: {  	p0 =	sne.s32 s5, $0xFF;
	s23 =	sor.u32 s7, s6;
	_ =	sdelay $0x1  }
0x107: {  	[tilespmem:v3+s30+$0x0] =	vst.idx.add.f32.msk $0xffff, v4  }
0x108: {  	v3 =	vld [tilespmem:s23+$0x14000]  }
0x109: {  	v4 =	vld [tilespmem:s23+$0x10000]  }
0x10a: {  	v5 =	vld [tilespmem:s23+$0xC000];
	_ =	sdelay $0x2  }
0x10b: {  	v3 =	vshll.u32 v3, $0x4  }
0x10c: {  	v3 =	vor.u32 v0, v3  }
0x10d: {  	v4 =	vadd.f32 $9.999999770e-03, v4;
	v5 =	vadd.f32 $9.999999770e-03, v5;
	_ =	sdelay $0x1  }
0x10e: {  	v4 =	vmul.f32 v4, v5;
	_ =	sdelay $0x1  }
0x10f: {  	[tilespmem:v3+s30+$0x0] =	vst.idx.add.f32.msk $0xffff, v4  }
0x110: {  	v3 =	vld [tilespmem:s23+$0x14010]  }
0x111: {  	v4 =	vld [tilespmem:s23+$0x10010]  }
0x112: {  	v5 =	vld [tilespmem:s23+$0xC010];
	_ =	sdelay $0x2  }
0x113: {  	v3 =	vshll.u32 v3, $0x4  }
0x114: {  	v4 =	vadd.f32 $9.999999770e-03, v4;
	v3 =	vor.u32 v0, v3  }
0x115: {  	v5 =	vadd.f32 $9.999999770e-03, v5;
	_ =	sdelay $0x1  }
0x116: {  	v4 =	vmul.f32 v4, v5;
	_ =	sdelay $0x1  }
0x117: {  	[tilespmem:v3+s30+$0x0] =	vst.idx.add.f32.msk $0xffff, v4  }
0x118: {  	v3 =	vld [tilespmem:s23+$0x14020]  }
0x119: {  	v4 =	vld [tilespmem:s23+$0xC020]  }
0x11a: {  	v5 =	vld [tilespmem:s23+$0x10020];
	_ =	sdelay $0x2  }
0x11b: {  	v3 =	vshll.u32 v3, $0x4  }
0x11c: {  	v4 =	vadd.f32 $9.999999770e-03, v4;
	v3 =	vor.u32 v0, v3  }
0x11d: {  	v5 =	vadd.f32 $9.999999770e-03, v5;
	_ =	sdelay $0x1  }
0x11e: {  	v4 =	vmul.f32 v5, v4;
	_ =	sdelay $0x1  }
0x11f: {  	[tilespmem:v3+s30+$0x0] =	vst.idx.add.f32.msk $0xffff, v4  }
0x120: {  	v3 =	vld [tilespmem:s23+$0xC030]  }
0x121: {  	v4 =	vld [tilespmem:s23+$0x14030]  }
0x122: {  	v5 =	vld [tilespmem:s23+$0x10030];
	_ =	sdelay $0x1  }
.Ltmp1:
0x123: {  	(pc) =	sbr.rel @p0 .LBB2_4-.Ltmp1, $4  }
0x124: {  	s19 =	sadd.s32 $0x40, s19  }
0x125: {  	s20 =	sadd.s32 $0x200, s20;
	s5 =	sand.u32 $0x40, s19;
	v6 =	vshll.u32 v4, $0x4  }
0x126: {  	s6 =	sshll.u32 s22, $0x6;
	s7 =	sshll.u32 s22, $0x4;
	s23 =	sand.u32 $0xC00, s20;
	v4 =	vadd.f32 $9.999999770e-03, v3;
	v5 =	vadd.f32 $9.999999770e-03, v5;
	v3 =	vor.u32 v0, v6  }
0x127: {  	s6 =	sand.u32 $0x3000, s6;
	s22 =	sor.u32 s5, s23;
	s5 =	smov.u32 s21  }
0x128: {  	_ =	sdelay $0x1  }
0x129: {  	v4 =	vmul.f32 v5, v4  }
0x12a: {  	s5 =	sand.u32 $0x380, s7;
	s6 =	sor.u32 s6, s22  }
0x12b: {  	s5 =	sor.u32 s5, s6;
	[tilespmem:v3+s30+$0x0] =	vst.idx.add.f32.msk $0xffff, v4  }
0x12c: {  	v3 =	vld [tilespmem:s5+$0x14000]  }
0x12d: {  	v4 =	vld [tilespmem:s5+$0x10000]  }
0x12e: {  	v5 =	vld [tilespmem:s5+$0xC000];
	_ =	sdelay $0x2  }
0x12f: {  	v3 =	vshll.u32 v3, $0x4  }
0x130: {  	v3 =	vor.u32 v0, v3  }
0x131: {  	v5 =	vadd.f32 $9.999999770e-03, v5;
	v4 =	vadd.f32 $9.999999770e-03, v4;
	_ =	sdelay $0x1  }
0x132: {  	v4 =	vmul.f32 v4, v5;
	_ =	sdelay $0x1  }
0x133: {  	[tilespmem:v3+s30+$0x0] =	vst.idx.add.f32.msk $0xffff, v4  }
0x134: {  	v3 =	vld [tilespmem:s5+$0x14010]  }
0x135: {  	v4 =	vld [tilespmem:s5+$0x10010]  }
0x136: {  	v5 =	vld [tilespmem:s5+$0xC010];
	_ =	sdelay $0x2  }
0x137: {  	v3 =	vshll.u32 v3, $0x4  }
0x138: {  	v3 =	vor.u32 v0, v3  }
0x139: {  	v4 =	vadd.f32 $9.999999770e-03, v4;
	v5 =	vadd.f32 $9.999999770e-03, v5;
	_ =	sdelay $0x1  }
0x13a: {  	v4 =	vmul.f32 v4, v5;
	_ =	sdelay $0x1  }
0x13b: {  	[tilespmem:v3+s30+$0x0] =	vst.idx.add.f32.msk $0xffff, v4  }
0x13c: {  	v3 =	vld [tilespmem:s5+$0x14020]  }
0x13d: {  	v4 =	vld [tilespmem:s5+$0xC020]  }
0x13e: {  	v5 =	vld [tilespmem:s5+$0x10020];
	_ =	sdelay $0x2  }
0x13f: {  	v3 =	vshll.u32 v3, $0x4  }
0x140: {  	v3 =	vor.u32 v0, v3  }
0x141: {  	v4 =	vadd.f32 $9.999999770e-03, v4;
	v5 =	vadd.f32 $9.999999770e-03, v5;
	_ =	sdelay $0x1  }
0x142: {  	v4 =	vmul.f32 v5, v4;
	_ =	sdelay $0x1  }
0x143: {  	[tilespmem:v3+s30+$0x0] =	vst.idx.add.f32.msk $0xffff, v4  }
0x144: {  	v3 =	vld [tilespmem:s5+$0x14030]  }
0x145: {  	v4 =	vld [tilespmem:s5+$0xC030]  }
0x146: {  	v5 =	vld [tilespmem:s5+$0x10030];
	_ =	sdelay $0x2  }
0x147: {  	v3 =	vshll.u32 v3, $0x4  }
0x148: {  	v3 =	vor.u32 v0, v3  }
0x149: {  	v4 =	vadd.f32 $9.999999770e-03, v4;
	v5 =	vadd.f32 $9.999999770e-03, v5;
	_ =	sdelay $0x1  }
0x14a: {  	v4 =	vmul.f32 v5, v4;
	_ =	sdelay $0x1  }
0x14b: {  	s22 =	simm.s32 $0x0;
	[tilespmem:v3+s30+$0x0] =	vst.idx.add.f32.msk $0xffff, v4  }
0x14c: {  	[tilespmem:s26], [sflag:$0x2] =	stream.linear.gather [hbm4b:s14+s22], $0x4000, $0x38;
	[tilespmem:$0x186C0] =	vst v63  }
0x14d: {  	_ = 	snop  }
0x14e: {  	[tilespmem:s28], [sflag:$0x2] =	stream.linear.gather [hbm4b:s15+s22], $0x4000, $0x38;
	[tilespmem:$0x186C0] =	vst v63  }
0x14f: {  	_ = 	snop  }
0x150: {  	[tilespmem:s29], [sflag:$0x2] =	stream.linear.gather [hbm4b:s16+s22], $0x4000, $0x38;
	[tilespmem:$0x186C0] =	vst v63  }
0x151: {  	_ =	swait.ge [sflag:s4], $0x4000  }
0x152: {  	[sflag:s4] =	ssyncset.done $0x0  }
0x153: {  	[sflag:s4] =	ssyncadd.s32 $0xFFFFC000  }
0x154: {  	_ =	swait.ge [sflag:s4], $0x4000  }
0x155: {  	s20 =	simm.s32 $0x0;
	s19 =	simm.s32 $0x0;
	[sflag:s4] =	ssyncset.done $0x0  }
0x156: {  	s23 =	sand.u32 $0x40, s22;
	s5 =	sand.u32 $0xC00, s22;
	[sflag:s4] =	ssyncadd.s32 $0xFFFFC000  }
0x157: {  	s7 =	sand.u32 $0x3000, s20;
	s5 =	sor.u32 s23, s5;
	_ =	swait.ge [sflag:s4], $0x4000  }
0x158: {  	s21 =	sand.u32 $0x380, s19;
	s5 =	sor.u32 s7, s5;
	[sflag:s4] =	ssyncset.done $0x0  }
0x159: {  	s5 =	sor.u32 s21, s5;
	[sflag:s4] =	ssyncadd.s32 $0xFFFFC000  }
0x15a: {  	v3 =	vld [tilespmem:s5+$0x8000]  }
0x15b: {  	v4 =	vld [tilespmem:s5+$0x4000]  }
0x15c: {  	v5 =	vld [tilespmem:s5+$0x0];
	_ =	sdelay $0x2  }
0x15d: {  	v3 =	vshll.u32 v3, $0x4  }
0x15e: {  	v3 =	vor.u32 v0, v3  }
0x15f: {  	v5 =	vadd.f32 $9.999999770e-03, v5;
	v4 =	vadd.f32 $9.999999770e-03, v4;
	_ =	sdelay $0x1  }
0x160: {  	v4 =	vmul.f32 v4, v5;
	_ =	sdelay $0x1  }
0x161: {  	[tilespmem:v3+s30+$0x0] =	vst.idx.add.f32.msk $0xffff, v4  }
0x162: {  	v3 =	vld [tilespmem:s5+$0x8010]  }
0x163: {  	v4 =	vld [tilespmem:s5+$0x4010]  }
0x164: {  	v5 =	vld [tilespmem:s5+$0x10];
	_ =	sdelay $0x2  }
0x165: {  	v3 =	vshll.u32 v3, $0x4  }
0x166: {  	v3 =	vor.u32 v0, v3  }
0x167: {  	v4 =	vadd.f32 $9.999999770e-03, v4;
	v5 =	vadd.f32 $9.999999770e-03, v5;
	_ =	sdelay $0x1  }
0x168: {  	v4 =	vmul.f32 v4, v5;
	_ =	sdelay $0x1  }
0x169: {  	[tilespmem:v3+s30+$0x0] =	vst.idx.add.f32.msk $0xffff, v4  }
0x16a: {  	v3 =	vld [tilespmem:s5+$0x8020]  }
0x16b: {  	v4 =	vld [tilespmem:s5+$0x20]  }
0x16c: {  	v5 =	vld [tilespmem:s5+$0x4020];
	_ =	sdelay $0x2  }
0x16d: {  	v3 =	vshll.u32 v3, $0x4  }
0x16e: {  	v3 =	vor.u32 v0, v3  }
0x16f: {  	v4 =	vadd.f32 $9.999999770e-03, v4;
	v5 =	vadd.f32 $9.999999770e-03, v5;
	_ =	sdelay $0x1  }
0x170: {  	v4 =	vmul.f32 v5, v4;
	_ =	sdelay $0x1  }
0x171: {  	[tilespmem:v3+s30+$0x0] =	vst.idx.add.f32.msk $0xffff, v4  }
0x172: {  	v3 =	vld [tilespmem:s5+$0x30]  }
0x173: {  	v4 =	vld [tilespmem:s5+$0x8030]  }
0x174: {  	v5 =	vld [tilespmem:s5+$0x4030];
	_ =	sdelay $0x1  }
0x175: {  	s20 =	simm.s32 $0x200  }
0x176: {  	s19 =	simm.s32 $0x40;
	s23 =	sand.u32 $0xC00, s20  }
0x177: {  	s7 =	simm.s32 $0x10;
	s21 =	sand.u32 $0x40, s19;
	s22 =	simm.s32 $0x40;
	v6 =	vshll.u32 v4, $0x4  }
0x178: {  	s6 =	sand.u32 $0x3000, s22;
	s22 =	sor.u32 s21, s23;
	s5 =	simm.s32 $0x2;
	v4 =	vadd.f32 $9.999999770e-03, v3;
	v5 =	vadd.f32 $9.999999770e-03, v5;
	v3 =	vor.u32 v0, v6  }
.LBB2_6:
0x179: {  	s7 =	sand.u32 $0x380, s7  }
0x17a: {  	s6 =	sor.u32 s6, s22;
	v4 =	vmul.f32 v5, v4;
	s22 =	smov.u32 s5;
	s21 =	sadd.s32 $0x1, s5  }
0x17b: {  	p0 =	sne.s32 s5, $0xFF;
	s23 =	sor.u32 s7, s6;
	_ =	sdelay $0x1  }
0x17c: {  	[tilespmem:v3+s30+$0x0] =	vst.idx.add.f32.msk $0xffff, v4  }
0x17d: {  	v3 =	vld [tilespmem:s23+$0x8000]  }
0x17e: {  	v4 =	vld [tilespmem:s23+$0x4000]  }
0x17f: {  	v5 =	vld [tilespmem:s23+$0x0];
	_ =	sdelay $0x2  }
0x180: {  	v3 =	vshll.u32 v3, $0x4  }
0x181: {  	v3 =	vor.u32 v0, v3  }
0x182: {  	v4 =	vadd.f32 $9.999999770e-03, v4;
	v5 =	vadd.f32 $9.999999770e-03, v5;
	_ =	sdelay $0x1  }
0x183: {  	v4 =	vmul.f32 v4, v5;
	_ =	sdelay $0x1  }
0x184: {  	[tilespmem:v3+s30+$0x0] =	vst.idx.add.f32.msk $0xffff, v4  }
0x185: {  	v3 =	vld [tilespmem:s23+$0x8010]  }
0x186: {  	v4 =	vld [tilespmem:s23+$0x4010]  }
0x187: {  	v5 =	vld [tilespmem:s23+$0x10];
	_ =	sdelay $0x2  }
0x188: {  	v3 =	vshll.u32 v3, $0x4  }
0x189: {  	v4 =	vadd.f32 $9.999999770e-03, v4;
	v3 =	vor.u32 v0, v3  }
0x18a: {  	v5 =	vadd.f32 $9.999999770e-03, v5;
	_ =	sdelay $0x1  }
0x18b: {  	v4 =	vmul.f32 v4, v5;
	_ =	sdelay $0x1  }
0x18c: {  	[tilespmem:v3+s30+$0x0] =	vst.idx.add.f32.msk $0xffff, v4  }
0x18d: {  	v3 =	vld [tilespmem:s23+$0x8020]  }
0x18e: {  	v4 =	vld [tilespmem:s23+$0x20]  }
0x18f: {  	v5 =	vld [tilespmem:s23+$0x4020];
	_ =	sdelay $0x2  }
0x190: {  	v3 =	vshll.u32 v3, $0x4  }
0x191: {  	v4 =	vadd.f32 $9.999999770e-03, v4;
	v3 =	vor.u32 v0, v3  }
0x192: {  	v5 =	vadd.f32 $9.999999770e-03, v5;
	_ =	sdelay $0x1  }
0x193: {  	v4 =	vmul.f32 v5, v4;
	_ =	sdelay $0x1  }
0x194: {  	[tilespmem:v3+s30+$0x0] =	vst.idx.add.f32.msk $0xffff, v4  }
0x195: {  	v3 =	vld [tilespmem:s23+$0x30]  }
0x196: {  	v4 =	vld [tilespmem:s23+$0x8030]  }
0x197: {  	v5 =	vld [tilespmem:s23+$0x4030];
	_ =	sdelay $0x1  }
.Ltmp2:
0x198: {  	(pc) =	sbr.rel @p0 .LBB2_6-.Ltmp2, $4  }
0x199: {  	s19 =	sadd.s32 $0x40, s19  }
0x19a: {  	s20 =	sadd.s32 $0x200, s20;
	s5 =	sand.u32 $0x40, s19;
	v6 =	vshll.u32 v4, $0x4  }
0x19b: {  	s6 =	sshll.u32 s22, $0x6;
	s7 =	sshll.u32 s22, $0x4;
	s23 =	sand.u32 $0xC00, s20;
	v4 =	vadd.f32 $9.999999770e-03, v3;
	v5 =	vadd.f32 $9.999999770e-03, v5;
	v3 =	vor.u32 v0, v6  }
0x19c: {  	s6 =	sand.u32 $0x3000, s6;
	s22 =	sor.u32 s5, s23;
	s5 =	smov.u32 s21  }
0x19d: {  	_ =	sdelay $0x1  }
0x19e: {  	v4 =	vmul.f32 v5, v4  }
0x19f: {  	s5 =	sand.u32 $0x380, s7;
	s6 =	sor.u32 s6, s22  }
0x1a0: {  	s5 =	sor.u32 s5, s6;
	[tilespmem:v3+s30+$0x0] =	vst.idx.add.f32.msk $0xffff, v4  }
0x1a1: {  	v3 =	vld [tilespmem:s5+$0x8000]  }
0x1a2: {  	v4 =	vld [tilespmem:s5+$0x4000]  }
0x1a3: {  	v5 =	vld [tilespmem:s5+$0x0];
	_ =	sdelay $0x2  }
0x1a4: {  	v3 =	vshll.u32 v3, $0x4  }
0x1a5: {  	v3 =	vor.u32 v0, v3  }
0x1a6: {  	v5 =	vadd.f32 $9.999999770e-03, v5;
	v4 =	vadd.f32 $9.999999770e-03, v4;
	_ =	sdelay $0x1  }
0x1a7: {  	v4 =	vmul.f32 v4, v5;
	_ =	sdelay $0x1  }
0x1a8: {  	[tilespmem:v3+s30+$0x0] =	vst.idx.add.f32.msk $0xffff, v4  }
0x1a9: {  	v3 =	vld [tilespmem:s5+$0x8010]  }
0x1aa: {  	v4 =	vld [tilespmem:s5+$0x4010]  }
0x1ab: {  	v5 =	vld [tilespmem:s5+$0x10];
	_ =	sdelay $0x2  }
0x1ac: {  	v3 =	vshll.u32 v3, $0x4  }
0x1ad: {  	v3 =	vor.u32 v0, v3  }
0x1ae: {  	v4 =	vadd.f32 $9.999999770e-03, v4;
	v5 =	vadd.f32 $9.999999770e-03, v5;
	_ =	sdelay $0x1  }
0x1af: {  	v4 =	vmul.f32 v4, v5;
	_ =	sdelay $0x1  }
0x1b0: {  	[tilespmem:v3+s30+$0x0] =	vst.idx.add.f32.msk $0xffff, v4  }
0x1b1: {  	v3 =	vld [tilespmem:s5+$0x8020]  }
0x1b2: {  	v4 =	vld [tilespmem:s5+$0x20]  }
0x1b3: {  	v5 =	vld [tilespmem:s5+$0x4020];
	_ =	sdelay $0x2  }
0x1b4: {  	v3 =	vshll.u32 v3, $0x4  }
0x1b5: {  	v3 =	vor.u32 v0, v3  }
0x1b6: {  	v4 =	vadd.f32 $9.999999770e-03, v4;
	v5 =	vadd.f32 $9.999999770e-03, v5;
	_ =	sdelay $0x1  }
0x1b7: {  	v4 =	vmul.f32 v5, v4;
	_ =	sdelay $0x1  }
0x1b8: {  	[tilespmem:v3+s30+$0x0] =	vst.idx.add.f32.msk $0xffff, v4  }
0x1b9: {  	v3 =	vld [tilespmem:s5+$0x8030]  }
0x1ba: {  	v4 =	vld [tilespmem:s5+$0x30]  }
0x1bb: {  	v5 =	vld [tilespmem:s5+$0x4030];
	_ =	sdelay $0x2  }
0x1bc: {  	v3 =	vshll.u32 v3, $0x4  }
0x1bd: {  	v3 =	vor.u32 v0, v3  }
0x1be: {  	v4 =	vadd.f32 $9.999999770e-03, v4;
	v5 =	vadd.f32 $9.999999770e-03, v5;
	_ =	sdelay $0x1  }
0x1bf: {  	v4 =	vmul.f32 v5, v4;
	_ =	sdelay $0x1  }
0x1c0: {  	[tilespmem:v3+s30+$0x0] =	vst.idx.add.f32.msk $0xffff, v4  }
0x1c1: {  	_ =	swait.ge [sflag:s31], $0x4000  }
0x1c2: {  	[sflag:s31] =	ssyncset.done $0x0  }
0x1c3: {  	[sflag:s31] =	ssyncadd.s32 $0xFFFFC000  }
0x1c4: {  	s22 =	simm.s32 $0x0;
	_ =	swait.ge [sflag:s31], $0x4000  }
0x1c5: {  	s20 =	simm.s32 $0x0;
	s19 =	simm.s32 $0x0;
	[sflag:s31] =	ssyncset.done $0x0  }
0x1c6: {  	s23 =	sand.u32 $0x40, s22;
	s5 =	sand.u32 $0xC00, s22;
	[sflag:s31] =	ssyncadd.s32 $0xFFFFC000  }
0x1c7: {  	s7 =	sand.u32 $0x3000, s20;
	s5 =	sor.u32 s23, s5;
	_ =	swait.ge [sflag:s31], $0x4000  }
0x1c8: {  	s21 =	sand.u32 $0x380, s19;
	s5 =	sor.u32 s7, s5;
	[sflag:s31] =	ssyncset.done $0x0  }
0x1c9: {  	s5 =	sor.u32 s21, s5;
	[sflag:s31] =	ssyncadd.s32 $0xFFFFC000  }
0x1ca: {  	v3 =	vld [tilespmem:s5+$0x14000]  }
0x1cb: {  	v4 =	vld [tilespmem:s5+$0x10000]  }
0x1cc: {  	v5 =	vld [tilespmem:s5+$0xC000];
	_ =	sdelay $0x2  }
0x1cd: {  	v3 =	vshll.u32 v3, $0x4  }
0x1ce: {  	v3 =	vor.u32 v0, v3  }
0x1cf: {  	v5 =	vadd.f32 $9.999999770e-03, v5;
	v4 =	vadd.f32 $9.999999770e-03, v4;
	_ =	sdelay $0x1  }
0x1d0: {  	v4 =	vmul.f32 v4, v5;
	_ =	sdelay $0x1  }
0x1d1: {  	[tilespmem:v3+s30+$0x0] =	vst.idx.add.f32.msk $0xffff, v4  }
0x1d2: {  	v3 =	vld [tilespmem:s5+$0x14010]  }
0x1d3: {  	v4 =	vld [tilespmem:s5+$0x10010]  }
0x1d4: {  	v5 =	vld [tilespmem:s5+$0xC010];
	_ =	sdelay $0x2  }
0x1d5: {  	v3 =	vshll.u32 v3, $0x4  }
0x1d6: {  	v3 =	vor.u32 v0, v3  }
0x1d7: {  	v4 =	vadd.f32 $9.999999770e-03, v4;
	v5 =	vadd.f32 $9.999999770e-03, v5;
	_ =	sdelay $0x1  }
0x1d8: {  	v4 =	vmul.f32 v4, v5;
	_ =	sdelay $0x1  }
0x1d9: {  	[tilespmem:v3+s30+$0x0] =	vst.idx.add.f32.msk $0xffff, v4  }
0x1da: {  	v3 =	vld [tilespmem:s5+$0x14020]  }
0x1db: {  	v4 =	vld [tilespmem:s5+$0xC020]  }
0x1dc: {  	v5 =	vld [tilespmem:s5+$0x10020];
	_ =	sdelay $0x2  }
0x1dd: {  	v3 =	vshll.u32 v3, $0x4  }
0x1de: {  	v3 =	vor.u32 v0, v3  }
0x1df: {  	v4 =	vadd.f32 $9.999999770e-03, v4;
	v5 =	vadd.f32 $9.999999770e-03, v5;
	_ =	sdelay $0x1  }
0x1e0: {  	v4 =	vmul.f32 v5, v4;
	_ =	sdelay $0x1  }
0x1e1: {  	[tilespmem:v3+s30+$0x0] =	vst.idx.add.f32.msk $0xffff, v4  }
0x1e2: {  	v3 =	vld [tilespmem:s5+$0xC030]  }
0x1e3: {  	v4 =	vld [tilespmem:s5+$0x14030]  }
0x1e4: {  	v5 =	vld [tilespmem:s5+$0x10030];
	_ =	sdelay $0x2  }
0x1e5: {  	s19 =	simm.s32 $0x40;
	s20 =	simm.s32 $0x200;
	s22 =	simm.s32 $0x40  }
0x1e6: {  	s23 =	sand.u32 $0xC00, s20;
	s6 =	sand.u32 $0x3000, s22;
	s21 =	sand.u32 $0x40, s19;
	v6 =	vshll.u32 v4, $0x4  }
0x1e7: {  	s7 =	simm.s32 $0x10;
	s22 =	sor.u32 s21, s23;
	s5 =	simm.s32 $0x2;
	v4 =	vadd.f32 $9.999999770e-03, v3;
	v5 =	vadd.f32 $9.999999770e-03, v5;
	v3 =	vor.u32 v0, v6  }
.LBB2_8:
0x1e8: {  	s7 =	sand.u32 $0x380, s7  }
0x1e9: {  	s6 =	sor.u32 s6, s22;
	v4 =	vmul.f32 v5, v4;
	s22 =	smov.u32 s5;
	s21 =	sadd.s32 $0x1, s5  }
0x1ea: {  	p0 =	sne.s32 s5, $0xFF;
	s23 =	sor.u32 s7, s6;
	_ =	sdelay $0x1  }
0x1eb: {  	[tilespmem:v3+s30+$0x0] =	vst.idx.add.f32.msk $0xffff, v4  }
0x1ec: {  	v3 =	vld [tilespmem:s23+$0x14000]  }
0x1ed: {  	v4 =	vld [tilespmem:s23+$0x10000]  }
0x1ee: {  	v5 =	vld [tilespmem:s23+$0xC000];
	_ =	sdelay $0x2  }
0x1ef: {  	v3 =	vshll.u32 v3, $0x4  }
0x1f0: {  	v3 =	vor.u32 v0, v3  }
0x1f1: {  	v4 =	vadd.f32 $9.999999770e-03, v4;
	v5 =	vadd.f32 $9.999999770e-03, v5;
	_ =	sdelay $0x1  }
0x1f2: {  	v4 =	vmul.f32 v4, v5;
	_ =	sdelay $0x1  }
0x1f3: {  	[tilespmem:v3+s30+$0x0] =	vst.idx.add.f32.msk $0xffff, v4  }
0x1f4: {  	v3 =	vld [tilespmem:s23+$0x14010]  }
0x1f5: {  	v4 =	vld [tilespmem:s23+$0x10010]  }
0x1f6: {  	v5 =	vld [tilespmem:s23+$0xC010];
	_ =	sdelay $0x2  }
0x1f7: {  	v3 =	vshll.u32 v3, $0x4  }
0x1f8: {  	v4 =	vadd.f32 $9.999999770e-03, v4;
	v3 =	vor.u32 v0, v3  }
0x1f9: {  	v5 =	vadd.f32 $9.999999770e-03, v5;
	_ =	sdelay $0x1  }
0x1fa: {  	v4 =	vmul.f32 v4, v5;
	_ =	sdelay $0x1  }
0x1fb: {  	[tilespmem:v3+s30+$0x0] =	vst.idx.add.f32.msk $0xffff, v4  }
0x1fc: {  	v3 =	vld [tilespmem:s23+$0x14020]  }
0x1fd: {  	v4 =	vld [tilespmem:s23+$0xC020]  }
0x1fe: {  	v5 =	vld [tilespmem:s23+$0x10020];
	_ =	sdelay $0x2  }
0x1ff: {  	v3 =	vshll.u32 v3, $0x4  }
0x200: {  	v4 =	vadd.f32 $9.999999770e-03, v4;
	v3 =	vor.u32 v0, v3  }
0x201: {  	v5 =	vadd.f32 $9.999999770e-03, v5;
	_ =	sdelay $0x1  }
0x202: {  	v4 =	vmul.f32 v5, v4;
	_ =	sdelay $0x1  }
0x203: {  	[tilespmem:v3+s30+$0x0] =	vst.idx.add.f32.msk $0xffff, v4  }
0x204: {  	v3 =	vld [tilespmem:s23+$0xC030]  }
0x205: {  	v4 =	vld [tilespmem:s23+$0x14030]  }
0x206: {  	v5 =	vld [tilespmem:s23+$0x10030];
	_ =	sdelay $0x1  }
.Ltmp3:
0x207: {  	(pc) =	sbr.rel @p0 .LBB2_8-.Ltmp3, $4  }
0x208: {  	s19 =	sadd.s32 $0x40, s19  }
0x209: {  	s20 =	sadd.s32 $0x200, s20;
	s5 =	sand.u32 $0x40, s19;
	v6 =	vshll.u32 v4, $0x4  }
0x20a: {  	s6 =	sshll.u32 s22, $0x6;
	s7 =	sshll.u32 s22, $0x4;
	s23 =	sand.u32 $0xC00, s20;
	v4 =	vadd.f32 $9.999999770e-03, v3;
	v5 =	vadd.f32 $9.999999770e-03, v5;
	v3 =	vor.u32 v0, v6  }
0x20b: {  	s6 =	sand.u32 $0x3000, s6;
	s22 =	sor.u32 s5, s23;
	s5 =	smov.u32 s21  }
0x20c: {  	_ =	sdelay $0x1  }
0x20d: {  	v4 =	vmul.f32 v5, v4  }
0x20e: {  	s5 =	sand.u32 $0x380, s7;
	s6 =	sor.u32 s6, s22  }
0x20f: {  	s5 =	sor.u32 s5, s6;
	[tilespmem:v3+s30+$0x0] =	vst.idx.add.f32.msk $0xffff, v4  }
0x210: {  	v3 =	vld [tilespmem:s5+$0x14000]  }
0x211: {  	v4 =	vld [tilespmem:s5+$0x10000]  }
0x212: {  	v5 =	vld [tilespmem:s5+$0xC000];
	_ =	sdelay $0x2  }
0x213: {  	v3 =	vshll.u32 v3, $0x4  }
0x214: {  	v3 =	vor.u32 v0, v3  }
0x215: {  	v5 =	vadd.f32 $9.999999770e-03, v5;
	v4 =	vadd.f32 $9.999999770e-03, v4;
	_ =	sdelay $0x1  }
0x216: {  	v4 =	vmul.f32 v4, v5;
	_ =	sdelay $0x1  }
0x217: {  	[tilespmem:v3+s30+$0x0] =	vst.idx.add.f32.msk $0xffff, v4  }
0x218: {  	v3 =	vld [tilespmem:s5+$0x14010]  }
0x219: {  	v4 =	vld [tilespmem:s5+$0x10010]  }
0x21a: {  	v5 =	vld [tilespmem:s5+$0xC010];
	_ =	sdelay $0x2  }
0x21b: {  	v3 =	vshll.u32 v3, $0x4  }
0x21c: {  	v3 =	vor.u32 v0, v3  }
0x21d: {  	v4 =	vadd.f32 $9.999999770e-03, v4;
	v5 =	vadd.f32 $9.999999770e-03, v5;
	_ =	sdelay $0x1  }
0x21e: {  	v4 =	vmul.f32 v4, v5;
	_ =	sdelay $0x1  }
0x21f: {  	[tilespmem:v3+s30+$0x0] =	vst.idx.add.f32.msk $0xffff, v4  }
0x220: {  	v3 =	vld [tilespmem:s5+$0x14020]  }
0x221: {  	v4 =	vld [tilespmem:s5+$0xC020]  }
0x222: {  	v5 =	vld [tilespmem:s5+$0x10020];
	_ =	sdelay $0x2  }
0x223: {  	v3 =	vshll.u32 v3, $0x4  }
0x224: {  	v3 =	vor.u32 v0, v3  }
0x225: {  	v4 =	vadd.f32 $9.999999770e-03, v4;
	v5 =	vadd.f32 $9.999999770e-03, v5;
	_ =	sdelay $0x1  }
0x226: {  	v4 =	vmul.f32 v5, v4;
	_ =	sdelay $0x1  }
0x227: {  	[tilespmem:v3+s30+$0x0] =	vst.idx.add.f32.msk $0xffff, v4  }
0x228: {  	v3 =	vld [tilespmem:s5+$0x14030]  }
0x229: {  	v4 =	vld [tilespmem:s5+$0xC030]  }
0x22a: {  	v5 =	vld [tilespmem:s5+$0x10030];
	_ =	sdelay $0x2  }
0x22b: {  	v3 =	vshll.u32 v3, $0x4  }
0x22c: {  	v3 =	vor.u32 v0, v3  }
0x22d: {  	v4 =	vadd.f32 $9.999999770e-03, v4;
	v5 =	vadd.f32 $9.999999770e-03, v5;
	_ =	sdelay $0x1  }
0x22e: {  	v4 =	vmul.f32 v5, v4;
	_ =	sdelay $0x1  }
0x22f: {  	[tilespmem:v3+s30+$0x0] =	vst.idx.add.f32.msk $0xffff, v4  }
0x230: {  	v4 =	vld [tilespmem:$0x1FF30];
	_ =	sdelay $0x5  }
0x231: {  	v3 =	vld.idx.msk [tilespmem:v1+s30+$0x0], $0xffff;
	_ =	sdelay $0x1  }
0x232: {  	v4 =	vld.idx.msk [tilespmem:v4+s30+$0x0], $0xffff  }
0x233: {  	v5 =	vld [tilespmem:$0x1FF40];
	_ =	sdelay $0x1  }
0x234: {  	v6 =	vld [tilespmem:$0x1FF50];
	v3 =	vadd.f32 $0.0e+00, v3;
	_ =	sdelay $0x1  }
0x235: {  	v3 =	vadd.f32 v4, v3;
	v4 =	vld [tilespmem:$0x1FF60];
	_ =	sdelay $0x3  }
0x236: {  	v5 =	vld.idx.msk [tilespmem:v5+s30+$0x0], $0xffff;
	_ =	sdelay $0x1  }
0x237: {  	v6 =	vld.idx.msk [tilespmem:v6+s30+$0x0], $0xffff;
	_ =	sdelay $0x1  }
0x238: {  	v4 =	vld.idx.msk [tilespmem:v4+s30+$0x0], $0xffff  }
0x239: {  	v3 =	vadd.f32 v5, v3;
	v5 =	vld [tilespmem:$0x1FF70];
	_ =	sdelay $0x1  }
0x23a: {  	v3 =	vadd.f32 v6, v3;
	v6 =	vld [tilespmem:$0x1FF80];
	_ =	sdelay $0x1  }
0x23b: {  	v3 =	vadd.f32 v4, v3;
	v4 =	vld [tilespmem:$0x1FF90];
	_ =	sdelay $0x3  }
0x23c: {  	v5 =	vld.idx.msk [tilespmem:v5+s30+$0x0], $0xffff;
	_ =	sdelay $0x1  }
0x23d: {  	v6 =	vld.idx.msk [tilespmem:v6+s30+$0x0], $0xffff;
	_ =	sdelay $0x1  }
0x23e: {  	v4 =	vld.idx.msk [tilespmem:v4+s30+$0x0], $0xffff  }
0x23f: {  	v3 =	vadd.f32 v5, v3;
	v5 =	vld [tilespmem:$0x1FFA0];
	_ =	sdelay $0x1  }
0x240: {  	v3 =	vadd.f32 v6, v3;
	v6 =	vld [tilespmem:$0x1FFB0];
	_ =	sdelay $0x1  }
0x241: {  	v3 =	vadd.f32 v4, v3;
	v4 =	vld [tilespmem:$0x1FFC0];
	_ =	sdelay $0x3  }
0x242: {  	v5 =	vld.idx.msk [tilespmem:v5+s30+$0x0], $0xffff;
	_ =	sdelay $0x1  }
0x243: {  	v6 =	vld.idx.msk [tilespmem:v6+s30+$0x0], $0xffff;
	_ =	sdelay $0x1  }
0x244: {  	v4 =	vld.idx.msk [tilespmem:v4+s30+$0x0], $0xffff  }
0x245: {  	v3 =	vadd.f32 v5, v3;
	v5 =	vld [tilespmem:$0x1FFD0];
	_ =	sdelay $0x1  }
0x246: {  	v3 =	vadd.f32 v6, v3;
	v6 =	vld [tilespmem:$0x1FFE0];
	_ =	sdelay $0x1  }
0x247: {  	v3 =	vadd.f32 v4, v3;
	v4 =	vld [tilespmem:$0x1FFF0];
	_ =	sdelay $0x3  }
0x248: {  	v5 =	vld.idx.msk [tilespmem:v5+s30+$0x0], $0xffff;
	_ =	sdelay $0x1  }
0x249: {  	v6 =	vld.idx.msk [tilespmem:v6+s30+$0x0], $0xffff;
	_ =	sdelay $0x1  }
0x24a: {  	v4 =	vld.idx.msk [tilespmem:v4+s30+$0x0], $0xffff  }
0x24b: {  	v3 =	vadd.f32 v5, v3  }
0x24c: {  	v5 =	vld.idx.msk [tilespmem:v16+s30+$0x0], $0xffff  }
0x24d: {  	v3 =	vadd.f32 v6, v3  }
0x24e: {  	v6 =	vld.idx.msk [tilespmem:v17+s30+$0x0], $0xffff  }
0x24f: {  	v3 =	vadd.f32 v4, v3;
	_ =	sdelay $0x1  }
0x250: {  	v3 =	vadd.f32 v5, v3;
	_ =	sdelay $0x1  }
0x251: {  	v3 =	vadd.f32 v6, v3;
	_ =	sdelay $0x1  }
0x252: {  	[tilespmem:$0x18400] =	vst v3  }
0x253: {  	v3 =	vld.idx.msk [tilespmem:v18+s30+$0x0], $0xffff;
	_ =	sdelay $0x1  }
0x254: {  	v4 =	vld.idx.msk [tilespmem:v19+s30+$0x0], $0xffff;
	_ =	sdelay $0x1  }
0x255: {  	v5 =	vld.idx.msk [tilespmem:v20+s30+$0x0], $0xffff  }
0x256: {  	v3 =	vadd.f32 $0.0e+00, v3  }
0x257: {  	v6 =	vld.idx.msk [tilespmem:v21+s30+$0x0], $0xffff  }
0x258: {  	v3 =	vadd.f32 v4, v3  }
0x259: {  	v4 =	vld.idx.msk [tilespmem:v22+s30+$0x0], $0xffff  }
0x25a: {  	v3 =	vadd.f32 v5, v3  }
0x25b: {  	v5 =	vld.idx.msk [tilespmem:v23+s30+$0x0], $0xffff  }
0x25c: {  	v3 =	vadd.f32 v6, v3  }
0x25d: {  	v6 =	vld.idx.msk [tilespmem:v24+s30+$0x0], $0xffff  }
0x25e: {  	v3 =	vadd.f32 v4, v3  }
0x25f: {  	v4 =	vld.idx.msk [tilespmem:v25+s30+$0x0], $0xffff  }
0x260: {  	v3 =	vadd.f32 v5, v3  }
0x261: {  	v5 =	vld.idx.msk [tilespmem:v26+s30+$0x0], $0xffff  }
0x262: {  	v3 =	vadd.f32 v6, v3  }
0x263: {  	v6 =	vld.idx.msk [tilespmem:v27+s30+$0x0], $0xffff  }
0x264: {  	v3 =	vadd.f32 v4, v3  }
0x265: {  	v4 =	vld.idx.msk [tilespmem:v28+s30+$0x0], $0xffff  }
0x266: {  	v3 =	vadd.f32 v5, v3  }
0x267: {  	v5 =	vld.idx.msk [tilespmem:v29+s30+$0x0], $0xffff  }
0x268: {  	v3 =	vadd.f32 v6, v3  }
0x269: {  	v6 =	vld.idx.msk [tilespmem:v30+s30+$0x0], $0xffff  }
0x26a: {  	v3 =	vadd.f32 v4, v3  }
0x26b: {  	v4 =	vld.idx.msk [tilespmem:v31+s30+$0x0], $0xffff  }
0x26c: {  	v3 =	vadd.f32 v5, v3  }
0x26d: {  	v5 =	vld.idx.msk [tilespmem:v32+s30+$0x0], $0xffff  }
0x26e: {  	v3 =	vadd.f32 v6, v3  }
0x26f: {  	v6 =	vld.idx.msk [tilespmem:v33+s30+$0x0], $0xffff  }
0x270: {  	v3 =	vadd.f32 v4, v3;
	_ =	sdelay $0x1  }
0x271: {  	v3 =	vadd.f32 v5, v3;
	_ =	sdelay $0x1  }
0x272: {  	v3 =	vadd.f32 v6, v3;
	_ =	sdelay $0x1  }
0x273: {  	[tilespmem:$0x18410] =	vst v3  }
0x274: {  	v3 =	vld.idx.msk [tilespmem:v34+s30+$0x0], $0xffff;
	_ =	sdelay $0x1  }
0x275: {  	v4 =	vld.idx.msk [tilespmem:v35+s30+$0x0], $0xffff;
	_ =	sdelay $0x1  }
0x276: {  	v5 =	vld.idx.msk [tilespmem:v36+s30+$0x0], $0xffff  }
0x277: {  	v3 =	vadd.f32 $0.0e+00, v3  }
0x278: {  	v6 =	vld.idx.msk [tilespmem:v37+s30+$0x0], $0xffff  }
0x279: {  	v3 =	vadd.f32 v4, v3  }
0x27a: {  	v4 =	vld.idx.msk [tilespmem:v38+s30+$0x0], $0xffff  }
0x27b: {  	v3 =	vadd.f32 v5, v3  }
0x27c: {  	v5 =	vld.idx.msk [tilespmem:v39+s30+$0x0], $0xffff  }
0x27d: {  	v3 =	vadd.f32 v6, v3  }
0x27e: {  	v6 =	vld.idx.msk [tilespmem:v40+s30+$0x0], $0xffff  }
0x27f: {  	v3 =	vadd.f32 v4, v3  }
0x280: {  	v4 =	vld.idx.msk [tilespmem:v41+s30+$0x0], $0xffff  }
0x281: {  	v3 =	vadd.f32 v5, v3  }
0x282: {  	v5 =	vld.idx.msk [tilespmem:v42+s30+$0x0], $0xffff  }
0x283: {  	v3 =	vadd.f32 v6, v3  }
0x284: {  	v6 =	vld.idx.msk [tilespmem:v43+s30+$0x0], $0xffff  }
0x285: {  	v3 =	vadd.f32 v4, v3  }
0x286: {  	v4 =	vld.idx.msk [tilespmem:v44+s30+$0x0], $0xffff  }
0x287: {  	v3 =	vadd.f32 v5, v3  }
0x288: {  	v5 =	vld.idx.msk [tilespmem:v45+s30+$0x0], $0xffff  }
0x289: {  	v3 =	vadd.f32 v6, v3  }
0x28a: {  	v6 =	vld.idx.msk [tilespmem:v46+s30+$0x0], $0xffff  }
0x28b: {  	v3 =	vadd.f32 v4, v3  }
0x28c: {  	v4 =	vld.idx.msk [tilespmem:v47+s30+$0x0], $0xffff  }
0x28d: {  	v3 =	vadd.f32 v5, v3  }
0x28e: {  	v5 =	vld.idx.msk [tilespmem:v48+s30+$0x0], $0xffff  }
0x28f: {  	v3 =	vadd.f32 v6, v3  }
0x290: {  	v6 =	vld.idx.msk [tilespmem:v49+s30+$0x0], $0xffff  }
0x291: {  	v3 =	vadd.f32 v4, v3;
	_ =	sdelay $0x1  }
0x292: {  	v3 =	vadd.f32 v5, v3;
	_ =	sdelay $0x1  }
0x293: {  	v3 =	vadd.f32 v6, v3;
	_ =	sdelay $0x1  }
0x294: {  	[tilespmem:$0x18420] =	vst v3  }
0x295: {  	v3 =	vld.idx.msk [tilespmem:v50+s30+$0x0], $0xffff;
	_ =	sdelay $0x1  }
0x296: {  	v4 =	vld.idx.msk [tilespmem:v51+s30+$0x0], $0xffff;
	_ =	sdelay $0x1  }
0x297: {  	v5 =	vld.idx.msk [tilespmem:v52+s30+$0x0], $0xffff  }
0x298: {  	v3 =	vadd.f32 $0.0e+00, v3  }
0x299: {  	v6 =	vld.idx.msk [tilespmem:v53+s30+$0x0], $0xffff  }
0x29a: {  	v3 =	vadd.f32 v4, v3  }
0x29b: {  	v4 =	vld.idx.msk [tilespmem:v54+s30+$0x0], $0xffff  }
0x29c: {  	v3 =	vadd.f32 v5, v3  }
0x29d: {  	v5 =	vld.idx.msk [tilespmem:v55+s30+$0x0], $0xffff  }
0x29e: {  	v3 =	vadd.f32 v6, v3  }
0x29f: {  	v6 =	vld.idx.msk [tilespmem:v56+s30+$0x0], $0xffff  }
0x2a0: {  	v3 =	vadd.f32 v4, v3  }
0x2a1: {  	v4 =	vld.idx.msk [tilespmem:v57+s30+$0x0], $0xffff  }
0x2a2: {  	v3 =	vadd.f32 v5, v3  }
0x2a3: {  	v5 =	vld.idx.msk [tilespmem:v58+s30+$0x0], $0xffff  }
0x2a4: {  	v3 =	vadd.f32 v6, v3  }
0x2a5: {  	v6 =	vld.idx.msk [tilespmem:v59+s30+$0x0], $0xffff  }
0x2a6: {  	v3 =	vadd.f32 v4, v3  }
0x2a7: {  	v4 =	vld.idx.msk [tilespmem:v60+s30+$0x0], $0xffff  }
0x2a8: {  	v3 =	vadd.f32 v5, v3  }
0x2a9: {  	v5 =	vld.idx.msk [tilespmem:v61+s30+$0x0], $0xffff  }
0x2aa: {  	v3 =	vadd.f32 v6, v3;
	v6 =	vor.u32 $0x30E, v1  }
0x2ab: {  	v7 =	vld.idx.msk [tilespmem:v62+s30+$0x0], $0xffff  }
0x2ac: {  	v3 =	vadd.f32 v4, v3;
	v4 =	vor.u32 $0x30F, v1  }
0x2ad: {  	v8 =	vld.idx.msk [tilespmem:v63+s30+$0x0], $0xffff  }
0x2ae: {  	v3 =	vadd.f32 v5, v3  }
0x2af: {  	v5 =	vld.idx.msk [tilespmem:v6+s30+$0x0], $0xffff  }
0x2b0: {  	v3 =	vadd.f32 v7, v3  }
0x2b1: {  	v4 =	vld.idx.msk [tilespmem:v4+s30+$0x0], $0xffff  }
0x2b2: {  	v3 =	vadd.f32 v8, v3;
	_ =	sdelay $0x1  }
0x2b3: {  	v3 =	vadd.f32 v5, v3;
	_ =	sdelay $0x1  }
0x2b4: {  	v3 =	vadd.f32 v4, v3;
	_ =	sdelay $0x1  }
0x2b5: {  	s22 =	rddreg [dreg:$0xa];
	s23 =	simm.s32 $0x18400;
	[tilespmem:$0x18430] =	vst v3  }
0x2b6: {  	[spmem:s22] =	stream.linear.scatter [tilespmem:s23], [sflag:$0x5], $0x40, $0x38;
	[tilespmem:$0x186C0] =	vst v63  }
0x2b7: {  	_ =	swait.ge [sflag:s0], $0x40  }
0x2b8: {  	[sflag:s0] =	ssyncset.done $0x0  }
0x2b9: {  	[sflag:s0] =	ssyncadd.s32 $0xFFFFFFC0  }
0x2ba: {  	[bflag:$0x0] =	sbarrier.arrive $0xFFFF  }
0x2bb: {  	s19 =	simm.s32 $0x184C0;
	s7 =	rddreg [dreg:$0xb]  }
0x2bc: {  	[tilespmem:s19], [sflag:$0x5] =	stream.linear.gather [spmem:s7], $0x100, $0x38;
	[tilespmem:$0x186C0] =	vst v63  }
0x2bd: {  	_ =	swait.ge [sflag:s0], $0x100  }
0x2be: {  	[sflag:s0] =	ssyncset.done $0x0  }
0x2bf: {  	[sflag:s0] =	ssyncadd.s32 $0xFFFFFF00  }
0x2c0: {  	s21 =	simm.s32 $0x185C0;
	s19 =	simm.s32 $0x0;
	s20 =	rddreg [dreg:$0x3]  }
0x2c1: {  	[tilespmem:s21], [sflag:$0x5] =	stream.linear.gather [hbm4b:s20+s19], $0x80, $0x38;
	[tilespmem:$0x186C0] =	vst v63  }
0x2c2: {  	_ =	swait.ge [sflag:s0], $0x80  }
0x2c3: {  	[sflag:s0] =	ssyncset.done $0x0  }
0x2c4: {  	[sflag:s0] =	ssyncadd.s32 $0xFFFFFF80  }
0x2c5: {  	v3 =	vld [tilespmem:$0x184C0]  }
0x2c6: {  	v4 =	vld [tilespmem:$0x18500]  }
0x2c7: {  	v5 =	vld [tilespmem:$0x18540]  }
0x2c8: {  	v6 =	vld [tilespmem:$0x18580]  }
0x2c9: {  	v7 =	vld [tilespmem:$0x184D0]  }
0x2ca: {  	v8 =	vld [tilespmem:$0x18510]  }
0x2cb: {  	v9 =	vld [tilespmem:$0x18550]  }
0x2cc: {  	v10 =	vld [tilespmem:$0x18590]  }
0x2cd: {  	v11 =	vld [tilespmem:$0x184E0]  }
0x2ce: {  	v12 =	vld [tilespmem:$0x18520]  }
0x2cf: {  	v13 =	vld [tilespmem:$0x184F0]  }
0x2d0: {  	v14 =	vld [tilespmem:$0x18530]  }
0x2d1: {  	v15 =	vld [tilespmem:$0x18560]  }
0x2d2: {  	v3 =	vadd.f32 v4, v3;
	v4 =	vld [tilespmem:$0x18570]  }
0x2d3: {  	v7 =	vadd.f32 v8, v7;
	v8 =	vld [tilespmem:$0x185A0]  }
0x2d4: {  	v3 =	vadd.f32 v5, v3;
	v5 =	vadd.f32 v12, v11;
	v12 =	vld [tilespmem:$0x185B0]  }
0x2d5: {  	v14 =	vadd.f32 v14, v13;
	v7 =	vadd.f32 v9, v7  }
0x2d6: {  	v3 =	vadd.f32 v6, v3;
	v5 =	vadd.f32 v15, v5  }
0x2d7: {  	v6 =	vadd.f32 v10, v7;
	v4 =	vadd.f32 v4, v14  }
0x2d8: {  	v5 =	vadd.f32 v8, v5;
	v3 =	vadd.f32 $9.999999930e-09, v3  }
0x2d9: {  	v6 =	vadd.f32 $9.999999930e-09, v6;
	v4 =	vadd.f32 v12, v4  }
0x2da: {  	(erf) = vrcp.f32 v3;
	v3 =	vadd.f32 $9.999999930e-09, v5  }
0x2db: {  	(erf) = vrcp.f32 v6;
	v4 =	vadd.f32 $9.999999930e-09, v4  }
0x2dc: {  	(erf) = vrcp.f32 v3  }
0x2dd: {  	(erf) = vrcp.f32 v4;
	_ =	sdelay $0x1  }
0x2de: {  	v3 =	vld [tilespmem:$0x185C0]  }
0x2df: {  	v4 =	vld [tilespmem:$0x185D0]  }
0x2e0: {  	v5 =	vld [tilespmem:$0x185E0]  }
0x2e1: {  	v6 =	vld [tilespmem:$0x185F0]  }
0x2e2: {  	v7 =	vpop (erf)  }
0x2e3: {  	v3 =	vmul.f32 v7, v3;
	v7 =	vpop (erf)  }
0x2e4: {  	v4 =	vmul.f32 v7, v4;
	v7 =	vpop (erf)  }
0x2e5: {  	[tilespmem:$0x18640] =	vst v3;
	v3 =	vmul.f32 v7, v5;
	v5 =	vpop (erf)  }
0x2e6: {  	[tilespmem:$0x18650] =	vst v4;
	v4 =	vmul.f32 v5, v6  }
0x2e7: {  	[tilespmem:$0x18660] =	vst v3  }
0x2e8: {  	s22 =	rddreg [dreg:$0x7];
	[tilespmem:$0x18670] =	vst v4  }
0x2e9: {  	[tilespmem:s19], [sflag:$0x1] =	stream.linear.gather [hbm4b:s22+s19], $0x4000, $0x38;
	[tilespmem:$0x186C0] =	vst v63  }
0x2ea: {  	s23 =	rddreg [dreg:$0x8]  }
0x2eb: {  	[tilespmem:s24], [sflag:$0x1] =	stream.linear.gather [hbm4b:s23+s19], $0x4000, $0x38;
	[tilespmem:$0x186C0] =	vst v63  }
0x2ec: {  	s6 =	rddreg [dreg:$0x9]  }
0x2ed: {  	[tilespmem:s25], [sflag:$0x1] =	stream.linear.gather [hbm4b:s6+s19], $0x4000, $0x38;
	[tilespmem:$0x186C0] =	vst v63  }
0x2ee: {  	_ = 	snop  }
0x2ef: {  	[tilespmem:s26], [sflag:$0x2] =	stream.linear.gather [hbm4b:s8+s19], $0x4000, $0x38;
	[tilespmem:$0x186C0] =	vst v63  }
0x2f0: {  	_ = 	snop  }
0x2f1: {  	[tilespmem:s28], [sflag:$0x2] =	stream.linear.gather [hbm4b:s9+s19], $0x4000, $0x38;
	[tilespmem:$0x186C0] =	vst v63  }
0x2f2: {  	_ = 	snop  }
0x2f3: {  	[tilespmem:s29], [sflag:$0x2] =	stream.linear.gather [hbm4b:s10+s19], $0x4000, $0x38;
	[tilespmem:$0x186C0] =	vst v63  }
0x2f4: {  	_ =	swait.ge [sflag:s4], $0x4000  }
0x2f5: {  	[sflag:s4] =	ssyncset.done $0x0  }
0x2f6: {  	[sflag:s4] =	ssyncadd.s32 $0xFFFFC000  }
0x2f7: {  	s7 =	simm.s32 $0x0;
	_ =	swait.ge [sflag:s4], $0x4000  }
0x2f8: {  	s5 =	sand.u32 $0x3000, s7;
	[sflag:s4] =	ssyncset.done $0x0  }
0x2f9: {  	s20 =	sand.u32 $0x40, s19;
	s21 =	sand.u32 $0xC00, s19;
	[sflag:s4] =	ssyncadd.s32 $0xFFFFC000  }
0x2fa: {  	s22 =	simm.s32 $0x0;
	s6 =	sor.u32 s20, s21;
	_ =	swait.ge [sflag:s4], $0x4000  }
0x2fb: {  	s23 =	sand.u32 $0x380, s22;
	s5 =	sor.u32 s5, s6;
	[sflag:s4] =	ssyncset.done $0x0  }
0x2fc: {  	s19 =	sor.u32 s23, s5;
	[sflag:s4] =	ssyncadd.s32 $0xFFFFC000  }
0x2fd: {  	v3 =	vld [tilespmem:s19+$0x8000];
	_ =	sdelay $0x2  }
0x2fe: {  	v4 =	vld [tilespmem:s19+$0x4000]  }
0x2ff: {  	v5 =	vld [tilespmem:s19+$0x0];
	_ =	sdelay $0x2  }
0x300: {  	v6 =	vld [tilespmem:s19+$0x8010]  }
0x301: {  	v3 =	vld.idx.msk [tilespmem:v3+s1+$0x0], $0xffff  }
0x302: {  	v5 =	vadd.f32 $9.999999770e-03, v5;
	v4 =	vadd.f32 $9.999999770e-03, v4;
	_ =	sdelay $0x1  }
0x303: {  	v4 =	vmul.f32 v4, v5  }
0x304: {  	v5 =	vld [tilespmem:s19+$0x4010]  }
0x305: {  	v3 =	vmul.f32 v3, v4;
	v4 =	vld [tilespmem:s19+$0x10];
	_ =	sdelay $0x1  }
0x306: {  	[tilespmem:s19+$0x0] =	vst v3  }
0x307: {  	v3 =	vld.idx.msk [tilespmem:v6+s1+$0x0], $0xffff  }
0x308: {  	v6 =	vld [tilespmem:s19+$0x8020]  }
0x309: {  	v5 =	vadd.f32 $9.999999770e-03, v5;
	v4 =	vadd.f32 $9.999999770e-03, v4;
	_ =	sdelay $0x1  }
0x30a: {  	v7 =	vld [tilespmem:s19+$0x20];
	v4 =	vmul.f32 v5, v4  }
0x30b: {  	v5 =	vld [tilespmem:s19+$0x4020]  }
0x30c: {  	v3 =	vmul.f32 v3, v4;
	_ =	sdelay $0x1  }
0x30d: {  	[tilespmem:s19+$0x10] =	vst v3;
	v3 =	vld [tilespmem:s19+$0x8030]  }
0x30e: {  	v6 =	vld.idx.msk [tilespmem:v6+s1+$0x0], $0xffff  }
0x30f: {  	v4 =	vadd.f32 $9.999999770e-03, v7;
	v5 =	vadd.f32 $9.999999770e-03, v5;
	_ =	sdelay $0x1  }
0x310: {  	s20 =	simm.s32 $0x40;
	v5 =	vmul.f32 v5, v4  }
0x311: {  	s22 =	simm.s32 $0x2;
	s21 =	simm.s32 $0x200;
	s6 =	sand.u32 $0x40, s20;
	v4 =	vld [tilespmem:s19+$0x4030]  }
0x312: {  	s7 =	sand.u32 $0xC00, s21;
	s5 =	simm.s32 $0x40;
	s23 =	simm.s32 $0x10;
	v6 =	vmul.f32 v6, v5;
	v5 =	vld [tilespmem:s19+$0x30]  }
.LBB2_10:
0x313: {  	p0 =	sne.s32 s22, $0xFF;
	s5 =	sand.u32 $0x3000, s5;
	s6 =	sor.u32 s6, s7  }
0x314: {  	s7 =	sand.u32 $0x380, s23;
	s5 =	sor.u32 s5, s6;
	[tilespmem:s19+$0x20] =	vst v6  }
0x315: {  	s5 =	sor.u32 s7, s5;
	v3 =	vld.idx.msk [tilespmem:v3+s1+$0x0], $0xffff  }
0x316: {  	v6 =	vld [tilespmem:s5+$0x8000]  }
0x317: {  	v4 =	vadd.f32 $9.999999770e-03, v4;
	v5 =	vadd.f32 $9.999999770e-03, v5;
	_ =	sdelay $0x1  }
0x318: {  	v4 =	vmul.f32 v4, v5  }
0x319: {  	v5 =	vld [tilespmem:s5+$0x4000]  }
0x31a: {  	v7 =	vld [tilespmem:s5+$0x0];
	v3 =	vmul.f32 v3, v4;
	_ =	sdelay $0x1  }
0x31b: {  	[tilespmem:s19+$0x30] =	vst v3;
	s19 =	smov.u32 s5  }
0x31c: {  	v3 =	vld.idx.msk [tilespmem:v6+s1+$0x0], $0xffff  }
0x31d: {  	v4 =	vld [tilespmem:s19+$0x8010]  }
0x31e: {  	v5 =	vadd.f32 $9.999999770e-03, v5;
	v6 =	vadd.f32 $9.999999770e-03, v7;
	_ =	sdelay $0x1  }
0x31f: {  	v5 =	vmul.f32 v5, v6  }
0x320: {  	v6 =	vld [tilespmem:s19+$0x4010]  }
0x321: {  	v3 =	vmul.f32 v3, v5;
	v5 =	vld [tilespmem:s19+$0x10];
	_ =	sdelay $0x1  }
0x322: {  	[tilespmem:s19+$0x0] =	vst v3  }
0x323: {  	v3 =	vld.idx.msk [tilespmem:v4+s1+$0x0], $0xffff  }
0x324: {  	v4 =	vld [tilespmem:s19+$0x8020]  }
0x325: {  	v6 =	vadd.f32 $9.999999770e-03, v6;
	v5 =	vadd.f32 $9.999999770e-03, v5;
	_ =	sdelay $0x1  }
0x326: {  	v5 =	vmul.f32 v6, v5  }
0x327: {  	v6 =	vld [tilespmem:s19+$0x4020]  }
0x328: {  	v3 =	vmul.f32 v3, v5;
	v5 =	vld [tilespmem:s19+$0x20];
	_ =	sdelay $0x1  }
0x329: {  	[tilespmem:s19+$0x10] =	vst v3  }
0x32a: {  	v7 =	vld.idx.msk [tilespmem:v4+s1+$0x0], $0xffff  }
0x32b: {  	v3 =	vld [tilespmem:s19+$0x8030]  }
.Ltmp4:
0x32c: {  	v4 =	vadd.f32 $9.999999770e-03, v5;
	v5 =	vadd.f32 $9.999999770e-03, v6;
	(pc) =	sbr.rel @p0 .LBB2_10-.Ltmp4, $4  }
0x32d: {  	_ = 	snop  }
0x32e: {  	s20 =	sadd.s32 $0x40, s20;
	v5 =	vmul.f32 v5, v4  }
0x32f: {  	s23 =	sshll.u32 s22, $0x4;
	s21 =	sadd.s32 $0x200, s21;
	s5 =	sshll.u32 s22, $0x6;
	v4 =	vld [tilespmem:s19+$0x4030]  }
0x330: {  	s6 =	sand.u32 $0x40, s20;
	s7 =	sand.u32 $0xC00, s21;
	s22 =	sadd.s32 $0x1, s22;
	v6 =	vmul.f32 v7, v5;
	v5 =	vld [tilespmem:s19+$0x30]  }
0x331: {  	_ =	sdelay $0x1  }
0x332: {  	s5 =	sand.u32 $0x3000, s5;
	s6 =	sor.u32 s6, s7  }
0x333: {  	s23 =	sand.u32 $0x380, s23;
	s5 =	sor.u32 s5, s6;
	[tilespmem:s19+$0x20] =	vst v6  }
0x334: {  	s5 =	sor.u32 s23, s5;
	v3 =	vld.idx.msk [tilespmem:v3+s1+$0x0], $0xffff  }
0x335: {  	v6 =	vld [tilespmem:s5+$0x8000]  }
0x336: {  	v4 =	vadd.f32 $9.999999770e-03, v4;
	v5 =	vadd.f32 $9.999999770e-03, v5;
	_ =	sdelay $0x1  }
0x337: {  	v4 =	vmul.f32 v4, v5  }
0x338: {  	v7 =	vld [tilespmem:s5+$0x0]  }
0x339: {  	v5 =	vld [tilespmem:s5+$0x4000];
	v3 =	vmul.f32 v3, v4;
	_ =	sdelay $0x1  }
0x33a: {  	[tilespmem:s19+$0x30] =	vst v3  }
0x33b: {  	v3 =	vld.idx.msk [tilespmem:v6+s1+$0x0], $0xffff  }
0x33c: {  	v4 =	vld [tilespmem:s5+$0x8010]  }
0x33d: {  	v6 =	vadd.f32 $9.999999770e-03, v7;
	v5 =	vadd.f32 $9.999999770e-03, v5;
	_ =	sdelay $0x1  }
0x33e: {  	v5 =	vmul.f32 v5, v6  }
0x33f: {  	v6 =	vld [tilespmem:s5+$0x4010]  }
0x340: {  	v3 =	vmul.f32 v3, v5;
	v5 =	vld [tilespmem:s5+$0x10];
	_ =	sdelay $0x1  }
0x341: {  	[tilespmem:s5+$0x0] =	vst v3  }
0x342: {  	v3 =	vld.idx.msk [tilespmem:v4+s1+$0x0], $0xffff  }
0x343: {  	v4 =	vld [tilespmem:s5+$0x8020]  }
0x344: {  	v6 =	vadd.f32 $9.999999770e-03, v6;
	v5 =	vadd.f32 $9.999999770e-03, v5;
	_ =	sdelay $0x1  }
0x345: {  	v5 =	vmul.f32 v6, v5  }
0x346: {  	v6 =	vld [tilespmem:s5+$0x4020]  }
0x347: {  	v3 =	vmul.f32 v3, v5;
	v5 =	vld [tilespmem:s5+$0x20];
	_ =	sdelay $0x1  }
0x348: {  	[tilespmem:s5+$0x10] =	vst v3  }
0x349: {  	v3 =	vld.idx.msk [tilespmem:v4+s1+$0x0], $0xffff  }
0x34a: {  	v4 =	vld [tilespmem:s5+$0x8030]  }
0x34b: {  	v6 =	vadd.f32 $9.999999770e-03, v6;
	v5 =	vadd.f32 $9.999999770e-03, v5;
	_ =	sdelay $0x1  }
0x34c: {  	v7 =	vld [tilespmem:s5+$0x30];
	v5 =	vmul.f32 v6, v5  }
0x34d: {  	v6 =	vld [tilespmem:s5+$0x4030]  }
0x34e: {  	v3 =	vmul.f32 v3, v5;
	_ =	sdelay $0x1  }
0x34f: {  	[tilespmem:s5+$0x20] =	vst v3  }
0x350: {  	v3 =	vld.idx.msk [tilespmem:v4+s1+$0x0], $0xffff  }
0x351: {  	v4 =	vadd.f32 $9.999999770e-03, v7;
	v5 =	vadd.f32 $9.999999770e-03, v6;
	_ =	sdelay $0x1  }
0x352: {  	v4 =	vmul.f32 v5, v4;
	_ =	sdelay $0x1  }
0x353: {  	v3 =	vmul.f32 v3, v4;
	_ =	sdelay $0x1  }
0x354: {  	s7 =	simm.s32 $0x0;
	s19 =	rddreg [dreg:$0xc];
	[tilespmem:s5+$0x30] =	vst v3  }
0x355: {  	[hbm4b:s19+s7] =	stream.linear.scatter [tilespmem:s7], [sflag:$0x3], $0x4000, $0x38;
	[tilespmem:$0x186C0] =	vst v63  }
0x356: {  	_ =	swait.ge [sflag:s2], $0x4000  }
0x357: {  	[sflag:s2] =	ssyncset.done $0x0  }
0x358: {  	[sflag:s2] =	ssyncadd.s32 $0xFFFFC000  }
0x359: {  	[tilespmem:s7], [sflag:$0x1] =	stream.linear.gather [hbm4b:s11+s7], $0x4000, $0x38;
	[tilespmem:$0x186C0] =	vst v63  }
0x35a: {  	_ = 	snop  }
0x35b: {  	[tilespmem:s24], [sflag:$0x1] =	stream.linear.gather [hbm4b:s12+s7], $0x4000, $0x38;
	[tilespmem:$0x186C0] =	vst v63  }
0x35c: {  	_ = 	snop  }
0x35d: {  	[tilespmem:s25], [sflag:$0x1] =	stream.linear.gather [hbm4b:s13+s7], $0x4000, $0x38;
	[tilespmem:$0x186C0] =	vst v63  }
0x35e: {  	_ =	swait.ge [sflag:s31], $0x4000  }
0x35f: {  	[sflag:s31] =	ssyncset.done $0x0  }
0x360: {  	[sflag:s31] =	ssyncadd.s32 $0xFFFFC000  }
0x361: {  	_ =	swait.ge [sflag:s31], $0x4000  }
0x362: {  	s20 =	simm.s32 $0x0;
	s22 =	simm.s32 $0x0;
	[sflag:s31] =	ssyncset.done $0x0  }
0x363: {  	s21 =	sand.u32 $0x40, s7;
	s5 =	sand.u32 $0xC00, s7;
	[sflag:s31] =	ssyncadd.s32 $0xFFFFC000  }
0x364: {  	s6 =	sand.u32 $0x3000, s20;
	s5 =	sor.u32 s21, s5;
	_ =	swait.ge [sflag:s31], $0x4000  }
0x365: {  	s23 =	sand.u32 $0x380, s22;
	s5 =	sor.u32 s6, s5;
	[sflag:s31] =	ssyncset.done $0x0  }
0x366: {  	s19 =	sor.u32 s23, s5;
	[sflag:s31] =	ssyncadd.s32 $0xFFFFC000  }
0x367: {  	v3 =	vld [tilespmem:s19+$0x14000];
	_ =	sdelay $0x2  }
0x368: {  	v4 =	vld [tilespmem:s19+$0x10000]  }
0x369: {  	v5 =	vld [tilespmem:s19+$0xC000];
	_ =	sdelay $0x2  }
0x36a: {  	v6 =	vld [tilespmem:s19+$0x14010]  }
0x36b: {  	v3 =	vld.idx.msk [tilespmem:v3+s1+$0x0], $0xffff  }
0x36c: {  	v5 =	vadd.f32 $9.999999770e-03, v5;
	v4 =	vadd.f32 $9.999999770e-03, v4;
	_ =	sdelay $0x1  }
0x36d: {  	v4 =	vmul.f32 v4, v5  }
0x36e: {  	v5 =	vld [tilespmem:s19+$0x10010]  }
0x36f: {  	v3 =	vmul.f32 v3, v4;
	v4 =	vld [tilespmem:s19+$0xC010];
	_ =	sdelay $0x1  }
0x370: {  	[tilespmem:s19+$0xC000] =	vst v3  }
0x371: {  	v3 =	vld.idx.msk [tilespmem:v6+s1+$0x0], $0xffff  }
0x372: {  	v6 =	vld [tilespmem:s19+$0x14020]  }
0x373: {  	v5 =	vadd.f32 $9.999999770e-03, v5;
	v4 =	vadd.f32 $9.999999770e-03, v4;
	_ =	sdelay $0x1  }
0x374: {  	v7 =	vld [tilespmem:s19+$0xC020];
	v4 =	vmul.f32 v5, v4  }
0x375: {  	v5 =	vld [tilespmem:s19+$0x10020]  }
0x376: {  	v3 =	vmul.f32 v3, v4;
	_ =	sdelay $0x1  }
0x377: {  	[tilespmem:s19+$0xC010] =	vst v3;
	v3 =	vld [tilespmem:s19+$0x14030]  }
0x378: {  	v6 =	vld.idx.msk [tilespmem:v6+s1+$0x0], $0xffff  }
0x379: {  	v4 =	vadd.f32 $9.999999770e-03, v7;
	v5 =	vadd.f32 $9.999999770e-03, v5;
	_ =	sdelay $0x1  }
0x37a: {  	s20 =	simm.s32 $0x40;
	v5 =	vmul.f32 v5, v4  }
0x37b: {  	s22 =	simm.s32 $0x2;
	s21 =	simm.s32 $0x200;
	s6 =	sand.u32 $0x40, s20;
	v4 =	vld [tilespmem:s19+$0x10030]  }
0x37c: {  	s5 =	simm.s32 $0x40;
	s23 =	simm.s32 $0x10;
	s7 =	sand.u32 $0xC00, s21;
	v6 =	vmul.f32 v6, v5;
	v5 =	vld [tilespmem:s19+$0xC030]  }
.LBB2_12:
0x37d: {  	p0 =	sne.s32 s22, $0xFF;
	s5 =	sand.u32 $0x3000, s5;
	s6 =	sor.u32 s6, s7  }
0x37e: {  	s7 =	sand.u32 $0x380, s23;
	s5 =	sor.u32 s5, s6;
	[tilespmem:s19+$0xC020] =	vst v6  }
0x37f: {  	s5 =	sor.u32 s7, s5;
	v3 =	vld.idx.msk [tilespmem:v3+s1+$0x0], $0xffff  }
0x380: {  	v6 =	vld [tilespmem:s5+$0x14000]  }
0x381: {  	v4 =	vadd.f32 $9.999999770e-03, v4;
	v5 =	vadd.f32 $9.999999770e-03, v5;
	_ =	sdelay $0x1  }
0x382: {  	v4 =	vmul.f32 v4, v5  }
0x383: {  	v5 =	vld [tilespmem:s5+$0x10000]  }
0x384: {  	v7 =	vld [tilespmem:s5+$0xC000];
	v3 =	vmul.f32 v3, v4;
	_ =	sdelay $0x1  }
0x385: {  	[tilespmem:s19+$0xC030] =	vst v3;
	s19 =	smov.u32 s5  }
0x386: {  	v3 =	vld.idx.msk [tilespmem:v6+s1+$0x0], $0xffff  }
0x387: {  	v4 =	vld [tilespmem:s19+$0x14010]  }
0x388: {  	v5 =	vadd.f32 $9.999999770e-03, v5;
	v6 =	vadd.f32 $9.999999770e-03, v7;
	_ =	sdelay $0x1  }
0x389: {  	v5 =	vmul.f32 v5, v6  }
0x38a: {  	v6 =	vld [tilespmem:s19+$0x10010]  }
0x38b: {  	v3 =	vmul.f32 v3, v5;
	v5 =	vld [tilespmem:s19+$0xC010];
	_ =	sdelay $0x1  }
0x38c: {  	[tilespmem:s19+$0xC000] =	vst v3  }
0x38d: {  	v3 =	vld.idx.msk [tilespmem:v4+s1+$0x0], $0xffff  }
0x38e: {  	v4 =	vld [tilespmem:s19+$0x14020]  }
0x38f: {  	v6 =	vadd.f32 $9.999999770e-03, v6;
	v5 =	vadd.f32 $9.999999770e-03, v5;
	_ =	sdelay $0x1  }
0x390: {  	v5 =	vmul.f32 v6, v5  }
0x391: {  	v6 =	vld [tilespmem:s19+$0x10020]  }
0x392: {  	v3 =	vmul.f32 v3, v5;
	v5 =	vld [tilespmem:s19+$0xC020];
	_ =	sdelay $0x1  }
0x393: {  	[tilespmem:s19+$0xC010] =	vst v3  }
0x394: {  	v7 =	vld.idx.msk [tilespmem:v4+s1+$0x0], $0xffff  }
0x395: {  	v3 =	vld [tilespmem:s19+$0x14030]  }
.Ltmp5:
0x396: {  	v4 =	vadd.f32 $9.999999770e-03, v5;
	v5 =	vadd.f32 $9.999999770e-03, v6;
	(pc) =	sbr.rel @p0 .LBB2_12-.Ltmp5, $4  }
0x397: {  	_ = 	snop  }
0x398: {  	s20 =	sadd.s32 $0x40, s20;
	v5 =	vmul.f32 v5, v4  }
0x399: {  	s23 =	sshll.u32 s22, $0x4;
	s21 =	sadd.s32 $0x200, s21;
	s5 =	sshll.u32 s22, $0x6;
	v4 =	vld [tilespmem:s19+$0x10030]  }
0x39a: {  	s6 =	sand.u32 $0x40, s20;
	s7 =	sand.u32 $0xC00, s21;
	s22 =	sadd.s32 $0x1, s22;
	v6 =	vmul.f32 v7, v5;
	v5 =	vld [tilespmem:s19+$0xC030]  }
0x39b: {  	_ =	sdelay $0x1  }
0x39c: {  	s5 =	sand.u32 $0x3000, s5;
	s6 =	sor.u32 s6, s7  }
0x39d: {  	s23 =	sand.u32 $0x380, s23;
	s5 =	sor.u32 s5, s6;
	[tilespmem:s19+$0xC020] =	vst v6  }
0x39e: {  	s5 =	sor.u32 s23, s5;
	v3 =	vld.idx.msk [tilespmem:v3+s1+$0x0], $0xffff  }
0x39f: {  	v6 =	vld [tilespmem:s5+$0x14000]  }
0x3a0: {  	v4 =	vadd.f32 $9.999999770e-03, v4;
	v5 =	vadd.f32 $9.999999770e-03, v5;
	_ =	sdelay $0x1  }
0x3a1: {  	v4 =	vmul.f32 v4, v5  }
0x3a2: {  	v7 =	vld [tilespmem:s5+$0xC000]  }
0x3a3: {  	v5 =	vld [tilespmem:s5+$0x10000];
	v3 =	vmul.f32 v3, v4;
	_ =	sdelay $0x1  }
0x3a4: {  	[tilespmem:s19+$0xC030] =	vst v3  }
0x3a5: {  	v3 =	vld.idx.msk [tilespmem:v6+s1+$0x0], $0xffff  }
0x3a6: {  	v4 =	vld [tilespmem:s5+$0x14010]  }
0x3a7: {  	v6 =	vadd.f32 $9.999999770e-03, v7;
	v5 =	vadd.f32 $9.999999770e-03, v5;
	_ =	sdelay $0x1  }
0x3a8: {  	v5 =	vmul.f32 v5, v6  }
0x3a9: {  	v6 =	vld [tilespmem:s5+$0x10010]  }
0x3aa: {  	v3 =	vmul.f32 v3, v5;
	v5 =	vld [tilespmem:s5+$0xC010];
	_ =	sdelay $0x1  }
0x3ab: {  	[tilespmem:s5+$0xC000] =	vst v3  }
0x3ac: {  	v3 =	vld.idx.msk [tilespmem:v4+s1+$0x0], $0xffff  }
0x3ad: {  	v4 =	vld [tilespmem:s5+$0x14020]  }
0x3ae: {  	v6 =	vadd.f32 $9.999999770e-03, v6;
	v5 =	vadd.f32 $9.999999770e-03, v5;
	_ =	sdelay $0x1  }
0x3af: {  	v5 =	vmul.f32 v6, v5  }
0x3b0: {  	v6 =	vld [tilespmem:s5+$0x10020]  }
0x3b1: {  	v3 =	vmul.f32 v3, v5;
	v5 =	vld [tilespmem:s5+$0xC020];
	_ =	sdelay $0x1  }
0x3b2: {  	[tilespmem:s5+$0xC010] =	vst v3  }
0x3b3: {  	v3 =	vld.idx.msk [tilespmem:v4+s1+$0x0], $0xffff  }
0x3b4: {  	v4 =	vld [tilespmem:s5+$0x14030]  }
0x3b5: {  	v6 =	vadd.f32 $9.999999770e-03, v6;
	v5 =	vadd.f32 $9.999999770e-03, v5;
	_ =	sdelay $0x1  }
0x3b6: {  	v7 =	vld [tilespmem:s5+$0xC030];
	v5 =	vmul.f32 v6, v5  }
0x3b7: {  	v6 =	vld [tilespmem:s5+$0x10030]  }
0x3b8: {  	v3 =	vmul.f32 v3, v5;
	_ =	sdelay $0x1  }
0x3b9: {  	[tilespmem:s5+$0xC020] =	vst v3  }
0x3ba: {  	v3 =	vld.idx.msk [tilespmem:v4+s1+$0x0], $0xffff  }
0x3bb: {  	v4 =	vadd.f32 $9.999999770e-03, v7;
	v5 =	vadd.f32 $9.999999770e-03, v6;
	_ =	sdelay $0x1  }
0x3bc: {  	v4 =	vmul.f32 v5, v4;
	_ =	sdelay $0x1  }
0x3bd: {  	v3 =	vmul.f32 v3, v4;
	_ =	sdelay $0x1  }
0x3be: {  	s7 =	simm.s32 $0x0;
	s19 =	rddreg [dreg:$0xd];
	[tilespmem:s5+$0xC030] =	vst v3  }
0x3bf: {  	[hbm4b:s19+s7] =	stream.linear.scatter [tilespmem:s26], [sflag:$0x4], $0x4000, $0x38;
	[tilespmem:$0x186C0] =	vst v63  }
0x3c0: {  	_ =	swait.ge [sflag:s17], $0x4000  }
0x3c1: {  	[sflag:s17] =	ssyncset.done $0x0  }
0x3c2: {  	[sflag:s17] =	ssyncadd.s32 $0xFFFFC000  }
0x3c3: {  	[tilespmem:s26], [sflag:$0x2] =	stream.linear.gather [hbm4b:s14+s7], $0x4000, $0x38;
	[tilespmem:$0x186C0] =	vst v63  }
0x3c4: {  	_ = 	snop  }
0x3c5: {  	[tilespmem:s28], [sflag:$0x2] =	stream.linear.gather [hbm4b:s15+s7], $0x4000, $0x38;
	[tilespmem:$0x186C0] =	vst v63  }
0x3c6: {  	_ = 	snop  }
0x3c7: {  	[tilespmem:s29], [sflag:$0x2] =	stream.linear.gather [hbm4b:s16+s7], $0x4000, $0x38;
	[tilespmem:$0x186C0] =	vst v63  }
0x3c8: {  	_ =	swait.ge [sflag:s4], $0x4000  }
0x3c9: {  	[sflag:s4] =	ssyncset.done $0x0  }
0x3ca: {  	[sflag:s4] =	ssyncadd.s32 $0xFFFFC000  }
0x3cb: {  	_ =	swait.ge [sflag:s4], $0x4000  }
0x3cc: {  	s20 =	simm.s32 $0x0;
	s22 =	simm.s32 $0x0;
	[sflag:s4] =	ssyncset.done $0x0  }
0x3cd: {  	s21 =	sand.u32 $0x40, s7;
	s5 =	sand.u32 $0xC00, s7;
	[sflag:s4] =	ssyncadd.s32 $0xFFFFC000  }
0x3ce: {  	s6 =	sand.u32 $0x3000, s20;
	s5 =	sor.u32 s21, s5;
	_ =	swait.ge [sflag:s4], $0x4000  }
0x3cf: {  	s23 =	sand.u32 $0x380, s22;
	s5 =	sor.u32 s6, s5;
	[sflag:s4] =	ssyncset.done $0x0  }
0x3d0: {  	s19 =	sor.u32 s23, s5;
	[sflag:s4] =	ssyncadd.s32 $0xFFFFC000  }
0x3d1: {  	v3 =	vld [tilespmem:s19+$0x8000];
	_ =	sdelay $0x2  }
0x3d2: {  	v4 =	vld [tilespmem:s19+$0x4000]  }
0x3d3: {  	v5 =	vld [tilespmem:s19+$0x0];
	_ =	sdelay $0x2  }
0x3d4: {  	v6 =	vld [tilespmem:s19+$0x8010]  }
0x3d5: {  	v3 =	vld.idx.msk [tilespmem:v3+s1+$0x0], $0xffff  }
0x3d6: {  	v5 =	vadd.f32 $9.999999770e-03, v5;
	v4 =	vadd.f32 $9.999999770e-03, v4;
	_ =	sdelay $0x1  }
0x3d7: {  	v4 =	vmul.f32 v4, v5  }
0x3d8: {  	v5 =	vld [tilespmem:s19+$0x4010]  }
0x3d9: {  	v3 =	vmul.f32 v3, v4;
	v4 =	vld [tilespmem:s19+$0x10];
	_ =	sdelay $0x1  }
0x3da: {  	[tilespmem:s19+$0x0] =	vst v3  }
0x3db: {  	v3 =	vld.idx.msk [tilespmem:v6+s1+$0x0], $0xffff  }
0x3dc: {  	v6 =	vld [tilespmem:s19+$0x8020]  }
0x3dd: {  	v5 =	vadd.f32 $9.999999770e-03, v5;
	v4 =	vadd.f32 $9.999999770e-03, v4;
	_ =	sdelay $0x1  }
0x3de: {  	v7 =	vld [tilespmem:s19+$0x20];
	v4 =	vmul.f32 v5, v4  }
0x3df: {  	v5 =	vld [tilespmem:s19+$0x4020]  }
0x3e0: {  	v3 =	vmul.f32 v3, v4;
	_ =	sdelay $0x1  }
0x3e1: {  	[tilespmem:s19+$0x10] =	vst v3;
	v3 =	vld [tilespmem:s19+$0x8030]  }
0x3e2: {  	v6 =	vld.idx.msk [tilespmem:v6+s1+$0x0], $0xffff  }
0x3e3: {  	v4 =	vadd.f32 $9.999999770e-03, v7;
	v5 =	vadd.f32 $9.999999770e-03, v5;
	_ =	sdelay $0x1  }
0x3e4: {  	s20 =	simm.s32 $0x40;
	v5 =	vmul.f32 v5, v4  }
0x3e5: {  	s22 =	simm.s32 $0x2;
	s21 =	simm.s32 $0x200;
	s6 =	sand.u32 $0x40, s20;
	v4 =	vld [tilespmem:s19+$0x4030]  }
0x3e6: {  	s5 =	simm.s32 $0x40;
	s23 =	simm.s32 $0x10;
	s7 =	sand.u32 $0xC00, s21;
	v6 =	vmul.f32 v6, v5;
	v5 =	vld [tilespmem:s19+$0x30]  }
.LBB2_14:
0x3e7: {  	p0 =	sne.s32 s22, $0xFF;
	s5 =	sand.u32 $0x3000, s5;
	s6 =	sor.u32 s6, s7  }
0x3e8: {  	s7 =	sand.u32 $0x380, s23;
	s5 =	sor.u32 s5, s6;
	[tilespmem:s19+$0x20] =	vst v6  }
0x3e9: {  	s5 =	sor.u32 s7, s5;
	v3 =	vld.idx.msk [tilespmem:v3+s1+$0x0], $0xffff  }
0x3ea: {  	v6 =	vld [tilespmem:s5+$0x8000]  }
0x3eb: {  	v4 =	vadd.f32 $9.999999770e-03, v4;
	v5 =	vadd.f32 $9.999999770e-03, v5;
	_ =	sdelay $0x1  }
0x3ec: {  	v4 =	vmul.f32 v4, v5  }
0x3ed: {  	v5 =	vld [tilespmem:s5+$0x4000]  }
0x3ee: {  	v7 =	vld [tilespmem:s5+$0x0];
	v3 =	vmul.f32 v3, v4;
	_ =	sdelay $0x1  }
0x3ef: {  	[tilespmem:s19+$0x30] =	vst v3;
	s19 =	smov.u32 s5  }
0x3f0: {  	v3 =	vld.idx.msk [tilespmem:v6+s1+$0x0], $0xffff  }
0x3f1: {  	v4 =	vld [tilespmem:s19+$0x8010]  }
0x3f2: {  	v5 =	vadd.f32 $9.999999770e-03, v5;
	v6 =	vadd.f32 $9.999999770e-03, v7;
	_ =	sdelay $0x1  }
0x3f3: {  	v5 =	vmul.f32 v5, v6  }
0x3f4: {  	v6 =	vld [tilespmem:s19+$0x4010]  }
0x3f5: {  	v3 =	vmul.f32 v3, v5;
	v5 =	vld [tilespmem:s19+$0x10];
	_ =	sdelay $0x1  }
0x3f6: {  	[tilespmem:s19+$0x0] =	vst v3  }
0x3f7: {  	v3 =	vld.idx.msk [tilespmem:v4+s1+$0x0], $0xffff  }
0x3f8: {  	v4 =	vld [tilespmem:s19+$0x8020]  }
0x3f9: {  	v6 =	vadd.f32 $9.999999770e-03, v6;
	v5 =	vadd.f32 $9.999999770e-03, v5;
	_ =	sdelay $0x1  }
0x3fa: {  	v5 =	vmul.f32 v6, v5  }
0x3fb: {  	v6 =	vld [tilespmem:s19+$0x4020]  }
0x3fc: {  	v3 =	vmul.f32 v3, v5;
	v5 =	vld [tilespmem:s19+$0x20];
	_ =	sdelay $0x1  }
0x3fd: {  	[tilespmem:s19+$0x10] =	vst v3  }
0x3fe: {  	v7 =	vld.idx.msk [tilespmem:v4+s1+$0x0], $0xffff  }
0x3ff: {  	v3 =	vld [tilespmem:s19+$0x8030]  }
.Ltmp6:
0x400: {  	v4 =	vadd.f32 $9.999999770e-03, v5;
	v5 =	vadd.f32 $9.999999770e-03, v6;
	(pc) =	sbr.rel @p0 .LBB2_14-.Ltmp6, $4  }
0x401: {  	_ = 	snop  }
0x402: {  	s20 =	sadd.s32 $0x40, s20;
	v5 =	vmul.f32 v5, v4  }
0x403: {  	s23 =	sshll.u32 s22, $0x4;
	s21 =	sadd.s32 $0x200, s21;
	s5 =	sshll.u32 s22, $0x6;
	v4 =	vld [tilespmem:s19+$0x4030]  }
0x404: {  	s6 =	sand.u32 $0x40, s20;
	s7 =	sand.u32 $0xC00, s21;
	s22 =	sadd.s32 $0x1, s22;
	v6 =	vmul.f32 v7, v5;
	v5 =	vld [tilespmem:s19+$0x30]  }
0x405: {  	_ =	sdelay $0x1  }
0x406: {  	s5 =	sand.u32 $0x3000, s5;
	s6 =	sor.u32 s6, s7  }
0x407: {  	s23 =	sand.u32 $0x380, s23;
	s5 =	sor.u32 s5, s6;
	[tilespmem:s19+$0x20] =	vst v6  }
0x408: {  	s5 =	sor.u32 s23, s5;
	v3 =	vld.idx.msk [tilespmem:v3+s1+$0x0], $0xffff  }
0x409: {  	v6 =	vld [tilespmem:s5+$0x8000]  }
0x40a: {  	v4 =	vadd.f32 $9.999999770e-03, v4;
	v5 =	vadd.f32 $9.999999770e-03, v5;
	_ =	sdelay $0x1  }
0x40b: {  	v4 =	vmul.f32 v4, v5  }
0x40c: {  	v7 =	vld [tilespmem:s5+$0x0]  }
0x40d: {  	v5 =	vld [tilespmem:s5+$0x4000];
	v3 =	vmul.f32 v3, v4;
	_ =	sdelay $0x1  }
0x40e: {  	[tilespmem:s19+$0x30] =	vst v3  }
0x40f: {  	v3 =	vld.idx.msk [tilespmem:v6+s1+$0x0], $0xffff  }
0x410: {  	v4 =	vld [tilespmem:s5+$0x8010]  }
0x411: {  	v6 =	vadd.f32 $9.999999770e-03, v7;
	v5 =	vadd.f32 $9.999999770e-03, v5;
	_ =	sdelay $0x1  }
0x412: {  	v5 =	vmul.f32 v5, v6  }
0x413: {  	v6 =	vld [tilespmem:s5+$0x4010]  }
0x414: {  	v3 =	vmul.f32 v3, v5;
	v5 =	vld [tilespmem:s5+$0x10];
	_ =	sdelay $0x1  }
0x415: {  	[tilespmem:s5+$0x0] =	vst v3  }
0x416: {  	v3 =	vld.idx.msk [tilespmem:v4+s1+$0x0], $0xffff  }
0x417: {  	v4 =	vld [tilespmem:s5+$0x8020]  }
0x418: {  	v6 =	vadd.f32 $9.999999770e-03, v6;
	v5 =	vadd.f32 $9.999999770e-03, v5;
	_ =	sdelay $0x1  }
0x419: {  	v5 =	vmul.f32 v6, v5  }
0x41a: {  	v6 =	vld [tilespmem:s5+$0x4020]  }
0x41b: {  	v3 =	vmul.f32 v3, v5;
	v5 =	vld [tilespmem:s5+$0x20];
	_ =	sdelay $0x1  }
0x41c: {  	[tilespmem:s5+$0x10] =	vst v3  }
0x41d: {  	v3 =	vld.idx.msk [tilespmem:v4+s1+$0x0], $0xffff  }
0x41e: {  	v4 =	vld [tilespmem:s5+$0x8030]  }
0x41f: {  	v6 =	vadd.f32 $9.999999770e-03, v6;
	v5 =	vadd.f32 $9.999999770e-03, v5;
	_ =	sdelay $0x1  }
0x420: {  	v7 =	vld [tilespmem:s5+$0x30];
	v5 =	vmul.f32 v6, v5  }
0x421: {  	v6 =	vld [tilespmem:s5+$0x4030]  }
0x422: {  	v3 =	vmul.f32 v3, v5;
	_ =	sdelay $0x1  }
0x423: {  	[tilespmem:s5+$0x20] =	vst v3  }
0x424: {  	v3 =	vld.idx.msk [tilespmem:v4+s1+$0x0], $0xffff  }
0x425: {  	v4 =	vadd.f32 $9.999999770e-03, v7;
	v5 =	vadd.f32 $9.999999770e-03, v6;
	_ =	sdelay $0x1  }
0x426: {  	v4 =	vmul.f32 v5, v4;
	_ =	sdelay $0x1  }
0x427: {  	v3 =	vmul.f32 v3, v4;
	_ =	sdelay $0x1  }
0x428: {  	s7 =	simm.s32 $0x0;
	s19 =	rddreg [dreg:$0xe];
	[tilespmem:s5+$0x30] =	vst v3  }
0x429: {  	[hbm4b:s19+s7] =	stream.linear.scatter [tilespmem:s7], [sflag:$0x3], $0x4000, $0x38;
	[tilespmem:$0x186C0] =	vst v63  }
0x42a: {  	_ =	swait.ge [sflag:s31], $0x4000  }
0x42b: {  	[sflag:s31] =	ssyncset.done $0x0  }
0x42c: {  	[sflag:s31] =	ssyncadd.s32 $0xFFFFC000  }
0x42d: {  	_ =	swait.ge [sflag:s31], $0x4000  }
0x42e: {  	s20 =	simm.s32 $0x0;
	s22 =	simm.s32 $0x0;
	[sflag:s31] =	ssyncset.done $0x0  }
0x42f: {  	s21 =	sand.u32 $0x40, s7;
	s5 =	sand.u32 $0xC00, s7;
	[sflag:s31] =	ssyncadd.s32 $0xFFFFC000  }
0x430: {  	s6 =	sand.u32 $0x3000, s20;
	s5 =	sor.u32 s21, s5;
	_ =	swait.ge [sflag:s31], $0x4000  }
0x431: {  	s23 =	sand.u32 $0x380, s22;
	s5 =	sor.u32 s6, s5;
	[sflag:s31] =	ssyncset.done $0x0  }
0x432: {  	s19 =	sor.u32 s23, s5;
	[sflag:s31] =	ssyncadd.s32 $0xFFFFC000  }
0x433: {  	v3 =	vld [tilespmem:s19+$0x14000];
	_ =	sdelay $0x2  }
0x434: {  	v4 =	vld [tilespmem:s19+$0x10000]  }
0x435: {  	v5 =	vld [tilespmem:s19+$0xC000];
	_ =	sdelay $0x2  }
0x436: {  	v6 =	vld [tilespmem:s19+$0x14010]  }
0x437: {  	v3 =	vld.idx.msk [tilespmem:v3+s1+$0x0], $0xffff  }
0x438: {  	v5 =	vadd.f32 $9.999999770e-03, v5;
	v4 =	vadd.f32 $9.999999770e-03, v4;
	_ =	sdelay $0x1  }
0x439: {  	v4 =	vmul.f32 v4, v5  }
0x43a: {  	v5 =	vld [tilespmem:s19+$0x10010]  }
0x43b: {  	v3 =	vmul.f32 v3, v4;
	v4 =	vld [tilespmem:s19+$0xC010];
	_ =	sdelay $0x1  }
0x43c: {  	[tilespmem:s19+$0xC000] =	vst v3  }
0x43d: {  	v3 =	vld.idx.msk [tilespmem:v6+s1+$0x0], $0xffff  }
0x43e: {  	v6 =	vld [tilespmem:s19+$0x14020]  }
0x43f: {  	v5 =	vadd.f32 $9.999999770e-03, v5;
	v4 =	vadd.f32 $9.999999770e-03, v4;
	_ =	sdelay $0x1  }
0x440: {  	v7 =	vld [tilespmem:s19+$0xC020];
	v4 =	vmul.f32 v5, v4  }
0x441: {  	v5 =	vld [tilespmem:s19+$0x10020]  }
0x442: {  	v3 =	vmul.f32 v3, v4;
	_ =	sdelay $0x1  }
0x443: {  	[tilespmem:s19+$0xC010] =	vst v3;
	v3 =	vld [tilespmem:s19+$0x14030]  }
0x444: {  	v6 =	vld.idx.msk [tilespmem:v6+s1+$0x0], $0xffff  }
0x445: {  	v4 =	vadd.f32 $9.999999770e-03, v7;
	v5 =	vadd.f32 $9.999999770e-03, v5;
	_ =	sdelay $0x1  }
0x446: {  	s20 =	simm.s32 $0x40;
	v5 =	vmul.f32 v5, v4  }
0x447: {  	s22 =	simm.s32 $0x2;
	s21 =	simm.s32 $0x200;
	s6 =	sand.u32 $0x40, s20;
	v4 =	vld [tilespmem:s19+$0x10030]  }
0x448: {  	s7 =	sand.u32 $0xC00, s21;
	s5 =	simm.s32 $0x40;
	s23 =	simm.s32 $0x10;
	v6 =	vmul.f32 v6, v5;
	v5 =	vld [tilespmem:s19+$0xC030]  }
.LBB2_16:
0x449: {  	p0 =	sne.s32 s22, $0xFF;
	s5 =	sand.u32 $0x3000, s5;
	s6 =	sor.u32 s6, s7  }
0x44a: {  	s7 =	sand.u32 $0x380, s23;
	s5 =	sor.u32 s5, s6;
	[tilespmem:s19+$0xC020] =	vst v6  }
0x44b: {  	s5 =	sor.u32 s7, s5;
	v3 =	vld.idx.msk [tilespmem:v3+s1+$0x0], $0xffff  }
0x44c: {  	v6 =	vld [tilespmem:s5+$0x14000]  }
0x44d: {  	v4 =	vadd.f32 $9.999999770e-03, v4;
	v5 =	vadd.f32 $9.999999770e-03, v5;
	_ =	sdelay $0x1  }
0x44e: {  	v4 =	vmul.f32 v4, v5  }
0x44f: {  	v5 =	vld [tilespmem:s5+$0x10000]  }
0x450: {  	v7 =	vld [tilespmem:s5+$0xC000];
	v3 =	vmul.f32 v3, v4;
	_ =	sdelay $0x1  }
0x451: {  	[tilespmem:s19+$0xC030] =	vst v3;
	s19 =	smov.u32 s5  }
0x452: {  	v3 =	vld.idx.msk [tilespmem:v6+s1+$0x0], $0xffff  }
0x453: {  	v4 =	vld [tilespmem:s19+$0x14010]  }
0x454: {  	v5 =	vadd.f32 $9.999999770e-03, v5;
	v6 =	vadd.f32 $9.999999770e-03, v7;
	_ =	sdelay $0x1  }
0x455: {  	v5 =	vmul.f32 v5, v6  }
0x456: {  	v6 =	vld [tilespmem:s19+$0x10010]  }
0x457: {  	v3 =	vmul.f32 v3, v5;
	v5 =	vld [tilespmem:s19+$0xC010];
	_ =	sdelay $0x1  }
0x458: {  	[tilespmem:s19+$0xC000] =	vst v3  }
0x459: {  	v3 =	vld.idx.msk [tilespmem:v4+s1+$0x0], $0xffff  }
0x45a: {  	v4 =	vld [tilespmem:s19+$0x14020]  }
0x45b: {  	v6 =	vadd.f32 $9.999999770e-03, v6;
	v5 =	vadd.f32 $9.999999770e-03, v5;
	_ =	sdelay $0x1  }
0x45c: {  	v5 =	vmul.f32 v6, v5  }
0x45d: {  	v6 =	vld [tilespmem:s19+$0x10020]  }
0x45e: {  	v3 =	vmul.f32 v3, v5;
	v5 =	vld [tilespmem:s19+$0xC020];
	_ =	sdelay $0x1  }
0x45f: {  	[tilespmem:s19+$0xC010] =	vst v3  }
0x460: {  	v7 =	vld.idx.msk [tilespmem:v4+s1+$0x0], $0xffff  }
0x461: {  	v3 =	vld [tilespmem:s19+$0x14030]  }
.Ltmp7:
0x462: {  	v4 =	vadd.f32 $9.999999770e-03, v5;
	v5 =	vadd.f32 $9.999999770e-03, v6;
	(pc) =	sbr.rel @p0 .LBB2_16-.Ltmp7, $4  }
0x463: {  	_ = 	snop  }
0x464: {  	s20 =	sadd.s32 $0x40, s20;
	v5 =	vmul.f32 v5, v4  }
0x465: {  	s23 =	sshll.u32 s22, $0x4;
	s21 =	sadd.s32 $0x200, s21;
	s5 =	sshll.u32 s22, $0x6;
	v4 =	vld [tilespmem:s19+$0x10030]  }
0x466: {  	s6 =	sand.u32 $0x40, s20;
	s7 =	sand.u32 $0xC00, s21;
	s22 =	sadd.s32 $0x1, s22;
	v6 =	vmul.f32 v7, v5;
	v5 =	vld [tilespmem:s19+$0xC030]  }
0x467: {  	_ =	sdelay $0x1  }
0x468: {  	s5 =	sand.u32 $0x3000, s5;
	s6 =	sor.u32 s6, s7  }
0x469: {  	s21 =	sand.u32 $0x380, s23;
	s5 =	sor.u32 s5, s6;
	[tilespmem:s19+$0xC020] =	vst v6  }
0x46a: {  	s5 =	sor.u32 s21, s5;
	v3 =	vld.idx.msk [tilespmem:v3+s1+$0x0], $0xffff  }
0x46b: {  	v6 =	vld [tilespmem:s5+$0x14000]  }
0x46c: {  	v4 =	vadd.f32 $9.999999770e-03, v4;
	v5 =	vadd.f32 $9.999999770e-03, v5;
	_ =	sdelay $0x1  }
0x46d: {  	v4 =	vmul.f32 v4, v5  }
0x46e: {  	v14 =	vld [tilespmem:s5+$0x10000]  }
0x46f: {  	v7 =	vld [tilespmem:s5+$0xC000];
	v3 =	vmul.f32 v3, v4;
	_ =	sdelay $0x1  }
0x470: {  	[tilespmem:s19+$0xC030] =	vst v3  }
0x471: {  	v3 =	vld.idx.msk [tilespmem:v6+s1+$0x0], $0xffff  }
0x472: {  	v9 =	vld [tilespmem:s5+$0x14010]  }
0x473: {  	v10 =	vadd.f32 $9.999999770e-03, v7;
	v5 =	vadd.f32 $9.999999770e-03, v14;
	_ =	sdelay $0x1  }
0x474: {  	v5 =	vmul.f32 v5, v10;
	v11 =	vld [tilespmem:s5+$0x10010]  }
0x475: {  	v12 =	vld [tilespmem:s5+$0xC010]  }
0x476: {  	v3 =	vmul.f32 v3, v5;
	_ =	sdelay $0x1  }
0x477: {  	v13 =	vld [tilespmem:s5+$0x14020];
	[tilespmem:s5+$0xC000] =	vst v3  }
0x478: {  	v3 =	vld.idx.msk [tilespmem:v9+s1+$0x0], $0xffff  }
0x479: {  	v5 =	vadd.f32 $9.999999770e-03, v12;
	v6 =	vadd.f32 $9.999999770e-03, v11;
	_ =	sdelay $0x1  }
0x47a: {  	v14 =	vld [tilespmem:s5+$0x10020];
	v5 =	vmul.f32 v6, v5  }
0x47b: {  	v9 =	vld [tilespmem:s5+$0xC020]  }
0x47c: {  	v3 =	vmul.f32 v3, v5;
	_ =	sdelay $0x1  }
0x47d: {  	v10 =	vld [tilespmem:s5+$0x14030];
	[tilespmem:s5+$0xC010] =	vst v3  }
0x47e: {  	v3 =	vld.idx.msk [tilespmem:v13+s1+$0x0], $0xffff  }
0x47f: {  	v6 =	vadd.f32 $9.999999770e-03, v14;
	v5 =	vadd.f32 $9.999999770e-03, v9;
	_ =	sdelay $0x1  }
0x480: {  	v11 =	vld [tilespmem:s5+$0x10030];
	v5 =	vmul.f32 v6, v5  }
0x481: {  	v12 =	vld [tilespmem:s5+$0xC030]  }
0x482: {  	v3 =	vmul.f32 v3, v5;
	_ =	sdelay $0x1  }
0x483: {  	[tilespmem:s5+$0xC020] =	vst v3  }
0x484: {  	v3 =	vld.idx.msk [tilespmem:v10+s1+$0x0], $0xffff  }
0x485: {  	v14 =	vadd.f32 $9.999999770e-03, v11;
	v13 =	vadd.f32 $9.999999770e-03, v12;
	_ =	sdelay $0x1  }
0x486: {  	v4 =	vmul.f32 v14, v13;
	_ =	sdelay $0x1  }
0x487: {  	v3 =	vmul.f32 v3, v4;
	_ =	sdelay $0x1  }
0x488: {  	s22 =	rddreg [dreg:$0xf];
	[tilespmem:s5+$0xC030] =	vst v3  }
0x489: {  	[hbm4b:s22+s3] =	stream.linear.scatter [tilespmem:s26], [sflag:$0x4], $0x4000, $0x38;
	[tilespmem:$0x186C0] =	vst v63  }
0x48a: {  	_ =	swait.ge [sflag:s2], $0x4000  }
0x48b: {  	[sflag:s2] =	ssyncset.done $0x0  }
0x48c: {  	[sflag:s2] =	ssyncadd.s32 $0xFFFFC000  }
0x48d: {  	_ =	swait.ge [sflag:s17], $0x4000  }
0x48e: {  	s18 =	sadd.s32 $0x1, s18;
	s23 =	rddreg [dreg:$0x10]  }
0x48f: {  	p0 =	sne.s32 s18, s23  }
.Ltmp8:
0x490: {  	_ = 	snop;
	(pc) =	sbr.rel @p0 .LBB2_1-.Ltmp8, $3  }
0x491: {  	_ =	sdelay $0x1  }
0x492: {  	[sflag:s17] =	ssyncset.done $0x0  }
0x493: {  	[sflag:s17] =	ssyncadd.s32 $0xFFFFC000  }
0x494: {  	_ =	sfence.sel $0x180000  }
0x495: {  	[bflag:$0x0] =	sbarrier.arrive $0xFFFF  }
0x496: {  	_ =	strace $0x90000047  }
0x497: {  	s0 =	stileid.u32;
	[bflag:$0x2] =	sbarrier.arrive $0xFFFF  }
0x498: {  	p0 =	sne.s32 s0, $0x0;
	s0 =	rddreg [dreg:$0x6]  }
0x499: {  	s0 =	sadd.s32 @!p0 $0x100000, s0  }
0x49a: {  	[sflag:s0] =	ssyncadd.tile.s32 @!p0 $0x1;
	_ =	shalt  }
.Lfunc_end2:
_tile_overlayer_lowered:
.L_overlay_start_2:
0x49b: {  	(tag) =	ssettag $0x2  }
0x49c: {  	s0 =	rddreg [dreg:$0x0];
	s2 =	stileid.u32  }
0x49d: {  	s1 =	rddreg [dreg:$0x1];
	p0 =	sne.s32 s2, $0x0  }
0x49e: {  	s3 =	rddreg [dreg:$0x2];
	[bflag:$0x3] =	sbarrier.arrive $0xFFFF;
	s2 =	simm.s32 @!p0 $0x1C05  }
0x49f: {  	[timem:s3], [sflag:s2] =	dma.local @!p0 [hbm:s0], s1  }
0x4a0: {  	s0 =	simm.s32 @!p0 $0x5  }
0x4a1: {  	_ =	swait.ge @!p0 [sflag:s0], s1  }
0x4a2: {  	s1 =	ssub.s32 @!p0 $0x0, s1;
	[sflag:s0] =	ssyncset.done @!p0 $0x0  }
0x4a3: {  	[sflag:s0] =	ssyncadd.s32 @!p0 s1  }
0x4a4: {  	[bflag:$0x3] =	sbarrier.arrive $0xFFFF  }
0x4a5: {  	_ =	shalt  }

</sc_bundles>
